<compile_context>
chip_gen: v7x
topology: tpu7x:2x2x1
jax: 0.10.2.dev20260603
libtpu: 0.0.44.dev20260713+nightly
codegen_flags: <defaults>
</compile_context>

<pallas_src>
import functools
import jax
import jax.numpy as jnp
from jax import lax
from jax.experimental import pallas as pl
from jax.experimental.pallas import tpu as pltpu
from jax.experimental.pallas import tpu_sc as plsc

B, P, NUM_CLASSES, K_NEIGH = 8, 1024, 40, 32
RADII = (0.2, 0.3, 0.4)
S1, S2, S3 = 512, 256, 128
NEG_SENT = -1e30



def _fps_level(X, Y, Z, S):
    Pn = X.shape[1]
    lane = lax.broadcasted_iota(jnp.int32, (B, Pn), 1)
    laneS = lax.broadcasted_iota(jnp.int32, (B, S), 1)

    def body(i, c):
        mind, cur, ax, ay, az = c
        oh = lane == cur
        pcx = jnp.sum(jnp.where(oh, X, 0.0), axis=1, keepdims=True)
        pcy = jnp.sum(jnp.where(oh, Y, 0.0), axis=1, keepdims=True)
        pcz = jnp.sum(jnp.where(oh, Z, 0.0), axis=1, keepdims=True)
        selm = laneS == i
        ax = jnp.where(selm, pcx, ax)
        ay = jnp.where(selm, pcy, ay)
        az = jnp.where(selm, pcz, az)
        dx = X - pcx
        dy = Y - pcy
        dz = Z - pcz
        d = (dx * dx + dy * dy) + dz * dz
        mind = jnp.minimum(mind, d)
        m = jnp.max(mind, axis=1, keepdims=True)
        cur = jnp.min(jnp.where(mind == m, lane, Pn), axis=1,
                      keepdims=True).astype(jnp.int32)
        return (mind, cur, ax, ay, az)

    init = (jnp.full((B, Pn), jnp.inf, jnp.float32),
            jnp.zeros((B, 1), jnp.int32),
            jnp.zeros((B, S), jnp.float32),
            jnp.zeros((B, S), jnp.float32),
            jnp.zeros((B, S), jnp.float32))
    _, _, ax, ay, az = lax.fori_loop(0, S, body, init)
    return ax, ay, az


def _topk_level(q, c, r2, pT_ref, n_ref, v_ref):
    qx, qy, qz = q
    cx, cy, cz = c
    S = qx.shape[1]
    Pn = cx.shape[1]
    eye = (lax.broadcasted_iota(jnp.int32, (S, S), 0) ==
           lax.broadcasted_iota(jnp.int32, (S, S), 1))
    laneP = lax.broadcasted_iota(jnp.int32, (S, Pn), 1)
    laneK = lax.broadcasted_iota(jnp.int32, (S, K_NEIGH), 1)
    inf = jnp.float32(jnp.inf)
    for b in range(B):
        colx = jnp.sum(jnp.where(eye, qx[b:b + 1, :], 0.0), axis=1,
                       keepdims=True)
        coly = jnp.sum(jnp.where(eye, qy[b:b + 1, :], 0.0), axis=1,
                       keepdims=True)
        colz = jnp.sum(jnp.where(eye, qz[b:b + 1, :], 0.0), axis=1,
                       keepdims=True)
        pT_ref[b, :, :] = jnp.concatenate([colx, coly, colz], axis=1)
        dx = colx - cx[b:b + 1, :]
        dy = coly - cy[b:b + 1, :]
        dz = colz - cz[b:b + 1, :]
        d2 = (dx * dx + dy * dy) + dz * dz
        val0 = jnp.where(d2 <= r2, d2, inf)

        def body(k, carry):
            val, nacc, vacc = carry
            m = jnp.min(val, axis=1, keepdims=True)
            idx = jnp.min(jnp.where(val == m, laneP, Pn), axis=1,
                          keepdims=True).astype(jnp.int32)
            vsel = (m < inf).astype(jnp.int32)
            km = laneK == k
            nacc = jnp.where(km, idx, nacc)
            vacc = jnp.where(km, vsel, vacc)
            val = jnp.where(laneP == idx, inf, val)
            return (val, nacc, vacc)

        init = (val0,
                jnp.zeros((S, K_NEIGH), jnp.int32),
                jnp.zeros((S, K_NEIGH), jnp.int32))
        _, nacc, vacc = lax.fori_loop(0, K_NEIGH, body, init)
        n_ref[b, :, :] = nacc
        v_ref[b, :, :] = vacc


def _pre_body(px_ref, py_ref, pz_ref,
              pT1, nidx1, valid1, pT2, nidx2, valid2, pT3, nidx3, valid3):
    px, py, pz = px_ref[...], py_ref[...], pz_ref[...]
    a1 = _fps_level(px, py, pz, S1)
    a2 = _fps_level(a1[0], a1[1], a1[2], S2)
    a3 = _fps_level(a2[0], a2[1], a2[2], S3)
    _topk_level(a1, (px, py, pz), jnp.float32(RADII[0] * RADII[0]),
                pT1, nidx1, valid1)
    _topk_level(a2, a1, jnp.float32(RADII[1] * RADII[1]),
                pT2, nidx2, valid2)
    _topk_level(a3, a2, jnp.float32(RADII[2] * RADII[2]),
                pT3, nidx3, valid3)


def _precompute_pallas(px, py, pz):
    outs = [jax.ShapeDtypeStruct((B, S1, 3), jnp.float32),
            jax.ShapeDtypeStruct((B, S1, K_NEIGH), jnp.int32),
            jax.ShapeDtypeStruct((B, S1, K_NEIGH), jnp.int32),
            jax.ShapeDtypeStruct((B, S2, 3), jnp.float32),
            jax.ShapeDtypeStruct((B, S2, K_NEIGH), jnp.int32),
            jax.ShapeDtypeStruct((B, S2, K_NEIGH), jnp.int32),
            jax.ShapeDtypeStruct((B, S3, 3), jnp.float32),
            jax.ShapeDtypeStruct((B, S3, K_NEIGH), jnp.int32),
            jax.ShapeDtypeStruct((B, S3, K_NEIGH), jnp.int32)]
    return pl.pallas_call(_pre_body, out_shape=outs)(px, py, pz)



def _tq1_body(xp_ref, w1_ref, pt1_ref, w1b_ref, t_ref, q_ref):
    t_ref[...] = jnp.dot(xp_ref[...], w1_ref[...],
                         preferred_element_type=jnp.float32)
    q_ref[...] = jnp.dot(pt1_ref[...], w1b_ref[...],
                         preferred_element_type=jnp.float32)


def _tq1_pallas(xp, w1, pt1f, w1b):
    outs = [jax.ShapeDtypeStruct((B * P, 128), jnp.float32),
            jax.ShapeDtypeStruct((B * S1, 128), jnp.float32)]
    return pl.pallas_call(_tq1_body, out_shape=outs)(xp, w1, pt1f, w1b)



_SC_NBUF = 2


def _make_sc_gather(NR, D, NI):
    info = plsc.get_sparse_core_info()
    nw = info.num_cores * info.num_subcores
    per_w = NI // nw
    chunk = 128 if D >= 256 else 256
    n_chunks = per_w // chunk
    assert n_chunks % _SC_NBUF == 0
    mesh = plsc.VectorSubcoreMesh(core_axis_name="c", subcore_axis_name="s")

    nbuf = min(_SC_NBUF, n_chunks)

    @functools.partial(
        pl.kernel, mesh=mesh,
        out_type=jax.ShapeDtypeStruct((NI, D), jnp.float32),
        scratch_types=(
            [pltpu.VMEM((per_w,), jnp.int32)]
            + [pltpu.VMEM((chunk, D), jnp.float32)] * nbuf
            + [pltpu.SemaphoreType.DMA] * nbuf
        ),
    )
    def k(table_hbm, idx_hbm, out_hbm, idx_v, *bs):
        bufs = bs[:nbuf]
        sems = bs[nbuf:]
        wid = lax.axis_index("s") * info.num_cores + lax.axis_index("c")
        base = wid * per_w
        pltpu.sync_copy(idx_hbm.at[pl.ds(base, per_w)], idx_v)

        def start(c, s):
            off = pl.multiple_of(c * chunk, 8)
            pltpu.async_copy(table_hbm.at[idx_v.at[pl.ds(off, chunk)]],
                             bufs[s], sems[s])

        for s in range(nbuf):
            start(s, s)

        def body(g, _):
            for s in range(nbuf):
                c = g * nbuf + s
                off = pl.multiple_of(c * chunk, 8)
                pltpu.make_async_copy(
                    table_hbm.at[idx_v.at[pl.ds(off, chunk)]],
                    bufs[s], sems[s]).wait()
                oout = pl.multiple_of(base + c * chunk, 8)
                pltpu.sync_copy(bufs[s], out_hbm.at[pl.ds(oout, chunk)])

                @pl.when(c + nbuf < n_chunks)
                def _():
                    start(c + nbuf, s)

            return 0

        lax.fori_loop(0, n_chunks // nbuf, body, 0)

    return k


def _sc_gather(table, idx, NI, D):
    return _make_sc_gather(table.shape[0], D, NI)(table, idx)



def _make_finish(S, d1, d2, Sn, d1n):

    def body(g_ref, q_ref, b1_ref, w2_ref, b2_ref, pt_ref, w1n_ref,
             ptn_ref, w1bn_ref, tn_ref, qn_ref):
        g3 = g_ref[0].reshape(K_NEIGH, S, d1)
        a = jnp.maximum(g3 - q_ref[0] + b1_ref[...], 0.0)
        z = jnp.dot(a.reshape(K_NEIGH * S, d1), w2_ref[...],
                    preferred_element_type=jnp.float32) + b2_ref[...]
        m = jnp.maximum(z, 0.0).reshape(K_NEIGH, S, d2)
        h = jnp.max(m, axis=0)
        cc = jnp.concatenate([h, pt_ref[0]], axis=1)
        tn_ref[0] = jnp.dot(cc, w1n_ref[...],
                            preferred_element_type=jnp.float32)
        qn_ref[0] = jnp.dot(ptn_ref[0], w1bn_ref[...],
                            preferred_element_type=jnp.float32)

    grid = (B,)
    in_specs = [
        pl.BlockSpec((1, K_NEIGH * S, d1), lambda b: (b, 0, 0)),
        pl.BlockSpec((1, S, d1), lambda b: (b, 0, 0)),
        pl.BlockSpec((1, d1), lambda b: (0, 0)),
        pl.BlockSpec((d1, d2), lambda b: (0, 0)),
        pl.BlockSpec((1, d2), lambda b: (0, 0)),
        pl.BlockSpec((1, S, 3), lambda b: (b, 0, 0)),
        pl.BlockSpec((d2 + 3, d1n), lambda b: (0, 0)),
        pl.BlockSpec((1, Sn, 3), lambda b: (b, 0, 0)),
        pl.BlockSpec((3, d1n), lambda b: (0, 0)),
    ]
    out_specs = [
        pl.BlockSpec((1, S, d1n), lambda b: (b, 0, 0)),
        pl.BlockSpec((1, Sn, d1n), lambda b: (b, 0, 0)),
    ]
    outs = [jax.ShapeDtypeStruct((B, S, d1n), jnp.float32),
            jax.ShapeDtypeStruct((B, Sn, d1n), jnp.float32)]
    return pl.pallas_call(body, grid=grid, in_specs=in_specs,
                          out_specs=out_specs, out_shape=outs)


def _make_finish_global(S, d1, d2):

    def body(g_ref, q_ref, b1_ref, w2_ref, b2_ref, pt_ref, gw1_ref, gb1_ref,
             gw2_ref, gb2_ref, gm_ref):
        g3 = g_ref[0].reshape(K_NEIGH, S, d1)
        a = jnp.maximum(g3 - q_ref[0] + b1_ref[...], 0.0)
        z = jnp.dot(a.reshape(K_NEIGH * S, d1), w2_ref[...],
                    preferred_element_type=jnp.float32) + b2_ref[...]
        m = jnp.maximum(z, 0.0).reshape(K_NEIGH, S, d2)
        h = jnp.max(m, axis=0)
        cc = jnp.concatenate([h, pt_ref[0]], axis=1)
        u = jnp.maximum(jnp.dot(cc, gw1_ref[...],
                                preferred_element_type=jnp.float32)
                        + gb1_ref[...], 0.0)
        v = jnp.maximum(jnp.dot(u, gw2_ref[...],
                                preferred_element_type=jnp.float32)
                        + gb2_ref[...], 0.0)
        gm_ref[0] = jnp.max(v, axis=0, keepdims=True)

    grid = (B,)
    in_specs = [
        pl.BlockSpec((1, K_NEIGH * S, d1), lambda b: (b, 0, 0)),
        pl.BlockSpec((1, S, d1), lambda b: (b, 0, 0)),
        pl.BlockSpec((1, d1), lambda b: (0, 0)),
        pl.BlockSpec((d1, d2), lambda b: (0, 0)),
        pl.BlockSpec((1, d2), lambda b: (0, 0)),
        pl.BlockSpec((1, S, 3), lambda b: (b, 0, 0)),
        pl.BlockSpec((d2 + 3, 512), lambda b: (0, 0)),
        pl.BlockSpec((1, 512), lambda b: (0, 0)),
        pl.BlockSpec((512, 1024), lambda b: (0, 0)),
        pl.BlockSpec((1, 1024), lambda b: (0, 0)),
    ]
    out_specs = [pl.BlockSpec((1, 1, 1024), lambda b: (b, 0, 0))]
    outs = [jax.ShapeDtypeStruct((B, 1, 1024), jnp.float32)]
    return pl.pallas_call(body, grid=grid, in_specs=in_specs,
                          out_specs=out_specs, out_shape=outs)


def _lin_body(g_ref, w1_ref, b1_ref, w2_ref, b2_ref, w3_ref, b3_ref, o_ref):
    h = jnp.maximum(jnp.dot(g_ref[...], w1_ref[...],
                            preferred_element_type=jnp.float32)
                    + b1_ref[...], 0.0)
    h = jnp.maximum(jnp.dot(h, w2_ref[...],
                            preferred_element_type=jnp.float32)
                    + b2_ref[...], 0.0)
    o_ref[...] = jnp.dot(h, w3_ref[...],
                         preferred_element_type=jnp.float32) + b3_ref[...]


def _lin_pallas(g, w1, b1, w2, b2, w3, b3):
    outs = jax.ShapeDtypeStruct((B, NUM_CLASSES), jnp.float32)
    return pl.pallas_call(_lin_body, out_shape=outs)(
        g, w1, b1, w2, b2, w3, b3)



def _abs_idx(nidx, valid, Pn):
    boff = (jnp.arange(B, dtype=jnp.int32) * Pn)[:, None, None]
    a = jnp.where(valid != 0, nidx + boff, B * Pn)
    return jnp.transpose(a, (0, 2, 1)).reshape(-1)


def _aug(t, d):
    return jnp.concatenate(
        [t, jnp.full((8, d), NEG_SENT, jnp.float32)], axis=0)


def kernel(x, pos, batch, sa1_W1, sa1_b1, sa1_W2, sa1_b2, sa2_W1, sa2_b1,
           sa2_W2, sa2_b2, sa3_W1, sa3_b1, sa3_W2, sa3_b2, ga_W1, ga_b1,
           ga_W2, ga_b2, lin1_W, lin1_b, lin2_W, lin2_b, lin3_W, lin3_b):
    pos3 = pos.reshape(B, P, 3)
    px, py, pz = pos3[:, :, 0], pos3[:, :, 1], pos3[:, :, 2]
    (pT1, nidx1, valid1, pT2, nidx2, valid2,
     pT3, nidx3, valid3) = _precompute_pallas(px, py, pz)

    xp = jnp.concatenate([x, pos], axis=1)
    w1p = jnp.pad(sa1_W1, ((0, 0), (0, 96)))
    t1, q1 = _tq1_pallas(xp, w1p, pT1.reshape(B * S1, 3), w1p[3:6])
    g1 = _sc_gather(_aug(t1, 128), _abs_idx(nidx1, valid1, P),
                    B * S1 * K_NEIGH, 128)
    t2, q2 = _make_finish(S1, 128, 64, S2, 128)(
        g1.reshape(B, K_NEIGH * S1, 128), q1.reshape(B, S1, 128),
        jnp.pad(sa1_b1, (0, 96)).reshape(1, 128),
        jnp.pad(sa1_W2, ((0, 96), (0, 0))), sa1_b2.reshape(1, 64),
        pT1, sa2_W1, pT2, sa2_W1[64:67])
    g2 = _sc_gather(_aug(t2.reshape(B * S1, 128), 128),
                    _abs_idx(nidx2, valid2, S1), B * S2 * K_NEIGH, 128)
    t3, q3 = _make_finish(S2, 128, 128, S3, 256)(
        g2.reshape(B, K_NEIGH * S2, 128), q2,
        sa2_b1.reshape(1, 128), sa2_W2, sa2_b2.reshape(1, 128),
        pT2, sa3_W1, pT3, sa3_W1[128:131])
    g3 = _sc_gather(_aug(t3.reshape(B * S2, 256), 256),
                    _abs_idx(nidx3, valid3, S2), B * S3 * K_NEIGH, 256)
    (gm,) = _make_finish_global(S3, 256, 256)(
        g3.reshape(B, K_NEIGH * S3, 256), q3,
        sa3_b1.reshape(1, 256), sa3_W2, sa3_b2.reshape(1, 256),
        pT3, ga_W1, ga_b1.reshape(1, 512), ga_W2, ga_b2.reshape(1, 1024))
    return _lin_pallas(gm.reshape(B, 1024), lin1_W, lin1_b.reshape(1, 512),
                       lin2_W, lin2_b.reshape(1, 256),
                       lin3_W, lin3_b.reshape(1, NUM_CLASSES))

# --- scband reference (transcript-rebuilt; emitter-appended) ---
"""Pipeline reference for scband-point-net2-13219909337190 (READ-ONLY COPY).

The authoritative reference and input builder live on the scoring server;
editing this copy changes nothing except your own understanding.
"""

import jax, jax.numpy as jnp
import numpy as np

B, P, NUM_CLASSES, K_NEIGH = 8, 1024, 40, 32
RADII = (0.2, 0.3, 0.4)

def _glorot(key, shape):
    s = np.sqrt(6.0 / (shape[0] + shape[1]))
    return jax.random.uniform(key, shape, jnp.float32, -s, s)

def setup_inputs(seed: int = 0):
    key = jax.random.key(seed)
    ks = jax.random.split(key, 16)
    inp = {}
    inp['x'] = jax.random.normal(ks[0], (B * P, 3), jnp.float32)
    inp['pos'] = jax.random.uniform(ks[1], (B * P, 3), jnp.float32)
    inp['batch'] = jnp.repeat(jnp.arange(B, dtype=jnp.int32), P)
    mdims = [('sa1', 6, 32, 64), ('sa2', 67, 128, 128), ('sa3', 131, 256, 256), ('ga', 259, 512, 1024)]
    i = 2
    for name, d0, d1, d2 in mdims:
        inp[name + '_W1'] = _glorot(ks[i], (d0, d1))
        inp[name + '_b1'] = jnp.zeros((d1,), jnp.float32)
        inp[name + '_W2'] = _glorot(ks[i + 1], (d1, d2))
        inp[name + '_b2'] = jnp.zeros((d2,), jnp.float32)
        i += 2
    ldims = [('lin1', 1024, 512), ('lin2', 512, 256), ('lin3', 256, NUM_CLASSES)]
    for name, d0, d1 in ldims:
        inp[name + '_W'] = _glorot(ks[i], (d0, d1))
        inp[name + '_b'] = jnp.zeros((d1,), jnp.float32)
        i += 1
    return inp

def _fps(pos_b, S):
    Bq, Pq, _ = pos_b.shape
    sel0 = jnp.zeros((Bq, S), dtype=jnp.int32)
    mind0 = jnp.full((Bq, Pq), jnp.inf, dtype=pos_b.dtype)
    cur0 = jnp.zeros((Bq,), dtype=jnp.int32)
    def body(i, carry):
        sel, mind, cur = carry
        sel = sel.at[:, i].set(cur)
        pc = jnp.take_along_axis(pos_b, cur[:, None, None], axis=1)
        d = jnp.sum((pos_b - pc) ** 2, axis=-1)
        mind = jnp.minimum(mind, d)
        cur = jnp.argmax(mind, axis=1).astype(jnp.int32)
        return (sel, mind, cur)
    sel, _, _ = jax.lax.fori_loop(0, S, body, (sel0, mind0, cur0))
    return sel

def _precompute(pos_b):
    out = []
    p = pos_b
    for r in RADII:
        S = p.shape[1] // 2
        sel = _fps(p, S)
        p_s = jnp.take_along_axis(p, sel[:, :, None], axis=1)
        d2 = jnp.sum((p_s[:, :, None, :] - p[:, None, :, :]) ** 2, axis=-1)
        neg = jnp.where(d2 <= r * r, -d2, -jnp.inf)
        vals, nidx = jax.lax.top_k(neg, K_NEIGH)
        valid = vals > -jnp.inf
        out.append((sel, nidx, valid))
        p = p_s
    return out

def _mlp2(h, W1, b1, W2, b2):
    return jax.nn.relu(jax.nn.relu(h @ W1 + b1) @ W2 + b2)

def _forward(x, pos, ws, idxs):
    h = x.reshape(B, P, -1)
    p = pos.reshape(B, P, 3)
    for li, (sel, nidx, valid) in enumerate(idxs):
        p_s = jnp.take_along_axis(p, sel[:, :, None], axis=1)
        x_n = jax.vmap(lambda a, ii: a[ii])(h, nidx)
        p_n = jax.vmap(lambda a, ii: a[ii])(p, nidx)
        rel = p_n - p_s[:, :, None, :]
        W1, b1, W2, b2 = ws[4 * li:4 * li + 4]
        msg = _mlp2(jnp.concatenate([x_n, rel], axis=-1), W1, b1, W2, b2)
        msg = jnp.where(valid[:, :, :, None], msg, -jnp.inf)
        h = jnp.max(msg, axis=2)
        p = p_s
    g = jnp.max(_mlp2(jnp.concatenate([h, p], axis=-1), ws[12], ws[13], ws[14], ws[15]), axis=1)
    h = jax.nn.relu(g @ ws[16] + ws[17])
    h = jax.nn.relu(h @ ws[18] + ws[19])
    return h @ ws[20] + ws[21]

def reference(x, pos, batch, sa1_W1, sa1_b1, sa1_W2, sa1_b2, sa2_W1, sa2_b1, sa2_W2, sa2_b2, sa3_W1, sa3_b1, sa3_W2, sa3_b2, ga_W1, ga_b1, ga_W2, ga_b2, lin1_W, lin1_b, lin2_W, lin2_b, lin3_W, lin3_b):
    ws = (sa1_W1, sa1_b1, sa1_W2, sa1_b2, sa2_W1, sa2_b1, sa2_W2, sa2_b2, sa3_W1, sa3_b1, sa3_W2, sa3_b2, ga_W1, ga_b1, ga_W2, ga_b2, lin1_W, lin1_b, lin2_W, lin2_b, lin3_W, lin3_b)
    idxs = _precompute(pos.reshape(B, P, 3))
    return _forward(x, pos, ws, idxs)

if __name__ == "__main__":
    import jax
    _d = setup_inputs()
    print(jax.jit(kernel)(*tuple(_d.values())))

</pallas_src>

<mosaic_0001>
#map = affine_map<(d0, d1) -> (0, 0)>
#map1 = affine_map<(d0, d1) -> (0)>
module attributes {stable_mosaic.version = 14 : i64} {
  func.func @k(%arg0: i32, %arg1: i32, %arg2: memref<2056x256xf32, #tpu.memory_space<hbm>>, %arg3: memref<32768xi32, #tpu.memory_space<hbm>>, %arg4: memref<32768x256xf32, #tpu.memory_space<hbm>>, %arg5: memref<1024xi32, #tpu.memory_space<vmem>>, %arg6: memref<128x256xf32, #tpu.memory_space<vmem>>, %arg7: memref<128x256xf32, #tpu.memory_space<vmem>>, %arg8: memref<!tpu.dma_semaphore, #tpu.memory_space<semaphore_mem>>, %arg9: memref<!tpu.dma_semaphore, #tpu.memory_space<semaphore_mem>>) attributes {dimension_semantics = [#tpu.dimension_semantics<core_parallel>, #tpu.dimension_semantics<subcore_parallel>], iteration_bounds = array<i64: 2, 16>, scalar_prefetch = 0 : i64, scratch_operands = 5 : i64, tpu.core_type = #tpu.core_type<sc_vector_subcore>, window_params = [{transform_indices = #map}, {transform_indices = #map1}, {transform_indices = #map}]} {
    %mul3A = arith.constant 2 : i32
    %mul3A_0 = arith.muli %arg1, %mul3A : i32
    %add3A = arith.addi %mul3A_0, %arg0 : i32
    %mul3A_1 = arith.constant 1024 : i32
    %mul3A_2 = arith.muli %add3A, %mul3A_1 : i32
    "tpu.region"() ({
      %run_scoped3A = tpu.sem_alloc : memref<!tpu.dma_semaphore, #tpu.memory_space<semaphore_mem>>
      %dma_start3A_19 = tpu.memref_slice %arg3[%mul3A_2] : memref<32768xi32, #tpu.memory_space<hbm>> -> memref<1024xi32, #tpu.memory_space<hbm>>
      %dma_start3A_20 = tpu.memref_slice %arg3[%mul3A_2] : memref<32768xi32, #tpu.memory_space<hbm>> -> memref<1024xi32, #tpu.memory_space<hbm>>
      tpu.enqueue_dma source(%dma_start3A_20 : memref<1024xi32, #tpu.memory_space<hbm>>) target(%arg5 : memref<1024xi32, #tpu.memory_space<vmem>>) target_semaphore(%run_scoped3A : memref<!tpu.dma_semaphore, #tpu.memory_space<semaphore_mem>>)
      %dma_wait3A = tpu.memref_slice %arg3[%mul3A_2] : memref<32768xi32, #tpu.memory_space<hbm>> -> memref<1024xi32, #tpu.memory_space<hbm>>
      %dma_wait3A_21 = tpu.memref_slice %arg3[%mul3A_2] : memref<32768xi32, #tpu.memory_space<hbm>> -> memref<1024xi32, #tpu.memory_space<hbm>>
      tpu.wait_dma2 semaphore(%run_scoped3A : memref<!tpu.dma_semaphore, #tpu.memory_space<semaphore_mem>>) src(%dma_wait3A_21 : memref<1024xi32, #tpu.memory_space<hbm>>) dst(%arg5 : memref<1024xi32, #tpu.memory_space<vmem>>)
      tpu.yield
    }) : () -> ()
    %multiple_of3A = arith.constant 0 : i32
    %multiple_of3A_3 = tpu.assume_multiple %multiple_of3A, 8 : i32
    %dma_start3A = tpu.memref_slice %arg5[%multiple_of3A_3] : memref<1024xi32, #tpu.memory_space<vmem>> -> memref<128xi32, #tpu.memory_space<vmem>>
    %dma_start3A_4 = arith.constant 0 : i32
    %dma_start3A_5 = arith.constant 0 : i32
    %dma_start3A_6 = tpu.memref_slice %arg2[%dma_start3A_4, %dma_start3A_5] : memref<2056x256xf32, #tpu.memory_space<hbm>> -> memref<2056x256xf32, #tpu.memory_space<hbm>>
    tpu.enqueue_indirect_dma source(%dma_start3A_6 : memref<2056x256xf32, #tpu.memory_space<hbm>>) target(%arg6 : memref<128x256xf32, #tpu.memory_space<vmem>>) offsets(%dma_start3A : memref<128xi32, #tpu.memory_space<vmem>>) semaphore(%arg8 : memref<!tpu.dma_semaphore, #tpu.memory_space<semaphore_mem>>)
    %multiple_of3A_7 = arith.constant 128 : i32
    %multiple_of3A_8 = tpu.assume_multiple %multiple_of3A_7, 8 : i32
    %dma_start3A_9 = tpu.memref_slice %arg5[%multiple_of3A_8] : memref<1024xi32, #tpu.memory_space<vmem>> -> memref<128xi32, #tpu.memory_space<vmem>>
    %dma_start3A_10 = arith.constant 0 : i32
    %dma_start3A_11 = arith.constant 0 : i32
    %dma_start3A_12 = tpu.memref_slice %arg2[%dma_start3A_10, %dma_start3A_11] : memref<2056x256xf32, #tpu.memory_space<hbm>> -> memref<2056x256xf32, #tpu.memory_space<hbm>>
    tpu.enqueue_indirect_dma source(%dma_start3A_12 : memref<2056x256xf32, #tpu.memory_space<hbm>>) target(%arg7 : memref<128x256xf32, #tpu.memory_space<vmem>>) offsets(%dma_start3A_9 : memref<128xi32, #tpu.memory_space<vmem>>) semaphore(%arg9 : memref<!tpu.dma_semaphore, #tpu.memory_space<semaphore_mem>>)
    %scan3A = arith.constant 0 : i32
    %scan3A_13 = arith.constant 0 : i32
    %scan3A_14 = arith.constant 4 : i32
    %scan3A_15 = arith.addi %scan3A_13, %scan3A_14 : i32
    %scan3A_16 = arith.constant 1 : i32
    %scan3A_17 = scf.for %scan3A_19 = %scan3A_13 to %scan3A_15 step %scan3A_16 iter_args(%scan3A_20 = %scan3A) -> (i32)  : i32 {
      %mul3A_21 = arith.constant 2 : i32
      %mul3A_22 = arith.muli %scan3A_19, %mul3A_21 : i32
      %add3A_23 = arith.constant 0 : i32
      %add3A_24 = arith.addi %mul3A_22, %add3A_23 : i32
      %mul3A_25 = arith.constant 128 : i32
      %mul3A_26 = arith.muli %add3A_24, %mul3A_25 : i32
      %multiple_of3A_27 = tpu.assume_multiple %mul3A_26, 8 : i32
      %dma_wait3A = tpu.memref_slice %arg5[%multiple_of3A_27] : memref<1024xi32, #tpu.memory_space<vmem>> -> memref<128xi32, #tpu.memory_space<vmem>>
      %dma_wait3A_28 = arith.constant 0 : i32
      %dma_wait3A_29 = arith.constant 0 : i32
      %dma_wait3A_30 = tpu.memref_slice %arg2[%dma_wait3A_28, %dma_wait3A_29] : memref<2056x256xf32, #tpu.memory_space<hbm>> -> memref<2056x256xf32, #tpu.memory_space<hbm>>
      tpu.wait_indirect_dma semaphore(%arg8 : memref<!tpu.dma_semaphore, #tpu.memory_space<semaphore_mem>>) src(%dma_wait3A_30 : memref<2056x256xf32, #tpu.memory_space<hbm>>) dst(%arg6 : memref<128x256xf32, #tpu.memory_space<vmem>>)
      %mul3A_31 = arith.constant 128 : i32
      %mul3A_32 = arith.muli %add3A_24, %mul3A_31 : i32
      %add3A_33 = arith.addi %mul3A_2, %mul3A_32 : i32
      %multiple_of3A_34 = tpu.assume_multiple %add3A_33, 8 : i32
      "tpu.region"() ({
        %run_scoped3A = tpu.sem_alloc : memref<!tpu.dma_semaphore, #tpu.memory_space<semaphore_mem>>
        %dma_start3A_62 = arith.constant 0 : i32
        %dma_start3A_63 = tpu.memref_slice %arg4[%multiple_of3A_34, %dma_start3A_62] : memref<32768x256xf32, #tpu.memory_space<hbm>> -> memref<128x256xf32, #tpu.memory_space<hbm>>
        %dma_start3A_64 = arith.constant 0 : i32
        %dma_start3A_65 = tpu.memref_slice %arg4[%multiple_of3A_34, %dma_start3A_64] : memref<32768x256xf32, #tpu.memory_space<hbm>> -> memref<128x256xf32, #tpu.memory_space<hbm>>
        tpu.enqueue_dma source(%arg6 : memref<128x256xf32, #tpu.memory_space<vmem>>) target(%dma_start3A_65 : memref<128x256xf32, #tpu.memory_space<hbm>>) target_semaphore(%run_scoped3A : memref<!tpu.dma_semaphore, #tpu.memory_space<semaphore_mem>>)
        %dma_wait3A_66 = arith.constant 0 : i32
        %dma_wait3A_67 = tpu.memref_slice %arg4[%multiple_of3A_34, %dma_wait3A_66] : memref<32768x256xf32, #tpu.memory_space<hbm>> -> memref<128x256xf32, #tpu.memory_space<hbm>>
        %dma_wait3A_68 = arith.constant 0 : i32
        %dma_wait3A_69 = tpu.memref_slice %arg4[%multiple_of3A_34, %dma_wait3A_68] : memref<32768x256xf32, #tpu.memory_space<hbm>> -> memref<128x256xf32, #tpu.memory_space<hbm>>
        tpu.wait_dma2 semaphore(%run_scoped3A : memref<!tpu.dma_semaphore, #tpu.memory_space<semaphore_mem>>) src(%arg6 : memref<128x256xf32, #tpu.memory_space<vmem>>) dst(%dma_wait3A_69 : memref<128x256xf32, #tpu.memory_space<hbm>>)
        tpu.yield
      }) : () -> ()
      %add3A_35 = arith.constant 2 : i32
      %add3A_36 = arith.addi %add3A_24, %add3A_35 : i32
      %lt3A = arith.constant 8 : i32
      %lt3A_37 = arith.cmpi slt, %add3A_36, %lt3A : i32
      %convert_element_type3A = arith.extui %lt3A_37 : i1 to i32
      %cond3A = arith.constant 0 : i32
      %cond3A_38 = arith.cmpi ne, %convert_element_type3A, %cond3A : i32
      scf.if %cond3A_38 {
        %add3A_62 = arith.constant 2 : i32
        %add3A_63 = arith.addi %add3A_24, %add3A_62 : i32
        %mul3A_64 = arith.constant 128 : i32
        %mul3A_65 = arith.muli %add3A_63, %mul3A_64 : i32
        %multiple_of3A_66 = tpu.assume_multiple %mul3A_65, 8 : i32
        %dma_start3A_67 = tpu.memref_slice %arg5[%multiple_of3A_66] : memref<1024xi32, #tpu.memory_space<vmem>> -> memref<128xi32, #tpu.memory_space<vmem>>
        %dma_start3A_68 = arith.constant 0 : i32
        %dma_start3A_69 = arith.constant 0 : i32
        %dma_start3A_70 = tpu.memref_slice %arg2[%dma_start3A_68, %dma_start3A_69] : memref<2056x256xf32, #tpu.memory_space<hbm>> -> memref<2056x256xf32, #tpu.memory_space<hbm>>
        tpu.enqueue_indirect_dma source(%dma_start3A_70 : memref<2056x256xf32, #tpu.memory_space<hbm>>) target(%arg6 : memref<128x256xf32, #tpu.memory_space<vmem>>) offsets(%dma_start3A_67 : memref<128xi32, #tpu.memory_space<vmem>>) semaphore(%arg8 : memref<!tpu.dma_semaphore, #tpu.memory_space<semaphore_mem>>)
      } else {
      }
      %mul3A_39 = arith.constant 2 : i32
      %mul3A_40 = arith.muli %scan3A_19, %mul3A_39 : i32
      %add3A_41 = arith.constant 1 : i32
      %add3A_42 = arith.addi %mul3A_40, %add3A_41 : i32
      %mul3A_43 = arith.constant 128 : i32
      %mul3A_44 = arith.muli %add3A_42, %mul3A_43 : i32
      %multiple_of3A_45 = tpu.assume_multiple %mul3A_44, 8 : i32
      %dma_wait3A_46 = tpu.memref_slice %arg5[%multiple_of3A_45] : memref<1024xi32, #tpu.memory_space<vmem>> -> memref<128xi32, #tpu.memory_space<vmem>>
      %dma_wait3A_47 = arith.constant 0 : i32
      %dma_wait3A_48 = arith.constant 0 : i32
      %dma_wait3A_49 = tpu.memref_slice %arg2[%dma_wait3A_47, %dma_wait3A_48] : memref<2056x256xf32, #tpu.memory_space<hbm>> -> memref<2056x256xf32, #tpu.memory_space<hbm>>
      tpu.wait_indirect_dma semaphore(%arg9 : memref<!tpu.dma_semaphore, #tpu.memory_space<semaphore_mem>>) src(%dma_wait3A_49 : memref<2056x256xf32, #tpu.memory_space<hbm>>) dst(%arg7 : memref<128x256xf32, #tpu.memory_space<vmem>>)
      %mul3A_50 = arith.constant 128 : i32
      %mul3A_51 = arith.muli %add3A_42, %mul3A_50 : i32
      %add3A_52 = arith.addi %mul3A_2, %mul3A_51 : i32
      %multiple_of3A_53 = tpu.assume_multiple %add3A_52, 8 : i32
      "tpu.region"() ({
        %run_scoped3A = tpu.sem_alloc : memref<!tpu.dma_semaphore, #tpu.memory_space<semaphore_mem>>
        %dma_start3A_62 = arith.constant 0 : i32
        %dma_start3A_63 = tpu.memref_slice %arg4[%multiple_of3A_53, %dma_start3A_62] : memref<32768x256xf32, #tpu.memory_space<hbm>> -> memref<128x256xf32, #tpu.memory_space<hbm>>
        %dma_start3A_64 = arith.constant 0 : i32
        %dma_start3A_65 = tpu.memref_slice %arg4[%multiple_of3A_53, %dma_start3A_64] : memref<32768x256xf32, #tpu.memory_space<hbm>> -> memref<128x256xf32, #tpu.memory_space<hbm>>
        tpu.enqueue_dma source(%arg7 : memref<128x256xf32, #tpu.memory_space<vmem>>) target(%dma_start3A_65 : memref<128x256xf32, #tpu.memory_space<hbm>>) target_semaphore(%run_scoped3A : memref<!tpu.dma_semaphore, #tpu.memory_space<semaphore_mem>>)
        %dma_wait3A_66 = arith.constant 0 : i32
        %dma_wait3A_67 = tpu.memref_slice %arg4[%multiple_of3A_53, %dma_wait3A_66] : memref<32768x256xf32, #tpu.memory_space<hbm>> -> memref<128x256xf32, #tpu.memory_space<hbm>>
        %dma_wait3A_68 = arith.constant 0 : i32
        %dma_wait3A_69 = tpu.memref_slice %arg4[%multiple_of3A_53, %dma_wait3A_68] : memref<32768x256xf32, #tpu.memory_space<hbm>> -> memref<128x256xf32, #tpu.memory_space<hbm>>
        tpu.wait_dma2 semaphore(%run_scoped3A : memref<!tpu.dma_semaphore, #tpu.memory_space<semaphore_mem>>) src(%arg7 : memref<128x256xf32, #tpu.memory_space<vmem>>) dst(%dma_wait3A_69 : memref<128x256xf32, #tpu.memory_space<hbm>>)
        tpu.yield
      }) : () -> ()
      %add3A_54 = arith.constant 2 : i32
      %add3A_55 = arith.addi %add3A_42, %add3A_54 : i32
      %lt3A_56 = arith.constant 8 : i32
      %lt3A_57 = arith.cmpi slt, %add3A_55, %lt3A_56 : i32
      %convert_element_type3A_58 = arith.extui %lt3A_57 : i1 to i32
      %cond3A_59 = arith.constant 0 : i32
      %cond3A_60 = arith.cmpi ne, %convert_element_type3A_58, %cond3A_59 : i32
      scf.if %cond3A_60 {
        %add3A_62 = arith.constant 2 : i32
        %add3A_63 = arith.addi %add3A_42, %add3A_62 : i32
        %mul3A_64 = arith.constant 128 : i32
        %mul3A_65 = arith.muli %add3A_63, %mul3A_64 : i32
        %multiple_of3A_66 = tpu.assume_multiple %mul3A_65, 8 : i32
        %dma_start3A_67 = tpu.memref_slice %arg5[%multiple_of3A_66] : memref<1024xi32, #tpu.memory_space<vmem>> -> memref<128xi32, #tpu.memory_space<vmem>>
        %dma_start3A_68 = arith.constant 0 : i32
        %dma_start3A_69 = arith.constant 0 : i32
        %dma_start3A_70 = tpu.memref_slice %arg2[%dma_start3A_68, %dma_start3A_69] : memref<2056x256xf32, #tpu.memory_space<hbm>> -> memref<2056x256xf32, #tpu.memory_space<hbm>>
        tpu.enqueue_indirect_dma source(%dma_start3A_70 : memref<2056x256xf32, #tpu.memory_space<hbm>>) target(%arg7 : memref<128x256xf32, #tpu.memory_space<vmem>>) offsets(%dma_start3A_67 : memref<128xi32, #tpu.memory_space<vmem>>) semaphore(%arg9 : memref<!tpu.dma_semaphore, #tpu.memory_space<semaphore_mem>>)
      } else {
      }
      %scan3A_61 = arith.constant 0 : i32
      scf.yield %scan3A_61 : i32
    }
    %scan3A_18 = arith.constant 4 : i32
    return
  }
}

#map = affine_map<(d0, d1) -> (0, 0)>
#map1 = affine_map<(d0, d1) -> (0)>
module attributes {stable_mosaic.version = 14 : i64} {
  func.func @k(%arg0: i32, %arg1: i32, %arg2: memref<8200x128xf32, #tpu.memory_space<hbm>>, %arg3: memref<131072xi32, #tpu.memory_space<hbm>>, %arg4: memref<131072x128xf32, #tpu.memory_space<hbm>>, %arg5: memref<4096xi32, #tpu.memory_space<vmem>>, %arg6: memref<256x128xf32, #tpu.memory_space<vmem>>, %arg7: memref<256x128xf32, #tpu.memory_space<vmem>>, %arg8: memref<!tpu.dma_semaphore, #tpu.memory_space<semaphore_mem>>, %arg9: memref<!tpu.dma_semaphore, #tpu.memory_space<semaphore_mem>>) attributes {dimension_semantics = [#tpu.dimension_semantics<core_parallel>, #tpu.dimension_semantics<subcore_parallel>], iteration_bounds = array<i64: 2, 16>, scalar_prefetch = 0 : i64, scratch_operands = 5 : i64, tpu.core_type = #tpu.core_type<sc_vector_subcore>, window_params = [{transform_indices = #map}, {transform_indices = #map1}, {transform_indices = #map}]} {
    %mul3A = arith.constant 2 : i32
    %mul3A_0 = arith.muli %arg1, %mul3A : i32
    %add3A = arith.addi %mul3A_0, %arg0 : i32
    %mul3A_1 = arith.constant 4096 : i32
    %mul3A_2 = arith.muli %add3A, %mul3A_1 : i32
    "tpu.region"() ({
      %run_scoped3A = tpu.sem_alloc : memref<!tpu.dma_semaphore, #tpu.memory_space<semaphore_mem>>
      %dma_start3A_19 = tpu.memref_slice %arg3[%mul3A_2] : memref<131072xi32, #tpu.memory_space<hbm>> -> memref<4096xi32, #tpu.memory_space<hbm>>
      %dma_start3A_20 = tpu.memref_slice %arg3[%mul3A_2] : memref<131072xi32, #tpu.memory_space<hbm>> -> memref<4096xi32, #tpu.memory_space<hbm>>
      tpu.enqueue_dma source(%dma_start3A_20 : memref<4096xi32, #tpu.memory_space<hbm>>) target(%arg5 : memref<4096xi32, #tpu.memory_space<vmem>>) target_semaphore(%run_scoped3A : memref<!tpu.dma_semaphore, #tpu.memory_space<semaphore_mem>>)
      %dma_wait3A = tpu.memref_slice %arg3[%mul3A_2] : memref<131072xi32, #tpu.memory_space<hbm>> -> memref<4096xi32, #tpu.memory_space<hbm>>
      %dma_wait3A_21 = tpu.memref_slice %arg3[%mul3A_2] : memref<131072xi32, #tpu.memory_space<hbm>> -> memref<4096xi32, #tpu.memory_space<hbm>>
      tpu.wait_dma2 semaphore(%run_scoped3A : memref<!tpu.dma_semaphore, #tpu.memory_space<semaphore_mem>>) src(%dma_wait3A_21 : memref<4096xi32, #tpu.memory_space<hbm>>) dst(%arg5 : memref<4096xi32, #tpu.memory_space<vmem>>)
      tpu.yield
    }) : () -> ()
    %multiple_of3A = arith.constant 0 : i32
    %multiple_of3A_3 = tpu.assume_multiple %multiple_of3A, 8 : i32
    %dma_start3A = tpu.memref_slice %arg5[%multiple_of3A_3] : memref<4096xi32, #tpu.memory_space<vmem>> -> memref<256xi32, #tpu.memory_space<vmem>>
    %dma_start3A_4 = arith.constant 0 : i32
    %dma_start3A_5 = arith.constant 0 : i32
    %dma_start3A_6 = tpu.memref_slice %arg2[%dma_start3A_4, %dma_start3A_5] : memref<8200x128xf32, #tpu.memory_space<hbm>> -> memref<8200x128xf32, #tpu.memory_space<hbm>>
    tpu.enqueue_indirect_dma source(%dma_start3A_6 : memref<8200x128xf32, #tpu.memory_space<hbm>>) target(%arg6 : memref<256x128xf32, #tpu.memory_space<vmem>>) offsets(%dma_start3A : memref<256xi32, #tpu.memory_space<vmem>>) semaphore(%arg8 : memref<!tpu.dma_semaphore, #tpu.memory_space<semaphore_mem>>)
    %multiple_of3A_7 = arith.constant 256 : i32
    %multiple_of3A_8 = tpu.assume_multiple %multiple_of3A_7, 8 : i32
    %dma_start3A_9 = tpu.memref_slice %arg5[%multiple_of3A_8] : memref<4096xi32, #tpu.memory_space<vmem>> -> memref<256xi32, #tpu.memory_space<vmem>>
    %dma_start3A_10 = arith.constant 0 : i32
    %dma_start3A_11 = arith.constant 0 : i32
    %dma_start3A_12 = tpu.memref_slice %arg2[%dma_start3A_10, %dma_start3A_11] : memref<8200x128xf32, #tpu.memory_space<hbm>> -> memref<8200x128xf32, #tpu.memory_space<hbm>>
    tpu.enqueue_indirect_dma source(%dma_start3A_12 : memref<8200x128xf32, #tpu.memory_space<hbm>>) target(%arg7 : memref<256x128xf32, #tpu.memory_space<vmem>>) offsets(%dma_start3A_9 : memref<256xi32, #tpu.memory_space<vmem>>) semaphore(%arg9 : memref<!tpu.dma_semaphore, #tpu.memory_space<semaphore_mem>>)
    %scan3A = arith.constant 0 : i32
    %scan3A_13 = arith.constant 0 : i32
    %scan3A_14 = arith.constant 8 : i32
    %scan3A_15 = arith.addi %scan3A_13, %scan3A_14 : i32
    %scan3A_16 = arith.constant 1 : i32
    %scan3A_17 = scf.for %scan3A_19 = %scan3A_13 to %scan3A_15 step %scan3A_16 iter_args(%scan3A_20 = %scan3A) -> (i32)  : i32 {
      %mul3A_21 = arith.constant 2 : i32
      %mul3A_22 = arith.muli %scan3A_19, %mul3A_21 : i32
      %add3A_23 = arith.constant 0 : i32
      %add3A_24 = arith.addi %mul3A_22, %add3A_23 : i32
      %mul3A_25 = arith.constant 256 : i32
      %mul3A_26 = arith.muli %add3A_24, %mul3A_25 : i32
      %multiple_of3A_27 = tpu.assume_multiple %mul3A_26, 8 : i32
      %dma_wait3A = tpu.memref_slice %arg5[%multiple_of3A_27] : memref<4096xi32, #tpu.memory_space<vmem>> -> memref<256xi32, #tpu.memory_space<vmem>>
      %dma_wait3A_28 = arith.constant 0 : i32
      %dma_wait3A_29 = arith.constant 0 : i32
      %dma_wait3A_30 = tpu.memref_slice %arg2[%dma_wait3A_28, %dma_wait3A_29] : memref<8200x128xf32, #tpu.memory_space<hbm>> -> memref<8200x128xf32, #tpu.memory_space<hbm>>
      tpu.wait_indirect_dma semaphore(%arg8 : memref<!tpu.dma_semaphore, #tpu.memory_space<semaphore_mem>>) src(%dma_wait3A_30 : memref<8200x128xf32, #tpu.memory_space<hbm>>) dst(%arg6 : memref<256x128xf32, #tpu.memory_space<vmem>>)
      %mul3A_31 = arith.constant 256 : i32
      %mul3A_32 = arith.muli %add3A_24, %mul3A_31 : i32
      %add3A_33 = arith.addi %mul3A_2, %mul3A_32 : i32
      %multiple_of3A_34 = tpu.assume_multiple %add3A_33, 8 : i32
      "tpu.region"() ({
        %run_scoped3A = tpu.sem_alloc : memref<!tpu.dma_semaphore, #tpu.memory_space<semaphore_mem>>
        %dma_start3A_62 = arith.constant 0 : i32
        %dma_start3A_63 = tpu.memref_slice %arg4[%multiple_of3A_34, %dma_start3A_62] : memref<131072x128xf32, #tpu.memory_space<hbm>> -> memref<256x128xf32, #tpu.memory_space<hbm>>
        %dma_start3A_64 = arith.constant 0 : i32
        %dma_start3A_65 = tpu.memref_slice %arg4[%multiple_of3A_34, %dma_start3A_64] : memref<131072x128xf32, #tpu.memory_space<hbm>> -> memref<256x128xf32, #tpu.memory_space<hbm>>
        tpu.enqueue_dma source(%arg6 : memref<256x128xf32, #tpu.memory_space<vmem>>) target(%dma_start3A_65 : memref<256x128xf32, #tpu.memory_space<hbm>>) target_semaphore(%run_scoped3A : memref<!tpu.dma_semaphore, #tpu.memory_space<semaphore_mem>>)
        %dma_wait3A_66 = arith.constant 0 : i32
        %dma_wait3A_67 = tpu.memref_slice %arg4[%multiple_of3A_34, %dma_wait3A_66] : memref<131072x128xf32, #tpu.memory_space<hbm>> -> memref<256x128xf32, #tpu.memory_space<hbm>>
        %dma_wait3A_68 = arith.constant 0 : i32
        %dma_wait3A_69 = tpu.memref_slice %arg4[%multiple_of3A_34, %dma_wait3A_68] : memref<131072x128xf32, #tpu.memory_space<hbm>> -> memref<256x128xf32, #tpu.memory_space<hbm>>
        tpu.wait_dma2 semaphore(%run_scoped3A : memref<!tpu.dma_semaphore, #tpu.memory_space<semaphore_mem>>) src(%arg6 : memref<256x128xf32, #tpu.memory_space<vmem>>) dst(%dma_wait3A_69 : memref<256x128xf32, #tpu.memory_space<hbm>>)
        tpu.yield
      }) : () -> ()
      %add3A_35 = arith.constant 2 : i32
      %add3A_36 = arith.addi %add3A_24, %add3A_35 : i32
      %lt3A = arith.constant 16 : i32
      %lt3A_37 = arith.cmpi slt, %add3A_36, %lt3A : i32
      %convert_element_type3A = arith.extui %lt3A_37 : i1 to i32
      %cond3A = arith.constant 0 : i32
      %cond3A_38 = arith.cmpi ne, %convert_element_type3A, %cond3A : i32
      scf.if %cond3A_38 {
        %add3A_62 = arith.constant 2 : i32
        %add3A_63 = arith.addi %add3A_24, %add3A_62 : i32
        %mul3A_64 = arith.constant 256 : i32
        %mul3A_65 = arith.muli %add3A_63, %mul3A_64 : i32
        %multiple_of3A_66 = tpu.assume_multiple %mul3A_65, 8 : i32
        %dma_start3A_67 = tpu.memref_slice %arg5[%multiple_of3A_66] : memref<4096xi32, #tpu.memory_space<vmem>> -> memref<256xi32, #tpu.memory_space<vmem>>
        %dma_start3A_68 = arith.constant 0 : i32
        %dma_start3A_69 = arith.constant 0 : i32
        %dma_start3A_70 = tpu.memref_slice %arg2[%dma_start3A_68, %dma_start3A_69] : memref<8200x128xf32, #tpu.memory_space<hbm>> -> memref<8200x128xf32, #tpu.memory_space<hbm>>
        tpu.enqueue_indirect_dma source(%dma_start3A_70 : memref<8200x128xf32, #tpu.memory_space<hbm>>) target(%arg6 : memref<256x128xf32, #tpu.memory_space<vmem>>) offsets(%dma_start3A_67 : memref<256xi32, #tpu.memory_space<vmem>>) semaphore(%arg8 : memref<!tpu.dma_semaphore, #tpu.memory_space<semaphore_mem>>)
      } else {
      }
      %mul3A_39 = arith.constant 2 : i32
      %mul3A_40 = arith.muli %scan3A_19, %mul3A_39 : i32
      %add3A_41 = arith.constant 1 : i32
      %add3A_42 = arith.addi %mul3A_40, %add3A_41 : i32
      %mul3A_43 = arith.constant 256 : i32
      %mul3A_44 = arith.muli %add3A_42, %mul3A_43 : i32
      %multiple_of3A_45 = tpu.assume_multiple %mul3A_44, 8 : i32
      %dma_wait3A_46 = tpu.memref_slice %arg5[%multiple_of3A_45] : memref<4096xi32, #tpu.memory_space<vmem>> -> memref<256xi32, #tpu.memory_space<vmem>>
      %dma_wait3A_47 = arith.constant 0 : i32
      %dma_wait3A_48 = arith.constant 0 : i32
      %dma_wait3A_49 = tpu.memref_slice %arg2[%dma_wait3A_47, %dma_wait3A_48] : memref<8200x128xf32, #tpu.memory_space<hbm>> -> memref<8200x128xf32, #tpu.memory_space<hbm>>
      tpu.wait_indirect_dma semaphore(%arg9 : memref<!tpu.dma_semaphore, #tpu.memory_space<semaphore_mem>>) src(%dma_wait3A_49 : memref<8200x128xf32, #tpu.memory_space<hbm>>) dst(%arg7 : memref<256x128xf32, #tpu.memory_space<vmem>>)
      %mul3A_50 = arith.constant 256 : i32
      %mul3A_51 = arith.muli %add3A_42, %mul3A_50 : i32
      %add3A_52 = arith.addi %mul3A_2, %mul3A_51 : i32
      %multiple_of3A_53 = tpu.assume_multiple %add3A_52, 8 : i32
      "tpu.region"() ({
        %run_scoped3A = tpu.sem_alloc : memref<!tpu.dma_semaphore, #tpu.memory_space<semaphore_mem>>
        %dma_start3A_62 = arith.constant 0 : i32
        %dma_start3A_63 = tpu.memref_slice %arg4[%multiple_of3A_53, %dma_start3A_62] : memref<131072x128xf32, #tpu.memory_space<hbm>> -> memref<256x128xf32, #tpu.memory_space<hbm>>
        %dma_start3A_64 = arith.constant 0 : i32
        %dma_start3A_65 = tpu.memref_slice %arg4[%multiple_of3A_53, %dma_start3A_64] : memref<131072x128xf32, #tpu.memory_space<hbm>> -> memref<256x128xf32, #tpu.memory_space<hbm>>
        tpu.enqueue_dma source(%arg7 : memref<256x128xf32, #tpu.memory_space<vmem>>) target(%dma_start3A_65 : memref<256x128xf32, #tpu.memory_space<hbm>>) target_semaphore(%run_scoped3A : memref<!tpu.dma_semaphore, #tpu.memory_space<semaphore_mem>>)
        %dma_wait3A_66 = arith.constant 0 : i32
        %dma_wait3A_67 = tpu.memref_slice %arg4[%multiple_of3A_53, %dma_wait3A_66] : memref<131072x128xf32, #tpu.memory_space<hbm>> -> memref<256x128xf32, #tpu.memory_space<hbm>>
        %dma_wait3A_68 = arith.constant 0 : i32
        %dma_wait3A_69 = tpu.memref_slice %arg4[%multiple_of3A_53, %dma_wait3A_68] : memref<131072x128xf32, #tpu.memory_space<hbm>> -> memref<256x128xf32, #tpu.memory_space<hbm>>
        tpu.wait_dma2 semaphore(%run_scoped3A : memref<!tpu.dma_semaphore, #tpu.memory_space<semaphore_mem>>) src(%arg7 : memref<256x128xf32, #tpu.memory_space<vmem>>) dst(%dma_wait3A_69 : memref<256x128xf32, #tpu.memory_space<hbm>>)
        tpu.yield
      }) : () -> ()
      %add3A_54 = arith.constant 2 : i32
      %add3A_55 = arith.addi %add3A_42, %add3A_54 : i32
      %lt3A_56 = arith.constant 16 : i32
      %lt3A_57 = arith.cmpi slt, %add3A_55, %lt3A_56 : i32
      %convert_element_type3A_58 = arith.extui %lt3A_57 : i1 to i32
      %cond3A_59 = arith.constant 0 : i32
      %cond3A_60 = arith.cmpi ne, %convert_element_type3A_58, %cond3A_59 : i32
      scf.if %cond3A_60 {
        %add3A_62 = arith.constant 2 : i32
        %add3A_63 = arith.addi %add3A_42, %add3A_62 : i32
        %mul3A_64 = arith.constant 256 : i32
        %mul3A_65 = arith.muli %add3A_63, %mul3A_64 : i32
        %multiple_of3A_66 = tpu.assume_multiple %mul3A_65, 8 : i32
        %dma_start3A_67 = tpu.memref_slice %arg5[%multiple_of3A_66] : memref<4096xi32, #tpu.memory_space<vmem>> -> memref<256xi32, #tpu.memory_space<vmem>>
        %dma_start3A_68 = arith.constant 0 : i32
        %dma_start3A_69 = arith.constant 0 : i32
        %dma_start3A_70 = tpu.memref_slice %arg2[%dma_start3A_68, %dma_start3A_69] : memref<8200x128xf32, #tpu.memory_space<hbm>> -> memref<8200x128xf32, #tpu.memory_space<hbm>>
        tpu.enqueue_indirect_dma source(%dma_start3A_70 : memref<8200x128xf32, #tpu.memory_space<hbm>>) target(%arg7 : memref<256x128xf32, #tpu.memory_space<vmem>>) offsets(%dma_start3A_67 : memref<256xi32, #tpu.memory_space<vmem>>) semaphore(%arg9 : memref<!tpu.dma_semaphore, #tpu.memory_space<semaphore_mem>>)
      } else {
      }
      %scan3A_61 = arith.constant 0 : i32
      scf.yield %scan3A_61 : i32
    }
    %scan3A_18 = arith.constant 8 : i32
    return
  }
}

#map = affine_map<(d0, d1) -> (0, 0)>
#map1 = affine_map<(d0, d1) -> (0)>
module attributes {stable_mosaic.version = 14 : i64} {
  func.func @k(%arg0: i32, %arg1: i32, %arg2: memref<4104x128xf32, #tpu.memory_space<hbm>>, %arg3: memref<65536xi32, #tpu.memory_space<hbm>>, %arg4: memref<65536x128xf32, #tpu.memory_space<hbm>>, %arg5: memref<2048xi32, #tpu.memory_space<vmem>>, %arg6: memref<256x128xf32, #tpu.memory_space<vmem>>, %arg7: memref<256x128xf32, #tpu.memory_space<vmem>>, %arg8: memref<!tpu.dma_semaphore, #tpu.memory_space<semaphore_mem>>, %arg9: memref<!tpu.dma_semaphore, #tpu.memory_space<semaphore_mem>>) attributes {dimension_semantics = [#tpu.dimension_semantics<core_parallel>, #tpu.dimension_semantics<subcore_parallel>], iteration_bounds = array<i64: 2, 16>, scalar_prefetch = 0 : i64, scratch_operands = 5 : i64, tpu.core_type = #tpu.core_type<sc_vector_subcore>, window_params = [{transform_indices = #map}, {transform_indices = #map1}, {transform_indices = #map}]} {
    %mul3A = arith.constant 2 : i32
    %mul3A_0 = arith.muli %arg1, %mul3A : i32
    %add3A = arith.addi %mul3A_0, %arg0 : i32
    %mul3A_1 = arith.constant 2048 : i32
    %mul3A_2 = arith.muli %add3A, %mul3A_1 : i32
    "tpu.region"() ({
      %run_scoped3A = tpu.sem_alloc : memref<!tpu.dma_semaphore, #tpu.memory_space<semaphore_mem>>
      %dma_start3A_19 = tpu.memref_slice %arg3[%mul3A_2] : memref<65536xi32, #tpu.memory_space<hbm>> -> memref<2048xi32, #tpu.memory_space<hbm>>
      %dma_start3A_20 = tpu.memref_slice %arg3[%mul3A_2] : memref<65536xi32, #tpu.memory_space<hbm>> -> memref<2048xi32, #tpu.memory_space<hbm>>
      tpu.enqueue_dma source(%dma_start3A_20 : memref<2048xi32, #tpu.memory_space<hbm>>) target(%arg5 : memref<2048xi32, #tpu.memory_space<vmem>>) target_semaphore(%run_scoped3A : memref<!tpu.dma_semaphore, #tpu.memory_space<semaphore_mem>>)
      %dma_wait3A = tpu.memref_slice %arg3[%mul3A_2] : memref<65536xi32, #tpu.memory_space<hbm>> -> memref<2048xi32, #tpu.memory_space<hbm>>
      %dma_wait3A_21 = tpu.memref_slice %arg3[%mul3A_2] : memref<65536xi32, #tpu.memory_space<hbm>> -> memref<2048xi32, #tpu.memory_space<hbm>>
      tpu.wait_dma2 semaphore(%run_scoped3A : memref<!tpu.dma_semaphore, #tpu.memory_space<semaphore_mem>>) src(%dma_wait3A_21 : memref<2048xi32, #tpu.memory_space<hbm>>) dst(%arg5 : memref<2048xi32, #tpu.memory_space<vmem>>)
      tpu.yield
    }) : () -> ()
    %multiple_of3A = arith.constant 0 : i32
    %multiple_of3A_3 = tpu.assume_multiple %multiple_of3A, 8 : i32
    %dma_start3A = tpu.memref_slice %arg5[%multiple_of3A_3] : memref<2048xi32, #tpu.memory_space<vmem>> -> memref<256xi32, #tpu.memory_space<vmem>>
    %dma_start3A_4 = arith.constant 0 : i32
    %dma_start3A_5 = arith.constant 0 : i32
    %dma_start3A_6 = tpu.memref_slice %arg2[%dma_start3A_4, %dma_start3A_5] : memref<4104x128xf32, #tpu.memory_space<hbm>> -> memref<4104x128xf32, #tpu.memory_space<hbm>>
    tpu.enqueue_indirect_dma source(%dma_start3A_6 : memref<4104x128xf32, #tpu.memory_space<hbm>>) target(%arg6 : memref<256x128xf32, #tpu.memory_space<vmem>>) offsets(%dma_start3A : memref<256xi32, #tpu.memory_space<vmem>>) semaphore(%arg8 : memref<!tpu.dma_semaphore, #tpu.memory_space<semaphore_mem>>)
    %multiple_of3A_7 = arith.constant 256 : i32
    %multiple_of3A_8 = tpu.assume_multiple %multiple_of3A_7, 8 : i32
    %dma_start3A_9 = tpu.memref_slice %arg5[%multiple_of3A_8] : memref<2048xi32, #tpu.memory_space<vmem>> -> memref<256xi32, #tpu.memory_space<vmem>>
    %dma_start3A_10 = arith.constant 0 : i32
    %dma_start3A_11 = arith.constant 0 : i32
    %dma_start3A_12 = tpu.memref_slice %arg2[%dma_start3A_10, %dma_start3A_11] : memref<4104x128xf32, #tpu.memory_space<hbm>> -> memref<4104x128xf32, #tpu.memory_space<hbm>>
    tpu.enqueue_indirect_dma source(%dma_start3A_12 : memref<4104x128xf32, #tpu.memory_space<hbm>>) target(%arg7 : memref<256x128xf32, #tpu.memory_space<vmem>>) offsets(%dma_start3A_9 : memref<256xi32, #tpu.memory_space<vmem>>) semaphore(%arg9 : memref<!tpu.dma_semaphore, #tpu.memory_space<semaphore_mem>>)
    %scan3A = arith.constant 0 : i32
    %scan3A_13 = arith.constant 0 : i32
    %scan3A_14 = arith.constant 4 : i32
    %scan3A_15 = arith.addi %scan3A_13, %scan3A_14 : i32
    %scan3A_16 = arith.constant 1 : i32
    %scan3A_17 = scf.for %scan3A_19 = %scan3A_13 to %scan3A_15 step %scan3A_16 iter_args(%scan3A_20 = %scan3A) -> (i32)  : i32 {
      %mul3A_21 = arith.constant 2 : i32
      %mul3A_22 = arith.muli %scan3A_19, %mul3A_21 : i32
      %add3A_23 = arith.constant 0 : i32
      %add3A_24 = arith.addi %mul3A_22, %add3A_23 : i32
      %mul3A_25 = arith.constant 256 : i32
      %mul3A_26 = arith.muli %add3A_24, %mul3A_25 : i32
      %multiple_of3A_27 = tpu.assume_multiple %mul3A_26, 8 : i32
      %dma_wait3A = tpu.memref_slice %arg5[%multiple_of3A_27] : memref<2048xi32, #tpu.memory_space<vmem>> -> memref<256xi32, #tpu.memory_space<vmem>>
      %dma_wait3A_28 = arith.constant 0 : i32
      %dma_wait3A_29 = arith.constant 0 : i32
      %dma_wait3A_30 = tpu.memref_slice %arg2[%dma_wait3A_28, %dma_wait3A_29] : memref<4104x128xf32, #tpu.memory_space<hbm>> -> memref<4104x128xf32, #tpu.memory_space<hbm>>
      tpu.wait_indirect_dma semaphore(%arg8 : memref<!tpu.dma_semaphore, #tpu.memory_space<semaphore_mem>>) src(%dma_wait3A_30 : memref<4104x128xf32, #tpu.memory_space<hbm>>) dst(%arg6 : memref<256x128xf32, #tpu.memory_space<vmem>>)
      %mul3A_31 = arith.constant 256 : i32
      %mul3A_32 = arith.muli %add3A_24, %mul3A_31 : i32
      %add3A_33 = arith.addi %mul3A_2, %mul3A_32 : i32
      %multiple_of3A_34 = tpu.assume_multiple %add3A_33, 8 : i32
      "tpu.region"() ({
        %run_scoped3A = tpu.sem_alloc : memref<!tpu.dma_semaphore, #tpu.memory_space<semaphore_mem>>
        %dma_start3A_62 = arith.constant 0 : i32
        %dma_start3A_63 = tpu.memref_slice %arg4[%multiple_of3A_34, %dma_start3A_62] : memref<65536x128xf32, #tpu.memory_space<hbm>> -> memref<256x128xf32, #tpu.memory_space<hbm>>
        %dma_start3A_64 = arith.constant 0 : i32
        %dma_start3A_65 = tpu.memref_slice %arg4[%multiple_of3A_34, %dma_start3A_64] : memref<65536x128xf32, #tpu.memory_space<hbm>> -> memref<256x128xf32, #tpu.memory_space<hbm>>
        tpu.enqueue_dma source(%arg6 : memref<256x128xf32, #tpu.memory_space<vmem>>) target(%dma_start3A_65 : memref<256x128xf32, #tpu.memory_space<hbm>>) target_semaphore(%run_scoped3A : memref<!tpu.dma_semaphore, #tpu.memory_space<semaphore_mem>>)
        %dma_wait3A_66 = arith.constant 0 : i32
        %dma_wait3A_67 = tpu.memref_slice %arg4[%multiple_of3A_34, %dma_wait3A_66] : memref<65536x128xf32, #tpu.memory_space<hbm>> -> memref<256x128xf32, #tpu.memory_space<hbm>>
        %dma_wait3A_68 = arith.constant 0 : i32
        %dma_wait3A_69 = tpu.memref_slice %arg4[%multiple_of3A_34, %dma_wait3A_68] : memref<65536x128xf32, #tpu.memory_space<hbm>> -> memref<256x128xf32, #tpu.memory_space<hbm>>
        tpu.wait_dma2 semaphore(%run_scoped3A : memref<!tpu.dma_semaphore, #tpu.memory_space<semaphore_mem>>) src(%arg6 : memref<256x128xf32, #tpu.memory_space<vmem>>) dst(%dma_wait3A_69 : memref<256x128xf32, #tpu.memory_space<hbm>>)
        tpu.yield
      }) : () -> ()
      %add3A_35 = arith.constant 2 : i32
      %add3A_36 = arith.addi %add3A_24, %add3A_35 : i32
      %lt3A = arith.constant 8 : i32
      %lt3A_37 = arith.cmpi slt, %add3A_36, %lt3A : i32
      %convert_element_type3A = arith.extui %lt3A_37 : i1 to i32
      %cond3A = arith.constant 0 : i32
      %cond3A_38 = arith.cmpi ne, %convert_element_type3A, %cond3A : i32
      scf.if %cond3A_38 {
        %add3A_62 = arith.constant 2 : i32
        %add3A_63 = arith.addi %add3A_24, %add3A_62 : i32
        %mul3A_64 = arith.constant 256 : i32
        %mul3A_65 = arith.muli %add3A_63, %mul3A_64 : i32
        %multiple_of3A_66 = tpu.assume_multiple %mul3A_65, 8 : i32
        %dma_start3A_67 = tpu.memref_slice %arg5[%multiple_of3A_66] : memref<2048xi32, #tpu.memory_space<vmem>> -> memref<256xi32, #tpu.memory_space<vmem>>
        %dma_start3A_68 = arith.constant 0 : i32
        %dma_start3A_69 = arith.constant 0 : i32
        %dma_start3A_70 = tpu.memref_slice %arg2[%dma_start3A_68, %dma_start3A_69] : memref<4104x128xf32, #tpu.memory_space<hbm>> -> memref<4104x128xf32, #tpu.memory_space<hbm>>
        tpu.enqueue_indirect_dma source(%dma_start3A_70 : memref<4104x128xf32, #tpu.memory_space<hbm>>) target(%arg6 : memref<256x128xf32, #tpu.memory_space<vmem>>) offsets(%dma_start3A_67 : memref<256xi32, #tpu.memory_space<vmem>>) semaphore(%arg8 : memref<!tpu.dma_semaphore, #tpu.memory_space<semaphore_mem>>)
      } else {
      }
      %mul3A_39 = arith.constant 2 : i32
      %mul3A_40 = arith.muli %scan3A_19, %mul3A_39 : i32
      %add3A_41 = arith.constant 1 : i32
      %add3A_42 = arith.addi %mul3A_40, %add3A_41 : i32
      %mul3A_43 = arith.constant 256 : i32
      %mul3A_44 = arith.muli %add3A_42, %mul3A_43 : i32
      %multiple_of3A_45 = tpu.assume_multiple %mul3A_44, 8 : i32
      %dma_wait3A_46 = tpu.memref_slice %arg5[%multiple_of3A_45] : memref<2048xi32, #tpu.memory_space<vmem>> -> memref<256xi32, #tpu.memory_space<vmem>>
      %dma_wait3A_47 = arith.constant 0 : i32
      %dma_wait3A_48 = arith.constant 0 : i32
      %dma_wait3A_49 = tpu.memref_slice %arg2[%dma_wait3A_47, %dma_wait3A_48] : memref<4104x128xf32, #tpu.memory_space<hbm>> -> memref<4104x128xf32, #tpu.memory_space<hbm>>
      tpu.wait_indirect_dma semaphore(%arg9 : memref<!tpu.dma_semaphore, #tpu.memory_space<semaphore_mem>>) src(%dma_wait3A_49 : memref<4104x128xf32, #tpu.memory_space<hbm>>) dst(%arg7 : memref<256x128xf32, #tpu.memory_space<vmem>>)
      %mul3A_50 = arith.constant 256 : i32
      %mul3A_51 = arith.muli %add3A_42, %mul3A_50 : i32
      %add3A_52 = arith.addi %mul3A_2, %mul3A_51 : i32
      %multiple_of3A_53 = tpu.assume_multiple %add3A_52, 8 : i32
      "tpu.region"() ({
        %run_scoped3A = tpu.sem_alloc : memref<!tpu.dma_semaphore, #tpu.memory_space<semaphore_mem>>
        %dma_start3A_62 = arith.constant 0 : i32
        %dma_start3A_63 = tpu.memref_slice %arg4[%multiple_of3A_53, %dma_start3A_62] : memref<65536x128xf32, #tpu.memory_space<hbm>> -> memref<256x128xf32, #tpu.memory_space<hbm>>
        %dma_start3A_64 = arith.constant 0 : i32
        %dma_start3A_65 = tpu.memref_slice %arg4[%multiple_of3A_53, %dma_start3A_64] : memref<65536x128xf32, #tpu.memory_space<hbm>> -> memref<256x128xf32, #tpu.memory_space<hbm>>
        tpu.enqueue_dma source(%arg7 : memref<256x128xf32, #tpu.memory_space<vmem>>) target(%dma_start3A_65 : memref<256x128xf32, #tpu.memory_space<hbm>>) target_semaphore(%run_scoped3A : memref<!tpu.dma_semaphore, #tpu.memory_space<semaphore_mem>>)
        %dma_wait3A_66 = arith.constant 0 : i32
        %dma_wait3A_67 = tpu.memref_slice %arg4[%multiple_of3A_53, %dma_wait3A_66] : memref<65536x128xf32, #tpu.memory_space<hbm>> -> memref<256x128xf32, #tpu.memory_space<hbm>>
        %dma_wait3A_68 = arith.constant 0 : i32
        %dma_wait3A_69 = tpu.memref_slice %arg4[%multiple_of3A_53, %dma_wait3A_68] : memref<65536x128xf32, #tpu.memory_space<hbm>> -> memref<256x128xf32, #tpu.memory_space<hbm>>
        tpu.wait_dma2 semaphore(%run_scoped3A : memref<!tpu.dma_semaphore, #tpu.memory_space<semaphore_mem>>) src(%arg7 : memref<256x128xf32, #tpu.memory_space<vmem>>) dst(%dma_wait3A_69 : memref<256x128xf32, #tpu.memory_space<hbm>>)
        tpu.yield
      }) : () -> ()
      %add3A_54 = arith.constant 2 : i32
      %add3A_55 = arith.addi %add3A_42, %add3A_54 : i32
      %lt3A_56 = arith.constant 8 : i32
      %lt3A_57 = arith.cmpi slt, %add3A_55, %lt3A_56 : i32
      %convert_element_type3A_58 = arith.extui %lt3A_57 : i1 to i32
      %cond3A_59 = arith.constant 0 : i32
      %cond3A_60 = arith.cmpi ne, %convert_element_type3A_58, %cond3A_59 : i32
      scf.if %cond3A_60 {
        %add3A_62 = arith.constant 2 : i32
        %add3A_63 = arith.addi %add3A_42, %add3A_62 : i32
        %mul3A_64 = arith.constant 256 : i32
        %mul3A_65 = arith.muli %add3A_63, %mul3A_64 : i32
        %multiple_of3A_66 = tpu.assume_multiple %mul3A_65, 8 : i32
        %dma_start3A_67 = tpu.memref_slice %arg5[%multiple_of3A_66] : memref<2048xi32, #tpu.memory_space<vmem>> -> memref<256xi32, #tpu.memory_space<vmem>>
        %dma_start3A_68 = arith.constant 0 : i32
        %dma_start3A_69 = arith.constant 0 : i32
        %dma_start3A_70 = tpu.memref_slice %arg2[%dma_start3A_68, %dma_start3A_69] : memref<4104x128xf32, #tpu.memory_space<hbm>> -> memref<4104x128xf32, #tpu.memory_space<hbm>>
        tpu.enqueue_indirect_dma source(%dma_start3A_70 : memref<4104x128xf32, #tpu.memory_space<hbm>>) target(%arg7 : memref<256x128xf32, #tpu.memory_space<vmem>>) offsets(%dma_start3A_67 : memref<256xi32, #tpu.memory_space<vmem>>) semaphore(%arg9 : memref<!tpu.dma_semaphore, #tpu.memory_space<semaphore_mem>>)
      } else {
      }
      %scan3A_61 = arith.constant 0 : i32
      scf.yield %scan3A_61 : i32
    }
    %scan3A_18 = arith.constant 4 : i32
    return
  }
}

module attributes {stable_mosaic.version = 14 : i64} {
  func.func @_pre_body(%arg0: memref<8x1024xf32, #tpu.memory_space<vmem>>, %arg1: memref<8x1024xf32, #tpu.memory_space<vmem>>, %arg2: memref<8x1024xf32, #tpu.memory_space<vmem>>, %arg3: memref<8x512x3xf32, #tpu.memory_space<vmem>>, %arg4: memref<8x512x32xi32, #tpu.memory_space<vmem>>, %arg5: memref<8x512x32xi32, #tpu.memory_space<vmem>>, %arg6: memref<8x256x3xf32, #tpu.memory_space<vmem>>, %arg7: memref<8x256x32xi32, #tpu.memory_space<vmem>>, %arg8: memref<8x256x32xi32, #tpu.memory_space<vmem>>, %arg9: memref<8x128x3xf32, #tpu.memory_space<vmem>>, %arg10: memref<8x128x32xi32, #tpu.memory_space<vmem>>, %arg11: memref<8x128x32xi32, #tpu.memory_space<vmem>>) attributes {dimension_semantics = [], scalar_prefetch = 0 : i64, scratch_operands = 0 : i64, tpu.core_type = #tpu.core_type<tc>} {
    %get3A = arith.constant 0 : index
    %get3A_0 = arith.constant 0 : index
    %get3A_1 = vector.load %arg0[%get3A, %get3A_0] : memref<8x1024xf32, #tpu.memory_space<vmem>>, vector<8x1024xf32>
    %get3A_2 = arith.constant 0 : index
    %get3A_3 = arith.constant 0 : index
    %get3A_4 = vector.load %arg1[%get3A_2, %get3A_3] : memref<8x1024xf32, #tpu.memory_space<vmem>>, vector<8x1024xf32>
    %get3A_5 = arith.constant 0 : index
    %get3A_6 = arith.constant 0 : index
    %get3A_7 = vector.load %arg2[%get3A_5, %get3A_6] : memref<8x1024xf32, #tpu.memory_space<vmem>>, vector<8x1024xf32>
    %iota3A = tpu.iota {dimensions = array<i32: 1>} : vector<8x1024xi32>
    %iota3A_8 = tpu.iota {dimensions = array<i32: 1>} : vector<8x512xi32>
    %broadcast_in_dim3A = arith.constant 0x7F800000 : f32
    %broadcast_in_dim3A_9 = vector.broadcast %broadcast_in_dim3A : f32 to vector<8x1024xf32>
    %broadcast_in_dim3A_10 = arith.constant 0 : i32
    %broadcast_in_dim3A_11 = vector.broadcast %broadcast_in_dim3A_10 : i32 to vector<8x1xi32>
    %broadcast_in_dim3A_12 = arith.constant 0.000000e+00 : f32
    %broadcast_in_dim3A_13 = vector.broadcast %broadcast_in_dim3A_12 : f32 to vector<8x512xf32>
    %broadcast_in_dim3A_14 = arith.constant 0.000000e+00 : f32
    %broadcast_in_dim3A_15 = vector.broadcast %broadcast_in_dim3A_14 : f32 to vector<8x512xf32>
    %broadcast_in_dim3A_16 = arith.constant 0.000000e+00 : f32
    %broadcast_in_dim3A_17 = vector.broadcast %broadcast_in_dim3A_16 : f32 to vector<8x512xf32>
    %scan3A = arith.constant 0 : i32
    %scan3A_18 = arith.constant 512 : i32
    %scan3A_19 = arith.addi %scan3A, %scan3A_18 : i32
    %scan3A_20 = arith.constant 1 : i32
    %scan3A_21:5 = scf.for %scan3A_1983 = %scan3A to %scan3A_19 step %scan3A_20 iter_args(%scan3A_1984 = %broadcast_in_dim3A_9, %scan3A_1985 = %broadcast_in_dim3A_11, %scan3A_1986 = %broadcast_in_dim3A_13, %scan3A_1987 = %broadcast_in_dim3A_15, %scan3A_1988 = %broadcast_in_dim3A_17) -> (vector<8x1024xf32>, vector<8x1xi32>, vector<8x512xf32>, vector<8x512xf32>, vector<8x512xf32>)  : i32 {
      %eq3A_1989 = vector.broadcast %scan3A_1985 : vector<8x1xi32> to vector<8x1024xi32>
      %eq3A_1990 = arith.cmpi eq, %iota3A, %eq3A_1989 : vector<8x1024xi32>
      %jit3A_1991 = arith.constant 0.000000e+00 : f32
      %broadcast_in_dim3A_1992 = vector.broadcast %jit3A_1991 : f32 to vector<8x1024xf32>
      %select_n3A_1993 = arith.select %eq3A_1990, %get3A_1, %broadcast_in_dim3A_1992 : vector<8x1024xi1>, vector<8x1024xf32>
      %reduce_sum3A_1994 = arith.constant dense<0.000000e+00> : vector<8xf32>
      %reduce_sum3A_1995 = vector.multi_reduction <add>, %select_n3A_1993, %reduce_sum3A_1994 [1] : vector<8x1024xf32> to vector<8xf32>
      %broadcast_in_dim3A_1996 = vector.shape_cast %reduce_sum3A_1995 : vector<8xf32> to vector<8x1xf32>
      %jit3A_1997 = arith.constant 0.000000e+00 : f32
      %broadcast_in_dim3A_1998 = vector.broadcast %jit3A_1997 : f32 to vector<8x1024xf32>
      %select_n3A_1999 = arith.select %eq3A_1990, %get3A_4, %broadcast_in_dim3A_1998 : vector<8x1024xi1>, vector<8x1024xf32>
      %reduce_sum3A_2000 = arith.constant dense<0.000000e+00> : vector<8xf32>
      %reduce_sum3A_2001 = vector.multi_reduction <add>, %select_n3A_1999, %reduce_sum3A_2000 [1] : vector<8x1024xf32> to vector<8xf32>
      %broadcast_in_dim3A_2002 = vector.shape_cast %reduce_sum3A_2001 : vector<8xf32> to vector<8x1xf32>
      %jit3A_2003 = arith.constant 0.000000e+00 : f32
      %broadcast_in_dim3A_2004 = vector.broadcast %jit3A_2003 : f32 to vector<8x1024xf32>
      %select_n3A_2005 = arith.select %eq3A_1990, %get3A_7, %broadcast_in_dim3A_2004 : vector<8x1024xi1>, vector<8x1024xf32>
      %reduce_sum3A_2006 = arith.constant dense<0.000000e+00> : vector<8xf32>
      %reduce_sum3A_2007 = vector.multi_reduction <add>, %select_n3A_2005, %reduce_sum3A_2006 [1] : vector<8x1024xf32> to vector<8xf32>
      %broadcast_in_dim3A_2008 = vector.shape_cast %reduce_sum3A_2007 : vector<8xf32> to vector<8x1xf32>
      %eq3A_2009 = vector.broadcast %scan3A_1983 : i32 to vector<8x512xi32>
      %eq3A_2010 = arith.cmpi eq, %iota3A_8, %eq3A_2009 : vector<8x512xi32>
      %broadcast_in_dim3A_2011 = vector.shape_cast %broadcast_in_dim3A_1996 : vector<8x1xf32> to vector<8x1xf32>
      %broadcast_in_dim3A_2012 = vector.broadcast %broadcast_in_dim3A_2011 : vector<8x1xf32> to vector<8x512xf32>
      %select_n3A_2013 = arith.select %eq3A_2010, %broadcast_in_dim3A_2012, %scan3A_1986 : vector<8x512xi1>, vector<8x512xf32>
      %broadcast_in_dim3A_2014 = vector.shape_cast %broadcast_in_dim3A_2002 : vector<8x1xf32> to vector<8x1xf32>
      %broadcast_in_dim3A_2015 = vector.broadcast %broadcast_in_dim3A_2014 : vector<8x1xf32> to vector<8x512xf32>
      %select_n3A_2016 = arith.select %eq3A_2010, %broadcast_in_dim3A_2015, %scan3A_1987 : vector<8x512xi1>, vector<8x512xf32>
      %broadcast_in_dim3A_2017 = vector.shape_cast %broadcast_in_dim3A_2008 : vector<8x1xf32> to vector<8x1xf32>
      %broadcast_in_dim3A_2018 = vector.broadcast %broadcast_in_dim3A_2017 : vector<8x1xf32> to vector<8x512xf32>
      %select_n3A_2019 = arith.select %eq3A_2010, %broadcast_in_dim3A_2018, %scan3A_1988 : vector<8x512xi1>, vector<8x512xf32>
      %sub3A_2020 = vector.broadcast %broadcast_in_dim3A_1996 : vector<8x1xf32> to vector<8x1024xf32>
      %sub3A_2021 = arith.subf %get3A_1, %sub3A_2020 : vector<8x1024xf32>
      %sub3A_2022 = vector.broadcast %broadcast_in_dim3A_2002 : vector<8x1xf32> to vector<8x1024xf32>
      %sub3A_2023 = arith.subf %get3A_4, %sub3A_2022 : vector<8x1024xf32>
      %sub3A_2024 = vector.broadcast %broadcast_in_dim3A_2008 : vector<8x1xf32> to vector<8x1024xf32>
      %sub3A_2025 = arith.subf %get3A_7, %sub3A_2024 : vector<8x1024xf32>
      %mul3A_2026 = arith.mulf %sub3A_2021, %sub3A_2021 : vector<8x1024xf32>
      %mul3A_2027 = arith.mulf %sub3A_2023, %sub3A_2023 : vector<8x1024xf32>
      %add3A_2028 = arith.addf %mul3A_2026, %mul3A_2027 : vector<8x1024xf32>
      %mul3A_2029 = arith.mulf %sub3A_2025, %sub3A_2025 : vector<8x1024xf32>
      %add3A_2030 = arith.addf %add3A_2028, %mul3A_2029 : vector<8x1024xf32>
      %min3A = arith.minimumf %scan3A_1984, %add3A_2030 : vector<8x1024xf32>
      %reduce_max3A = arith.constant dense<0xFF800000> : vector<8xf32>
      %reduce_max3A_2031 = vector.multi_reduction <maximumf>, %min3A, %reduce_max3A [1] : vector<8x1024xf32> to vector<8xf32>
      %broadcast_in_dim3A_2032 = vector.shape_cast %reduce_max3A_2031 : vector<8xf32> to vector<8x1xf32>
      %eq3A_2033 = vector.broadcast %broadcast_in_dim3A_2032 : vector<8x1xf32> to vector<8x1024xf32>
      %eq3A_2034 = arith.cmpf oeq, %min3A, %eq3A_2033 : vector<8x1024xf32>
      %jit3A_2035 = arith.constant 1024 : i32
      %broadcast_in_dim3A_2036 = vector.broadcast %jit3A_2035 : i32 to vector<8x1024xi32>
      %select_n3A_2037 = arith.select %eq3A_2034, %iota3A, %broadcast_in_dim3A_2036 : vector<8x1024xi1>, vector<8x1024xi32>
      %reduce_min3A = arith.constant dense<2147483647> : vector<8xi32>
      %reduce_min3A_2038 = vector.multi_reduction <minsi>, %select_n3A_2037, %reduce_min3A [1] : vector<8x1024xi32> to vector<8xi32>
      %broadcast_in_dim3A_2039 = vector.shape_cast %reduce_min3A_2038 : vector<8xi32> to vector<8x1xi32>
      scf.yield %min3A, %broadcast_in_dim3A_2039, %select_n3A_2013, %select_n3A_2016, %select_n3A_2019 : vector<8x1024xf32>, vector<8x1xi32>, vector<8x512xf32>, vector<8x512xf32>, vector<8x512xf32>
    }
    %scan3A_22 = arith.constant 512 : i32
    %iota3A_23 = tpu.iota {dimensions = array<i32: 1>} : vector<8x512xi32>
    %iota3A_24 = tpu.iota {dimensions = array<i32: 1>} : vector<8x256xi32>
    %broadcast_in_dim3A_25 = arith.constant 0x7F800000 : f32
    %broadcast_in_dim3A_26 = vector.broadcast %broadcast_in_dim3A_25 : f32 to vector<8x512xf32>
    %broadcast_in_dim3A_27 = arith.constant 0 : i32
    %broadcast_in_dim3A_28 = vector.broadcast %broadcast_in_dim3A_27 : i32 to vector<8x1xi32>
    %broadcast_in_dim3A_29 = arith.constant 0.000000e+00 : f32
    %broadcast_in_dim3A_30 = vector.broadcast %broadcast_in_dim3A_29 : f32 to vector<8x256xf32>
    %broadcast_in_dim3A_31 = arith.constant 0.000000e+00 : f32
    %broadcast_in_dim3A_32 = vector.broadcast %broadcast_in_dim3A_31 : f32 to vector<8x256xf32>
    %broadcast_in_dim3A_33 = arith.constant 0.000000e+00 : f32
    %broadcast_in_dim3A_34 = vector.broadcast %broadcast_in_dim3A_33 : f32 to vector<8x256xf32>
    %scan3A_35 = arith.constant 0 : i32
    %scan3A_36 = arith.constant 256 : i32
    %scan3A_37 = arith.addi %scan3A_35, %scan3A_36 : i32
    %scan3A_38 = arith.constant 1 : i32
    %scan3A_39:5 = scf.for %scan3A_1983 = %scan3A_35 to %scan3A_37 step %scan3A_38 iter_args(%scan3A_1984 = %broadcast_in_dim3A_26, %scan3A_1985 = %broadcast_in_dim3A_28, %scan3A_1986 = %broadcast_in_dim3A_30, %scan3A_1987 = %broadcast_in_dim3A_32, %scan3A_1988 = %broadcast_in_dim3A_34) -> (vector<8x512xf32>, vector<8x1xi32>, vector<8x256xf32>, vector<8x256xf32>, vector<8x256xf32>)  : i32 {
      %eq3A_1989 = vector.broadcast %scan3A_1985 : vector<8x1xi32> to vector<8x512xi32>
      %eq3A_1990 = arith.cmpi eq, %iota3A_23, %eq3A_1989 : vector<8x512xi32>
      %jit3A_1991 = arith.constant 0.000000e+00 : f32
      %broadcast_in_dim3A_1992 = vector.broadcast %jit3A_1991 : f32 to vector<8x512xf32>
      %select_n3A_1993 = arith.select %eq3A_1990, %scan3A_21#2, %broadcast_in_dim3A_1992 : vector<8x512xi1>, vector<8x512xf32>
      %reduce_sum3A_1994 = arith.constant dense<0.000000e+00> : vector<8xf32>
      %reduce_sum3A_1995 = vector.multi_reduction <add>, %select_n3A_1993, %reduce_sum3A_1994 [1] : vector<8x512xf32> to vector<8xf32>
      %broadcast_in_dim3A_1996 = vector.shape_cast %reduce_sum3A_1995 : vector<8xf32> to vector<8x1xf32>
      %jit3A_1997 = arith.constant 0.000000e+00 : f32
      %broadcast_in_dim3A_1998 = vector.broadcast %jit3A_1997 : f32 to vector<8x512xf32>
      %select_n3A_1999 = arith.select %eq3A_1990, %scan3A_21#3, %broadcast_in_dim3A_1998 : vector<8x512xi1>, vector<8x512xf32>
      %reduce_sum3A_2000 = arith.constant dense<0.000000e+00> : vector<8xf32>
      %reduce_sum3A_2001 = vector.multi_reduction <add>, %select_n3A_1999, %reduce_sum3A_2000 [1] : vector<8x512xf32> to vector<8xf32>
      %broadcast_in_dim3A_2002 = vector.shape_cast %reduce_sum3A_2001 : vector<8xf32> to vector<8x1xf32>
      %jit3A_2003 = arith.constant 0.000000e+00 : f32
      %broadcast_in_dim3A_2004 = vector.broadcast %jit3A_2003 : f32 to vector<8x512xf32>
      %select_n3A_2005 = arith.select %eq3A_1990, %scan3A_21#4, %broadcast_in_dim3A_2004 : vector<8x512xi1>, vector<8x512xf32>
      %reduce_sum3A_2006 = arith.constant dense<0.000000e+00> : vector<8xf32>
      %reduce_sum3A_2007 = vector.multi_reduction <add>, %select_n3A_2005, %reduce_sum3A_2006 [1] : vector<8x512xf32> to vector<8xf32>
      %broadcast_in_dim3A_2008 = vector.shape_cast %reduce_sum3A_2007 : vector<8xf32> to vector<8x1xf32>
      %eq3A_2009 = vector.broadcast %scan3A_1983 : i32 to vector<8x256xi32>
      %eq3A_2010 = arith.cmpi eq, %iota3A_24, %eq3A_2009 : vector<8x256xi32>
      %broadcast_in_dim3A_2011 = vector.shape_cast %broadcast_in_dim3A_1996 : vector<8x1xf32> to vector<8x1xf32>
      %broadcast_in_dim3A_2012 = vector.broadcast %broadcast_in_dim3A_2011 : vector<8x1xf32> to vector<8x256xf32>
      %select_n3A_2013 = arith.select %eq3A_2010, %broadcast_in_dim3A_2012, %scan3A_1986 : vector<8x256xi1>, vector<8x256xf32>
      %broadcast_in_dim3A_2014 = vector.shape_cast %broadcast_in_dim3A_2002 : vector<8x1xf32> to vector<8x1xf32>
      %broadcast_in_dim3A_2015 = vector.broadcast %broadcast_in_dim3A_2014 : vector<8x1xf32> to vector<8x256xf32>
      %select_n3A_2016 = arith.select %eq3A_2010, %broadcast_in_dim3A_2015, %scan3A_1987 : vector<8x256xi1>, vector<8x256xf32>
      %broadcast_in_dim3A_2017 = vector.shape_cast %broadcast_in_dim3A_2008 : vector<8x1xf32> to vector<8x1xf32>
      %broadcast_in_dim3A_2018 = vector.broadcast %broadcast_in_dim3A_2017 : vector<8x1xf32> to vector<8x256xf32>
      %select_n3A_2019 = arith.select %eq3A_2010, %broadcast_in_dim3A_2018, %scan3A_1988 : vector<8x256xi1>, vector<8x256xf32>
      %sub3A_2020 = vector.broadcast %broadcast_in_dim3A_1996 : vector<8x1xf32> to vector<8x512xf32>
      %sub3A_2021 = arith.subf %scan3A_21#2, %sub3A_2020 : vector<8x512xf32>
      %sub3A_2022 = vector.broadcast %broadcast_in_dim3A_2002 : vector<8x1xf32> to vector<8x512xf32>
      %sub3A_2023 = arith.subf %scan3A_21#3, %sub3A_2022 : vector<8x512xf32>
      %sub3A_2024 = vector.broadcast %broadcast_in_dim3A_2008 : vector<8x1xf32> to vector<8x512xf32>
      %sub3A_2025 = arith.subf %scan3A_21#4, %sub3A_2024 : vector<8x512xf32>
      %mul3A_2026 = arith.mulf %sub3A_2021, %sub3A_2021 : vector<8x512xf32>
      %mul3A_2027 = arith.mulf %sub3A_2023, %sub3A_2023 : vector<8x512xf32>
      %add3A_2028 = arith.addf %mul3A_2026, %mul3A_2027 : vector<8x512xf32>
      %mul3A_2029 = arith.mulf %sub3A_2025, %sub3A_2025 : vector<8x512xf32>
      %add3A_2030 = arith.addf %add3A_2028, %mul3A_2029 : vector<8x512xf32>
      %min3A = arith.minimumf %scan3A_1984, %add3A_2030 : vector<8x512xf32>
      %reduce_max3A = arith.constant dense<0xFF800000> : vector<8xf32>
      %reduce_max3A_2031 = vector.multi_reduction <maximumf>, %min3A, %reduce_max3A [1] : vector<8x512xf32> to vector<8xf32>
      %broadcast_in_dim3A_2032 = vector.shape_cast %reduce_max3A_2031 : vector<8xf32> to vector<8x1xf32>
      %eq3A_2033 = vector.broadcast %broadcast_in_dim3A_2032 : vector<8x1xf32> to vector<8x512xf32>
      %eq3A_2034 = arith.cmpf oeq, %min3A, %eq3A_2033 : vector<8x512xf32>
      %jit3A_2035 = arith.constant 512 : i32
      %broadcast_in_dim3A_2036 = vector.broadcast %jit3A_2035 : i32 to vector<8x512xi32>
      %select_n3A_2037 = arith.select %eq3A_2034, %iota3A_23, %broadcast_in_dim3A_2036 : vector<8x512xi1>, vector<8x512xi32>
      %reduce_min3A = arith.constant dense<2147483647> : vector<8xi32>
      %reduce_min3A_2038 = vector.multi_reduction <minsi>, %select_n3A_2037, %reduce_min3A [1] : vector<8x512xi32> to vector<8xi32>
      %broadcast_in_dim3A_2039 = vector.shape_cast %reduce_min3A_2038 : vector<8xi32> to vector<8x1xi32>
      scf.yield %min3A, %broadcast_in_dim3A_2039, %select_n3A_2013, %select_n3A_2016, %select_n3A_2019 : vector<8x512xf32>, vector<8x1xi32>, vector<8x256xf32>, vector<8x256xf32>, vector<8x256xf32>
    }
    %scan3A_40 = arith.constant 256 : i32
    %iota3A_41 = tpu.iota {dimensions = array<i32: 1>} : vector<8x256xi32>
    %iota3A_42 = tpu.iota {dimensions = array<i32: 1>} : vector<8x128xi32>
    %broadcast_in_dim3A_43 = arith.constant 0x7F800000 : f32
    %broadcast_in_dim3A_44 = vector.broadcast %broadcast_in_dim3A_43 : f32 to vector<8x256xf32>
    %broadcast_in_dim3A_45 = arith.constant 0 : i32
    %broadcast_in_dim3A_46 = vector.broadcast %broadcast_in_dim3A_45 : i32 to vector<8x1xi32>
    %broadcast_in_dim3A_47 = arith.constant 0.000000e+00 : f32
    %broadcast_in_dim3A_48 = vector.broadcast %broadcast_in_dim3A_47 : f32 to vector<8x128xf32>
    %broadcast_in_dim3A_49 = arith.constant 0.000000e+00 : f32
    %broadcast_in_dim3A_50 = vector.broadcast %broadcast_in_dim3A_49 : f32 to vector<8x128xf32>
    %broadcast_in_dim3A_51 = arith.constant 0.000000e+00 : f32
    %broadcast_in_dim3A_52 = vector.broadcast %broadcast_in_dim3A_51 : f32 to vector<8x128xf32>
    %scan3A_53 = arith.constant 0 : i32
    %scan3A_54 = arith.constant 128 : i32
    %scan3A_55 = arith.addi %scan3A_53, %scan3A_54 : i32
    %scan3A_56 = arith.constant 1 : i32
    %scan3A_57:5 = scf.for %scan3A_1983 = %scan3A_53 to %scan3A_55 step %scan3A_56 iter_args(%scan3A_1984 = %broadcast_in_dim3A_44, %scan3A_1985 = %broadcast_in_dim3A_46, %scan3A_1986 = %broadcast_in_dim3A_48, %scan3A_1987 = %broadcast_in_dim3A_50, %scan3A_1988 = %broadcast_in_dim3A_52) -> (vector<8x256xf32>, vector<8x1xi32>, vector<8x128xf32>, vector<8x128xf32>, vector<8x128xf32>)  : i32 {
      %eq3A_1989 = vector.broadcast %scan3A_1985 : vector<8x1xi32> to vector<8x256xi32>
      %eq3A_1990 = arith.cmpi eq, %iota3A_41, %eq3A_1989 : vector<8x256xi32>
      %jit3A_1991 = arith.constant 0.000000e+00 : f32
      %broadcast_in_dim3A_1992 = vector.broadcast %jit3A_1991 : f32 to vector<8x256xf32>
      %select_n3A_1993 = arith.select %eq3A_1990, %scan3A_39#2, %broadcast_in_dim3A_1992 : vector<8x256xi1>, vector<8x256xf32>
      %reduce_sum3A_1994 = arith.constant dense<0.000000e+00> : vector<8xf32>
      %reduce_sum3A_1995 = vector.multi_reduction <add>, %select_n3A_1993, %reduce_sum3A_1994 [1] : vector<8x256xf32> to vector<8xf32>
      %broadcast_in_dim3A_1996 = vector.shape_cast %reduce_sum3A_1995 : vector<8xf32> to vector<8x1xf32>
      %jit3A_1997 = arith.constant 0.000000e+00 : f32
      %broadcast_in_dim3A_1998 = vector.broadcast %jit3A_1997 : f32 to vector<8x256xf32>
      %select_n3A_1999 = arith.select %eq3A_1990, %scan3A_39#3, %broadcast_in_dim3A_1998 : vector<8x256xi1>, vector<8x256xf32>
      %reduce_sum3A_2000 = arith.constant dense<0.000000e+00> : vector<8xf32>
      %reduce_sum3A_2001 = vector.multi_reduction <add>, %select_n3A_1999, %reduce_sum3A_2000 [1] : vector<8x256xf32> to vector<8xf32>
      %broadcast_in_dim3A_2002 = vector.shape_cast %reduce_sum3A_2001 : vector<8xf32> to vector<8x1xf32>
      %jit3A_2003 = arith.constant 0.000000e+00 : f32
      %broadcast_in_dim3A_2004 = vector.broadcast %jit3A_2003 : f32 to vector<8x256xf32>
      %select_n3A_2005 = arith.select %eq3A_1990, %scan3A_39#4, %broadcast_in_dim3A_2004 : vector<8x256xi1>, vector<8x256xf32>
      %reduce_sum3A_2006 = arith.constant dense<0.000000e+00> : vector<8xf32>
      %reduce_sum3A_2007 = vector.multi_reduction <add>, %select_n3A_2005, %reduce_sum3A_2006 [1] : vector<8x256xf32> to vector<8xf32>
      %broadcast_in_dim3A_2008 = vector.shape_cast %reduce_sum3A_2007 : vector<8xf32> to vector<8x1xf32>
      %eq3A_2009 = vector.broadcast %scan3A_1983 : i32 to vector<8x128xi32>
      %eq3A_2010 = arith.cmpi eq, %iota3A_42, %eq3A_2009 : vector<8x128xi32>
      %broadcast_in_dim3A_2011 = vector.shape_cast %broadcast_in_dim3A_1996 : vector<8x1xf32> to vector<8x1xf32>
      %broadcast_in_dim3A_2012 = vector.broadcast %broadcast_in_dim3A_2011 : vector<8x1xf32> to vector<8x128xf32>
      %select_n3A_2013 = arith.select %eq3A_2010, %broadcast_in_dim3A_2012, %scan3A_1986 : vector<8x128xi1>, vector<8x128xf32>
      %broadcast_in_dim3A_2014 = vector.shape_cast %broadcast_in_dim3A_2002 : vector<8x1xf32> to vector<8x1xf32>
      %broadcast_in_dim3A_2015 = vector.broadcast %broadcast_in_dim3A_2014 : vector<8x1xf32> to vector<8x128xf32>
      %select_n3A_2016 = arith.select %eq3A_2010, %broadcast_in_dim3A_2015, %scan3A_1987 : vector<8x128xi1>, vector<8x128xf32>
      %broadcast_in_dim3A_2017 = vector.shape_cast %broadcast_in_dim3A_2008 : vector<8x1xf32> to vector<8x1xf32>
      %broadcast_in_dim3A_2018 = vector.broadcast %broadcast_in_dim3A_2017 : vector<8x1xf32> to vector<8x128xf32>
      %select_n3A_2019 = arith.select %eq3A_2010, %broadcast_in_dim3A_2018, %scan3A_1988 : vector<8x128xi1>, vector<8x128xf32>
      %sub3A_2020 = vector.broadcast %broadcast_in_dim3A_1996 : vector<8x1xf32> to vector<8x256xf32>
      %sub3A_2021 = arith.subf %scan3A_39#2, %sub3A_2020 : vector<8x256xf32>
      %sub3A_2022 = vector.broadcast %broadcast_in_dim3A_2002 : vector<8x1xf32> to vector<8x256xf32>
      %sub3A_2023 = arith.subf %scan3A_39#3, %sub3A_2022 : vector<8x256xf32>
      %sub3A_2024 = vector.broadcast %broadcast_in_dim3A_2008 : vector<8x1xf32> to vector<8x256xf32>
      %sub3A_2025 = arith.subf %scan3A_39#4, %sub3A_2024 : vector<8x256xf32>
      %mul3A_2026 = arith.mulf %sub3A_2021, %sub3A_2021 : vector<8x256xf32>
      %mul3A_2027 = arith.mulf %sub3A_2023, %sub3A_2023 : vector<8x256xf32>
      %add3A_2028 = arith.addf %mul3A_2026, %mul3A_2027 : vector<8x256xf32>
      %mul3A_2029 = arith.mulf %sub3A_2025, %sub3A_2025 : vector<8x256xf32>
      %add3A_2030 = arith.addf %add3A_2028, %mul3A_2029 : vector<8x256xf32>
      %min3A = arith.minimumf %scan3A_1984, %add3A_2030 : vector<8x256xf32>
      %reduce_max3A = arith.constant dense<0xFF800000> : vector<8xf32>
      %reduce_max3A_2031 = vector.multi_reduction <maximumf>, %min3A, %reduce_max3A [1] : vector<8x256xf32> to vector<8xf32>
      %broadcast_in_dim3A_2032 = vector.shape_cast %reduce_max3A_2031 : vector<8xf32> to vector<8x1xf32>
      %eq3A_2033 = vector.broadcast %broadcast_in_dim3A_2032 : vector<8x1xf32> to vector<8x256xf32>
      %eq3A_2034 = arith.cmpf oeq, %min3A, %eq3A_2033 : vector<8x256xf32>
      %jit3A_2035 = arith.constant 256 : i32
      %broadcast_in_dim3A_2036 = vector.broadcast %jit3A_2035 : i32 to vector<8x256xi32>
      %select_n3A_2037 = arith.select %eq3A_2034, %iota3A_41, %broadcast_in_dim3A_2036 : vector<8x256xi1>, vector<8x256xi32>
      %reduce_min3A = arith.constant dense<2147483647> : vector<8xi32>
      %reduce_min3A_2038 = vector.multi_reduction <minsi>, %select_n3A_2037, %reduce_min3A [1] : vector<8x256xi32> to vector<8xi32>
      %broadcast_in_dim3A_2039 = vector.shape_cast %reduce_min3A_2038 : vector<8xi32> to vector<8x1xi32>
      scf.yield %min3A, %broadcast_in_dim3A_2039, %select_n3A_2013, %select_n3A_2016, %select_n3A_2019 : vector<8x256xf32>, vector<8x1xi32>, vector<8x128xf32>, vector<8x128xf32>, vector<8x128xf32>
    }
    %scan3A_58 = arith.constant 128 : i32
    %iota3A_59 = tpu.iota {dimensions = array<i32: 0>} : vector<512x512xi32>
    %iota3A_60 = tpu.iota {dimensions = array<i32: 1>} : vector<512x512xi32>
    %eq3A = arith.cmpi eq, %iota3A_59, %iota3A_60 : vector<512x512xi32>
    %iota3A_61 = tpu.iota {dimensions = array<i32: 1>} : vector<512x1024xi32>
    %iota3A_62 = tpu.iota {dimensions = array<i32: 1>} : vector<512x32xi32>
    %slice3A = vector.extract_strided_slice %scan3A_21#2 {offsets = [0, 0], sizes = [1, 512], strides = [1, 1]} : vector<8x512xf32> to vector<1x512xf32>
    %jit3A = arith.constant 0.000000e+00 : f32
    %broadcast_in_dim3A_63 = vector.shape_cast %slice3A : vector<1x512xf32> to vector<1x512xf32>
    %broadcast_in_dim3A_64 = vector.broadcast %broadcast_in_dim3A_63 : vector<1x512xf32> to vector<512x512xf32>
    %broadcast_in_dim3A_65 = vector.broadcast %jit3A : f32 to vector<512x512xf32>
    %select_n3A = arith.select %eq3A, %broadcast_in_dim3A_64, %broadcast_in_dim3A_65 : vector<512x512xi1>, vector<512x512xf32>
    %reduce_sum3A = arith.constant dense<0.000000e+00> : vector<512xf32>
    %reduce_sum3A_66 = vector.multi_reduction <add>, %select_n3A, %reduce_sum3A [1] : vector<512x512xf32> to vector<512xf32>
    %broadcast_in_dim3A_67 = vector.shape_cast %reduce_sum3A_66 : vector<512xf32> to vector<512x1xf32>
    %slice3A_68 = vector.extract_strided_slice %scan3A_21#3 {offsets = [0, 0], sizes = [1, 512], strides = [1, 1]} : vector<8x512xf32> to vector<1x512xf32>
    %jit3A_69 = arith.constant 0.000000e+00 : f32
    %broadcast_in_dim3A_70 = vector.shape_cast %slice3A_68 : vector<1x512xf32> to vector<1x512xf32>
    %broadcast_in_dim3A_71 = vector.broadcast %broadcast_in_dim3A_70 : vector<1x512xf32> to vector<512x512xf32>
    %broadcast_in_dim3A_72 = vector.broadcast %jit3A_69 : f32 to vector<512x512xf32>
    %select_n3A_73 = arith.select %eq3A, %broadcast_in_dim3A_71, %broadcast_in_dim3A_72 : vector<512x512xi1>, vector<512x512xf32>
    %reduce_sum3A_74 = arith.constant dense<0.000000e+00> : vector<512xf32>
    %reduce_sum3A_75 = vector.multi_reduction <add>, %select_n3A_73, %reduce_sum3A_74 [1] : vector<512x512xf32> to vector<512xf32>
    %broadcast_in_dim3A_76 = vector.shape_cast %reduce_sum3A_75 : vector<512xf32> to vector<512x1xf32>
    %slice3A_77 = vector.extract_strided_slice %scan3A_21#4 {offsets = [0, 0], sizes = [1, 512], strides = [1, 1]} : vector<8x512xf32> to vector<1x512xf32>
    %jit3A_78 = arith.constant 0.000000e+00 : f32
    %broadcast_in_dim3A_79 = vector.shape_cast %slice3A_77 : vector<1x512xf32> to vector<1x512xf32>
    %broadcast_in_dim3A_80 = vector.broadcast %broadcast_in_dim3A_79 : vector<1x512xf32> to vector<512x512xf32>
    %broadcast_in_dim3A_81 = vector.broadcast %jit3A_78 : f32 to vector<512x512xf32>
    %select_n3A_82 = arith.select %eq3A, %broadcast_in_dim3A_80, %broadcast_in_dim3A_81 : vector<512x512xi1>, vector<512x512xf32>
    %reduce_sum3A_83 = arith.constant dense<0.000000e+00> : vector<512xf32>
    %reduce_sum3A_84 = vector.multi_reduction <add>, %select_n3A_82, %reduce_sum3A_83 [1] : vector<512x512xf32> to vector<512xf32>
    %broadcast_in_dim3A_85 = vector.shape_cast %reduce_sum3A_84 : vector<512xf32> to vector<512x1xf32>
    %concatenate3A = tpu.concatenate %broadcast_in_dim3A_67, %broadcast_in_dim3A_76, %broadcast_in_dim3A_85 in 1 : vector<512x1xf32>, vector<512x1xf32>, vector<512x1xf32> -> vector<512x3xf32>
    %swap3A = arith.constant 0 : index
    %swap3A_86 = arith.constant 0 : index
    %swap3A_87 = arith.constant 0 : index
    %swap3A_88 = vector.load %arg3[%swap3A, %swap3A_86, %swap3A_87] : memref<8x512x3xf32, #tpu.memory_space<vmem>>, vector<1x512x3xf32>
    %swap3A_89 = vector.shape_cast %swap3A_88 : vector<1x512x3xf32> to vector<512x3xf32>
    %swap3A_90 = vector.shape_cast %concatenate3A : vector<512x3xf32> to vector<1x512x3xf32>
    tpu.vector_store %arg3[%swap3A, %swap3A_86, %swap3A_87], %swap3A_90 {strides = array<i32>} : memref<8x512x3xf32, #tpu.memory_space<vmem>>, vector<1x512x3xf32>,
    %slice3A_91 = vector.extract_strided_slice %get3A_1 {offsets = [0, 0], sizes = [1, 1024], strides = [1, 1]} : vector<8x1024xf32> to vector<1x1024xf32>
    %sub3A = vector.broadcast %broadcast_in_dim3A_67 : vector<512x1xf32> to vector<512x1024xf32>
    %sub3A_92 = vector.broadcast %slice3A_91 : vector<1x1024xf32> to vector<512x1024xf32>
    %sub3A_93 = arith.subf %sub3A, %sub3A_92 : vector<512x1024xf32>
    %slice3A_94 = vector.extract_strided_slice %get3A_4 {offsets = [0, 0], sizes = [1, 1024], strides = [1, 1]} : vector<8x1024xf32> to vector<1x1024xf32>
    %sub3A_95 = vector.broadcast %broadcast_in_dim3A_76 : vector<512x1xf32> to vector<512x1024xf32>
    %sub3A_96 = vector.broadcast %slice3A_94 : vector<1x1024xf32> to vector<512x1024xf32>
    %sub3A_97 = arith.subf %sub3A_95, %sub3A_96 : vector<512x1024xf32>
    %slice3A_98 = vector.extract_strided_slice %get3A_7 {offsets = [0, 0], sizes = [1, 1024], strides = [1, 1]} : vector<8x1024xf32> to vector<1x1024xf32>
    %sub3A_99 = vector.broadcast %broadcast_in_dim3A_85 : vector<512x1xf32> to vector<512x1024xf32>
    %sub3A_100 = vector.broadcast %slice3A_98 : vector<1x1024xf32> to vector<512x1024xf32>
    %sub3A_101 = arith.subf %sub3A_99, %sub3A_100 : vector<512x1024xf32>
    %mul3A = arith.mulf %sub3A_93, %sub3A_93 : vector<512x1024xf32>
    %mul3A_102 = arith.mulf %sub3A_97, %sub3A_97 : vector<512x1024xf32>
    %add3A = arith.addf %mul3A, %mul3A_102 : vector<512x1024xf32>
    %mul3A_103 = arith.mulf %sub3A_101, %sub3A_101 : vector<512x1024xf32>
    %add3A_104 = arith.addf %add3A, %mul3A_103 : vector<512x1024xf32>
    %le3A = arith.constant 4.000000e-02 : f32
    %le3A_105 = vector.broadcast %le3A : f32 to vector<512x1024xf32>
    %le3A_106 = arith.cmpf ole, %add3A_104, %le3A_105 : vector<512x1024xf32>
    %jit3A_107 = arith.constant 0x7F800000 : f32
    %broadcast_in_dim3A_108 = vector.broadcast %jit3A_107 : f32 to vector<512x1024xf32>
    %select_n3A_109 = arith.select %le3A_106, %add3A_104, %broadcast_in_dim3A_108 : vector<512x1024xi1>, vector<512x1024xf32>
    %broadcast_in_dim3A_110 = arith.constant 0 : i32
    %broadcast_in_dim3A_111 = vector.broadcast %broadcast_in_dim3A_110 : i32 to vector<512x32xi32>
    %broadcast_in_dim3A_112 = arith.constant 0 : i32
    %broadcast_in_dim3A_113 = vector.broadcast %broadcast_in_dim3A_112 : i32 to vector<512x32xi32>
    %scan3A_114 = arith.constant 0x7F800000 : f32
    %scan3A_115 = arith.constant 0 : i32
    %scan3A_116 = arith.constant 32 : i32
    %scan3A_117 = arith.addi %scan3A_115, %scan3A_116 : i32
    %scan3A_118 = arith.constant 1 : i32
    %scan3A_119:3 = scf.for %scan3A_1983 = %scan3A_115 to %scan3A_117 step %scan3A_118 iter_args(%scan3A_1984 = %select_n3A_109, %scan3A_1985 = %broadcast_in_dim3A_111, %scan3A_1986 = %broadcast_in_dim3A_113) -> (vector<512x1024xf32>, vector<512x32xi32>, vector<512x32xi32>)  : i32 {
      %reduce_min3A = arith.constant dense<0x7F800000> : vector<512xf32>
      %reduce_min3A_1987 = vector.multi_reduction <minimumf>, %scan3A_1984, %reduce_min3A [1] : vector<512x1024xf32> to vector<512xf32>
      %broadcast_in_dim3A_1988 = vector.shape_cast %reduce_min3A_1987 : vector<512xf32> to vector<512x1xf32>
      %eq3A_1989 = vector.broadcast %broadcast_in_dim3A_1988 : vector<512x1xf32> to vector<512x1024xf32>
      %eq3A_1990 = arith.cmpf oeq, %scan3A_1984, %eq3A_1989 : vector<512x1024xf32>
      %jit3A_1991 = arith.constant 1024 : i32
      %broadcast_in_dim3A_1992 = vector.broadcast %jit3A_1991 : i32 to vector<512x1024xi32>
      %select_n3A_1993 = arith.select %eq3A_1990, %iota3A_61, %broadcast_in_dim3A_1992 : vector<512x1024xi1>, vector<512x1024xi32>
      %reduce_min3A_1994 = arith.constant dense<2147483647> : vector<512xi32>
      %reduce_min3A_1995 = vector.multi_reduction <minsi>, %select_n3A_1993, %reduce_min3A_1994 [1] : vector<512x1024xi32> to vector<512xi32>
      %broadcast_in_dim3A_1996 = vector.shape_cast %reduce_min3A_1995 : vector<512xi32> to vector<512x1xi32>
      %lt3A = vector.broadcast %scan3A_114 : f32 to vector<512x1xf32>
      %lt3A_1997 = arith.cmpf olt, %broadcast_in_dim3A_1988, %lt3A : vector<512x1xf32>
      %convert_element_type3A = arith.extui %lt3A_1997 : vector<512x1xi1> to vector<512x1xi32>
      %eq3A_1998 = vector.broadcast %scan3A_1983 : i32 to vector<512x32xi32>
      %eq3A_1999 = arith.cmpi eq, %iota3A_62, %eq3A_1998 : vector<512x32xi32>
      %broadcast_in_dim3A_2000 = vector.shape_cast %broadcast_in_dim3A_1996 : vector<512x1xi32> to vector<512x1xi32>
      %broadcast_in_dim3A_2001 = vector.broadcast %broadcast_in_dim3A_2000 : vector<512x1xi32> to vector<512x32xi32>
      %select_n3A_2002 = arith.select %eq3A_1999, %broadcast_in_dim3A_2001, %scan3A_1985 : vector<512x32xi1>, vector<512x32xi32>
      %broadcast_in_dim3A_2003 = vector.shape_cast %convert_element_type3A : vector<512x1xi32> to vector<512x1xi32>
      %broadcast_in_dim3A_2004 = vector.broadcast %broadcast_in_dim3A_2003 : vector<512x1xi32> to vector<512x32xi32>
      %select_n3A_2005 = arith.select %eq3A_1999, %broadcast_in_dim3A_2004, %scan3A_1986 : vector<512x32xi1>, vector<512x32xi32>
      %eq3A_2006 = vector.broadcast %broadcast_in_dim3A_1996 : vector<512x1xi32> to vector<512x1024xi32>
      %eq3A_2007 = arith.cmpi eq, %iota3A_61, %eq3A_2006 : vector<512x1024xi32>
      %broadcast_in_dim3A_2008 = vector.broadcast %scan3A_114 : f32 to vector<512x1024xf32>
      %select_n3A_2009 = arith.select %eq3A_2007, %broadcast_in_dim3A_2008, %scan3A_1984 : vector<512x1024xi1>, vector<512x1024xf32>
      scf.yield %select_n3A_2009, %select_n3A_2002, %select_n3A_2005 : vector<512x1024xf32>, vector<512x32xi32>, vector<512x32xi32>
    }
    %scan3A_120 = arith.constant 32 : i32
    %swap3A_121 = arith.constant 0 : index
    %swap3A_122 = arith.constant 0 : index
    %swap3A_123 = arith.constant 0 : index
    %swap3A_124 = vector.load %arg4[%swap3A_121, %swap3A_122, %swap3A_123] : memref<8x512x32xi32, #tpu.memory_space<vmem>>, vector<1x512x32xi32>
    %swap3A_125 = vector.shape_cast %swap3A_124 : vector<1x512x32xi32> to vector<512x32xi32>
    %swap3A_126 = vector.shape_cast %scan3A_119#1 : vector<512x32xi32> to vector<1x512x32xi32>
    tpu.vector_store %arg4[%swap3A_121, %swap3A_122, %swap3A_123], %swap3A_126 {strides = array<i32>} : memref<8x512x32xi32, #tpu.memory_space<vmem>>, vector<1x512x32xi32>,
    %swap3A_127 = arith.constant 0 : index
    %swap3A_128 = arith.constant 0 : index
    %swap3A_129 = arith.constant 0 : index
    %swap3A_130 = vector.load %arg5[%swap3A_127, %swap3A_128, %swap3A_129] : memref<8x512x32xi32, #tpu.memory_space<vmem>>, vector<1x512x32xi32>
    %swap3A_131 = vector.shape_cast %swap3A_130 : vector<1x512x32xi32> to vector<512x32xi32>
    %swap3A_132 = vector.shape_cast %scan3A_119#2 : vector<512x32xi32> to vector<1x512x32xi32>
    tpu.vector_store %arg5[%swap3A_127, %swap3A_128, %swap3A_129], %swap3A_132 {strides = array<i32>} : memref<8x512x32xi32, #tpu.memory_space<vmem>>, vector<1x512x32xi32>,
    %slice3A_133 = vector.extract_strided_slice %scan3A_21#2 {offsets = [1, 0], sizes = [1, 512], strides = [1, 1]} : vector<8x512xf32> to vector<1x512xf32>
    %jit3A_134 = arith.constant 0.000000e+00 : f32
    %broadcast_in_dim3A_135 = vector.shape_cast %slice3A_133 : vector<1x512xf32> to vector<1x512xf32>
    %broadcast_in_dim3A_136 = vector.broadcast %broadcast_in_dim3A_135 : vector<1x512xf32> to vector<512x512xf32>
    %broadcast_in_dim3A_137 = vector.broadcast %jit3A_134 : f32 to vector<512x512xf32>
    %select_n3A_138 = arith.select %eq3A, %broadcast_in_dim3A_136, %broadcast_in_dim3A_137 : vector<512x512xi1>, vector<512x512xf32>
    %reduce_sum3A_139 = arith.constant dense<0.000000e+00> : vector<512xf32>
    %reduce_sum3A_140 = vector.multi_reduction <add>, %select_n3A_138, %reduce_sum3A_139 [1] : vector<512x512xf32> to vector<512xf32>
    %broadcast_in_dim3A_141 = vector.shape_cast %reduce_sum3A_140 : vector<512xf32> to vector<512x1xf32>
    %slice3A_142 = vector.extract_strided_slice %scan3A_21#3 {offsets = [1, 0], sizes = [1, 512], strides = [1, 1]} : vector<8x512xf32> to vector<1x512xf32>
    %jit3A_143 = arith.constant 0.000000e+00 : f32
    %broadcast_in_dim3A_144 = vector.shape_cast %slice3A_142 : vector<1x512xf32> to vector<1x512xf32>
    %broadcast_in_dim3A_145 = vector.broadcast %broadcast_in_dim3A_144 : vector<1x512xf32> to vector<512x512xf32>
    %broadcast_in_dim3A_146 = vector.broadcast %jit3A_143 : f32 to vector<512x512xf32>
    %select_n3A_147 = arith.select %eq3A, %broadcast_in_dim3A_145, %broadcast_in_dim3A_146 : vector<512x512xi1>, vector<512x512xf32>
    %reduce_sum3A_148 = arith.constant dense<0.000000e+00> : vector<512xf32>
    %reduce_sum3A_149 = vector.multi_reduction <add>, %select_n3A_147, %reduce_sum3A_148 [1] : vector<512x512xf32> to vector<512xf32>
    %broadcast_in_dim3A_150 = vector.shape_cast %reduce_sum3A_149 : vector<512xf32> to vector<512x1xf32>
    %slice3A_151 = vector.extract_strided_slice %scan3A_21#4 {offsets = [1, 0], sizes = [1, 512], strides = [1, 1]} : vector<8x512xf32> to vector<1x512xf32>
    %jit3A_152 = arith.constant 0.000000e+00 : f32
    %broadcast_in_dim3A_153 = vector.shape_cast %slice3A_151 : vector<1x512xf32> to vector<1x512xf32>
    %broadcast_in_dim3A_154 = vector.broadcast %broadcast_in_dim3A_153 : vector<1x512xf32> to vector<512x512xf32>
    %broadcast_in_dim3A_155 = vector.broadcast %jit3A_152 : f32 to vector<512x512xf32>
    %select_n3A_156 = arith.select %eq3A, %broadcast_in_dim3A_154, %broadcast_in_dim3A_155 : vector<512x512xi1>, vector<512x512xf32>
    %reduce_sum3A_157 = arith.constant dense<0.000000e+00> : vector<512xf32>
    %reduce_sum3A_158 = vector.multi_reduction <add>, %select_n3A_156, %reduce_sum3A_157 [1] : vector<512x512xf32> to vector<512xf32>
    %broadcast_in_dim3A_159 = vector.shape_cast %reduce_sum3A_158 : vector<512xf32> to vector<512x1xf32>
    %concatenate3A_160 = tpu.concatenate %broadcast_in_dim3A_141, %broadcast_in_dim3A_150, %broadcast_in_dim3A_159 in 1 : vector<512x1xf32>, vector<512x1xf32>, vector<512x1xf32> -> vector<512x3xf32>
    %swap3A_161 = arith.constant 1 : index
    %swap3A_162 = arith.constant 0 : index
    %swap3A_163 = arith.constant 0 : index
    %swap3A_164 = vector.load %arg3[%swap3A_161, %swap3A_162, %swap3A_163] : memref<8x512x3xf32, #tpu.memory_space<vmem>>, vector<1x512x3xf32>
    %swap3A_165 = vector.shape_cast %swap3A_164 : vector<1x512x3xf32> to vector<512x3xf32>
    %swap3A_166 = vector.shape_cast %concatenate3A_160 : vector<512x3xf32> to vector<1x512x3xf32>
    tpu.vector_store %arg3[%swap3A_161, %swap3A_162, %swap3A_163], %swap3A_166 {strides = array<i32>} : memref<8x512x3xf32, #tpu.memory_space<vmem>>, vector<1x512x3xf32>,
    %slice3A_167 = vector.extract_strided_slice %get3A_1 {offsets = [1, 0], sizes = [1, 1024], strides = [1, 1]} : vector<8x1024xf32> to vector<1x1024xf32>
    %sub3A_168 = vector.broadcast %broadcast_in_dim3A_141 : vector<512x1xf32> to vector<512x1024xf32>
    %sub3A_169 = vector.broadcast %slice3A_167 : vector<1x1024xf32> to vector<512x1024xf32>
    %sub3A_170 = arith.subf %sub3A_168, %sub3A_169 : vector<512x1024xf32>
    %slice3A_171 = vector.extract_strided_slice %get3A_4 {offsets = [1, 0], sizes = [1, 1024], strides = [1, 1]} : vector<8x1024xf32> to vector<1x1024xf32>
    %sub3A_172 = vector.broadcast %broadcast_in_dim3A_150 : vector<512x1xf32> to vector<512x1024xf32>
    %sub3A_173 = vector.broadcast %slice3A_171 : vector<1x1024xf32> to vector<512x1024xf32>
    %sub3A_174 = arith.subf %sub3A_172, %sub3A_173 : vector<512x1024xf32>
    %slice3A_175 = vector.extract_strided_slice %get3A_7 {offsets = [1, 0], sizes = [1, 1024], strides = [1, 1]} : vector<8x1024xf32> to vector<1x1024xf32>
    %sub3A_176 = vector.broadcast %broadcast_in_dim3A_159 : vector<512x1xf32> to vector<512x1024xf32>
    %sub3A_177 = vector.broadcast %slice3A_175 : vector<1x1024xf32> to vector<512x1024xf32>
    %sub3A_178 = arith.subf %sub3A_176, %sub3A_177 : vector<512x1024xf32>
    %mul3A_179 = arith.mulf %sub3A_170, %sub3A_170 : vector<512x1024xf32>
    %mul3A_180 = arith.mulf %sub3A_174, %sub3A_174 : vector<512x1024xf32>
    %add3A_181 = arith.addf %mul3A_179, %mul3A_180 : vector<512x1024xf32>
    %mul3A_182 = arith.mulf %sub3A_178, %sub3A_178 : vector<512x1024xf32>
    %add3A_183 = arith.addf %add3A_181, %mul3A_182 : vector<512x1024xf32>
    %le3A_184 = arith.constant 4.000000e-02 : f32
    %le3A_185 = vector.broadcast %le3A_184 : f32 to vector<512x1024xf32>
    %le3A_186 = arith.cmpf ole, %add3A_183, %le3A_185 : vector<512x1024xf32>
    %jit3A_187 = arith.constant 0x7F800000 : f32
    %broadcast_in_dim3A_188 = vector.broadcast %jit3A_187 : f32 to vector<512x1024xf32>
    %select_n3A_189 = arith.select %le3A_186, %add3A_183, %broadcast_in_dim3A_188 : vector<512x1024xi1>, vector<512x1024xf32>
    %broadcast_in_dim3A_190 = arith.constant 0 : i32
    %broadcast_in_dim3A_191 = vector.broadcast %broadcast_in_dim3A_190 : i32 to vector<512x32xi32>
    %broadcast_in_dim3A_192 = arith.constant 0 : i32
    %broadcast_in_dim3A_193 = vector.broadcast %broadcast_in_dim3A_192 : i32 to vector<512x32xi32>
    %scan3A_194 = arith.constant 0x7F800000 : f32
    %scan3A_195 = arith.constant 0 : i32
    %scan3A_196 = arith.constant 32 : i32
    %scan3A_197 = arith.addi %scan3A_195, %scan3A_196 : i32
    %scan3A_198 = arith.constant 1 : i32
    %scan3A_199:3 = scf.for %scan3A_1983 = %scan3A_195 to %scan3A_197 step %scan3A_198 iter_args(%scan3A_1984 = %select_n3A_189, %scan3A_1985 = %broadcast_in_dim3A_191, %scan3A_1986 = %broadcast_in_dim3A_193) -> (vector<512x1024xf32>, vector<512x32xi32>, vector<512x32xi32>)  : i32 {
      %reduce_min3A = arith.constant dense<0x7F800000> : vector<512xf32>
      %reduce_min3A_1987 = vector.multi_reduction <minimumf>, %scan3A_1984, %reduce_min3A [1] : vector<512x1024xf32> to vector<512xf32>
      %broadcast_in_dim3A_1988 = vector.shape_cast %reduce_min3A_1987 : vector<512xf32> to vector<512x1xf32>
      %eq3A_1989 = vector.broadcast %broadcast_in_dim3A_1988 : vector<512x1xf32> to vector<512x1024xf32>
      %eq3A_1990 = arith.cmpf oeq, %scan3A_1984, %eq3A_1989 : vector<512x1024xf32>
      %jit3A_1991 = arith.constant 1024 : i32
      %broadcast_in_dim3A_1992 = vector.broadcast %jit3A_1991 : i32 to vector<512x1024xi32>
      %select_n3A_1993 = arith.select %eq3A_1990, %iota3A_61, %broadcast_in_dim3A_1992 : vector<512x1024xi1>, vector<512x1024xi32>
      %reduce_min3A_1994 = arith.constant dense<2147483647> : vector<512xi32>
      %reduce_min3A_1995 = vector.multi_reduction <minsi>, %select_n3A_1993, %reduce_min3A_1994 [1] : vector<512x1024xi32> to vector<512xi32>
      %broadcast_in_dim3A_1996 = vector.shape_cast %reduce_min3A_1995 : vector<512xi32> to vector<512x1xi32>
      %lt3A = vector.broadcast %scan3A_194 : f32 to vector<512x1xf32>
      %lt3A_1997 = arith.cmpf olt, %broadcast_in_dim3A_1988, %lt3A : vector<512x1xf32>
      %convert_element_type3A = arith.extui %lt3A_1997 : vector<512x1xi1> to vector<512x1xi32>
      %eq3A_1998 = vector.broadcast %scan3A_1983 : i32 to vector<512x32xi32>
      %eq3A_1999 = arith.cmpi eq, %iota3A_62, %eq3A_1998 : vector<512x32xi32>
      %broadcast_in_dim3A_2000 = vector.shape_cast %broadcast_in_dim3A_1996 : vector<512x1xi32> to vector<512x1xi32>
      %broadcast_in_dim3A_2001 = vector.broadcast %broadcast_in_dim3A_2000 : vector<512x1xi32> to vector<512x32xi32>
      %select_n3A_2002 = arith.select %eq3A_1999, %broadcast_in_dim3A_2001, %scan3A_1985 : vector<512x32xi1>, vector<512x32xi32>
      %broadcast_in_dim3A_2003 = vector.shape_cast %convert_element_type3A : vector<512x1xi32> to vector<512x1xi32>
      %broadcast_in_dim3A_2004 = vector.broadcast %broadcast_in_dim3A_2003 : vector<512x1xi32> to vector<512x32xi32>
      %select_n3A_2005 = arith.select %eq3A_1999, %broadcast_in_dim3A_2004, %scan3A_1986 : vector<512x32xi1>, vector<512x32xi32>
      %eq3A_2006 = vector.broadcast %broadcast_in_dim3A_1996 : vector<512x1xi32> to vector<512x1024xi32>
      %eq3A_2007 = arith.cmpi eq, %iota3A_61, %eq3A_2006 : vector<512x1024xi32>
      %broadcast_in_dim3A_2008 = vector.broadcast %scan3A_194 : f32 to vector<512x1024xf32>
      %select_n3A_2009 = arith.select %eq3A_2007, %broadcast_in_dim3A_2008, %scan3A_1984 : vector<512x1024xi1>, vector<512x1024xf32>
      scf.yield %select_n3A_2009, %select_n3A_2002, %select_n3A_2005 : vector<512x1024xf32>, vector<512x32xi32>, vector<512x32xi32>
    }
    %scan3A_200 = arith.constant 32 : i32
    %swap3A_201 = arith.constant 1 : index
    %swap3A_202 = arith.constant 0 : index
    %swap3A_203 = arith.constant 0 : index
    %swap3A_204 = vector.load %arg4[%swap3A_201, %swap3A_202, %swap3A_203] : memref<8x512x32xi32, #tpu.memory_space<vmem>>, vector<1x512x32xi32>
    %swap3A_205 = vector.shape_cast %swap3A_204 : vector<1x512x32xi32> to vector<512x32xi32>
    %swap3A_206 = vector.shape_cast %scan3A_199#1 : vector<512x32xi32> to vector<1x512x32xi32>
    tpu.vector_store %arg4[%swap3A_201, %swap3A_202, %swap3A_203], %swap3A_206 {strides = array<i32>} : memref<8x512x32xi32, #tpu.memory_space<vmem>>, vector<1x512x32xi32>,
    %swap3A_207 = arith.constant 1 : index
    %swap3A_208 = arith.constant 0 : index
    %swap3A_209 = arith.constant 0 : index
    %swap3A_210 = vector.load %arg5[%swap3A_207, %swap3A_208, %swap3A_209] : memref<8x512x32xi32, #tpu.memory_space<vmem>>, vector<1x512x32xi32>
    %swap3A_211 = vector.shape_cast %swap3A_210 : vector<1x512x32xi32> to vector<512x32xi32>
    %swap3A_212 = vector.shape_cast %scan3A_199#2 : vector<512x32xi32> to vector<1x512x32xi32>
    tpu.vector_store %arg5[%swap3A_207, %swap3A_208, %swap3A_209], %swap3A_212 {strides = array<i32>} : memref<8x512x32xi32, #tpu.memory_space<vmem>>, vector<1x512x32xi32>,
    %slice3A_213 = vector.extract_strided_slice %scan3A_21#2 {offsets = [2, 0], sizes = [1, 512], strides = [1, 1]} : vector<8x512xf32> to vector<1x512xf32>
    %jit3A_214 = arith.constant 0.000000e+00 : f32
    %broadcast_in_dim3A_215 = vector.shape_cast %slice3A_213 : vector<1x512xf32> to vector<1x512xf32>
    %broadcast_in_dim3A_216 = vector.broadcast %broadcast_in_dim3A_215 : vector<1x512xf32> to vector<512x512xf32>
    %broadcast_in_dim3A_217 = vector.broadcast %jit3A_214 : f32 to vector<512x512xf32>
    %select_n3A_218 = arith.select %eq3A, %broadcast_in_dim3A_216, %broadcast_in_dim3A_217 : vector<512x512xi1>, vector<512x512xf32>
    %reduce_sum3A_219 = arith.constant dense<0.000000e+00> : vector<512xf32>
    %reduce_sum3A_220 = vector.multi_reduction <add>, %select_n3A_218, %reduce_sum3A_219 [1] : vector<512x512xf32> to vector<512xf32>
    %broadcast_in_dim3A_221 = vector.shape_cast %reduce_sum3A_220 : vector<512xf32> to vector<512x1xf32>
    %slice3A_222 = vector.extract_strided_slice %scan3A_21#3 {offsets = [2, 0], sizes = [1, 512], strides = [1, 1]} : vector<8x512xf32> to vector<1x512xf32>
    %jit3A_223 = arith.constant 0.000000e+00 : f32
    %broadcast_in_dim3A_224 = vector.shape_cast %slice3A_222 : vector<1x512xf32> to vector<1x512xf32>
    %broadcast_in_dim3A_225 = vector.broadcast %broadcast_in_dim3A_224 : vector<1x512xf32> to vector<512x512xf32>
    %broadcast_in_dim3A_226 = vector.broadcast %jit3A_223 : f32 to vector<512x512xf32>
    %select_n3A_227 = arith.select %eq3A, %broadcast_in_dim3A_225, %broadcast_in_dim3A_226 : vector<512x512xi1>, vector<512x512xf32>
    %reduce_sum3A_228 = arith.constant dense<0.000000e+00> : vector<512xf32>
    %reduce_sum3A_229 = vector.multi_reduction <add>, %select_n3A_227, %reduce_sum3A_228 [1] : vector<512x512xf32> to vector<512xf32>
    %broadcast_in_dim3A_230 = vector.shape_cast %reduce_sum3A_229 : vector<512xf32> to vector<512x1xf32>
    %slice3A_231 = vector.extract_strided_slice %scan3A_21#4 {offsets = [2, 0], sizes = [1, 512], strides = [1, 1]} : vector<8x512xf32> to vector<1x512xf32>
    %jit3A_232 = arith.constant 0.000000e+00 : f32
    %broadcast_in_dim3A_233 = vector.shape_cast %slice3A_231 : vector<1x512xf32> to vector<1x512xf32>
    %broadcast_in_dim3A_234 = vector.broadcast %broadcast_in_dim3A_233 : vector<1x512xf32> to vector<512x512xf32>
    %broadcast_in_dim3A_235 = vector.broadcast %jit3A_232 : f32 to vector<512x512xf32>
    %select_n3A_236 = arith.select %eq3A, %broadcast_in_dim3A_234, %broadcast_in_dim3A_235 : vector<512x512xi1>, vector<512x512xf32>
    %reduce_sum3A_237 = arith.constant dense<0.000000e+00> : vector<512xf32>
    %reduce_sum3A_238 = vector.multi_reduction <add>, %select_n3A_236, %reduce_sum3A_237 [1] : vector<512x512xf32> to vector<512xf32>
    %broadcast_in_dim3A_239 = vector.shape_cast %reduce_sum3A_238 : vector<512xf32> to vector<512x1xf32>
    %concatenate3A_240 = tpu.concatenate %broadcast_in_dim3A_221, %broadcast_in_dim3A_230, %broadcast_in_dim3A_239 in 1 : vector<512x1xf32>, vector<512x1xf32>, vector<512x1xf32> -> vector<512x3xf32>
    %swap3A_241 = arith.constant 2 : index
    %swap3A_242 = arith.constant 0 : index
    %swap3A_243 = arith.constant 0 : index
    %swap3A_244 = vector.load %arg3[%swap3A_241, %swap3A_242, %swap3A_243] : memref<8x512x3xf32, #tpu.memory_space<vmem>>, vector<1x512x3xf32>
    %swap3A_245 = vector.shape_cast %swap3A_244 : vector<1x512x3xf32> to vector<512x3xf32>
    %swap3A_246 = vector.shape_cast %concatenate3A_240 : vector<512x3xf32> to vector<1x512x3xf32>
    tpu.vector_store %arg3[%swap3A_241, %swap3A_242, %swap3A_243], %swap3A_246 {strides = array<i32>} : memref<8x512x3xf32, #tpu.memory_space<vmem>>, vector<1x512x3xf32>,
    %slice3A_247 = vector.extract_strided_slice %get3A_1 {offsets = [2, 0], sizes = [1, 1024], strides = [1, 1]} : vector<8x1024xf32> to vector<1x1024xf32>
    %sub3A_248 = vector.broadcast %broadcast_in_dim3A_221 : vector<512x1xf32> to vector<512x1024xf32>
    %sub3A_249 = vector.broadcast %slice3A_247 : vector<1x1024xf32> to vector<512x1024xf32>
    %sub3A_250 = arith.subf %sub3A_248, %sub3A_249 : vector<512x1024xf32>
    %slice3A_251 = vector.extract_strided_slice %get3A_4 {offsets = [2, 0], sizes = [1, 1024], strides = [1, 1]} : vector<8x1024xf32> to vector<1x1024xf32>
    %sub3A_252 = vector.broadcast %broadcast_in_dim3A_230 : vector<512x1xf32> to vector<512x1024xf32>
    %sub3A_253 = vector.broadcast %slice3A_251 : vector<1x1024xf32> to vector<512x1024xf32>
    %sub3A_254 = arith.subf %sub3A_252, %sub3A_253 : vector<512x1024xf32>
    %slice3A_255 = vector.extract_strided_slice %get3A_7 {offsets = [2, 0], sizes = [1, 1024], strides = [1, 1]} : vector<8x1024xf32> to vector<1x1024xf32>
    %sub3A_256 = vector.broadcast %broadcast_in_dim3A_239 : vector<512x1xf32> to vector<512x1024xf32>
    %sub3A_257 = vector.broadcast %slice3A_255 : vector<1x1024xf32> to vector<512x1024xf32>
    %sub3A_258 = arith.subf %sub3A_256, %sub3A_257 : vector<512x1024xf32>
    %mul3A_259 = arith.mulf %sub3A_250, %sub3A_250 : vector<512x1024xf32>
    %mul3A_260 = arith.mulf %sub3A_254, %sub3A_254 : vector<512x1024xf32>
    %add3A_261 = arith.addf %mul3A_259, %mul3A_260 : vector<512x1024xf32>
    %mul3A_262 = arith.mulf %sub3A_258, %sub3A_258 : vector<512x1024xf32>
    %add3A_263 = arith.addf %add3A_261, %mul3A_262 : vector<512x1024xf32>
    %le3A_264 = arith.constant 4.000000e-02 : f32
    %le3A_265 = vector.broadcast %le3A_264 : f32 to vector<512x1024xf32>
    %le3A_266 = arith.cmpf ole, %add3A_263, %le3A_265 : vector<512x1024xf32>
    %jit3A_267 = arith.constant 0x7F800000 : f32
    %broadcast_in_dim3A_268 = vector.broadcast %jit3A_267 : f32 to vector<512x1024xf32>
    %select_n3A_269 = arith.select %le3A_266, %add3A_263, %broadcast_in_dim3A_268 : vector<512x1024xi1>, vector<512x1024xf32>
    %broadcast_in_dim3A_270 = arith.constant 0 : i32
    %broadcast_in_dim3A_271 = vector.broadcast %broadcast_in_dim3A_270 : i32 to vector<512x32xi32>
    %broadcast_in_dim3A_272 = arith.constant 0 : i32
    %broadcast_in_dim3A_273 = vector.broadcast %broadcast_in_dim3A_272 : i32 to vector<512x32xi32>
    %scan3A_274 = arith.constant 0x7F800000 : f32
    %scan3A_275 = arith.constant 0 : i32
    %scan3A_276 = arith.constant 32 : i32
    %scan3A_277 = arith.addi %scan3A_275, %scan3A_276 : i32
    %scan3A_278 = arith.constant 1 : i32
    %scan3A_279:3 = scf.for %scan3A_1983 = %scan3A_275 to %scan3A_277 step %scan3A_278 iter_args(%scan3A_1984 = %select_n3A_269, %scan3A_1985 = %broadcast_in_dim3A_271, %scan3A_1986 = %broadcast_in_dim3A_273) -> (vector<512x1024xf32>, vector<512x32xi32>, vector<512x32xi32>)  : i32 {
      %reduce_min3A = arith.constant dense<0x7F800000> : vector<512xf32>
      %reduce_min3A_1987 = vector.multi_reduction <minimumf>, %scan3A_1984, %reduce_min3A [1] : vector<512x1024xf32> to vector<512xf32>
      %broadcast_in_dim3A_1988 = vector.shape_cast %reduce_min3A_1987 : vector<512xf32> to vector<512x1xf32>
      %eq3A_1989 = vector.broadcast %broadcast_in_dim3A_1988 : vector<512x1xf32> to vector<512x1024xf32>
      %eq3A_1990 = arith.cmpf oeq, %scan3A_1984, %eq3A_1989 : vector<512x1024xf32>
      %jit3A_1991 = arith.constant 1024 : i32
      %broadcast_in_dim3A_1992 = vector.broadcast %jit3A_1991 : i32 to vector<512x1024xi32>
      %select_n3A_1993 = arith.select %eq3A_1990, %iota3A_61, %broadcast_in_dim3A_1992 : vector<512x1024xi1>, vector<512x1024xi32>
      %reduce_min3A_1994 = arith.constant dense<2147483647> : vector<512xi32>
      %reduce_min3A_1995 = vector.multi_reduction <minsi>, %select_n3A_1993, %reduce_min3A_1994 [1] : vector<512x1024xi32> to vector<512xi32>
      %broadcast_in_dim3A_1996 = vector.shape_cast %reduce_min3A_1995 : vector<512xi32> to vector<512x1xi32>
      %lt3A = vector.broadcast %scan3A_274 : f32 to vector<512x1xf32>
      %lt3A_1997 = arith.cmpf olt, %broadcast_in_dim3A_1988, %lt3A : vector<512x1xf32>
      %convert_element_type3A = arith.extui %lt3A_1997 : vector<512x1xi1> to vector<512x1xi32>
      %eq3A_1998 = vector.broadcast %scan3A_1983 : i32 to vector<512x32xi32>
      %eq3A_1999 = arith.cmpi eq, %iota3A_62, %eq3A_1998 : vector<512x32xi32>
      %broadcast_in_dim3A_2000 = vector.shape_cast %broadcast_in_dim3A_1996 : vector<512x1xi32> to vector<512x1xi32>
      %broadcast_in_dim3A_2001 = vector.broadcast %broadcast_in_dim3A_2000 : vector<512x1xi32> to vector<512x32xi32>
      %select_n3A_2002 = arith.select %eq3A_1999, %broadcast_in_dim3A_2001, %scan3A_1985 : vector<512x32xi1>, vector<512x32xi32>
      %broadcast_in_dim3A_2003 = vector.shape_cast %convert_element_type3A : vector<512x1xi32> to vector<512x1xi32>
      %broadcast_in_dim3A_2004 = vector.broadcast %broadcast_in_dim3A_2003 : vector<512x1xi32> to vector<512x32xi32>
      %select_n3A_2005 = arith.select %eq3A_1999, %broadcast_in_dim3A_2004, %scan3A_1986 : vector<512x32xi1>, vector<512x32xi32>
      %eq3A_2006 = vector.broadcast %broadcast_in_dim3A_1996 : vector<512x1xi32> to vector<512x1024xi32>
      %eq3A_2007 = arith.cmpi eq, %iota3A_61, %eq3A_2006 : vector<512x1024xi32>
      %broadcast_in_dim3A_2008 = vector.broadcast %scan3A_274 : f32 to vector<512x1024xf32>
      %select_n3A_2009 = arith.select %eq3A_2007, %broadcast_in_dim3A_2008, %scan3A_1984 : vector<512x1024xi1>, vector<512x1024xf32>
      scf.yield %select_n3A_2009, %select_n3A_2002, %select_n3A_2005 : vector<512x1024xf32>, vector<512x32xi32>, vector<512x32xi32>
    }
    %scan3A_280 = arith.constant 32 : i32
    %swap3A_281 = arith.constant 2 : index
    %swap3A_282 = arith.constant 0 : index
    %swap3A_283 = arith.constant 0 : index
    %swap3A_284 = vector.load %arg4[%swap3A_281, %swap3A_282, %swap3A_283] : memref<8x512x32xi32, #tpu.memory_space<vmem>>, vector<1x512x32xi32>
    %swap3A_285 = vector.shape_cast %swap3A_284 : vector<1x512x32xi32> to vector<512x32xi32>
    %swap3A_286 = vector.shape_cast %scan3A_279#1 : vector<512x32xi32> to vector<1x512x32xi32>
    tpu.vector_store %arg4[%swap3A_281, %swap3A_282, %swap3A_283], %swap3A_286 {strides = array<i32>} : memref<8x512x32xi32, #tpu.memory_space<vmem>>, vector<1x512x32xi32>,
    %swap3A_287 = arith.constant 2 : index
    %swap3A_288 = arith.constant 0 : index
    %swap3A_289 = arith.constant 0 : index
    %swap3A_290 = vector.load %arg5[%swap3A_287, %swap3A_288, %swap3A_289] : memref<8x512x32xi32, #tpu.memory_space<vmem>>, vector<1x512x32xi32>
    %swap3A_291 = vector.shape_cast %swap3A_290 : vector<1x512x32xi32> to vector<512x32xi32>
    %swap3A_292 = vector.shape_cast %scan3A_279#2 : vector<512x32xi32> to vector<1x512x32xi32>
    tpu.vector_store %arg5[%swap3A_287, %swap3A_288, %swap3A_289], %swap3A_292 {strides = array<i32>} : memref<8x512x32xi32, #tpu.memory_space<vmem>>, vector<1x512x32xi32>,
    %slice3A_293 = vector.extract_strided_slice %scan3A_21#2 {offsets = [3, 0], sizes = [1, 512], strides = [1, 1]} : vector<8x512xf32> to vector<1x512xf32>
    %jit3A_294 = arith.constant 0.000000e+00 : f32
    %broadcast_in_dim3A_295 = vector.shape_cast %slice3A_293 : vector<1x512xf32> to vector<1x512xf32>
    %broadcast_in_dim3A_296 = vector.broadcast %broadcast_in_dim3A_295 : vector<1x512xf32> to vector<512x512xf32>
    %broadcast_in_dim3A_297 = vector.broadcast %jit3A_294 : f32 to vector<512x512xf32>
    %select_n3A_298 = arith.select %eq3A, %broadcast_in_dim3A_296, %broadcast_in_dim3A_297 : vector<512x512xi1>, vector<512x512xf32>
    %reduce_sum3A_299 = arith.constant dense<0.000000e+00> : vector<512xf32>
    %reduce_sum3A_300 = vector.multi_reduction <add>, %select_n3A_298, %reduce_sum3A_299 [1] : vector<512x512xf32> to vector<512xf32>
    %broadcast_in_dim3A_301 = vector.shape_cast %reduce_sum3A_300 : vector<512xf32> to vector<512x1xf32>
    %slice3A_302 = vector.extract_strided_slice %scan3A_21#3 {offsets = [3, 0], sizes = [1, 512], strides = [1, 1]} : vector<8x512xf32> to vector<1x512xf32>
    %jit3A_303 = arith.constant 0.000000e+00 : f32
    %broadcast_in_dim3A_304 = vector.shape_cast %slice3A_302 : vector<1x512xf32> to vector<1x512xf32>
    %broadcast_in_dim3A_305 = vector.broadcast %broadcast_in_dim3A_304 : vector<1x512xf32> to vector<512x512xf32>
    %broadcast_in_dim3A_306 = vector.broadcast %jit3A_303 : f32 to vector<512x512xf32>
    %select_n3A_307 = arith.select %eq3A, %broadcast_in_dim3A_305, %broadcast_in_dim3A_306 : vector<512x512xi1>, vector<512x512xf32>
    %reduce_sum3A_308 = arith.constant dense<0.000000e+00> : vector<512xf32>
    %reduce_sum3A_309 = vector.multi_reduction <add>, %select_n3A_307, %reduce_sum3A_308 [1] : vector<512x512xf32> to vector<512xf32>
    %broadcast_in_dim3A_310 = vector.shape_cast %reduce_sum3A_309 : vector<512xf32> to vector<512x1xf32>
    %slice3A_311 = vector.extract_strided_slice %scan3A_21#4 {offsets = [3, 0], sizes = [1, 512], strides = [1, 1]} : vector<8x512xf32> to vector<1x512xf32>
    %jit3A_312 = arith.constant 0.000000e+00 : f32
    %broadcast_in_dim3A_313 = vector.shape_cast %slice3A_311 : vector<1x512xf32> to vector<1x512xf32>
    %broadcast_in_dim3A_314 = vector.broadcast %broadcast_in_dim3A_313 : vector<1x512xf32> to vector<512x512xf32>
    %broadcast_in_dim3A_315 = vector.broadcast %jit3A_312 : f32 to vector<512x512xf32>
    %select_n3A_316 = arith.select %eq3A, %broadcast_in_dim3A_314, %broadcast_in_dim3A_315 : vector<512x512xi1>, vector<512x512xf32>
    %reduce_sum3A_317 = arith.constant dense<0.000000e+00> : vector<512xf32>
    %reduce_sum3A_318 = vector.multi_reduction <add>, %select_n3A_316, %reduce_sum3A_317 [1] : vector<512x512xf32> to vector<512xf32>
    %broadcast_in_dim3A_319 = vector.shape_cast %reduce_sum3A_318 : vector<512xf32> to vector<512x1xf32>
    %concatenate3A_320 = tpu.concatenate %broadcast_in_dim3A_301, %broadcast_in_dim3A_310, %broadcast_in_dim3A_319 in 1 : vector<512x1xf32>, vector<512x1xf32>, vector<512x1xf32> -> vector<512x3xf32>
    %swap3A_321 = arith.constant 3 : index
    %swap3A_322 = arith.constant 0 : index
    %swap3A_323 = arith.constant 0 : index
    %swap3A_324 = vector.load %arg3[%swap3A_321, %swap3A_322, %swap3A_323] : memref<8x512x3xf32, #tpu.memory_space<vmem>>, vector<1x512x3xf32>
    %swap3A_325 = vector.shape_cast %swap3A_324 : vector<1x512x3xf32> to vector<512x3xf32>
    %swap3A_326 = vector.shape_cast %concatenate3A_320 : vector<512x3xf32> to vector<1x512x3xf32>
    tpu.vector_store %arg3[%swap3A_321, %swap3A_322, %swap3A_323], %swap3A_326 {strides = array<i32>} : memref<8x512x3xf32, #tpu.memory_space<vmem>>, vector<1x512x3xf32>,
    %slice3A_327 = vector.extract_strided_slice %get3A_1 {offsets = [3, 0], sizes = [1, 1024], strides = [1, 1]} : vector<8x1024xf32> to vector<1x1024xf32>
    %sub3A_328 = vector.broadcast %broadcast_in_dim3A_301 : vector<512x1xf32> to vector<512x1024xf32>
    %sub3A_329 = vector.broadcast %slice3A_327 : vector<1x1024xf32> to vector<512x1024xf32>
    %sub3A_330 = arith.subf %sub3A_328, %sub3A_329 : vector<512x1024xf32>
    %slice3A_331 = vector.extract_strided_slice %get3A_4 {offsets = [3, 0], sizes = [1, 1024], strides = [1, 1]} : vector<8x1024xf32> to vector<1x1024xf32>
    %sub3A_332 = vector.broadcast %broadcast_in_dim3A_310 : vector<512x1xf32> to vector<512x1024xf32>
    %sub3A_333 = vector.broadcast %slice3A_331 : vector<1x1024xf32> to vector<512x1024xf32>
    %sub3A_334 = arith.subf %sub3A_332, %sub3A_333 : vector<512x1024xf32>
    %slice3A_335 = vector.extract_strided_slice %get3A_7 {offsets = [3, 0], sizes = [1, 1024], strides = [1, 1]} : vector<8x1024xf32> to vector<1x1024xf32>
    %sub3A_336 = vector.broadcast %broadcast_in_dim3A_319 : vector<512x1xf32> to vector<512x1024xf32>
    %sub3A_337 = vector.broadcast %slice3A_335 : vector<1x1024xf32> to vector<512x1024xf32>
    %sub3A_338 = arith.subf %sub3A_336, %sub3A_337 : vector<512x1024xf32>
    %mul3A_339 = arith.mulf %sub3A_330, %sub3A_330 : vector<512x1024xf32>
    %mul3A_340 = arith.mulf %sub3A_334, %sub3A_334 : vector<512x1024xf32>
    %add3A_341 = arith.addf %mul3A_339, %mul3A_340 : vector<512x1024xf32>
    %mul3A_342 = arith.mulf %sub3A_338, %sub3A_338 : vector<512x1024xf32>
    %add3A_343 = arith.addf %add3A_341, %mul3A_342 : vector<512x1024xf32>
    %le3A_344 = arith.constant 4.000000e-02 : f32
    %le3A_345 = vector.broadcast %le3A_344 : f32 to vector<512x1024xf32>
    %le3A_346 = arith.cmpf ole, %add3A_343, %le3A_345 : vector<512x1024xf32>
    %jit3A_347 = arith.constant 0x7F800000 : f32
    %broadcast_in_dim3A_348 = vector.broadcast %jit3A_347 : f32 to vector<512x1024xf32>
    %select_n3A_349 = arith.select %le3A_346, %add3A_343, %broadcast_in_dim3A_348 : vector<512x1024xi1>, vector<512x1024xf32>
    %broadcast_in_dim3A_350 = arith.constant 0 : i32
    %broadcast_in_dim3A_351 = vector.broadcast %broadcast_in_dim3A_350 : i32 to vector<512x32xi32>
    %broadcast_in_dim3A_352 = arith.constant 0 : i32
    %broadcast_in_dim3A_353 = vector.broadcast %broadcast_in_dim3A_352 : i32 to vector<512x32xi32>
    %scan3A_354 = arith.constant 0x7F800000 : f32
    %scan3A_355 = arith.constant 0 : i32
    %scan3A_356 = arith.constant 32 : i32
    %scan3A_357 = arith.addi %scan3A_355, %scan3A_356 : i32
    %scan3A_358 = arith.constant 1 : i32
    %scan3A_359:3 = scf.for %scan3A_1983 = %scan3A_355 to %scan3A_357 step %scan3A_358 iter_args(%scan3A_1984 = %select_n3A_349, %scan3A_1985 = %broadcast_in_dim3A_351, %scan3A_1986 = %broadcast_in_dim3A_353) -> (vector<512x1024xf32>, vector<512x32xi32>, vector<512x32xi32>)  : i32 {
      %reduce_min3A = arith.constant dense<0x7F800000> : vector<512xf32>
      %reduce_min3A_1987 = vector.multi_reduction <minimumf>, %scan3A_1984, %reduce_min3A [1] : vector<512x1024xf32> to vector<512xf32>
      %broadcast_in_dim3A_1988 = vector.shape_cast %reduce_min3A_1987 : vector<512xf32> to vector<512x1xf32>
      %eq3A_1989 = vector.broadcast %broadcast_in_dim3A_1988 : vector<512x1xf32> to vector<512x1024xf32>
      %eq3A_1990 = arith.cmpf oeq, %scan3A_1984, %eq3A_1989 : vector<512x1024xf32>
      %jit3A_1991 = arith.constant 1024 : i32
      %broadcast_in_dim3A_1992 = vector.broadcast %jit3A_1991 : i32 to vector<512x1024xi32>
      %select_n3A_1993 = arith.select %eq3A_1990, %iota3A_61, %broadcast_in_dim3A_1992 : vector<512x1024xi1>, vector<512x1024xi32>
      %reduce_min3A_1994 = arith.constant dense<2147483647> : vector<512xi32>
      %reduce_min3A_1995 = vector.multi_reduction <minsi>, %select_n3A_1993, %reduce_min3A_1994 [1] : vector<512x1024xi32> to vector<512xi32>
      %broadcast_in_dim3A_1996 = vector.shape_cast %reduce_min3A_1995 : vector<512xi32> to vector<512x1xi32>
      %lt3A = vector.broadcast %scan3A_354 : f32 to vector<512x1xf32>
      %lt3A_1997 = arith.cmpf olt, %broadcast_in_dim3A_1988, %lt3A : vector<512x1xf32>
      %convert_element_type3A = arith.extui %lt3A_1997 : vector<512x1xi1> to vector<512x1xi32>
      %eq3A_1998 = vector.broadcast %scan3A_1983 : i32 to vector<512x32xi32>
      %eq3A_1999 = arith.cmpi eq, %iota3A_62, %eq3A_1998 : vector<512x32xi32>
      %broadcast_in_dim3A_2000 = vector.shape_cast %broadcast_in_dim3A_1996 : vector<512x1xi32> to vector<512x1xi32>
      %broadcast_in_dim3A_2001 = vector.broadcast %broadcast_in_dim3A_2000 : vector<512x1xi32> to vector<512x32xi32>
      %select_n3A_2002 = arith.select %eq3A_1999, %broadcast_in_dim3A_2001, %scan3A_1985 : vector<512x32xi1>, vector<512x32xi32>
      %broadcast_in_dim3A_2003 = vector.shape_cast %convert_element_type3A : vector<512x1xi32> to vector<512x1xi32>
      %broadcast_in_dim3A_2004 = vector.broadcast %broadcast_in_dim3A_2003 : vector<512x1xi32> to vector<512x32xi32>
      %select_n3A_2005 = arith.select %eq3A_1999, %broadcast_in_dim3A_2004, %scan3A_1986 : vector<512x32xi1>, vector<512x32xi32>
      %eq3A_2006 = vector.broadcast %broadcast_in_dim3A_1996 : vector<512x1xi32> to vector<512x1024xi32>
      %eq3A_2007 = arith.cmpi eq, %iota3A_61, %eq3A_2006 : vector<512x1024xi32>
      %broadcast_in_dim3A_2008 = vector.broadcast %scan3A_354 : f32 to vector<512x1024xf32>
      %select_n3A_2009 = arith.select %eq3A_2007, %broadcast_in_dim3A_2008, %scan3A_1984 : vector<512x1024xi1>, vector<512x1024xf32>
      scf.yield %select_n3A_2009, %select_n3A_2002, %select_n3A_2005 : vector<512x1024xf32>, vector<512x32xi32>, vector<512x32xi32>
    }
    %scan3A_360 = arith.constant 32 : i32
    %swap3A_361 = arith.constant 3 : index
    %swap3A_362 = arith.constant 0 : index
    %swap3A_363 = arith.constant 0 : index
    %swap3A_364 = vector.load %arg4[%swap3A_361, %swap3A_362, %swap3A_363] : memref<8x512x32xi32, #tpu.memory_space<vmem>>, vector<1x512x32xi32>
    %swap3A_365 = vector.shape_cast %swap3A_364 : vector<1x512x32xi32> to vector<512x32xi32>
    %swap3A_366 = vector.shape_cast %scan3A_359#1 : vector<512x32xi32> to vector<1x512x32xi32>
    tpu.vector_store %arg4[%swap3A_361, %swap3A_362, %swap3A_363], %swap3A_366 {strides = array<i32>} : memref<8x512x32xi32, #tpu.memory_space<vmem>>, vector<1x512x32xi32>,
    %swap3A_367 = arith.constant 3 : index
    %swap3A_368 = arith.constant 0 : index
    %swap3A_369 = arith.constant 0 : index
    %swap3A_370 = vector.load %arg5[%swap3A_367, %swap3A_368, %swap3A_369] : memref<8x512x32xi32, #tpu.memory_space<vmem>>, vector<1x512x32xi32>
    %swap3A_371 = vector.shape_cast %swap3A_370 : vector<1x512x32xi32> to vector<512x32xi32>
    %swap3A_372 = vector.shape_cast %scan3A_359#2 : vector<512x32xi32> to vector<1x512x32xi32>
    tpu.vector_store %arg5[%swap3A_367, %swap3A_368, %swap3A_369], %swap3A_372 {strides = array<i32>} : memref<8x512x32xi32, #tpu.memory_space<vmem>>, vector<1x512x32xi32>,
    %slice3A_373 = vector.extract_strided_slice %scan3A_21#2 {offsets = [4, 0], sizes = [1, 512], strides = [1, 1]} : vector<8x512xf32> to vector<1x512xf32>
    %jit3A_374 = arith.constant 0.000000e+00 : f32
    %broadcast_in_dim3A_375 = vector.shape_cast %slice3A_373 : vector<1x512xf32> to vector<1x512xf32>
    %broadcast_in_dim3A_376 = vector.broadcast %broadcast_in_dim3A_375 : vector<1x512xf32> to vector<512x512xf32>
    %broadcast_in_dim3A_377 = vector.broadcast %jit3A_374 : f32 to vector<512x512xf32>
    %select_n3A_378 = arith.select %eq3A, %broadcast_in_dim3A_376, %broadcast_in_dim3A_377 : vector<512x512xi1>, vector<512x512xf32>
    %reduce_sum3A_379 = arith.constant dense<0.000000e+00> : vector<512xf32>
    %reduce_sum3A_380 = vector.multi_reduction <add>, %select_n3A_378, %reduce_sum3A_379 [1] : vector<512x512xf32> to vector<512xf32>
    %broadcast_in_dim3A_381 = vector.shape_cast %reduce_sum3A_380 : vector<512xf32> to vector<512x1xf32>
    %slice3A_382 = vector.extract_strided_slice %scan3A_21#3 {offsets = [4, 0], sizes = [1, 512], strides = [1, 1]} : vector<8x512xf32> to vector<1x512xf32>
    %jit3A_383 = arith.constant 0.000000e+00 : f32
    %broadcast_in_dim3A_384 = vector.shape_cast %slice3A_382 : vector<1x512xf32> to vector<1x512xf32>
    %broadcast_in_dim3A_385 = vector.broadcast %broadcast_in_dim3A_384 : vector<1x512xf32> to vector<512x512xf32>
    %broadcast_in_dim3A_386 = vector.broadcast %jit3A_383 : f32 to vector<512x512xf32>
    %select_n3A_387 = arith.select %eq3A, %broadcast_in_dim3A_385, %broadcast_in_dim3A_386 : vector<512x512xi1>, vector<512x512xf32>
    %reduce_sum3A_388 = arith.constant dense<0.000000e+00> : vector<512xf32>
    %reduce_sum3A_389 = vector.multi_reduction <add>, %select_n3A_387, %reduce_sum3A_388 [1] : vector<512x512xf32> to vector<512xf32>
    %broadcast_in_dim3A_390 = vector.shape_cast %reduce_sum3A_389 : vector<512xf32> to vector<512x1xf32>
    %slice3A_391 = vector.extract_strided_slice %scan3A_21#4 {offsets = [4, 0], sizes = [1, 512], strides = [1, 1]} : vector<8x512xf32> to vector<1x512xf32>
    %jit3A_392 = arith.constant 0.000000e+00 : f32
    %broadcast_in_dim3A_393 = vector.shape_cast %slice3A_391 : vector<1x512xf32> to vector<1x512xf32>
    %broadcast_in_dim3A_394 = vector.broadcast %broadcast_in_dim3A_393 : vector<1x512xf32> to vector<512x512xf32>
    %broadcast_in_dim3A_395 = vector.broadcast %jit3A_392 : f32 to vector<512x512xf32>
    %select_n3A_396 = arith.select %eq3A, %broadcast_in_dim3A_394, %broadcast_in_dim3A_395 : vector<512x512xi1>, vector<512x512xf32>
    %reduce_sum3A_397 = arith.constant dense<0.000000e+00> : vector<512xf32>
    %reduce_sum3A_398 = vector.multi_reduction <add>, %select_n3A_396, %reduce_sum3A_397 [1] : vector<512x512xf32> to vector<512xf32>
    %broadcast_in_dim3A_399 = vector.shape_cast %reduce_sum3A_398 : vector<512xf32> to vector<512x1xf32>
    %concatenate3A_400 = tpu.concatenate %broadcast_in_dim3A_381, %broadcast_in_dim3A_390, %broadcast_in_dim3A_399 in 1 : vector<512x1xf32>, vector<512x1xf32>, vector<512x1xf32> -> vector<512x3xf32>
    %swap3A_401 = arith.constant 4 : index
    %swap3A_402 = arith.constant 0 : index
    %swap3A_403 = arith.constant 0 : index
    %swap3A_404 = vector.load %arg3[%swap3A_401, %swap3A_402, %swap3A_403] : memref<8x512x3xf32, #tpu.memory_space<vmem>>, vector<1x512x3xf32>
    %swap3A_405 = vector.shape_cast %swap3A_404 : vector<1x512x3xf32> to vector<512x3xf32>
    %swap3A_406 = vector.shape_cast %concatenate3A_400 : vector<512x3xf32> to vector<1x512x3xf32>
    tpu.vector_store %arg3[%swap3A_401, %swap3A_402, %swap3A_403], %swap3A_406 {strides = array<i32>} : memref<8x512x3xf32, #tpu.memory_space<vmem>>, vector<1x512x3xf32>,
    %slice3A_407 = vector.extract_strided_slice %get3A_1 {offsets = [4, 0], sizes = [1, 1024], strides = [1, 1]} : vector<8x1024xf32> to vector<1x1024xf32>
    %sub3A_408 = vector.broadcast %broadcast_in_dim3A_381 : vector<512x1xf32> to vector<512x1024xf32>
    %sub3A_409 = vector.broadcast %slice3A_407 : vector<1x1024xf32> to vector<512x1024xf32>
    %sub3A_410 = arith.subf %sub3A_408, %sub3A_409 : vector<512x1024xf32>
    %slice3A_411 = vector.extract_strided_slice %get3A_4 {offsets = [4, 0], sizes = [1, 1024], strides = [1, 1]} : vector<8x1024xf32> to vector<1x1024xf32>
    %sub3A_412 = vector.broadcast %broadcast_in_dim3A_390 : vector<512x1xf32> to vector<512x1024xf32>
    %sub3A_413 = vector.broadcast %slice3A_411 : vector<1x1024xf32> to vector<512x1024xf32>
    %sub3A_414 = arith.subf %sub3A_412, %sub3A_413 : vector<512x1024xf32>
    %slice3A_415 = vector.extract_strided_slice %get3A_7 {offsets = [4, 0], sizes = [1, 1024], strides = [1, 1]} : vector<8x1024xf32> to vector<1x1024xf32>
    %sub3A_416 = vector.broadcast %broadcast_in_dim3A_399 : vector<512x1xf32> to vector<512x1024xf32>
    %sub3A_417 = vector.broadcast %slice3A_415 : vector<1x1024xf32> to vector<512x1024xf32>
    %sub3A_418 = arith.subf %sub3A_416, %sub3A_417 : vector<512x1024xf32>
    %mul3A_419 = arith.mulf %sub3A_410, %sub3A_410 : vector<512x1024xf32>
    %mul3A_420 = arith.mulf %sub3A_414, %sub3A_414 : vector<512x1024xf32>
    %add3A_421 = arith.addf %mul3A_419, %mul3A_420 : vector<512x1024xf32>
    %mul3A_422 = arith.mulf %sub3A_418, %sub3A_418 : vector<512x1024xf32>
    %add3A_423 = arith.addf %add3A_421, %mul3A_422 : vector<512x1024xf32>
    %le3A_424 = arith.constant 4.000000e-02 : f32
    %le3A_425 = vector.broadcast %le3A_424 : f32 to vector<512x1024xf32>
    %le3A_426 = arith.cmpf ole, %add3A_423, %le3A_425 : vector<512x1024xf32>
    %jit3A_427 = arith.constant 0x7F800000 : f32
    %broadcast_in_dim3A_428 = vector.broadcast %jit3A_427 : f32 to vector<512x1024xf32>
    %select_n3A_429 = arith.select %le3A_426, %add3A_423, %broadcast_in_dim3A_428 : vector<512x1024xi1>, vector<512x1024xf32>
    %broadcast_in_dim3A_430 = arith.constant 0 : i32
    %broadcast_in_dim3A_431 = vector.broadcast %broadcast_in_dim3A_430 : i32 to vector<512x32xi32>
    %broadcast_in_dim3A_432 = arith.constant 0 : i32
    %broadcast_in_dim3A_433 = vector.broadcast %broadcast_in_dim3A_432 : i32 to vector<512x32xi32>
    %scan3A_434 = arith.constant 0x7F800000 : f32
    %scan3A_435 = arith.constant 0 : i32
    %scan3A_436 = arith.constant 32 : i32
    %scan3A_437 = arith.addi %scan3A_435, %scan3A_436 : i32
    %scan3A_438 = arith.constant 1 : i32
    %scan3A_439:3 = scf.for %scan3A_1983 = %scan3A_435 to %scan3A_437 step %scan3A_438 iter_args(%scan3A_1984 = %select_n3A_429, %scan3A_1985 = %broadcast_in_dim3A_431, %scan3A_1986 = %broadcast_in_dim3A_433) -> (vector<512x1024xf32>, vector<512x32xi32>, vector<512x32xi32>)  : i32 {
      %reduce_min3A = arith.constant dense<0x7F800000> : vector<512xf32>
      %reduce_min3A_1987 = vector.multi_reduction <minimumf>, %scan3A_1984, %reduce_min3A [1] : vector<512x1024xf32> to vector<512xf32>
      %broadcast_in_dim3A_1988 = vector.shape_cast %reduce_min3A_1987 : vector<512xf32> to vector<512x1xf32>
      %eq3A_1989 = vector.broadcast %broadcast_in_dim3A_1988 : vector<512x1xf32> to vector<512x1024xf32>
      %eq3A_1990 = arith.cmpf oeq, %scan3A_1984, %eq3A_1989 : vector<512x1024xf32>
      %jit3A_1991 = arith.constant 1024 : i32
      %broadcast_in_dim3A_1992 = vector.broadcast %jit3A_1991 : i32 to vector<512x1024xi32>
      %select_n3A_1993 = arith.select %eq3A_1990, %iota3A_61, %broadcast_in_dim3A_1992 : vector<512x1024xi1>, vector<512x1024xi32>
      %reduce_min3A_1994 = arith.constant dense<2147483647> : vector<512xi32>
      %reduce_min3A_1995 = vector.multi_reduction <minsi>, %select_n3A_1993, %reduce_min3A_1994 [1] : vector<512x1024xi32> to vector<512xi32>
      %broadcast_in_dim3A_1996 = vector.shape_cast %reduce_min3A_1995 : vector<512xi32> to vector<512x1xi32>
      %lt3A = vector.broadcast %scan3A_434 : f32 to vector<512x1xf32>
      %lt3A_1997 = arith.cmpf olt, %broadcast_in_dim3A_1988, %lt3A : vector<512x1xf32>
      %convert_element_type3A = arith.extui %lt3A_1997 : vector<512x1xi1> to vector<512x1xi32>
      %eq3A_1998 = vector.broadcast %scan3A_1983 : i32 to vector<512x32xi32>
      %eq3A_1999 = arith.cmpi eq, %iota3A_62, %eq3A_1998 : vector<512x32xi32>
      %broadcast_in_dim3A_2000 = vector.shape_cast %broadcast_in_dim3A_1996 : vector<512x1xi32> to vector<512x1xi32>
      %broadcast_in_dim3A_2001 = vector.broadcast %broadcast_in_dim3A_2000 : vector<512x1xi32> to vector<512x32xi32>
      %select_n3A_2002 = arith.select %eq3A_1999, %broadcast_in_dim3A_2001, %scan3A_1985 : vector<512x32xi1>, vector<512x32xi32>
      %broadcast_in_dim3A_2003 = vector.shape_cast %convert_element_type3A : vector<512x1xi32> to vector<512x1xi32>
      %broadcast_in_dim3A_2004 = vector.broadcast %broadcast_in_dim3A_2003 : vector<512x1xi32> to vector<512x32xi32>
      %select_n3A_2005 = arith.select %eq3A_1999, %broadcast_in_dim3A_2004, %scan3A_1986 : vector<512x32xi1>, vector<512x32xi32>
      %eq3A_2006 = vector.broadcast %broadcast_in_dim3A_1996 : vector<512x1xi32> to vector<512x1024xi32>
      %eq3A_2007 = arith.cmpi eq, %iota3A_61, %eq3A_2006 : vector<512x1024xi32>
      %broadcast_in_dim3A_2008 = vector.broadcast %scan3A_434 : f32 to vector<512x1024xf32>
      %select_n3A_2009 = arith.select %eq3A_2007, %broadcast_in_dim3A_2008, %scan3A_1984 : vector<512x1024xi1>, vector<512x1024xf32>
      scf.yield %select_n3A_2009, %select_n3A_2002, %select_n3A_2005 : vector<512x1024xf32>, vector<512x32xi32>, vector<512x32xi32>
    }
    %scan3A_440 = arith.constant 32 : i32
    %swap3A_441 = arith.constant 4 : index
    %swap3A_442 = arith.constant 0 : index
    %swap3A_443 = arith.constant 0 : index
    %swap3A_444 = vector.load %arg4[%swap3A_441, %swap3A_442, %swap3A_443] : memref<8x512x32xi32, #tpu.memory_space<vmem>>, vector<1x512x32xi32>
    %swap3A_445 = vector.shape_cast %swap3A_444 : vector<1x512x32xi32> to vector<512x32xi32>
    %swap3A_446 = vector.shape_cast %scan3A_439#1 : vector<512x32xi32> to vector<1x512x32xi32>
    tpu.vector_store %arg4[%swap3A_441, %swap3A_442, %swap3A_443], %swap3A_446 {strides = array<i32>} : memref<8x512x32xi32, #tpu.memory_space<vmem>>, vector<1x512x32xi32>,
    %swap3A_447 = arith.constant 4 : index
    %swap3A_448 = arith.constant 0 : index
    %swap3A_449 = arith.constant 0 : index
    %swap3A_450 = vector.load %arg5[%swap3A_447, %swap3A_448, %swap3A_449] : memref<8x512x32xi32, #tpu.memory_space<vmem>>, vector<1x512x32xi32>
    %swap3A_451 = vector.shape_cast %swap3A_450 : vector<1x512x32xi32> to vector<512x32xi32>
    %swap3A_452 = vector.shape_cast %scan3A_439#2 : vector<512x32xi32> to vector<1x512x32xi32>
    tpu.vector_store %arg5[%swap3A_447, %swap3A_448, %swap3A_449], %swap3A_452 {strides = array<i32>} : memref<8x512x32xi32, #tpu.memory_space<vmem>>, vector<1x512x32xi32>,
    %slice3A_453 = vector.extract_strided_slice %scan3A_21#2 {offsets = [5, 0], sizes = [1, 512], strides = [1, 1]} : vector<8x512xf32> to vector<1x512xf32>
    %jit3A_454 = arith.constant 0.000000e+00 : f32
    %broadcast_in_dim3A_455 = vector.shape_cast %slice3A_453 : vector<1x512xf32> to vector<1x512xf32>
    %broadcast_in_dim3A_456 = vector.broadcast %broadcast_in_dim3A_455 : vector<1x512xf32> to vector<512x512xf32>
    %broadcast_in_dim3A_457 = vector.broadcast %jit3A_454 : f32 to vector<512x512xf32>
    %select_n3A_458 = arith.select %eq3A, %broadcast_in_dim3A_456, %broadcast_in_dim3A_457 : vector<512x512xi1>, vector<512x512xf32>
    %reduce_sum3A_459 = arith.constant dense<0.000000e+00> : vector<512xf32>
    %reduce_sum3A_460 = vector.multi_reduction <add>, %select_n3A_458, %reduce_sum3A_459 [1] : vector<512x512xf32> to vector<512xf32>
    %broadcast_in_dim3A_461 = vector.shape_cast %reduce_sum3A_460 : vector<512xf32> to vector<512x1xf32>
    %slice3A_462 = vector.extract_strided_slice %scan3A_21#3 {offsets = [5, 0], sizes = [1, 512], strides = [1, 1]} : vector<8x512xf32> to vector<1x512xf32>
    %jit3A_463 = arith.constant 0.000000e+00 : f32
    %broadcast_in_dim3A_464 = vector.shape_cast %slice3A_462 : vector<1x512xf32> to vector<1x512xf32>
    %broadcast_in_dim3A_465 = vector.broadcast %broadcast_in_dim3A_464 : vector<1x512xf32> to vector<512x512xf32>
    %broadcast_in_dim3A_466 = vector.broadcast %jit3A_463 : f32 to vector<512x512xf32>
    %select_n3A_467 = arith.select %eq3A, %broadcast_in_dim3A_465, %broadcast_in_dim3A_466 : vector<512x512xi1>, vector<512x512xf32>
    %reduce_sum3A_468 = arith.constant dense<0.000000e+00> : vector<512xf32>
    %reduce_sum3A_469 = vector.multi_reduction <add>, %select_n3A_467, %reduce_sum3A_468 [1] : vector<512x512xf32> to vector<512xf32>
    %broadcast_in_dim3A_470 = vector.shape_cast %reduce_sum3A_469 : vector<512xf32> to vector<512x1xf32>
    %slice3A_471 = vector.extract_strided_slice %scan3A_21#4 {offsets = [5, 0], sizes = [1, 512], strides = [1, 1]} : vector<8x512xf32> to vector<1x512xf32>
    %jit3A_472 = arith.constant 0.000000e+00 : f32
    %broadcast_in_dim3A_473 = vector.shape_cast %slice3A_471 : vector<1x512xf32> to vector<1x512xf32>
    %broadcast_in_dim3A_474 = vector.broadcast %broadcast_in_dim3A_473 : vector<1x512xf32> to vector<512x512xf32>
    %broadcast_in_dim3A_475 = vector.broadcast %jit3A_472 : f32 to vector<512x512xf32>
    %select_n3A_476 = arith.select %eq3A, %broadcast_in_dim3A_474, %broadcast_in_dim3A_475 : vector<512x512xi1>, vector<512x512xf32>
    %reduce_sum3A_477 = arith.constant dense<0.000000e+00> : vector<512xf32>
    %reduce_sum3A_478 = vector.multi_reduction <add>, %select_n3A_476, %reduce_sum3A_477 [1] : vector<512x512xf32> to vector<512xf32>
    %broadcast_in_dim3A_479 = vector.shape_cast %reduce_sum3A_478 : vector<512xf32> to vector<512x1xf32>
    %concatenate3A_480 = tpu.concatenate %broadcast_in_dim3A_461, %broadcast_in_dim3A_470, %broadcast_in_dim3A_479 in 1 : vector<512x1xf32>, vector<512x1xf32>, vector<512x1xf32> -> vector<512x3xf32>
    %swap3A_481 = arith.constant 5 : index
    %swap3A_482 = arith.constant 0 : index
    %swap3A_483 = arith.constant 0 : index
    %swap3A_484 = vector.load %arg3[%swap3A_481, %swap3A_482, %swap3A_483] : memref<8x512x3xf32, #tpu.memory_space<vmem>>, vector<1x512x3xf32>
    %swap3A_485 = vector.shape_cast %swap3A_484 : vector<1x512x3xf32> to vector<512x3xf32>
    %swap3A_486 = vector.shape_cast %concatenate3A_480 : vector<512x3xf32> to vector<1x512x3xf32>
    tpu.vector_store %arg3[%swap3A_481, %swap3A_482, %swap3A_483], %swap3A_486 {strides = array<i32>} : memref<8x512x3xf32, #tpu.memory_space<vmem>>, vector<1x512x3xf32>,
    %slice3A_487 = vector.extract_strided_slice %get3A_1 {offsets = [5, 0], sizes = [1, 1024], strides = [1, 1]} : vector<8x1024xf32> to vector<1x1024xf32>
    %sub3A_488 = vector.broadcast %broadcast_in_dim3A_461 : vector<512x1xf32> to vector<512x1024xf32>
    %sub3A_489 = vector.broadcast %slice3A_487 : vector<1x1024xf32> to vector<512x1024xf32>
    %sub3A_490 = arith.subf %sub3A_488, %sub3A_489 : vector<512x1024xf32>
    %slice3A_491 = vector.extract_strided_slice %get3A_4 {offsets = [5, 0], sizes = [1, 1024], strides = [1, 1]} : vector<8x1024xf32> to vector<1x1024xf32>
    %sub3A_492 = vector.broadcast %broadcast_in_dim3A_470 : vector<512x1xf32> to vector<512x1024xf32>
    %sub3A_493 = vector.broadcast %slice3A_491 : vector<1x1024xf32> to vector<512x1024xf32>
    %sub3A_494 = arith.subf %sub3A_492, %sub3A_493 : vector<512x1024xf32>
    %slice3A_495 = vector.extract_strided_slice %get3A_7 {offsets = [5, 0], sizes = [1, 1024], strides = [1, 1]} : vector<8x1024xf32> to vector<1x1024xf32>
    %sub3A_496 = vector.broadcast %broadcast_in_dim3A_479 : vector<512x1xf32> to vector<512x1024xf32>
    %sub3A_497 = vector.broadcast %slice3A_495 : vector<1x1024xf32> to vector<512x1024xf32>
    %sub3A_498 = arith.subf %sub3A_496, %sub3A_497 : vector<512x1024xf32>
    %mul3A_499 = arith.mulf %sub3A_490, %sub3A_490 : vector<512x1024xf32>
    %mul3A_500 = arith.mulf %sub3A_494, %sub3A_494 : vector<512x1024xf32>
    %add3A_501 = arith.addf %mul3A_499, %mul3A_500 : vector<512x1024xf32>
    %mul3A_502 = arith.mulf %sub3A_498, %sub3A_498 : vector<512x1024xf32>
    %add3A_503 = arith.addf %add3A_501, %mul3A_502 : vector<512x1024xf32>
    %le3A_504 = arith.constant 4.000000e-02 : f32
    %le3A_505 = vector.broadcast %le3A_504 : f32 to vector<512x1024xf32>
    %le3A_506 = arith.cmpf ole, %add3A_503, %le3A_505 : vector<512x1024xf32>
    %jit3A_507 = arith.constant 0x7F800000 : f32
    %broadcast_in_dim3A_508 = vector.broadcast %jit3A_507 : f32 to vector<512x1024xf32>
    %select_n3A_509 = arith.select %le3A_506, %add3A_503, %broadcast_in_dim3A_508 : vector<512x1024xi1>, vector<512x1024xf32>
    %broadcast_in_dim3A_510 = arith.constant 0 : i32
    %broadcast_in_dim3A_511 = vector.broadcast %broadcast_in_dim3A_510 : i32 to vector<512x32xi32>
    %broadcast_in_dim3A_512 = arith.constant 0 : i32
    %broadcast_in_dim3A_513 = vector.broadcast %broadcast_in_dim3A_512 : i32 to vector<512x32xi32>
    %scan3A_514 = arith.constant 0x7F800000 : f32
    %scan3A_515 = arith.constant 0 : i32
    %scan3A_516 = arith.constant 32 : i32
    %scan3A_517 = arith.addi %scan3A_515, %scan3A_516 : i32
    %scan3A_518 = arith.constant 1 : i32
    %scan3A_519:3 = scf.for %scan3A_1983 = %scan3A_515 to %scan3A_517 step %scan3A_518 iter_args(%scan3A_1984 = %select_n3A_509, %scan3A_1985 = %broadcast_in_dim3A_511, %scan3A_1986 = %broadcast_in_dim3A_513) -> (vector<512x1024xf32>, vector<512x32xi32>, vector<512x32xi32>)  : i32 {
      %reduce_min3A = arith.constant dense<0x7F800000> : vector<512xf32>
      %reduce_min3A_1987 = vector.multi_reduction <minimumf>, %scan3A_1984, %reduce_min3A [1] : vector<512x1024xf32> to vector<512xf32>
      %broadcast_in_dim3A_1988 = vector.shape_cast %reduce_min3A_1987 : vector<512xf32> to vector<512x1xf32>
      %eq3A_1989 = vector.broadcast %broadcast_in_dim3A_1988 : vector<512x1xf32> to vector<512x1024xf32>
      %eq3A_1990 = arith.cmpf oeq, %scan3A_1984, %eq3A_1989 : vector<512x1024xf32>
      %jit3A_1991 = arith.constant 1024 : i32
      %broadcast_in_dim3A_1992 = vector.broadcast %jit3A_1991 : i32 to vector<512x1024xi32>
      %select_n3A_1993 = arith.select %eq3A_1990, %iota3A_61, %broadcast_in_dim3A_1992 : vector<512x1024xi1>, vector<512x1024xi32>
      %reduce_min3A_1994 = arith.constant dense<2147483647> : vector<512xi32>
      %reduce_min3A_1995 = vector.multi_reduction <minsi>, %select_n3A_1993, %reduce_min3A_1994 [1] : vector<512x1024xi32> to vector<512xi32>
      %broadcast_in_dim3A_1996 = vector.shape_cast %reduce_min3A_1995 : vector<512xi32> to vector<512x1xi32>
      %lt3A = vector.broadcast %scan3A_514 : f32 to vector<512x1xf32>
      %lt3A_1997 = arith.cmpf olt, %broadcast_in_dim3A_1988, %lt3A : vector<512x1xf32>
      %convert_element_type3A = arith.extui %lt3A_1997 : vector<512x1xi1> to vector<512x1xi32>
      %eq3A_1998 = vector.broadcast %scan3A_1983 : i32 to vector<512x32xi32>
      %eq3A_1999 = arith.cmpi eq, %iota3A_62, %eq3A_1998 : vector<512x32xi32>
      %broadcast_in_dim3A_2000 = vector.shape_cast %broadcast_in_dim3A_1996 : vector<512x1xi32> to vector<512x1xi32>
      %broadcast_in_dim3A_2001 = vector.broadcast %broadcast_in_dim3A_2000 : vector<512x1xi32> to vector<512x32xi32>
      %select_n3A_2002 = arith.select %eq3A_1999, %broadcast_in_dim3A_2001, %scan3A_1985 : vector<512x32xi1>, vector<512x32xi32>
      %broadcast_in_dim3A_2003 = vector.shape_cast %convert_element_type3A : vector<512x1xi32> to vector<512x1xi32>
      %broadcast_in_dim3A_2004 = vector.broadcast %broadcast_in_dim3A_2003 : vector<512x1xi32> to vector<512x32xi32>
      %select_n3A_2005 = arith.select %eq3A_1999, %broadcast_in_dim3A_2004, %scan3A_1986 : vector<512x32xi1>, vector<512x32xi32>
      %eq3A_2006 = vector.broadcast %broadcast_in_dim3A_1996 : vector<512x1xi32> to vector<512x1024xi32>
      %eq3A_2007 = arith.cmpi eq, %iota3A_61, %eq3A_2006 : vector<512x1024xi32>
      %broadcast_in_dim3A_2008 = vector.broadcast %scan3A_514 : f32 to vector<512x1024xf32>
      %select_n3A_2009 = arith.select %eq3A_2007, %broadcast_in_dim3A_2008, %scan3A_1984 : vector<512x1024xi1>, vector<512x1024xf32>
      scf.yield %select_n3A_2009, %select_n3A_2002, %select_n3A_2005 : vector<512x1024xf32>, vector<512x32xi32>, vector<512x32xi32>
    }
    %scan3A_520 = arith.constant 32 : i32
    %swap3A_521 = arith.constant 5 : index
    %swap3A_522 = arith.constant 0 : index
    %swap3A_523 = arith.constant 0 : index
    %swap3A_524 = vector.load %arg4[%swap3A_521, %swap3A_522, %swap3A_523] : memref<8x512x32xi32, #tpu.memory_space<vmem>>, vector<1x512x32xi32>
    %swap3A_525 = vector.shape_cast %swap3A_524 : vector<1x512x32xi32> to vector<512x32xi32>
    %swap3A_526 = vector.shape_cast %scan3A_519#1 : vector<512x32xi32> to vector<1x512x32xi32>
    tpu.vector_store %arg4[%swap3A_521, %swap3A_522, %swap3A_523], %swap3A_526 {strides = array<i32>} : memref<8x512x32xi32, #tpu.memory_space<vmem>>, vector<1x512x32xi32>,
    %swap3A_527 = arith.constant 5 : index
    %swap3A_528 = arith.constant 0 : index
    %swap3A_529 = arith.constant 0 : index
    %swap3A_530 = vector.load %arg5[%swap3A_527, %swap3A_528, %swap3A_529] : memref<8x512x32xi32, #tpu.memory_space<vmem>>, vector<1x512x32xi32>
    %swap3A_531 = vector.shape_cast %swap3A_530 : vector<1x512x32xi32> to vector<512x32xi32>
    %swap3A_532 = vector.shape_cast %scan3A_519#2 : vector<512x32xi32> to vector<1x512x32xi32>
    tpu.vector_store %arg5[%swap3A_527, %swap3A_528, %swap3A_529], %swap3A_532 {strides = array<i32>} : memref<8x512x32xi32, #tpu.memory_space<vmem>>, vector<1x512x32xi32>,
    %slice3A_533 = vector.extract_strided_slice %scan3A_21#2 {offsets = [6, 0], sizes = [1, 512], strides = [1, 1]} : vector<8x512xf32> to vector<1x512xf32>
    %jit3A_534 = arith.constant 0.000000e+00 : f32
    %broadcast_in_dim3A_535 = vector.shape_cast %slice3A_533 : vector<1x512xf32> to vector<1x512xf32>
    %broadcast_in_dim3A_536 = vector.broadcast %broadcast_in_dim3A_535 : vector<1x512xf32> to vector<512x512xf32>
    %broadcast_in_dim3A_537 = vector.broadcast %jit3A_534 : f32 to vector<512x512xf32>
    %select_n3A_538 = arith.select %eq3A, %broadcast_in_dim3A_536, %broadcast_in_dim3A_537 : vector<512x512xi1>, vector<512x512xf32>
    %reduce_sum3A_539 = arith.constant dense<0.000000e+00> : vector<512xf32>
    %reduce_sum3A_540 = vector.multi_reduction <add>, %select_n3A_538, %reduce_sum3A_539 [1] : vector<512x512xf32> to vector<512xf32>
    %broadcast_in_dim3A_541 = vector.shape_cast %reduce_sum3A_540 : vector<512xf32> to vector<512x1xf32>
    %slice3A_542 = vector.extract_strided_slice %scan3A_21#3 {offsets = [6, 0], sizes = [1, 512], strides = [1, 1]} : vector<8x512xf32> to vector<1x512xf32>
    %jit3A_543 = arith.constant 0.000000e+00 : f32
    %broadcast_in_dim3A_544 = vector.shape_cast %slice3A_542 : vector<1x512xf32> to vector<1x512xf32>
    %broadcast_in_dim3A_545 = vector.broadcast %broadcast_in_dim3A_544 : vector<1x512xf32> to vector<512x512xf32>
    %broadcast_in_dim3A_546 = vector.broadcast %jit3A_543 : f32 to vector<512x512xf32>
    %select_n3A_547 = arith.select %eq3A, %broadcast_in_dim3A_545, %broadcast_in_dim3A_546 : vector<512x512xi1>, vector<512x512xf32>
    %reduce_sum3A_548 = arith.constant dense<0.000000e+00> : vector<512xf32>
    %reduce_sum3A_549 = vector.multi_reduction <add>, %select_n3A_547, %reduce_sum3A_548 [1] : vector<512x512xf32> to vector<512xf32>
    %broadcast_in_dim3A_550 = vector.shape_cast %reduce_sum3A_549 : vector<512xf32> to vector<512x1xf32>
    %slice3A_551 = vector.extract_strided_slice %scan3A_21#4 {offsets = [6, 0], sizes = [1, 512], strides = [1, 1]} : vector<8x512xf32> to vector<1x512xf32>
    %jit3A_552 = arith.constant 0.000000e+00 : f32
    %broadcast_in_dim3A_553 = vector.shape_cast %slice3A_551 : vector<1x512xf32> to vector<1x512xf32>
    %broadcast_in_dim3A_554 = vector.broadcast %broadcast_in_dim3A_553 : vector<1x512xf32> to vector<512x512xf32>
    %broadcast_in_dim3A_555 = vector.broadcast %jit3A_552 : f32 to vector<512x512xf32>
    %select_n3A_556 = arith.select %eq3A, %broadcast_in_dim3A_554, %broadcast_in_dim3A_555 : vector<512x512xi1>, vector<512x512xf32>
    %reduce_sum3A_557 = arith.constant dense<0.000000e+00> : vector<512xf32>
    %reduce_sum3A_558 = vector.multi_reduction <add>, %select_n3A_556, %reduce_sum3A_557 [1] : vector<512x512xf32> to vector<512xf32>
    %broadcast_in_dim3A_559 = vector.shape_cast %reduce_sum3A_558 : vector<512xf32> to vector<512x1xf32>
    %concatenate3A_560 = tpu.concatenate %broadcast_in_dim3A_541, %broadcast_in_dim3A_550, %broadcast_in_dim3A_559 in 1 : vector<512x1xf32>, vector<512x1xf32>, vector<512x1xf32> -> vector<512x3xf32>
    %swap3A_561 = arith.constant 6 : index
    %swap3A_562 = arith.constant 0 : index
    %swap3A_563 = arith.constant 0 : index
    %swap3A_564 = vector.load %arg3[%swap3A_561, %swap3A_562, %swap3A_563] : memref<8x512x3xf32, #tpu.memory_space<vmem>>, vector<1x512x3xf32>
    %swap3A_565 = vector.shape_cast %swap3A_564 : vector<1x512x3xf32> to vector<512x3xf32>
    %swap3A_566 = vector.shape_cast %concatenate3A_560 : vector<512x3xf32> to vector<1x512x3xf32>
    tpu.vector_store %arg3[%swap3A_561, %swap3A_562, %swap3A_563], %swap3A_566 {strides = array<i32>} : memref<8x512x3xf32, #tpu.memory_space<vmem>>, vector<1x512x3xf32>,
    %slice3A_567 = vector.extract_strided_slice %get3A_1 {offsets = [6, 0], sizes = [1, 1024], strides = [1, 1]} : vector<8x1024xf32> to vector<1x1024xf32>
    %sub3A_568 = vector.broadcast %broadcast_in_dim3A_541 : vector<512x1xf32> to vector<512x1024xf32>
    %sub3A_569 = vector.broadcast %slice3A_567 : vector<1x1024xf32> to vector<512x1024xf32>
    %sub3A_570 = arith.subf %sub3A_568, %sub3A_569 : vector<512x1024xf32>
    %slice3A_571 = vector.extract_strided_slice %get3A_4 {offsets = [6, 0], sizes = [1, 1024], strides = [1, 1]} : vector<8x1024xf32> to vector<1x1024xf32>
    %sub3A_572 = vector.broadcast %broadcast_in_dim3A_550 : vector<512x1xf32> to vector<512x1024xf32>
    %sub3A_573 = vector.broadcast %slice3A_571 : vector<1x1024xf32> to vector<512x1024xf32>
    %sub3A_574 = arith.subf %sub3A_572, %sub3A_573 : vector<512x1024xf32>
    %slice3A_575 = vector.extract_strided_slice %get3A_7 {offsets = [6, 0], sizes = [1, 1024], strides = [1, 1]} : vector<8x1024xf32> to vector<1x1024xf32>
    %sub3A_576 = vector.broadcast %broadcast_in_dim3A_559 : vector<512x1xf32> to vector<512x1024xf32>
    %sub3A_577 = vector.broadcast %slice3A_575 : vector<1x1024xf32> to vector<512x1024xf32>
    %sub3A_578 = arith.subf %sub3A_576, %sub3A_577 : vector<512x1024xf32>
    %mul3A_579 = arith.mulf %sub3A_570, %sub3A_570 : vector<512x1024xf32>
    %mul3A_580 = arith.mulf %sub3A_574, %sub3A_574 : vector<512x1024xf32>
    %add3A_581 = arith.addf %mul3A_579, %mul3A_580 : vector<512x1024xf32>
    %mul3A_582 = arith.mulf %sub3A_578, %sub3A_578 : vector<512x1024xf32>
    %add3A_583 = arith.addf %add3A_581, %mul3A_582 : vector<512x1024xf32>
    %le3A_584 = arith.constant 4.000000e-02 : f32
    %le3A_585 = vector.broadcast %le3A_584 : f32 to vector<512x1024xf32>
    %le3A_586 = arith.cmpf ole, %add3A_583, %le3A_585 : vector<512x1024xf32>
    %jit3A_587 = arith.constant 0x7F800000 : f32
    %broadcast_in_dim3A_588 = vector.broadcast %jit3A_587 : f32 to vector<512x1024xf32>
    %select_n3A_589 = arith.select %le3A_586, %add3A_583, %broadcast_in_dim3A_588 : vector<512x1024xi1>, vector<512x1024xf32>
    %broadcast_in_dim3A_590 = arith.constant 0 : i32
    %broadcast_in_dim3A_591 = vector.broadcast %broadcast_in_dim3A_590 : i32 to vector<512x32xi32>
    %broadcast_in_dim3A_592 = arith.constant 0 : i32
    %broadcast_in_dim3A_593 = vector.broadcast %broadcast_in_dim3A_592 : i32 to vector<512x32xi32>
    %scan3A_594 = arith.constant 0x7F800000 : f32
    %scan3A_595 = arith.constant 0 : i32
    %scan3A_596 = arith.constant 32 : i32
    %scan3A_597 = arith.addi %scan3A_595, %scan3A_596 : i32
    %scan3A_598 = arith.constant 1 : i32
    %scan3A_599:3 = scf.for %scan3A_1983 = %scan3A_595 to %scan3A_597 step %scan3A_598 iter_args(%scan3A_1984 = %select_n3A_589, %scan3A_1985 = %broadcast_in_dim3A_591, %scan3A_1986 = %broadcast_in_dim3A_593) -> (vector<512x1024xf32>, vector<512x32xi32>, vector<512x32xi32>)  : i32 {
      %reduce_min3A = arith.constant dense<0x7F800000> : vector<512xf32>
      %reduce_min3A_1987 = vector.multi_reduction <minimumf>, %scan3A_1984, %reduce_min3A [1] : vector<512x1024xf32> to vector<512xf32>
      %broadcast_in_dim3A_1988 = vector.shape_cast %reduce_min3A_1987 : vector<512xf32> to vector<512x1xf32>
      %eq3A_1989 = vector.broadcast %broadcast_in_dim3A_1988 : vector<512x1xf32> to vector<512x1024xf32>
      %eq3A_1990 = arith.cmpf oeq, %scan3A_1984, %eq3A_1989 : vector<512x1024xf32>
      %jit3A_1991 = arith.constant 1024 : i32
      %broadcast_in_dim3A_1992 = vector.broadcast %jit3A_1991 : i32 to vector<512x1024xi32>
      %select_n3A_1993 = arith.select %eq3A_1990, %iota3A_61, %broadcast_in_dim3A_1992 : vector<512x1024xi1>, vector<512x1024xi32>
      %reduce_min3A_1994 = arith.constant dense<2147483647> : vector<512xi32>
      %reduce_min3A_1995 = vector.multi_reduction <minsi>, %select_n3A_1993, %reduce_min3A_1994 [1] : vector<512x1024xi32> to vector<512xi32>
      %broadcast_in_dim3A_1996 = vector.shape_cast %reduce_min3A_1995 : vector<512xi32> to vector<512x1xi32>
      %lt3A = vector.broadcast %scan3A_594 : f32 to vector<512x1xf32>
      %lt3A_1997 = arith.cmpf olt, %broadcast_in_dim3A_1988, %lt3A : vector<512x1xf32>
      %convert_element_type3A = arith.extui %lt3A_1997 : vector<512x1xi1> to vector<512x1xi32>
      %eq3A_1998 = vector.broadcast %scan3A_1983 : i32 to vector<512x32xi32>
      %eq3A_1999 = arith.cmpi eq, %iota3A_62, %eq3A_1998 : vector<512x32xi32>
      %broadcast_in_dim3A_2000 = vector.shape_cast %broadcast_in_dim3A_1996 : vector<512x1xi32> to vector<512x1xi32>
      %broadcast_in_dim3A_2001 = vector.broadcast %broadcast_in_dim3A_2000 : vector<512x1xi32> to vector<512x32xi32>
      %select_n3A_2002 = arith.select %eq3A_1999, %broadcast_in_dim3A_2001, %scan3A_1985 : vector<512x32xi1>, vector<512x32xi32>
      %broadcast_in_dim3A_2003 = vector.shape_cast %convert_element_type3A : vector<512x1xi32> to vector<512x1xi32>
      %broadcast_in_dim3A_2004 = vector.broadcast %broadcast_in_dim3A_2003 : vector<512x1xi32> to vector<512x32xi32>
      %select_n3A_2005 = arith.select %eq3A_1999, %broadcast_in_dim3A_2004, %scan3A_1986 : vector<512x32xi1>, vector<512x32xi32>
      %eq3A_2006 = vector.broadcast %broadcast_in_dim3A_1996 : vector<512x1xi32> to vector<512x1024xi32>
      %eq3A_2007 = arith.cmpi eq, %iota3A_61, %eq3A_2006 : vector<512x1024xi32>
      %broadcast_in_dim3A_2008 = vector.broadcast %scan3A_594 : f32 to vector<512x1024xf32>
      %select_n3A_2009 = arith.select %eq3A_2007, %broadcast_in_dim3A_2008, %scan3A_1984 : vector<512x1024xi1>, vector<512x1024xf32>
      scf.yield %select_n3A_2009, %select_n3A_2002, %select_n3A_2005 : vector<512x1024xf32>, vector<512x32xi32>, vector<512x32xi32>
    }
    %scan3A_600 = arith.constant 32 : i32
    %swap3A_601 = arith.constant 6 : index
    %swap3A_602 = arith.constant 0 : index
    %swap3A_603 = arith.constant 0 : index
    %swap3A_604 = vector.load %arg4[%swap3A_601, %swap3A_602, %swap3A_603] : memref<8x512x32xi32, #tpu.memory_space<vmem>>, vector<1x512x32xi32>
    %swap3A_605 = vector.shape_cast %swap3A_604 : vector<1x512x32xi32> to vector<512x32xi32>
    %swap3A_606 = vector.shape_cast %scan3A_599#1 : vector<512x32xi32> to vector<1x512x32xi32>
    tpu.vector_store %arg4[%swap3A_601, %swap3A_602, %swap3A_603], %swap3A_606 {strides = array<i32>} : memref<8x512x32xi32, #tpu.memory_space<vmem>>, vector<1x512x32xi32>,
    %swap3A_607 = arith.constant 6 : index
    %swap3A_608 = arith.constant 0 : index
    %swap3A_609 = arith.constant 0 : index
    %swap3A_610 = vector.load %arg5[%swap3A_607, %swap3A_608, %swap3A_609] : memref<8x512x32xi32, #tpu.memory_space<vmem>>, vector<1x512x32xi32>
    %swap3A_611 = vector.shape_cast %swap3A_610 : vector<1x512x32xi32> to vector<512x32xi32>
    %swap3A_612 = vector.shape_cast %scan3A_599#2 : vector<512x32xi32> to vector<1x512x32xi32>
    tpu.vector_store %arg5[%swap3A_607, %swap3A_608, %swap3A_609], %swap3A_612 {strides = array<i32>} : memref<8x512x32xi32, #tpu.memory_space<vmem>>, vector<1x512x32xi32>,
    %slice3A_613 = vector.extract_strided_slice %scan3A_21#2 {offsets = [7, 0], sizes = [1, 512], strides = [1, 1]} : vector<8x512xf32> to vector<1x512xf32>
    %jit3A_614 = arith.constant 0.000000e+00 : f32
    %broadcast_in_dim3A_615 = vector.shape_cast %slice3A_613 : vector<1x512xf32> to vector<1x512xf32>
    %broadcast_in_dim3A_616 = vector.broadcast %broadcast_in_dim3A_615 : vector<1x512xf32> to vector<512x512xf32>
    %broadcast_in_dim3A_617 = vector.broadcast %jit3A_614 : f32 to vector<512x512xf32>
    %select_n3A_618 = arith.select %eq3A, %broadcast_in_dim3A_616, %broadcast_in_dim3A_617 : vector<512x512xi1>, vector<512x512xf32>
    %reduce_sum3A_619 = arith.constant dense<0.000000e+00> : vector<512xf32>
    %reduce_sum3A_620 = vector.multi_reduction <add>, %select_n3A_618, %reduce_sum3A_619 [1] : vector<512x512xf32> to vector<512xf32>
    %broadcast_in_dim3A_621 = vector.shape_cast %reduce_sum3A_620 : vector<512xf32> to vector<512x1xf32>
    %slice3A_622 = vector.extract_strided_slice %scan3A_21#3 {offsets = [7, 0], sizes = [1, 512], strides = [1, 1]} : vector<8x512xf32> to vector<1x512xf32>
    %jit3A_623 = arith.constant 0.000000e+00 : f32
    %broadcast_in_dim3A_624 = vector.shape_cast %slice3A_622 : vector<1x512xf32> to vector<1x512xf32>
    %broadcast_in_dim3A_625 = vector.broadcast %broadcast_in_dim3A_624 : vector<1x512xf32> to vector<512x512xf32>
    %broadcast_in_dim3A_626 = vector.broadcast %jit3A_623 : f32 to vector<512x512xf32>
    %select_n3A_627 = arith.select %eq3A, %broadcast_in_dim3A_625, %broadcast_in_dim3A_626 : vector<512x512xi1>, vector<512x512xf32>
    %reduce_sum3A_628 = arith.constant dense<0.000000e+00> : vector<512xf32>
    %reduce_sum3A_629 = vector.multi_reduction <add>, %select_n3A_627, %reduce_sum3A_628 [1] : vector<512x512xf32> to vector<512xf32>
    %broadcast_in_dim3A_630 = vector.shape_cast %reduce_sum3A_629 : vector<512xf32> to vector<512x1xf32>
    %slice3A_631 = vector.extract_strided_slice %scan3A_21#4 {offsets = [7, 0], sizes = [1, 512], strides = [1, 1]} : vector<8x512xf32> to vector<1x512xf32>
    %jit3A_632 = arith.constant 0.000000e+00 : f32
    %broadcast_in_dim3A_633 = vector.shape_cast %slice3A_631 : vector<1x512xf32> to vector<1x512xf32>
    %broadcast_in_dim3A_634 = vector.broadcast %broadcast_in_dim3A_633 : vector<1x512xf32> to vector<512x512xf32>
    %broadcast_in_dim3A_635 = vector.broadcast %jit3A_632 : f32 to vector<512x512xf32>
    %select_n3A_636 = arith.select %eq3A, %broadcast_in_dim3A_634, %broadcast_in_dim3A_635 : vector<512x512xi1>, vector<512x512xf32>
    %reduce_sum3A_637 = arith.constant dense<0.000000e+00> : vector<512xf32>
    %reduce_sum3A_638 = vector.multi_reduction <add>, %select_n3A_636, %reduce_sum3A_637 [1] : vector<512x512xf32> to vector<512xf32>
    %broadcast_in_dim3A_639 = vector.shape_cast %reduce_sum3A_638 : vector<512xf32> to vector<512x1xf32>
    %concatenate3A_640 = tpu.concatenate %broadcast_in_dim3A_621, %broadcast_in_dim3A_630, %broadcast_in_dim3A_639 in 1 : vector<512x1xf32>, vector<512x1xf32>, vector<512x1xf32> -> vector<512x3xf32>
    %swap3A_641 = arith.constant 7 : index
    %swap3A_642 = arith.constant 0 : index
    %swap3A_643 = arith.constant 0 : index
    %swap3A_644 = vector.load %arg3[%swap3A_641, %swap3A_642, %swap3A_643] : memref<8x512x3xf32, #tpu.memory_space<vmem>>, vector<1x512x3xf32>
    %swap3A_645 = vector.shape_cast %swap3A_644 : vector<1x512x3xf32> to vector<512x3xf32>
    %swap3A_646 = vector.shape_cast %concatenate3A_640 : vector<512x3xf32> to vector<1x512x3xf32>
    tpu.vector_store %arg3[%swap3A_641, %swap3A_642, %swap3A_643], %swap3A_646 {strides = array<i32>} : memref<8x512x3xf32, #tpu.memory_space<vmem>>, vector<1x512x3xf32>,
    %slice3A_647 = vector.extract_strided_slice %get3A_1 {offsets = [7, 0], sizes = [1, 1024], strides = [1, 1]} : vector<8x1024xf32> to vector<1x1024xf32>
    %sub3A_648 = vector.broadcast %broadcast_in_dim3A_621 : vector<512x1xf32> to vector<512x1024xf32>
    %sub3A_649 = vector.broadcast %slice3A_647 : vector<1x1024xf32> to vector<512x1024xf32>
    %sub3A_650 = arith.subf %sub3A_648, %sub3A_649 : vector<512x1024xf32>
    %slice3A_651 = vector.extract_strided_slice %get3A_4 {offsets = [7, 0], sizes = [1, 1024], strides = [1, 1]} : vector<8x1024xf32> to vector<1x1024xf32>
    %sub3A_652 = vector.broadcast %broadcast_in_dim3A_630 : vector<512x1xf32> to vector<512x1024xf32>
    %sub3A_653 = vector.broadcast %slice3A_651 : vector<1x1024xf32> to vector<512x1024xf32>
    %sub3A_654 = arith.subf %sub3A_652, %sub3A_653 : vector<512x1024xf32>
    %slice3A_655 = vector.extract_strided_slice %get3A_7 {offsets = [7, 0], sizes = [1, 1024], strides = [1, 1]} : vector<8x1024xf32> to vector<1x1024xf32>
    %sub3A_656 = vector.broadcast %broadcast_in_dim3A_639 : vector<512x1xf32> to vector<512x1024xf32>
    %sub3A_657 = vector.broadcast %slice3A_655 : vector<1x1024xf32> to vector<512x1024xf32>
    %sub3A_658 = arith.subf %sub3A_656, %sub3A_657 : vector<512x1024xf32>
    %mul3A_659 = arith.mulf %sub3A_650, %sub3A_650 : vector<512x1024xf32>
    %mul3A_660 = arith.mulf %sub3A_654, %sub3A_654 : vector<512x1024xf32>
    %add3A_661 = arith.addf %mul3A_659, %mul3A_660 : vector<512x1024xf32>
    %mul3A_662 = arith.mulf %sub3A_658, %sub3A_658 : vector<512x1024xf32>
    %add3A_663 = arith.addf %add3A_661, %mul3A_662 : vector<512x1024xf32>
    %le3A_664 = arith.constant 4.000000e-02 : f32
    %le3A_665 = vector.broadcast %le3A_664 : f32 to vector<512x1024xf32>
    %le3A_666 = arith.cmpf ole, %add3A_663, %le3A_665 : vector<512x1024xf32>
    %jit3A_667 = arith.constant 0x7F800000 : f32
    %broadcast_in_dim3A_668 = vector.broadcast %jit3A_667 : f32 to vector<512x1024xf32>
    %select_n3A_669 = arith.select %le3A_666, %add3A_663, %broadcast_in_dim3A_668 : vector<512x1024xi1>, vector<512x1024xf32>
    %broadcast_in_dim3A_670 = arith.constant 0 : i32
    %broadcast_in_dim3A_671 = vector.broadcast %broadcast_in_dim3A_670 : i32 to vector<512x32xi32>
    %broadcast_in_dim3A_672 = arith.constant 0 : i32
    %broadcast_in_dim3A_673 = vector.broadcast %broadcast_in_dim3A_672 : i32 to vector<512x32xi32>
    %scan3A_674 = arith.constant 0x7F800000 : f32
    %scan3A_675 = arith.constant 0 : i32
    %scan3A_676 = arith.constant 32 : i32
    %scan3A_677 = arith.addi %scan3A_675, %scan3A_676 : i32
    %scan3A_678 = arith.constant 1 : i32
    %scan3A_679:3 = scf.for %scan3A_1983 = %scan3A_675 to %scan3A_677 step %scan3A_678 iter_args(%scan3A_1984 = %select_n3A_669, %scan3A_1985 = %broadcast_in_dim3A_671, %scan3A_1986 = %broadcast_in_dim3A_673) -> (vector<512x1024xf32>, vector<512x32xi32>, vector<512x32xi32>)  : i32 {
      %reduce_min3A = arith.constant dense<0x7F800000> : vector<512xf32>
      %reduce_min3A_1987 = vector.multi_reduction <minimumf>, %scan3A_1984, %reduce_min3A [1] : vector<512x1024xf32> to vector<512xf32>
      %broadcast_in_dim3A_1988 = vector.shape_cast %reduce_min3A_1987 : vector<512xf32> to vector<512x1xf32>
      %eq3A_1989 = vector.broadcast %broadcast_in_dim3A_1988 : vector<512x1xf32> to vector<512x1024xf32>
      %eq3A_1990 = arith.cmpf oeq, %scan3A_1984, %eq3A_1989 : vector<512x1024xf32>
      %jit3A_1991 = arith.constant 1024 : i32
      %broadcast_in_dim3A_1992 = vector.broadcast %jit3A_1991 : i32 to vector<512x1024xi32>
      %select_n3A_1993 = arith.select %eq3A_1990, %iota3A_61, %broadcast_in_dim3A_1992 : vector<512x1024xi1>, vector<512x1024xi32>
      %reduce_min3A_1994 = arith.constant dense<2147483647> : vector<512xi32>
      %reduce_min3A_1995 = vector.multi_reduction <minsi>, %select_n3A_1993, %reduce_min3A_1994 [1] : vector<512x1024xi32> to vector<512xi32>
      %broadcast_in_dim3A_1996 = vector.shape_cast %reduce_min3A_1995 : vector<512xi32> to vector<512x1xi32>
      %lt3A = vector.broadcast %scan3A_674 : f32 to vector<512x1xf32>
      %lt3A_1997 = arith.cmpf olt, %broadcast_in_dim3A_1988, %lt3A : vector<512x1xf32>
      %convert_element_type3A = arith.extui %lt3A_1997 : vector<512x1xi1> to vector<512x1xi32>
      %eq3A_1998 = vector.broadcast %scan3A_1983 : i32 to vector<512x32xi32>
      %eq3A_1999 = arith.cmpi eq, %iota3A_62, %eq3A_1998 : vector<512x32xi32>
      %broadcast_in_dim3A_2000 = vector.shape_cast %broadcast_in_dim3A_1996 : vector<512x1xi32> to vector<512x1xi32>
      %broadcast_in_dim3A_2001 = vector.broadcast %broadcast_in_dim3A_2000 : vector<512x1xi32> to vector<512x32xi32>
      %select_n3A_2002 = arith.select %eq3A_1999, %broadcast_in_dim3A_2001, %scan3A_1985 : vector<512x32xi1>, vector<512x32xi32>
      %broadcast_in_dim3A_2003 = vector.shape_cast %convert_element_type3A : vector<512x1xi32> to vector<512x1xi32>
      %broadcast_in_dim3A_2004 = vector.broadcast %broadcast_in_dim3A_2003 : vector<512x1xi32> to vector<512x32xi32>
      %select_n3A_2005 = arith.select %eq3A_1999, %broadcast_in_dim3A_2004, %scan3A_1986 : vector<512x32xi1>, vector<512x32xi32>
      %eq3A_2006 = vector.broadcast %broadcast_in_dim3A_1996 : vector<512x1xi32> to vector<512x1024xi32>
      %eq3A_2007 = arith.cmpi eq, %iota3A_61, %eq3A_2006 : vector<512x1024xi32>
      %broadcast_in_dim3A_2008 = vector.broadcast %scan3A_674 : f32 to vector<512x1024xf32>
      %select_n3A_2009 = arith.select %eq3A_2007, %broadcast_in_dim3A_2008, %scan3A_1984 : vector<512x1024xi1>, vector<512x1024xf32>
      scf.yield %select_n3A_2009, %select_n3A_2002, %select_n3A_2005 : vector<512x1024xf32>, vector<512x32xi32>, vector<512x32xi32>
    }
    %scan3A_680 = arith.constant 32 : i32
    %swap3A_681 = arith.constant 7 : index
    %swap3A_682 = arith.constant 0 : index
    %swap3A_683 = arith.constant 0 : index
    %swap3A_684 = vector.load %arg4[%swap3A_681, %swap3A_682, %swap3A_683] : memref<8x512x32xi32, #tpu.memory_space<vmem>>, vector<1x512x32xi32>
    %swap3A_685 = vector.shape_cast %swap3A_684 : vector<1x512x32xi32> to vector<512x32xi32>
    %swap3A_686 = vector.shape_cast %scan3A_679#1 : vector<512x32xi32> to vector<1x512x32xi32>
    tpu.vector_store %arg4[%swap3A_681, %swap3A_682, %swap3A_683], %swap3A_686 {strides = array<i32>} : memref<8x512x32xi32, #tpu.memory_space<vmem>>, vector<1x512x32xi32>,
    %swap3A_687 = arith.constant 7 : index
    %swap3A_688 = arith.constant 0 : index
    %swap3A_689 = arith.constant 0 : index
    %swap3A_690 = vector.load %arg5[%swap3A_687, %swap3A_688, %swap3A_689] : memref<8x512x32xi32, #tpu.memory_space<vmem>>, vector<1x512x32xi32>
    %swap3A_691 = vector.shape_cast %swap3A_690 : vector<1x512x32xi32> to vector<512x32xi32>
    %swap3A_692 = vector.shape_cast %scan3A_679#2 : vector<512x32xi32> to vector<1x512x32xi32>
    tpu.vector_store %arg5[%swap3A_687, %swap3A_688, %swap3A_689], %swap3A_692 {strides = array<i32>} : memref<8x512x32xi32, #tpu.memory_space<vmem>>, vector<1x512x32xi32>,
    %iota3A_693 = tpu.iota {dimensions = array<i32: 0>} : vector<256x256xi32>
    %iota3A_694 = tpu.iota {dimensions = array<i32: 1>} : vector<256x256xi32>
    %eq3A_695 = arith.cmpi eq, %iota3A_693, %iota3A_694 : vector<256x256xi32>
    %iota3A_696 = tpu.iota {dimensions = array<i32: 1>} : vector<256x512xi32>
    %iota3A_697 = tpu.iota {dimensions = array<i32: 1>} : vector<256x32xi32>
    %slice3A_698 = vector.extract_strided_slice %scan3A_39#2 {offsets = [0, 0], sizes = [1, 256], strides = [1, 1]} : vector<8x256xf32> to vector<1x256xf32>
    %jit3A_699 = arith.constant 0.000000e+00 : f32
    %broadcast_in_dim3A_700 = vector.shape_cast %slice3A_698 : vector<1x256xf32> to vector<1x256xf32>
    %broadcast_in_dim3A_701 = vector.broadcast %broadcast_in_dim3A_700 : vector<1x256xf32> to vector<256x256xf32>
    %broadcast_in_dim3A_702 = vector.broadcast %jit3A_699 : f32 to vector<256x256xf32>
    %select_n3A_703 = arith.select %eq3A_695, %broadcast_in_dim3A_701, %broadcast_in_dim3A_702 : vector<256x256xi1>, vector<256x256xf32>
    %reduce_sum3A_704 = arith.constant dense<0.000000e+00> : vector<256xf32>
    %reduce_sum3A_705 = vector.multi_reduction <add>, %select_n3A_703, %reduce_sum3A_704 [1] : vector<256x256xf32> to vector<256xf32>
    %broadcast_in_dim3A_706 = vector.shape_cast %reduce_sum3A_705 : vector<256xf32> to vector<256x1xf32>
    %slice3A_707 = vector.extract_strided_slice %scan3A_39#3 {offsets = [0, 0], sizes = [1, 256], strides = [1, 1]} : vector<8x256xf32> to vector<1x256xf32>
    %jit3A_708 = arith.constant 0.000000e+00 : f32
    %broadcast_in_dim3A_709 = vector.shape_cast %slice3A_707 : vector<1x256xf32> to vector<1x256xf32>
    %broadcast_in_dim3A_710 = vector.broadcast %broadcast_in_dim3A_709 : vector<1x256xf32> to vector<256x256xf32>
    %broadcast_in_dim3A_711 = vector.broadcast %jit3A_708 : f32 to vector<256x256xf32>
    %select_n3A_712 = arith.select %eq3A_695, %broadcast_in_dim3A_710, %broadcast_in_dim3A_711 : vector<256x256xi1>, vector<256x256xf32>
    %reduce_sum3A_713 = arith.constant dense<0.000000e+00> : vector<256xf32>
    %reduce_sum3A_714 = vector.multi_reduction <add>, %select_n3A_712, %reduce_sum3A_713 [1] : vector<256x256xf32> to vector<256xf32>
    %broadcast_in_dim3A_715 = vector.shape_cast %reduce_sum3A_714 : vector<256xf32> to vector<256x1xf32>
    %slice3A_716 = vector.extract_strided_slice %scan3A_39#4 {offsets = [0, 0], sizes = [1, 256], strides = [1, 1]} : vector<8x256xf32> to vector<1x256xf32>
    %jit3A_717 = arith.constant 0.000000e+00 : f32
    %broadcast_in_dim3A_718 = vector.shape_cast %slice3A_716 : vector<1x256xf32> to vector<1x256xf32>
    %broadcast_in_dim3A_719 = vector.broadcast %broadcast_in_dim3A_718 : vector<1x256xf32> to vector<256x256xf32>
    %broadcast_in_dim3A_720 = vector.broadcast %jit3A_717 : f32 to vector<256x256xf32>
    %select_n3A_721 = arith.select %eq3A_695, %broadcast_in_dim3A_719, %broadcast_in_dim3A_720 : vector<256x256xi1>, vector<256x256xf32>
    %reduce_sum3A_722 = arith.constant dense<0.000000e+00> : vector<256xf32>
    %reduce_sum3A_723 = vector.multi_reduction <add>, %select_n3A_721, %reduce_sum3A_722 [1] : vector<256x256xf32> to vector<256xf32>
    %broadcast_in_dim3A_724 = vector.shape_cast %reduce_sum3A_723 : vector<256xf32> to vector<256x1xf32>
    %concatenate3A_725 = tpu.concatenate %broadcast_in_dim3A_706, %broadcast_in_dim3A_715, %broadcast_in_dim3A_724 in 1 : vector<256x1xf32>, vector<256x1xf32>, vector<256x1xf32> -> vector<256x3xf32>
    %swap3A_726 = arith.constant 0 : index
    %swap3A_727 = arith.constant 0 : index
    %swap3A_728 = arith.constant 0 : index
    %swap3A_729 = vector.load %arg6[%swap3A_726, %swap3A_727, %swap3A_728] : memref<8x256x3xf32, #tpu.memory_space<vmem>>, vector<1x256x3xf32>
    %swap3A_730 = vector.shape_cast %swap3A_729 : vector<1x256x3xf32> to vector<256x3xf32>
    %swap3A_731 = vector.shape_cast %concatenate3A_725 : vector<256x3xf32> to vector<1x256x3xf32>
    tpu.vector_store %arg6[%swap3A_726, %swap3A_727, %swap3A_728], %swap3A_731 {strides = array<i32>} : memref<8x256x3xf32, #tpu.memory_space<vmem>>, vector<1x256x3xf32>,
    %slice3A_732 = vector.extract_strided_slice %scan3A_21#2 {offsets = [0, 0], sizes = [1, 512], strides = [1, 1]} : vector<8x512xf32> to vector<1x512xf32>
    %sub3A_733 = vector.broadcast %broadcast_in_dim3A_706 : vector<256x1xf32> to vector<256x512xf32>
    %sub3A_734 = vector.broadcast %slice3A_732 : vector<1x512xf32> to vector<256x512xf32>
    %sub3A_735 = arith.subf %sub3A_733, %sub3A_734 : vector<256x512xf32>
    %slice3A_736 = vector.extract_strided_slice %scan3A_21#3 {offsets = [0, 0], sizes = [1, 512], strides = [1, 1]} : vector<8x512xf32> to vector<1x512xf32>
    %sub3A_737 = vector.broadcast %broadcast_in_dim3A_715 : vector<256x1xf32> to vector<256x512xf32>
    %sub3A_738 = vector.broadcast %slice3A_736 : vector<1x512xf32> to vector<256x512xf32>
    %sub3A_739 = arith.subf %sub3A_737, %sub3A_738 : vector<256x512xf32>
    %slice3A_740 = vector.extract_strided_slice %scan3A_21#4 {offsets = [0, 0], sizes = [1, 512], strides = [1, 1]} : vector<8x512xf32> to vector<1x512xf32>
    %sub3A_741 = vector.broadcast %broadcast_in_dim3A_724 : vector<256x1xf32> to vector<256x512xf32>
    %sub3A_742 = vector.broadcast %slice3A_740 : vector<1x512xf32> to vector<256x512xf32>
    %sub3A_743 = arith.subf %sub3A_741, %sub3A_742 : vector<256x512xf32>
    %mul3A_744 = arith.mulf %sub3A_735, %sub3A_735 : vector<256x512xf32>
    %mul3A_745 = arith.mulf %sub3A_739, %sub3A_739 : vector<256x512xf32>
    %add3A_746 = arith.addf %mul3A_744, %mul3A_745 : vector<256x512xf32>
    %mul3A_747 = arith.mulf %sub3A_743, %sub3A_743 : vector<256x512xf32>
    %add3A_748 = arith.addf %add3A_746, %mul3A_747 : vector<256x512xf32>
    %le3A_749 = arith.constant 9.000000e-02 : f32
    %le3A_750 = vector.broadcast %le3A_749 : f32 to vector<256x512xf32>
    %le3A_751 = arith.cmpf ole, %add3A_748, %le3A_750 : vector<256x512xf32>
    %jit3A_752 = arith.constant 0x7F800000 : f32
    %broadcast_in_dim3A_753 = vector.broadcast %jit3A_752 : f32 to vector<256x512xf32>
    %select_n3A_754 = arith.select %le3A_751, %add3A_748, %broadcast_in_dim3A_753 : vector<256x512xi1>, vector<256x512xf32>
    %broadcast_in_dim3A_755 = arith.constant 0 : i32
    %broadcast_in_dim3A_756 = vector.broadcast %broadcast_in_dim3A_755 : i32 to vector<256x32xi32>
    %broadcast_in_dim3A_757 = arith.constant 0 : i32
    %broadcast_in_dim3A_758 = vector.broadcast %broadcast_in_dim3A_757 : i32 to vector<256x32xi32>
    %scan3A_759 = arith.constant 0x7F800000 : f32
    %scan3A_760 = arith.constant 0 : i32
    %scan3A_761 = arith.constant 32 : i32
    %scan3A_762 = arith.addi %scan3A_760, %scan3A_761 : i32
    %scan3A_763 = arith.constant 1 : i32
    %scan3A_764:3 = scf.for %scan3A_1983 = %scan3A_760 to %scan3A_762 step %scan3A_763 iter_args(%scan3A_1984 = %select_n3A_754, %scan3A_1985 = %broadcast_in_dim3A_756, %scan3A_1986 = %broadcast_in_dim3A_758) -> (vector<256x512xf32>, vector<256x32xi32>, vector<256x32xi32>)  : i32 {
      %reduce_min3A = arith.constant dense<0x7F800000> : vector<256xf32>
      %reduce_min3A_1987 = vector.multi_reduction <minimumf>, %scan3A_1984, %reduce_min3A [1] : vector<256x512xf32> to vector<256xf32>
      %broadcast_in_dim3A_1988 = vector.shape_cast %reduce_min3A_1987 : vector<256xf32> to vector<256x1xf32>
      %eq3A_1989 = vector.broadcast %broadcast_in_dim3A_1988 : vector<256x1xf32> to vector<256x512xf32>
      %eq3A_1990 = arith.cmpf oeq, %scan3A_1984, %eq3A_1989 : vector<256x512xf32>
      %jit3A_1991 = arith.constant 512 : i32
      %broadcast_in_dim3A_1992 = vector.broadcast %jit3A_1991 : i32 to vector<256x512xi32>
      %select_n3A_1993 = arith.select %eq3A_1990, %iota3A_696, %broadcast_in_dim3A_1992 : vector<256x512xi1>, vector<256x512xi32>
      %reduce_min3A_1994 = arith.constant dense<2147483647> : vector<256xi32>
      %reduce_min3A_1995 = vector.multi_reduction <minsi>, %select_n3A_1993, %reduce_min3A_1994 [1] : vector<256x512xi32> to vector<256xi32>
      %broadcast_in_dim3A_1996 = vector.shape_cast %reduce_min3A_1995 : vector<256xi32> to vector<256x1xi32>
      %lt3A = vector.broadcast %scan3A_759 : f32 to vector<256x1xf32>
      %lt3A_1997 = arith.cmpf olt, %broadcast_in_dim3A_1988, %lt3A : vector<256x1xf32>
      %convert_element_type3A = arith.extui %lt3A_1997 : vector<256x1xi1> to vector<256x1xi32>
      %eq3A_1998 = vector.broadcast %scan3A_1983 : i32 to vector<256x32xi32>
      %eq3A_1999 = arith.cmpi eq, %iota3A_697, %eq3A_1998 : vector<256x32xi32>
      %broadcast_in_dim3A_2000 = vector.shape_cast %broadcast_in_dim3A_1996 : vector<256x1xi32> to vector<256x1xi32>
      %broadcast_in_dim3A_2001 = vector.broadcast %broadcast_in_dim3A_2000 : vector<256x1xi32> to vector<256x32xi32>
      %select_n3A_2002 = arith.select %eq3A_1999, %broadcast_in_dim3A_2001, %scan3A_1985 : vector<256x32xi1>, vector<256x32xi32>
      %broadcast_in_dim3A_2003 = vector.shape_cast %convert_element_type3A : vector<256x1xi32> to vector<256x1xi32>
      %broadcast_in_dim3A_2004 = vector.broadcast %broadcast_in_dim3A_2003 : vector<256x1xi32> to vector<256x32xi32>
      %select_n3A_2005 = arith.select %eq3A_1999, %broadcast_in_dim3A_2004, %scan3A_1986 : vector<256x32xi1>, vector<256x32xi32>
      %eq3A_2006 = vector.broadcast %broadcast_in_dim3A_1996 : vector<256x1xi32> to vector<256x512xi32>
      %eq3A_2007 = arith.cmpi eq, %iota3A_696, %eq3A_2006 : vector<256x512xi32>
      %broadcast_in_dim3A_2008 = vector.broadcast %scan3A_759 : f32 to vector<256x512xf32>
      %select_n3A_2009 = arith.select %eq3A_2007, %broadcast_in_dim3A_2008, %scan3A_1984 : vector<256x512xi1>, vector<256x512xf32>
      scf.yield %select_n3A_2009, %select_n3A_2002, %select_n3A_2005 : vector<256x512xf32>, vector<256x32xi32>, vector<256x32xi32>
    }
    %scan3A_765 = arith.constant 32 : i32
    %swap3A_766 = arith.constant 0 : index
    %swap3A_767 = arith.constant 0 : index
    %swap3A_768 = arith.constant 0 : index
    %swap3A_769 = vector.load %arg7[%swap3A_766, %swap3A_767, %swap3A_768] : memref<8x256x32xi32, #tpu.memory_space<vmem>>, vector<1x256x32xi32>
    %swap3A_770 = vector.shape_cast %swap3A_769 : vector<1x256x32xi32> to vector<256x32xi32>
    %swap3A_771 = vector.shape_cast %scan3A_764#1 : vector<256x32xi32> to vector<1x256x32xi32>
    tpu.vector_store %arg7[%swap3A_766, %swap3A_767, %swap3A_768], %swap3A_771 {strides = array<i32>} : memref<8x256x32xi32, #tpu.memory_space<vmem>>, vector<1x256x32xi32>,
    %swap3A_772 = arith.constant 0 : index
    %swap3A_773 = arith.constant 0 : index
    %swap3A_774 = arith.constant 0 : index
    %swap3A_775 = vector.load %arg8[%swap3A_772, %swap3A_773, %swap3A_774] : memref<8x256x32xi32, #tpu.memory_space<vmem>>, vector<1x256x32xi32>
    %swap3A_776 = vector.shape_cast %swap3A_775 : vector<1x256x32xi32> to vector<256x32xi32>
    %swap3A_777 = vector.shape_cast %scan3A_764#2 : vector<256x32xi32> to vector<1x256x32xi32>
    tpu.vector_store %arg8[%swap3A_772, %swap3A_773, %swap3A_774], %swap3A_777 {strides = array<i32>} : memref<8x256x32xi32, #tpu.memory_space<vmem>>, vector<1x256x32xi32>,
    %slice3A_778 = vector.extract_strided_slice %scan3A_39#2 {offsets = [1, 0], sizes = [1, 256], strides = [1, 1]} : vector<8x256xf32> to vector<1x256xf32>
    %jit3A_779 = arith.constant 0.000000e+00 : f32
    %broadcast_in_dim3A_780 = vector.shape_cast %slice3A_778 : vector<1x256xf32> to vector<1x256xf32>
    %broadcast_in_dim3A_781 = vector.broadcast %broadcast_in_dim3A_780 : vector<1x256xf32> to vector<256x256xf32>
    %broadcast_in_dim3A_782 = vector.broadcast %jit3A_779 : f32 to vector<256x256xf32>
    %select_n3A_783 = arith.select %eq3A_695, %broadcast_in_dim3A_781, %broadcast_in_dim3A_782 : vector<256x256xi1>, vector<256x256xf32>
    %reduce_sum3A_784 = arith.constant dense<0.000000e+00> : vector<256xf32>
    %reduce_sum3A_785 = vector.multi_reduction <add>, %select_n3A_783, %reduce_sum3A_784 [1] : vector<256x256xf32> to vector<256xf32>
    %broadcast_in_dim3A_786 = vector.shape_cast %reduce_sum3A_785 : vector<256xf32> to vector<256x1xf32>
    %slice3A_787 = vector.extract_strided_slice %scan3A_39#3 {offsets = [1, 0], sizes = [1, 256], strides = [1, 1]} : vector<8x256xf32> to vector<1x256xf32>
    %jit3A_788 = arith.constant 0.000000e+00 : f32
    %broadcast_in_dim3A_789 = vector.shape_cast %slice3A_787 : vector<1x256xf32> to vector<1x256xf32>
    %broadcast_in_dim3A_790 = vector.broadcast %broadcast_in_dim3A_789 : vector<1x256xf32> to vector<256x256xf32>
    %broadcast_in_dim3A_791 = vector.broadcast %jit3A_788 : f32 to vector<256x256xf32>
    %select_n3A_792 = arith.select %eq3A_695, %broadcast_in_dim3A_790, %broadcast_in_dim3A_791 : vector<256x256xi1>, vector<256x256xf32>
    %reduce_sum3A_793 = arith.constant dense<0.000000e+00> : vector<256xf32>
    %reduce_sum3A_794 = vector.multi_reduction <add>, %select_n3A_792, %reduce_sum3A_793 [1] : vector<256x256xf32> to vector<256xf32>
    %broadcast_in_dim3A_795 = vector.shape_cast %reduce_sum3A_794 : vector<256xf32> to vector<256x1xf32>
    %slice3A_796 = vector.extract_strided_slice %scan3A_39#4 {offsets = [1, 0], sizes = [1, 256], strides = [1, 1]} : vector<8x256xf32> to vector<1x256xf32>
    %jit3A_797 = arith.constant 0.000000e+00 : f32
    %broadcast_in_dim3A_798 = vector.shape_cast %slice3A_796 : vector<1x256xf32> to vector<1x256xf32>
    %broadcast_in_dim3A_799 = vector.broadcast %broadcast_in_dim3A_798 : vector<1x256xf32> to vector<256x256xf32>
    %broadcast_in_dim3A_800 = vector.broadcast %jit3A_797 : f32 to vector<256x256xf32>
    %select_n3A_801 = arith.select %eq3A_695, %broadcast_in_dim3A_799, %broadcast_in_dim3A_800 : vector<256x256xi1>, vector<256x256xf32>
    %reduce_sum3A_802 = arith.constant dense<0.000000e+00> : vector<256xf32>
    %reduce_sum3A_803 = vector.multi_reduction <add>, %select_n3A_801, %reduce_sum3A_802 [1] : vector<256x256xf32> to vector<256xf32>
    %broadcast_in_dim3A_804 = vector.shape_cast %reduce_sum3A_803 : vector<256xf32> to vector<256x1xf32>
    %concatenate3A_805 = tpu.concatenate %broadcast_in_dim3A_786, %broadcast_in_dim3A_795, %broadcast_in_dim3A_804 in 1 : vector<256x1xf32>, vector<256x1xf32>, vector<256x1xf32> -> vector<256x3xf32>
    %swap3A_806 = arith.constant 1 : index
    %swap3A_807 = arith.constant 0 : index
    %swap3A_808 = arith.constant 0 : index
    %swap3A_809 = vector.load %arg6[%swap3A_806, %swap3A_807, %swap3A_808] : memref<8x256x3xf32, #tpu.memory_space<vmem>>, vector<1x256x3xf32>
    %swap3A_810 = vector.shape_cast %swap3A_809 : vector<1x256x3xf32> to vector<256x3xf32>
    %swap3A_811 = vector.shape_cast %concatenate3A_805 : vector<256x3xf32> to vector<1x256x3xf32>
    tpu.vector_store %arg6[%swap3A_806, %swap3A_807, %swap3A_808], %swap3A_811 {strides = array<i32>} : memref<8x256x3xf32, #tpu.memory_space<vmem>>, vector<1x256x3xf32>,
    %slice3A_812 = vector.extract_strided_slice %scan3A_21#2 {offsets = [1, 0], sizes = [1, 512], strides = [1, 1]} : vector<8x512xf32> to vector<1x512xf32>
    %sub3A_813 = vector.broadcast %broadcast_in_dim3A_786 : vector<256x1xf32> to vector<256x512xf32>
    %sub3A_814 = vector.broadcast %slice3A_812 : vector<1x512xf32> to vector<256x512xf32>
    %sub3A_815 = arith.subf %sub3A_813, %sub3A_814 : vector<256x512xf32>
    %slice3A_816 = vector.extract_strided_slice %scan3A_21#3 {offsets = [1, 0], sizes = [1, 512], strides = [1, 1]} : vector<8x512xf32> to vector<1x512xf32>
    %sub3A_817 = vector.broadcast %broadcast_in_dim3A_795 : vector<256x1xf32> to vector<256x512xf32>
    %sub3A_818 = vector.broadcast %slice3A_816 : vector<1x512xf32> to vector<256x512xf32>
    %sub3A_819 = arith.subf %sub3A_817, %sub3A_818 : vector<256x512xf32>
    %slice3A_820 = vector.extract_strided_slice %scan3A_21#4 {offsets = [1, 0], sizes = [1, 512], strides = [1, 1]} : vector<8x512xf32> to vector<1x512xf32>
    %sub3A_821 = vector.broadcast %broadcast_in_dim3A_804 : vector<256x1xf32> to vector<256x512xf32>
    %sub3A_822 = vector.broadcast %slice3A_820 : vector<1x512xf32> to vector<256x512xf32>
    %sub3A_823 = arith.subf %sub3A_821, %sub3A_822 : vector<256x512xf32>
    %mul3A_824 = arith.mulf %sub3A_815, %sub3A_815 : vector<256x512xf32>
    %mul3A_825 = arith.mulf %sub3A_819, %sub3A_819 : vector<256x512xf32>
    %add3A_826 = arith.addf %mul3A_824, %mul3A_825 : vector<256x512xf32>
    %mul3A_827 = arith.mulf %sub3A_823, %sub3A_823 : vector<256x512xf32>
    %add3A_828 = arith.addf %add3A_826, %mul3A_827 : vector<256x512xf32>
    %le3A_829 = arith.constant 9.000000e-02 : f32
    %le3A_830 = vector.broadcast %le3A_829 : f32 to vector<256x512xf32>
    %le3A_831 = arith.cmpf ole, %add3A_828, %le3A_830 : vector<256x512xf32>
    %jit3A_832 = arith.constant 0x7F800000 : f32
    %broadcast_in_dim3A_833 = vector.broadcast %jit3A_832 : f32 to vector<256x512xf32>
    %select_n3A_834 = arith.select %le3A_831, %add3A_828, %broadcast_in_dim3A_833 : vector<256x512xi1>, vector<256x512xf32>
    %broadcast_in_dim3A_835 = arith.constant 0 : i32
    %broadcast_in_dim3A_836 = vector.broadcast %broadcast_in_dim3A_835 : i32 to vector<256x32xi32>
    %broadcast_in_dim3A_837 = arith.constant 0 : i32
    %broadcast_in_dim3A_838 = vector.broadcast %broadcast_in_dim3A_837 : i32 to vector<256x32xi32>
    %scan3A_839 = arith.constant 0x7F800000 : f32
    %scan3A_840 = arith.constant 0 : i32
    %scan3A_841 = arith.constant 32 : i32
    %scan3A_842 = arith.addi %scan3A_840, %scan3A_841 : i32
    %scan3A_843 = arith.constant 1 : i32
    %scan3A_844:3 = scf.for %scan3A_1983 = %scan3A_840 to %scan3A_842 step %scan3A_843 iter_args(%scan3A_1984 = %select_n3A_834, %scan3A_1985 = %broadcast_in_dim3A_836, %scan3A_1986 = %broadcast_in_dim3A_838) -> (vector<256x512xf32>, vector<256x32xi32>, vector<256x32xi32>)  : i32 {
      %reduce_min3A = arith.constant dense<0x7F800000> : vector<256xf32>
      %reduce_min3A_1987 = vector.multi_reduction <minimumf>, %scan3A_1984, %reduce_min3A [1] : vector<256x512xf32> to vector<256xf32>
      %broadcast_in_dim3A_1988 = vector.shape_cast %reduce_min3A_1987 : vector<256xf32> to vector<256x1xf32>
      %eq3A_1989 = vector.broadcast %broadcast_in_dim3A_1988 : vector<256x1xf32> to vector<256x512xf32>
      %eq3A_1990 = arith.cmpf oeq, %scan3A_1984, %eq3A_1989 : vector<256x512xf32>
      %jit3A_1991 = arith.constant 512 : i32
      %broadcast_in_dim3A_1992 = vector.broadcast %jit3A_1991 : i32 to vector<256x512xi32>
      %select_n3A_1993 = arith.select %eq3A_1990, %iota3A_696, %broadcast_in_dim3A_1992 : vector<256x512xi1>, vector<256x512xi32>
      %reduce_min3A_1994 = arith.constant dense<2147483647> : vector<256xi32>
      %reduce_min3A_1995 = vector.multi_reduction <minsi>, %select_n3A_1993, %reduce_min3A_1994 [1] : vector<256x512xi32> to vector<256xi32>
      %broadcast_in_dim3A_1996 = vector.shape_cast %reduce_min3A_1995 : vector<256xi32> to vector<256x1xi32>
      %lt3A = vector.broadcast %scan3A_839 : f32 to vector<256x1xf32>
      %lt3A_1997 = arith.cmpf olt, %broadcast_in_dim3A_1988, %lt3A : vector<256x1xf32>
      %convert_element_type3A = arith.extui %lt3A_1997 : vector<256x1xi1> to vector<256x1xi32>
      %eq3A_1998 = vector.broadcast %scan3A_1983 : i32 to vector<256x32xi32>
      %eq3A_1999 = arith.cmpi eq, %iota3A_697, %eq3A_1998 : vector<256x32xi32>
      %broadcast_in_dim3A_2000 = vector.shape_cast %broadcast_in_dim3A_1996 : vector<256x1xi32> to vector<256x1xi32>
      %broadcast_in_dim3A_2001 = vector.broadcast %broadcast_in_dim3A_2000 : vector<256x1xi32> to vector<256x32xi32>
      %select_n3A_2002 = arith.select %eq3A_1999, %broadcast_in_dim3A_2001, %scan3A_1985 : vector<256x32xi1>, vector<256x32xi32>
      %broadcast_in_dim3A_2003 = vector.shape_cast %convert_element_type3A : vector<256x1xi32> to vector<256x1xi32>
      %broadcast_in_dim3A_2004 = vector.broadcast %broadcast_in_dim3A_2003 : vector<256x1xi32> to vector<256x32xi32>
      %select_n3A_2005 = arith.select %eq3A_1999, %broadcast_in_dim3A_2004, %scan3A_1986 : vector<256x32xi1>, vector<256x32xi32>
      %eq3A_2006 = vector.broadcast %broadcast_in_dim3A_1996 : vector<256x1xi32> to vector<256x512xi32>
      %eq3A_2007 = arith.cmpi eq, %iota3A_696, %eq3A_2006 : vector<256x512xi32>
      %broadcast_in_dim3A_2008 = vector.broadcast %scan3A_839 : f32 to vector<256x512xf32>
      %select_n3A_2009 = arith.select %eq3A_2007, %broadcast_in_dim3A_2008, %scan3A_1984 : vector<256x512xi1>, vector<256x512xf32>
      scf.yield %select_n3A_2009, %select_n3A_2002, %select_n3A_2005 : vector<256x512xf32>, vector<256x32xi32>, vector<256x32xi32>
    }
    %scan3A_845 = arith.constant 32 : i32
    %swap3A_846 = arith.constant 1 : index
    %swap3A_847 = arith.constant 0 : index
    %swap3A_848 = arith.constant 0 : index
    %swap3A_849 = vector.load %arg7[%swap3A_846, %swap3A_847, %swap3A_848] : memref<8x256x32xi32, #tpu.memory_space<vmem>>, vector<1x256x32xi32>
    %swap3A_850 = vector.shape_cast %swap3A_849 : vector<1x256x32xi32> to vector<256x32xi32>
    %swap3A_851 = vector.shape_cast %scan3A_844#1 : vector<256x32xi32> to vector<1x256x32xi32>
    tpu.vector_store %arg7[%swap3A_846, %swap3A_847, %swap3A_848], %swap3A_851 {strides = array<i32>} : memref<8x256x32xi32, #tpu.memory_space<vmem>>, vector<1x256x32xi32>,
    %swap3A_852 = arith.constant 1 : index
    %swap3A_853 = arith.constant 0 : index
    %swap3A_854 = arith.constant 0 : index
    %swap3A_855 = vector.load %arg8[%swap3A_852, %swap3A_853, %swap3A_854] : memref<8x256x32xi32, #tpu.memory_space<vmem>>, vector<1x256x32xi32>
    %swap3A_856 = vector.shape_cast %swap3A_855 : vector<1x256x32xi32> to vector<256x32xi32>
    %swap3A_857 = vector.shape_cast %scan3A_844#2 : vector<256x32xi32> to vector<1x256x32xi32>
    tpu.vector_store %arg8[%swap3A_852, %swap3A_853, %swap3A_854], %swap3A_857 {strides = array<i32>} : memref<8x256x32xi32, #tpu.memory_space<vmem>>, vector<1x256x32xi32>,
    %slice3A_858 = vector.extract_strided_slice %scan3A_39#2 {offsets = [2, 0], sizes = [1, 256], strides = [1, 1]} : vector<8x256xf32> to vector<1x256xf32>
    %jit3A_859 = arith.constant 0.000000e+00 : f32
    %broadcast_in_dim3A_860 = vector.shape_cast %slice3A_858 : vector<1x256xf32> to vector<1x256xf32>
    %broadcast_in_dim3A_861 = vector.broadcast %broadcast_in_dim3A_860 : vector<1x256xf32> to vector<256x256xf32>
    %broadcast_in_dim3A_862 = vector.broadcast %jit3A_859 : f32 to vector<256x256xf32>
    %select_n3A_863 = arith.select %eq3A_695, %broadcast_in_dim3A_861, %broadcast_in_dim3A_862 : vector<256x256xi1>, vector<256x256xf32>
    %reduce_sum3A_864 = arith.constant dense<0.000000e+00> : vector<256xf32>
    %reduce_sum3A_865 = vector.multi_reduction <add>, %select_n3A_863, %reduce_sum3A_864 [1] : vector<256x256xf32> to vector<256xf32>
    %broadcast_in_dim3A_866 = vector.shape_cast %reduce_sum3A_865 : vector<256xf32> to vector<256x1xf32>
    %slice3A_867 = vector.extract_strided_slice %scan3A_39#3 {offsets = [2, 0], sizes = [1, 256], strides = [1, 1]} : vector<8x256xf32> to vector<1x256xf32>
    %jit3A_868 = arith.constant 0.000000e+00 : f32
    %broadcast_in_dim3A_869 = vector.shape_cast %slice3A_867 : vector<1x256xf32> to vector<1x256xf32>
    %broadcast_in_dim3A_870 = vector.broadcast %broadcast_in_dim3A_869 : vector<1x256xf32> to vector<256x256xf32>
    %broadcast_in_dim3A_871 = vector.broadcast %jit3A_868 : f32 to vector<256x256xf32>
    %select_n3A_872 = arith.select %eq3A_695, %broadcast_in_dim3A_870, %broadcast_in_dim3A_871 : vector<256x256xi1>, vector<256x256xf32>
    %reduce_sum3A_873 = arith.constant dense<0.000000e+00> : vector<256xf32>
    %reduce_sum3A_874 = vector.multi_reduction <add>, %select_n3A_872, %reduce_sum3A_873 [1] : vector<256x256xf32> to vector<256xf32>
    %broadcast_in_dim3A_875 = vector.shape_cast %reduce_sum3A_874 : vector<256xf32> to vector<256x1xf32>
    %slice3A_876 = vector.extract_strided_slice %scan3A_39#4 {offsets = [2, 0], sizes = [1, 256], strides = [1, 1]} : vector<8x256xf32> to vector<1x256xf32>
    %jit3A_877 = arith.constant 0.000000e+00 : f32
    %broadcast_in_dim3A_878 = vector.shape_cast %slice3A_876 : vector<1x256xf32> to vector<1x256xf32>
    %broadcast_in_dim3A_879 = vector.broadcast %broadcast_in_dim3A_878 : vector<1x256xf32> to vector<256x256xf32>
    %broadcast_in_dim3A_880 = vector.broadcast %jit3A_877 : f32 to vector<256x256xf32>
    %select_n3A_881 = arith.select %eq3A_695, %broadcast_in_dim3A_879, %broadcast_in_dim3A_880 : vector<256x256xi1>, vector<256x256xf32>
    %reduce_sum3A_882 = arith.constant dense<0.000000e+00> : vector<256xf32>
    %reduce_sum3A_883 = vector.multi_reduction <add>, %select_n3A_881, %reduce_sum3A_882 [1] : vector<256x256xf32> to vector<256xf32>
    %broadcast_in_dim3A_884 = vector.shape_cast %reduce_sum3A_883 : vector<256xf32> to vector<256x1xf32>
    %concatenate3A_885 = tpu.concatenate %broadcast_in_dim3A_866, %broadcast_in_dim3A_875, %broadcast_in_dim3A_884 in 1 : vector<256x1xf32>, vector<256x1xf32>, vector<256x1xf32> -> vector<256x3xf32>
    %swap3A_886 = arith.constant 2 : index
    %swap3A_887 = arith.constant 0 : index
    %swap3A_888 = arith.constant 0 : index
    %swap3A_889 = vector.load %arg6[%swap3A_886, %swap3A_887, %swap3A_888] : memref<8x256x3xf32, #tpu.memory_space<vmem>>, vector<1x256x3xf32>
    %swap3A_890 = vector.shape_cast %swap3A_889 : vector<1x256x3xf32> to vector<256x3xf32>
    %swap3A_891 = vector.shape_cast %concatenate3A_885 : vector<256x3xf32> to vector<1x256x3xf32>
    tpu.vector_store %arg6[%swap3A_886, %swap3A_887, %swap3A_888], %swap3A_891 {strides = array<i32>} : memref<8x256x3xf32, #tpu.memory_space<vmem>>, vector<1x256x3xf32>,
    %slice3A_892 = vector.extract_strided_slice %scan3A_21#2 {offsets = [2, 0], sizes = [1, 512], strides = [1, 1]} : vector<8x512xf32> to vector<1x512xf32>
    %sub3A_893 = vector.broadcast %broadcast_in_dim3A_866 : vector<256x1xf32> to vector<256x512xf32>
    %sub3A_894 = vector.broadcast %slice3A_892 : vector<1x512xf32> to vector<256x512xf32>
    %sub3A_895 = arith.subf %sub3A_893, %sub3A_894 : vector<256x512xf32>
    %slice3A_896 = vector.extract_strided_slice %scan3A_21#3 {offsets = [2, 0], sizes = [1, 512], strides = [1, 1]} : vector<8x512xf32> to vector<1x512xf32>
    %sub3A_897 = vector.broadcast %broadcast_in_dim3A_875 : vector<256x1xf32> to vector<256x512xf32>
    %sub3A_898 = vector.broadcast %slice3A_896 : vector<1x512xf32> to vector<256x512xf32>
    %sub3A_899 = arith.subf %sub3A_897, %sub3A_898 : vector<256x512xf32>
    %slice3A_900 = vector.extract_strided_slice %scan3A_21#4 {offsets = [2, 0], sizes = [1, 512], strides = [1, 1]} : vector<8x512xf32> to vector<1x512xf32>
    %sub3A_901 = vector.broadcast %broadcast_in_dim3A_884 : vector<256x1xf32> to vector<256x512xf32>
    %sub3A_902 = vector.broadcast %slice3A_900 : vector<1x512xf32> to vector<256x512xf32>
    %sub3A_903 = arith.subf %sub3A_901, %sub3A_902 : vector<256x512xf32>
    %mul3A_904 = arith.mulf %sub3A_895, %sub3A_895 : vector<256x512xf32>
    %mul3A_905 = arith.mulf %sub3A_899, %sub3A_899 : vector<256x512xf32>
    %add3A_906 = arith.addf %mul3A_904, %mul3A_905 : vector<256x512xf32>
    %mul3A_907 = arith.mulf %sub3A_903, %sub3A_903 : vector<256x512xf32>
    %add3A_908 = arith.addf %add3A_906, %mul3A_907 : vector<256x512xf32>
    %le3A_909 = arith.constant 9.000000e-02 : f32
    %le3A_910 = vector.broadcast %le3A_909 : f32 to vector<256x512xf32>
    %le3A_911 = arith.cmpf ole, %add3A_908, %le3A_910 : vector<256x512xf32>
    %jit3A_912 = arith.constant 0x7F800000 : f32
    %broadcast_in_dim3A_913 = vector.broadcast %jit3A_912 : f32 to vector<256x512xf32>
    %select_n3A_914 = arith.select %le3A_911, %add3A_908, %broadcast_in_dim3A_913 : vector<256x512xi1>, vector<256x512xf32>
    %broadcast_in_dim3A_915 = arith.constant 0 : i32
    %broadcast_in_dim3A_916 = vector.broadcast %broadcast_in_dim3A_915 : i32 to vector<256x32xi32>
    %broadcast_in_dim3A_917 = arith.constant 0 : i32
    %broadcast_in_dim3A_918 = vector.broadcast %broadcast_in_dim3A_917 : i32 to vector<256x32xi32>
    %scan3A_919 = arith.constant 0x7F800000 : f32
    %scan3A_920 = arith.constant 0 : i32
    %scan3A_921 = arith.constant 32 : i32
    %scan3A_922 = arith.addi %scan3A_920, %scan3A_921 : i32
    %scan3A_923 = arith.constant 1 : i32
    %scan3A_924:3 = scf.for %scan3A_1983 = %scan3A_920 to %scan3A_922 step %scan3A_923 iter_args(%scan3A_1984 = %select_n3A_914, %scan3A_1985 = %broadcast_in_dim3A_916, %scan3A_1986 = %broadcast_in_dim3A_918) -> (vector<256x512xf32>, vector<256x32xi32>, vector<256x32xi32>)  : i32 {
      %reduce_min3A = arith.constant dense<0x7F800000> : vector<256xf32>
      %reduce_min3A_1987 = vector.multi_reduction <minimumf>, %scan3A_1984, %reduce_min3A [1] : vector<256x512xf32> to vector<256xf32>
      %broadcast_in_dim3A_1988 = vector.shape_cast %reduce_min3A_1987 : vector<256xf32> to vector<256x1xf32>
      %eq3A_1989 = vector.broadcast %broadcast_in_dim3A_1988 : vector<256x1xf32> to vector<256x512xf32>
      %eq3A_1990 = arith.cmpf oeq, %scan3A_1984, %eq3A_1989 : vector<256x512xf32>
      %jit3A_1991 = arith.constant 512 : i32
      %broadcast_in_dim3A_1992 = vector.broadcast %jit3A_1991 : i32 to vector<256x512xi32>
      %select_n3A_1993 = arith.select %eq3A_1990, %iota3A_696, %broadcast_in_dim3A_1992 : vector<256x512xi1>, vector<256x512xi32>
      %reduce_min3A_1994 = arith.constant dense<2147483647> : vector<256xi32>
      %reduce_min3A_1995 = vector.multi_reduction <minsi>, %select_n3A_1993, %reduce_min3A_1994 [1] : vector<256x512xi32> to vector<256xi32>
      %broadcast_in_dim3A_1996 = vector.shape_cast %reduce_min3A_1995 : vector<256xi32> to vector<256x1xi32>
      %lt3A = vector.broadcast %scan3A_919 : f32 to vector<256x1xf32>
      %lt3A_1997 = arith.cmpf olt, %broadcast_in_dim3A_1988, %lt3A : vector<256x1xf32>
      %convert_element_type3A = arith.extui %lt3A_1997 : vector<256x1xi1> to vector<256x1xi32>
      %eq3A_1998 = vector.broadcast %scan3A_1983 : i32 to vector<256x32xi32>
      %eq3A_1999 = arith.cmpi eq, %iota3A_697, %eq3A_1998 : vector<256x32xi32>
      %broadcast_in_dim3A_2000 = vector.shape_cast %broadcast_in_dim3A_1996 : vector<256x1xi32> to vector<256x1xi32>
      %broadcast_in_dim3A_2001 = vector.broadcast %broadcast_in_dim3A_2000 : vector<256x1xi32> to vector<256x32xi32>
      %select_n3A_2002 = arith.select %eq3A_1999, %broadcast_in_dim3A_2001, %scan3A_1985 : vector<256x32xi1>, vector<256x32xi32>
      %broadcast_in_dim3A_2003 = vector.shape_cast %convert_element_type3A : vector<256x1xi32> to vector<256x1xi32>
      %broadcast_in_dim3A_2004 = vector.broadcast %broadcast_in_dim3A_2003 : vector<256x1xi32> to vector<256x32xi32>
      %select_n3A_2005 = arith.select %eq3A_1999, %broadcast_in_dim3A_2004, %scan3A_1986 : vector<256x32xi1>, vector<256x32xi32>
      %eq3A_2006 = vector.broadcast %broadcast_in_dim3A_1996 : vector<256x1xi32> to vector<256x512xi32>
      %eq3A_2007 = arith.cmpi eq, %iota3A_696, %eq3A_2006 : vector<256x512xi32>
      %broadcast_in_dim3A_2008 = vector.broadcast %scan3A_919 : f32 to vector<256x512xf32>
      %select_n3A_2009 = arith.select %eq3A_2007, %broadcast_in_dim3A_2008, %scan3A_1984 : vector<256x512xi1>, vector<256x512xf32>
      scf.yield %select_n3A_2009, %select_n3A_2002, %select_n3A_2005 : vector<256x512xf32>, vector<256x32xi32>, vector<256x32xi32>
    }
    %scan3A_925 = arith.constant 32 : i32
    %swap3A_926 = arith.constant 2 : index
    %swap3A_927 = arith.constant 0 : index
    %swap3A_928 = arith.constant 0 : index
    %swap3A_929 = vector.load %arg7[%swap3A_926, %swap3A_927, %swap3A_928] : memref<8x256x32xi32, #tpu.memory_space<vmem>>, vector<1x256x32xi32>
    %swap3A_930 = vector.shape_cast %swap3A_929 : vector<1x256x32xi32> to vector<256x32xi32>
    %swap3A_931 = vector.shape_cast %scan3A_924#1 : vector<256x32xi32> to vector<1x256x32xi32>
    tpu.vector_store %arg7[%swap3A_926, %swap3A_927, %swap3A_928], %swap3A_931 {strides = array<i32>} : memref<8x256x32xi32, #tpu.memory_space<vmem>>, vector<1x256x32xi32>,
    %swap3A_932 = arith.constant 2 : index
    %swap3A_933 = arith.constant 0 : index
    %swap3A_934 = arith.constant 0 : index
    %swap3A_935 = vector.load %arg8[%swap3A_932, %swap3A_933, %swap3A_934] : memref<8x256x32xi32, #tpu.memory_space<vmem>>, vector<1x256x32xi32>
    %swap3A_936 = vector.shape_cast %swap3A_935 : vector<1x256x32xi32> to vector<256x32xi32>
    %swap3A_937 = vector.shape_cast %scan3A_924#2 : vector<256x32xi32> to vector<1x256x32xi32>
    tpu.vector_store %arg8[%swap3A_932, %swap3A_933, %swap3A_934], %swap3A_937 {strides = array<i32>} : memref<8x256x32xi32, #tpu.memory_space<vmem>>, vector<1x256x32xi32>,
    %slice3A_938 = vector.extract_strided_slice %scan3A_39#2 {offsets = [3, 0], sizes = [1, 256], strides = [1, 1]} : vector<8x256xf32> to vector<1x256xf32>
    %jit3A_939 = arith.constant 0.000000e+00 : f32
    %broadcast_in_dim3A_940 = vector.shape_cast %slice3A_938 : vector<1x256xf32> to vector<1x256xf32>
    %broadcast_in_dim3A_941 = vector.broadcast %broadcast_in_dim3A_940 : vector<1x256xf32> to vector<256x256xf32>
    %broadcast_in_dim3A_942 = vector.broadcast %jit3A_939 : f32 to vector<256x256xf32>
    %select_n3A_943 = arith.select %eq3A_695, %broadcast_in_dim3A_941, %broadcast_in_dim3A_942 : vector<256x256xi1>, vector<256x256xf32>
    %reduce_sum3A_944 = arith.constant dense<0.000000e+00> : vector<256xf32>
    %reduce_sum3A_945 = vector.multi_reduction <add>, %select_n3A_943, %reduce_sum3A_944 [1] : vector<256x256xf32> to vector<256xf32>
    %broadcast_in_dim3A_946 = vector.shape_cast %reduce_sum3A_945 : vector<256xf32> to vector<256x1xf32>
    %slice3A_947 = vector.extract_strided_slice %scan3A_39#3 {offsets = [3, 0], sizes = [1, 256], strides = [1, 1]} : vector<8x256xf32> to vector<1x256xf32>
    %jit3A_948 = arith.constant 0.000000e+00 : f32
    %broadcast_in_dim3A_949 = vector.shape_cast %slice3A_947 : vector<1x256xf32> to vector<1x256xf32>
    %broadcast_in_dim3A_950 = vector.broadcast %broadcast_in_dim3A_949 : vector<1x256xf32> to vector<256x256xf32>
    %broadcast_in_dim3A_951 = vector.broadcast %jit3A_948 : f32 to vector<256x256xf32>
    %select_n3A_952 = arith.select %eq3A_695, %broadcast_in_dim3A_950, %broadcast_in_dim3A_951 : vector<256x256xi1>, vector<256x256xf32>
    %reduce_sum3A_953 = arith.constant dense<0.000000e+00> : vector<256xf32>
    %reduce_sum3A_954 = vector.multi_reduction <add>, %select_n3A_952, %reduce_sum3A_953 [1] : vector<256x256xf32> to vector<256xf32>
    %broadcast_in_dim3A_955 = vector.shape_cast %reduce_sum3A_954 : vector<256xf32> to vector<256x1xf32>
    %slice3A_956 = vector.extract_strided_slice %scan3A_39#4 {offsets = [3, 0], sizes = [1, 256], strides = [1, 1]} : vector<8x256xf32> to vector<1x256xf32>
    %jit3A_957 = arith.constant 0.000000e+00 : f32
    %broadcast_in_dim3A_958 = vector.shape_cast %slice3A_956 : vector<1x256xf32> to vector<1x256xf32>
    %broadcast_in_dim3A_959 = vector.broadcast %broadcast_in_dim3A_958 : vector<1x256xf32> to vector<256x256xf32>
    %broadcast_in_dim3A_960 = vector.broadcast %jit3A_957 : f32 to vector<256x256xf32>
    %select_n3A_961 = arith.select %eq3A_695, %broadcast_in_dim3A_959, %broadcast_in_dim3A_960 : vector<256x256xi1>, vector<256x256xf32>
    %reduce_sum3A_962 = arith.constant dense<0.000000e+00> : vector<256xf32>
    %reduce_sum3A_963 = vector.multi_reduction <add>, %select_n3A_961, %reduce_sum3A_962 [1] : vector<256x256xf32> to vector<256xf32>
    %broadcast_in_dim3A_964 = vector.shape_cast %reduce_sum3A_963 : vector<256xf32> to vector<256x1xf32>
    %concatenate3A_965 = tpu.concatenate %broadcast_in_dim3A_946, %broadcast_in_dim3A_955, %broadcast_in_dim3A_964 in 1 : vector<256x1xf32>, vector<256x1xf32>, vector<256x1xf32> -> vector<256x3xf32>
    %swap3A_966 = arith.constant 3 : index
    %swap3A_967 = arith.constant 0 : index
    %swap3A_968 = arith.constant 0 : index
    %swap3A_969 = vector.load %arg6[%swap3A_966, %swap3A_967, %swap3A_968] : memref<8x256x3xf32, #tpu.memory_space<vmem>>, vector<1x256x3xf32>
    %swap3A_970 = vector.shape_cast %swap3A_969 : vector<1x256x3xf32> to vector<256x3xf32>
    %swap3A_971 = vector.shape_cast %concatenate3A_965 : vector<256x3xf32> to vector<1x256x3xf32>
    tpu.vector_store %arg6[%swap3A_966, %swap3A_967, %swap3A_968], %swap3A_971 {strides = array<i32>} : memref<8x256x3xf32, #tpu.memory_space<vmem>>, vector<1x256x3xf32>,
    %slice3A_972 = vector.extract_strided_slice %scan3A_21#2 {offsets = [3, 0], sizes = [1, 512], strides = [1, 1]} : vector<8x512xf32> to vector<1x512xf32>
    %sub3A_973 = vector.broadcast %broadcast_in_dim3A_946 : vector<256x1xf32> to vector<256x512xf32>
    %sub3A_974 = vector.broadcast %slice3A_972 : vector<1x512xf32> to vector<256x512xf32>
    %sub3A_975 = arith.subf %sub3A_973, %sub3A_974 : vector<256x512xf32>
    %slice3A_976 = vector.extract_strided_slice %scan3A_21#3 {offsets = [3, 0], sizes = [1, 512], strides = [1, 1]} : vector<8x512xf32> to vector<1x512xf32>
    %sub3A_977 = vector.broadcast %broadcast_in_dim3A_955 : vector<256x1xf32> to vector<256x512xf32>
    %sub3A_978 = vector.broadcast %slice3A_976 : vector<1x512xf32> to vector<256x512xf32>
    %sub3A_979 = arith.subf %sub3A_977, %sub3A_978 : vector<256x512xf32>
    %slice3A_980 = vector.extract_strided_slice %scan3A_21#4 {offsets = [3, 0], sizes = [1, 512], strides = [1, 1]} : vector<8x512xf32> to vector<1x512xf32>
    %sub3A_981 = vector.broadcast %broadcast_in_dim3A_964 : vector<256x1xf32> to vector<256x512xf32>
    %sub3A_982 = vector.broadcast %slice3A_980 : vector<1x512xf32> to vector<256x512xf32>
    %sub3A_983 = arith.subf %sub3A_981, %sub3A_982 : vector<256x512xf32>
    %mul3A_984 = arith.mulf %sub3A_975, %sub3A_975 : vector<256x512xf32>
    %mul3A_985 = arith.mulf %sub3A_979, %sub3A_979 : vector<256x512xf32>
    %add3A_986 = arith.addf %mul3A_984, %mul3A_985 : vector<256x512xf32>
    %mul3A_987 = arith.mulf %sub3A_983, %sub3A_983 : vector<256x512xf32>
    %add3A_988 = arith.addf %add3A_986, %mul3A_987 : vector<256x512xf32>
    %le3A_989 = arith.constant 9.000000e-02 : f32
    %le3A_990 = vector.broadcast %le3A_989 : f32 to vector<256x512xf32>
    %le3A_991 = arith.cmpf ole, %add3A_988, %le3A_990 : vector<256x512xf32>
    %jit3A_992 = arith.constant 0x7F800000 : f32
    %broadcast_in_dim3A_993 = vector.broadcast %jit3A_992 : f32 to vector<256x512xf32>
    %select_n3A_994 = arith.select %le3A_991, %add3A_988, %broadcast_in_dim3A_993 : vector<256x512xi1>, vector<256x512xf32>
    %broadcast_in_dim3A_995 = arith.constant 0 : i32
    %broadcast_in_dim3A_996 = vector.broadcast %broadcast_in_dim3A_995 : i32 to vector<256x32xi32>
    %broadcast_in_dim3A_997 = arith.constant 0 : i32
    %broadcast_in_dim3A_998 = vector.broadcast %broadcast_in_dim3A_997 : i32 to vector<256x32xi32>
    %scan3A_999 = arith.constant 0x7F800000 : f32
    %scan3A_1000 = arith.constant 0 : i32
    %scan3A_1001 = arith.constant 32 : i32
    %scan3A_1002 = arith.addi %scan3A_1000, %scan3A_1001 : i32
    %scan3A_1003 = arith.constant 1 : i32
    %scan3A_1004:3 = scf.for %scan3A_1983 = %scan3A_1000 to %scan3A_1002 step %scan3A_1003 iter_args(%scan3A_1984 = %select_n3A_994, %scan3A_1985 = %broadcast_in_dim3A_996, %scan3A_1986 = %broadcast_in_dim3A_998) -> (vector<256x512xf32>, vector<256x32xi32>, vector<256x32xi32>)  : i32 {
      %reduce_min3A = arith.constant dense<0x7F800000> : vector<256xf32>
      %reduce_min3A_1987 = vector.multi_reduction <minimumf>, %scan3A_1984, %reduce_min3A [1] : vector<256x512xf32> to vector<256xf32>
      %broadcast_in_dim3A_1988 = vector.shape_cast %reduce_min3A_1987 : vector<256xf32> to vector<256x1xf32>
      %eq3A_1989 = vector.broadcast %broadcast_in_dim3A_1988 : vector<256x1xf32> to vector<256x512xf32>
      %eq3A_1990 = arith.cmpf oeq, %scan3A_1984, %eq3A_1989 : vector<256x512xf32>
      %jit3A_1991 = arith.constant 512 : i32
      %broadcast_in_dim3A_1992 = vector.broadcast %jit3A_1991 : i32 to vector<256x512xi32>
      %select_n3A_1993 = arith.select %eq3A_1990, %iota3A_696, %broadcast_in_dim3A_1992 : vector<256x512xi1>, vector<256x512xi32>
      %reduce_min3A_1994 = arith.constant dense<2147483647> : vector<256xi32>
      %reduce_min3A_1995 = vector.multi_reduction <minsi>, %select_n3A_1993, %reduce_min3A_1994 [1] : vector<256x512xi32> to vector<256xi32>
      %broadcast_in_dim3A_1996 = vector.shape_cast %reduce_min3A_1995 : vector<256xi32> to vector<256x1xi32>
      %lt3A = vector.broadcast %scan3A_999 : f32 to vector<256x1xf32>
      %lt3A_1997 = arith.cmpf olt, %broadcast_in_dim3A_1988, %lt3A : vector<256x1xf32>
      %convert_element_type3A = arith.extui %lt3A_1997 : vector<256x1xi1> to vector<256x1xi32>
      %eq3A_1998 = vector.broadcast %scan3A_1983 : i32 to vector<256x32xi32>
      %eq3A_1999 = arith.cmpi eq, %iota3A_697, %eq3A_1998 : vector<256x32xi32>
      %broadcast_in_dim3A_2000 = vector.shape_cast %broadcast_in_dim3A_1996 : vector<256x1xi32> to vector<256x1xi32>
      %broadcast_in_dim3A_2001 = vector.broadcast %broadcast_in_dim3A_2000 : vector<256x1xi32> to vector<256x32xi32>
      %select_n3A_2002 = arith.select %eq3A_1999, %broadcast_in_dim3A_2001, %scan3A_1985 : vector<256x32xi1>, vector<256x32xi32>
      %broadcast_in_dim3A_2003 = vector.shape_cast %convert_element_type3A : vector<256x1xi32> to vector<256x1xi32>
      %broadcast_in_dim3A_2004 = vector.broadcast %broadcast_in_dim3A_2003 : vector<256x1xi32> to vector<256x32xi32>
      %select_n3A_2005 = arith.select %eq3A_1999, %broadcast_in_dim3A_2004, %scan3A_1986 : vector<256x32xi1>, vector<256x32xi32>
      %eq3A_2006 = vector.broadcast %broadcast_in_dim3A_1996 : vector<256x1xi32> to vector<256x512xi32>
      %eq3A_2007 = arith.cmpi eq, %iota3A_696, %eq3A_2006 : vector<256x512xi32>
      %broadcast_in_dim3A_2008 = vector.broadcast %scan3A_999 : f32 to vector<256x512xf32>
      %select_n3A_2009 = arith.select %eq3A_2007, %broadcast_in_dim3A_2008, %scan3A_1984 : vector<256x512xi1>, vector<256x512xf32>
      scf.yield %select_n3A_2009, %select_n3A_2002, %select_n3A_2005 : vector<256x512xf32>, vector<256x32xi32>, vector<256x32xi32>
    }
    %scan3A_1005 = arith.constant 32 : i32
    %swap3A_1006 = arith.constant 3 : index
    %swap3A_1007 = arith.constant 0 : index
    %swap3A_1008 = arith.constant 0 : index
    %swap3A_1009 = vector.load %arg7[%swap3A_1006, %swap3A_1007, %swap3A_1008] : memref<8x256x32xi32, #tpu.memory_space<vmem>>, vector<1x256x32xi32>
    %swap3A_1010 = vector.shape_cast %swap3A_1009 : vector<1x256x32xi32> to vector<256x32xi32>
    %swap3A_1011 = vector.shape_cast %scan3A_1004#1 : vector<256x32xi32> to vector<1x256x32xi32>
    tpu.vector_store %arg7[%swap3A_1006, %swap3A_1007, %swap3A_1008], %swap3A_1011 {strides = array<i32>} : memref<8x256x32xi32, #tpu.memory_space<vmem>>, vector<1x256x32xi32>,
    %swap3A_1012 = arith.constant 3 : index
    %swap3A_1013 = arith.constant 0 : index
    %swap3A_1014 = arith.constant 0 : index
    %swap3A_1015 = vector.load %arg8[%swap3A_1012, %swap3A_1013, %swap3A_1014] : memref<8x256x32xi32, #tpu.memory_space<vmem>>, vector<1x256x32xi32>
    %swap3A_1016 = vector.shape_cast %swap3A_1015 : vector<1x256x32xi32> to vector<256x32xi32>
    %swap3A_1017 = vector.shape_cast %scan3A_1004#2 : vector<256x32xi32> to vector<1x256x32xi32>
    tpu.vector_store %arg8[%swap3A_1012, %swap3A_1013, %swap3A_1014], %swap3A_1017 {strides = array<i32>} : memref<8x256x32xi32, #tpu.memory_space<vmem>>, vector<1x256x32xi32>,
    %slice3A_1018 = vector.extract_strided_slice %scan3A_39#2 {offsets = [4, 0], sizes = [1, 256], strides = [1, 1]} : vector<8x256xf32> to vector<1x256xf32>
    %jit3A_1019 = arith.constant 0.000000e+00 : f32
    %broadcast_in_dim3A_1020 = vector.shape_cast %slice3A_1018 : vector<1x256xf32> to vector<1x256xf32>
    %broadcast_in_dim3A_1021 = vector.broadcast %broadcast_in_dim3A_1020 : vector<1x256xf32> to vector<256x256xf32>
    %broadcast_in_dim3A_1022 = vector.broadcast %jit3A_1019 : f32 to vector<256x256xf32>
    %select_n3A_1023 = arith.select %eq3A_695, %broadcast_in_dim3A_1021, %broadcast_in_dim3A_1022 : vector<256x256xi1>, vector<256x256xf32>
    %reduce_sum3A_1024 = arith.constant dense<0.000000e+00> : vector<256xf32>
    %reduce_sum3A_1025 = vector.multi_reduction <add>, %select_n3A_1023, %reduce_sum3A_1024 [1] : vector<256x256xf32> to vector<256xf32>
    %broadcast_in_dim3A_1026 = vector.shape_cast %reduce_sum3A_1025 : vector<256xf32> to vector<256x1xf32>
    %slice3A_1027 = vector.extract_strided_slice %scan3A_39#3 {offsets = [4, 0], sizes = [1, 256], strides = [1, 1]} : vector<8x256xf32> to vector<1x256xf32>
    %jit3A_1028 = arith.constant 0.000000e+00 : f32
    %broadcast_in_dim3A_1029 = vector.shape_cast %slice3A_1027 : vector<1x256xf32> to vector<1x256xf32>
    %broadcast_in_dim3A_1030 = vector.broadcast %broadcast_in_dim3A_1029 : vector<1x256xf32> to vector<256x256xf32>
    %broadcast_in_dim3A_1031 = vector.broadcast %jit3A_1028 : f32 to vector<256x256xf32>
    %select_n3A_1032 = arith.select %eq3A_695, %broadcast_in_dim3A_1030, %broadcast_in_dim3A_1031 : vector<256x256xi1>, vector<256x256xf32>
    %reduce_sum3A_1033 = arith.constant dense<0.000000e+00> : vector<256xf32>
    %reduce_sum3A_1034 = vector.multi_reduction <add>, %select_n3A_1032, %reduce_sum3A_1033 [1] : vector<256x256xf32> to vector<256xf32>
    %broadcast_in_dim3A_1035 = vector.shape_cast %reduce_sum3A_1034 : vector<256xf32> to vector<256x1xf32>
    %slice3A_1036 = vector.extract_strided_slice %scan3A_39#4 {offsets = [4, 0], sizes = [1, 256], strides = [1, 1]} : vector<8x256xf32> to vector<1x256xf32>
    %jit3A_1037 = arith.constant 0.000000e+00 : f32
    %broadcast_in_dim3A_1038 = vector.shape_cast %slice3A_1036 : vector<1x256xf32> to vector<1x256xf32>
    %broadcast_in_dim3A_1039 = vector.broadcast %broadcast_in_dim3A_1038 : vector<1x256xf32> to vector<256x256xf32>
    %broadcast_in_dim3A_1040 = vector.broadcast %jit3A_1037 : f32 to vector<256x256xf32>
    %select_n3A_1041 = arith.select %eq3A_695, %broadcast_in_dim3A_1039, %broadcast_in_dim3A_1040 : vector<256x256xi1>, vector<256x256xf32>
    %reduce_sum3A_1042 = arith.constant dense<0.000000e+00> : vector<256xf32>
    %reduce_sum3A_1043 = vector.multi_reduction <add>, %select_n3A_1041, %reduce_sum3A_1042 [1] : vector<256x256xf32> to vector<256xf32>
    %broadcast_in_dim3A_1044 = vector.shape_cast %reduce_sum3A_1043 : vector<256xf32> to vector<256x1xf32>
    %concatenate3A_1045 = tpu.concatenate %broadcast_in_dim3A_1026, %broadcast_in_dim3A_1035, %broadcast_in_dim3A_1044 in 1 : vector<256x1xf32>, vector<256x1xf32>, vector<256x1xf32> -> vector<256x3xf32>
    %swap3A_1046 = arith.constant 4 : index
    %swap3A_1047 = arith.constant 0 : index
    %swap3A_1048 = arith.constant 0 : index
    %swap3A_1049 = vector.load %arg6[%swap3A_1046, %swap3A_1047, %swap3A_1048] : memref<8x256x3xf32, #tpu.memory_space<vmem>>, vector<1x256x3xf32>
    %swap3A_1050 = vector.shape_cast %swap3A_1049 : vector<1x256x3xf32> to vector<256x3xf32>
    %swap3A_1051 = vector.shape_cast %concatenate3A_1045 : vector<256x3xf32> to vector<1x256x3xf32>
    tpu.vector_store %arg6[%swap3A_1046, %swap3A_1047, %swap3A_1048], %swap3A_1051 {strides = array<i32>} : memref<8x256x3xf32, #tpu.memory_space<vmem>>, vector<1x256x3xf32>,
    %slice3A_1052 = vector.extract_strided_slice %scan3A_21#2 {offsets = [4, 0], sizes = [1, 512], strides = [1, 1]} : vector<8x512xf32> to vector<1x512xf32>
    %sub3A_1053 = vector.broadcast %broadcast_in_dim3A_1026 : vector<256x1xf32> to vector<256x512xf32>
    %sub3A_1054 = vector.broadcast %slice3A_1052 : vector<1x512xf32> to vector<256x512xf32>
    %sub3A_1055 = arith.subf %sub3A_1053, %sub3A_1054 : vector<256x512xf32>
    %slice3A_1056 = vector.extract_strided_slice %scan3A_21#3 {offsets = [4, 0], sizes = [1, 512], strides = [1, 1]} : vector<8x512xf32> to vector<1x512xf32>
    %sub3A_1057 = vector.broadcast %broadcast_in_dim3A_1035 : vector<256x1xf32> to vector<256x512xf32>
    %sub3A_1058 = vector.broadcast %slice3A_1056 : vector<1x512xf32> to vector<256x512xf32>
    %sub3A_1059 = arith.subf %sub3A_1057, %sub3A_1058 : vector<256x512xf32>
    %slice3A_1060 = vector.extract_strided_slice %scan3A_21#4 {offsets = [4, 0], sizes = [1, 512], strides = [1, 1]} : vector<8x512xf32> to vector<1x512xf32>
    %sub3A_1061 = vector.broadcast %broadcast_in_dim3A_1044 : vector<256x1xf32> to vector<256x512xf32>
    %sub3A_1062 = vector.broadcast %slice3A_1060 : vector<1x512xf32> to vector<256x512xf32>
    %sub3A_1063 = arith.subf %sub3A_1061, %sub3A_1062 : vector<256x512xf32>
    %mul3A_1064 = arith.mulf %sub3A_1055, %sub3A_1055 : vector<256x512xf32>
    %mul3A_1065 = arith.mulf %sub3A_1059, %sub3A_1059 : vector<256x512xf32>
    %add3A_1066 = arith.addf %mul3A_1064, %mul3A_1065 : vector<256x512xf32>
    %mul3A_1067 = arith.mulf %sub3A_1063, %sub3A_1063 : vector<256x512xf32>
    %add3A_1068 = arith.addf %add3A_1066, %mul3A_1067 : vector<256x512xf32>
    %le3A_1069 = arith.constant 9.000000e-02 : f32
    %le3A_1070 = vector.broadcast %le3A_1069 : f32 to vector<256x512xf32>
    %le3A_1071 = arith.cmpf ole, %add3A_1068, %le3A_1070 : vector<256x512xf32>
    %jit3A_1072 = arith.constant 0x7F800000 : f32
    %broadcast_in_dim3A_1073 = vector.broadcast %jit3A_1072 : f32 to vector<256x512xf32>
    %select_n3A_1074 = arith.select %le3A_1071, %add3A_1068, %broadcast_in_dim3A_1073 : vector<256x512xi1>, vector<256x512xf32>
    %broadcast_in_dim3A_1075 = arith.constant 0 : i32
    %broadcast_in_dim3A_1076 = vector.broadcast %broadcast_in_dim3A_1075 : i32 to vector<256x32xi32>
    %broadcast_in_dim3A_1077 = arith.constant 0 : i32
    %broadcast_in_dim3A_1078 = vector.broadcast %broadcast_in_dim3A_1077 : i32 to vector<256x32xi32>
    %scan3A_1079 = arith.constant 0x7F800000 : f32
    %scan3A_1080 = arith.constant 0 : i32
    %scan3A_1081 = arith.constant 32 : i32
    %scan3A_1082 = arith.addi %scan3A_1080, %scan3A_1081 : i32
    %scan3A_1083 = arith.constant 1 : i32
    %scan3A_1084:3 = scf.for %scan3A_1983 = %scan3A_1080 to %scan3A_1082 step %scan3A_1083 iter_args(%scan3A_1984 = %select_n3A_1074, %scan3A_1985 = %broadcast_in_dim3A_1076, %scan3A_1986 = %broadcast_in_dim3A_1078) -> (vector<256x512xf32>, vector<256x32xi32>, vector<256x32xi32>)  : i32 {
      %reduce_min3A = arith.constant dense<0x7F800000> : vector<256xf32>
      %reduce_min3A_1987 = vector.multi_reduction <minimumf>, %scan3A_1984, %reduce_min3A [1] : vector<256x512xf32> to vector<256xf32>
      %broadcast_in_dim3A_1988 = vector.shape_cast %reduce_min3A_1987 : vector<256xf32> to vector<256x1xf32>
      %eq3A_1989 = vector.broadcast %broadcast_in_dim3A_1988 : vector<256x1xf32> to vector<256x512xf32>
      %eq3A_1990 = arith.cmpf oeq, %scan3A_1984, %eq3A_1989 : vector<256x512xf32>
      %jit3A_1991 = arith.constant 512 : i32
      %broadcast_in_dim3A_1992 = vector.broadcast %jit3A_1991 : i32 to vector<256x512xi32>
      %select_n3A_1993 = arith.select %eq3A_1990, %iota3A_696, %broadcast_in_dim3A_1992 : vector<256x512xi1>, vector<256x512xi32>
      %reduce_min3A_1994 = arith.constant dense<2147483647> : vector<256xi32>
      %reduce_min3A_1995 = vector.multi_reduction <minsi>, %select_n3A_1993, %reduce_min3A_1994 [1] : vector<256x512xi32> to vector<256xi32>
      %broadcast_in_dim3A_1996 = vector.shape_cast %reduce_min3A_1995 : vector<256xi32> to vector<256x1xi32>
      %lt3A = vector.broadcast %scan3A_1079 : f32 to vector<256x1xf32>
      %lt3A_1997 = arith.cmpf olt, %broadcast_in_dim3A_1988, %lt3A : vector<256x1xf32>
      %convert_element_type3A = arith.extui %lt3A_1997 : vector<256x1xi1> to vector<256x1xi32>
      %eq3A_1998 = vector.broadcast %scan3A_1983 : i32 to vector<256x32xi32>
      %eq3A_1999 = arith.cmpi eq, %iota3A_697, %eq3A_1998 : vector<256x32xi32>
      %broadcast_in_dim3A_2000 = vector.shape_cast %broadcast_in_dim3A_1996 : vector<256x1xi32> to vector<256x1xi32>
      %broadcast_in_dim3A_2001 = vector.broadcast %broadcast_in_dim3A_2000 : vector<256x1xi32> to vector<256x32xi32>
      %select_n3A_2002 = arith.select %eq3A_1999, %broadcast_in_dim3A_2001, %scan3A_1985 : vector<256x32xi1>, vector<256x32xi32>
      %broadcast_in_dim3A_2003 = vector.shape_cast %convert_element_type3A : vector<256x1xi32> to vector<256x1xi32>
      %broadcast_in_dim3A_2004 = vector.broadcast %broadcast_in_dim3A_2003 : vector<256x1xi32> to vector<256x32xi32>
      %select_n3A_2005 = arith.select %eq3A_1999, %broadcast_in_dim3A_2004, %scan3A_1986 : vector<256x32xi1>, vector<256x32xi32>
      %eq3A_2006 = vector.broadcast %broadcast_in_dim3A_1996 : vector<256x1xi32> to vector<256x512xi32>
      %eq3A_2007 = arith.cmpi eq, %iota3A_696, %eq3A_2006 : vector<256x512xi32>
      %broadcast_in_dim3A_2008 = vector.broadcast %scan3A_1079 : f32 to vector<256x512xf32>
      %select_n3A_2009 = arith.select %eq3A_2007, %broadcast_in_dim3A_2008, %scan3A_1984 : vector<256x512xi1>, vector<256x512xf32>
      scf.yield %select_n3A_2009, %select_n3A_2002, %select_n3A_2005 : vector<256x512xf32>, vector<256x32xi32>, vector<256x32xi32>
    }
    %scan3A_1085 = arith.constant 32 : i32
    %swap3A_1086 = arith.constant 4 : index
    %swap3A_1087 = arith.constant 0 : index
    %swap3A_1088 = arith.constant 0 : index
    %swap3A_1089 = vector.load %arg7[%swap3A_1086, %swap3A_1087, %swap3A_1088] : memref<8x256x32xi32, #tpu.memory_space<vmem>>, vector<1x256x32xi32>
    %swap3A_1090 = vector.shape_cast %swap3A_1089 : vector<1x256x32xi32> to vector<256x32xi32>
    %swap3A_1091 = vector.shape_cast %scan3A_1084#1 : vector<256x32xi32> to vector<1x256x32xi32>
    tpu.vector_store %arg7[%swap3A_1086, %swap3A_1087, %swap3A_1088], %swap3A_1091 {strides = array<i32>} : memref<8x256x32xi32, #tpu.memory_space<vmem>>, vector<1x256x32xi32>,
    %swap3A_1092 = arith.constant 4 : index
    %swap3A_1093 = arith.constant 0 : index
    %swap3A_1094 = arith.constant 0 : index
    %swap3A_1095 = vector.load %arg8[%swap3A_1092, %swap3A_1093, %swap3A_1094] : memref<8x256x32xi32, #tpu.memory_space<vmem>>, vector<1x256x32xi32>
    %swap3A_1096 = vector.shape_cast %swap3A_1095 : vector<1x256x32xi32> to vector<256x32xi32>
    %swap3A_1097 = vector.shape_cast %scan3A_1084#2 : vector<256x32xi32> to vector<1x256x32xi32>
    tpu.vector_store %arg8[%swap3A_1092, %swap3A_1093, %swap3A_1094], %swap3A_1097 {strides = array<i32>} : memref<8x256x32xi32, #tpu.memory_space<vmem>>, vector<1x256x32xi32>,
    %slice3A_1098 = vector.extract_strided_slice %scan3A_39#2 {offsets = [5, 0], sizes = [1, 256], strides = [1, 1]} : vector<8x256xf32> to vector<1x256xf32>
    %jit3A_1099 = arith.constant 0.000000e+00 : f32
    %broadcast_in_dim3A_1100 = vector.shape_cast %slice3A_1098 : vector<1x256xf32> to vector<1x256xf32>
    %broadcast_in_dim3A_1101 = vector.broadcast %broadcast_in_dim3A_1100 : vector<1x256xf32> to vector<256x256xf32>
    %broadcast_in_dim3A_1102 = vector.broadcast %jit3A_1099 : f32 to vector<256x256xf32>
    %select_n3A_1103 = arith.select %eq3A_695, %broadcast_in_dim3A_1101, %broadcast_in_dim3A_1102 : vector<256x256xi1>, vector<256x256xf32>
    %reduce_sum3A_1104 = arith.constant dense<0.000000e+00> : vector<256xf32>
    %reduce_sum3A_1105 = vector.multi_reduction <add>, %select_n3A_1103, %reduce_sum3A_1104 [1] : vector<256x256xf32> to vector<256xf32>
    %broadcast_in_dim3A_1106 = vector.shape_cast %reduce_sum3A_1105 : vector<256xf32> to vector<256x1xf32>
    %slice3A_1107 = vector.extract_strided_slice %scan3A_39#3 {offsets = [5, 0], sizes = [1, 256], strides = [1, 1]} : vector<8x256xf32> to vector<1x256xf32>
    %jit3A_1108 = arith.constant 0.000000e+00 : f32
    %broadcast_in_dim3A_1109 = vector.shape_cast %slice3A_1107 : vector<1x256xf32> to vector<1x256xf32>
    %broadcast_in_dim3A_1110 = vector.broadcast %broadcast_in_dim3A_1109 : vector<1x256xf32> to vector<256x256xf32>
    %broadcast_in_dim3A_1111 = vector.broadcast %jit3A_1108 : f32 to vector<256x256xf32>
    %select_n3A_1112 = arith.select %eq3A_695, %broadcast_in_dim3A_1110, %broadcast_in_dim3A_1111 : vector<256x256xi1>, vector<256x256xf32>
    %reduce_sum3A_1113 = arith.constant dense<0.000000e+00> : vector<256xf32>
    %reduce_sum3A_1114 = vector.multi_reduction <add>, %select_n3A_1112, %reduce_sum3A_1113 [1] : vector<256x256xf32> to vector<256xf32>
    %broadcast_in_dim3A_1115 = vector.shape_cast %reduce_sum3A_1114 : vector<256xf32> to vector<256x1xf32>
    %slice3A_1116 = vector.extract_strided_slice %scan3A_39#4 {offsets = [5, 0], sizes = [1, 256], strides = [1, 1]} : vector<8x256xf32> to vector<1x256xf32>
    %jit3A_1117 = arith.constant 0.000000e+00 : f32
    %broadcast_in_dim3A_1118 = vector.shape_cast %slice3A_1116 : vector<1x256xf32> to vector<1x256xf32>
    %broadcast_in_dim3A_1119 = vector.broadcast %broadcast_in_dim3A_1118 : vector<1x256xf32> to vector<256x256xf32>
    %broadcast_in_dim3A_1120 = vector.broadcast %jit3A_1117 : f32 to vector<256x256xf32>
    %select_n3A_1121 = arith.select %eq3A_695, %broadcast_in_dim3A_1119, %broadcast_in_dim3A_1120 : vector<256x256xi1>, vector<256x256xf32>
    %reduce_sum3A_1122 = arith.constant dense<0.000000e+00> : vector<256xf32>
    %reduce_sum3A_1123 = vector.multi_reduction <add>, %select_n3A_1121, %reduce_sum3A_1122 [1] : vector<256x256xf32> to vector<256xf32>
    %broadcast_in_dim3A_1124 = vector.shape_cast %reduce_sum3A_1123 : vector<256xf32> to vector<256x1xf32>
    %concatenate3A_1125 = tpu.concatenate %broadcast_in_dim3A_1106, %broadcast_in_dim3A_1115, %broadcast_in_dim3A_1124 in 1 : vector<256x1xf32>, vector<256x1xf32>, vector<256x1xf32> -> vector<256x3xf32>
    %swap3A_1126 = arith.constant 5 : index
    %swap3A_1127 = arith.constant 0 : index
    %swap3A_1128 = arith.constant 0 : index
    %swap3A_1129 = vector.load %arg6[%swap3A_1126, %swap3A_1127, %swap3A_1128] : memref<8x256x3xf32, #tpu.memory_space<vmem>>, vector<1x256x3xf32>
    %swap3A_1130 = vector.shape_cast %swap3A_1129 : vector<1x256x3xf32> to vector<256x3xf32>
    %swap3A_1131 = vector.shape_cast %concatenate3A_1125 : vector<256x3xf32> to vector<1x256x3xf32>
    tpu.vector_store %arg6[%swap3A_1126, %swap3A_1127, %swap3A_1128], %swap3A_1131 {strides = array<i32>} : memref<8x256x3xf32, #tpu.memory_space<vmem>>, vector<1x256x3xf32>,
    %slice3A_1132 = vector.extract_strided_slice %scan3A_21#2 {offsets = [5, 0], sizes = [1, 512], strides = [1, 1]} : vector<8x512xf32> to vector<1x512xf32>
    %sub3A_1133 = vector.broadcast %broadcast_in_dim3A_1106 : vector<256x1xf32> to vector<256x512xf32>
    %sub3A_1134 = vector.broadcast %slice3A_1132 : vector<1x512xf32> to vector<256x512xf32>
    %sub3A_1135 = arith.subf %sub3A_1133, %sub3A_1134 : vector<256x512xf32>
    %slice3A_1136 = vector.extract_strided_slice %scan3A_21#3 {offsets = [5, 0], sizes = [1, 512], strides = [1, 1]} : vector<8x512xf32> to vector<1x512xf32>
    %sub3A_1137 = vector.broadcast %broadcast_in_dim3A_1115 : vector<256x1xf32> to vector<256x512xf32>
    %sub3A_1138 = vector.broadcast %slice3A_1136 : vector<1x512xf32> to vector<256x512xf32>
    %sub3A_1139 = arith.subf %sub3A_1137, %sub3A_1138 : vector<256x512xf32>
    %slice3A_1140 = vector.extract_strided_slice %scan3A_21#4 {offsets = [5, 0], sizes = [1, 512], strides = [1, 1]} : vector<8x512xf32> to vector<1x512xf32>
    %sub3A_1141 = vector.broadcast %broadcast_in_dim3A_1124 : vector<256x1xf32> to vector<256x512xf32>
    %sub3A_1142 = vector.broadcast %slice3A_1140 : vector<1x512xf32> to vector<256x512xf32>
    %sub3A_1143 = arith.subf %sub3A_1141, %sub3A_1142 : vector<256x512xf32>
    %mul3A_1144 = arith.mulf %sub3A_1135, %sub3A_1135 : vector<256x512xf32>
    %mul3A_1145 = arith.mulf %sub3A_1139, %sub3A_1139 : vector<256x512xf32>
    %add3A_1146 = arith.addf %mul3A_1144, %mul3A_1145 : vector<256x512xf32>
    %mul3A_1147 = arith.mulf %sub3A_1143, %sub3A_1143 : vector<256x512xf32>
    %add3A_1148 = arith.addf %add3A_1146, %mul3A_1147 : vector<256x512xf32>
    %le3A_1149 = arith.constant 9.000000e-02 : f32
    %le3A_1150 = vector.broadcast %le3A_1149 : f32 to vector<256x512xf32>
    %le3A_1151 = arith.cmpf ole, %add3A_1148, %le3A_1150 : vector<256x512xf32>
    %jit3A_1152 = arith.constant 0x7F800000 : f32
    %broadcast_in_dim3A_1153 = vector.broadcast %jit3A_1152 : f32 to vector<256x512xf32>
    %select_n3A_1154 = arith.select %le3A_1151, %add3A_1148, %broadcast_in_dim3A_1153 : vector<256x512xi1>, vector<256x512xf32>
    %broadcast_in_dim3A_1155 = arith.constant 0 : i32
    %broadcast_in_dim3A_1156 = vector.broadcast %broadcast_in_dim3A_1155 : i32 to vector<256x32xi32>
    %broadcast_in_dim3A_1157 = arith.constant 0 : i32
    %broadcast_in_dim3A_1158 = vector.broadcast %broadcast_in_dim3A_1157 : i32 to vector<256x32xi32>
    %scan3A_1159 = arith.constant 0x7F800000 : f32
    %scan3A_1160 = arith.constant 0 : i32
    %scan3A_1161 = arith.constant 32 : i32
    %scan3A_1162 = arith.addi %scan3A_1160, %scan3A_1161 : i32
    %scan3A_1163 = arith.constant 1 : i32
    %scan3A_1164:3 = scf.for %scan3A_1983 = %scan3A_1160 to %scan3A_1162 step %scan3A_1163 iter_args(%scan3A_1984 = %select_n3A_1154, %scan3A_1985 = %broadcast_in_dim3A_1156, %scan3A_1986 = %broadcast_in_dim3A_1158) -> (vector<256x512xf32>, vector<256x32xi32>, vector<256x32xi32>)  : i32 {
      %reduce_min3A = arith.constant dense<0x7F800000> : vector<256xf32>
      %reduce_min3A_1987 = vector.multi_reduction <minimumf>, %scan3A_1984, %reduce_min3A [1] : vector<256x512xf32> to vector<256xf32>
      %broadcast_in_dim3A_1988 = vector.shape_cast %reduce_min3A_1987 : vector<256xf32> to vector<256x1xf32>
      %eq3A_1989 = vector.broadcast %broadcast_in_dim3A_1988 : vector<256x1xf32> to vector<256x512xf32>
      %eq3A_1990 = arith.cmpf oeq, %scan3A_1984, %eq3A_1989 : vector<256x512xf32>
      %jit3A_1991 = arith.constant 512 : i32
      %broadcast_in_dim3A_1992 = vector.broadcast %jit3A_1991 : i32 to vector<256x512xi32>
      %select_n3A_1993 = arith.select %eq3A_1990, %iota3A_696, %broadcast_in_dim3A_1992 : vector<256x512xi1>, vector<256x512xi32>
      %reduce_min3A_1994 = arith.constant dense<2147483647> : vector<256xi32>
      %reduce_min3A_1995 = vector.multi_reduction <minsi>, %select_n3A_1993, %reduce_min3A_1994 [1] : vector<256x512xi32> to vector<256xi32>
      %broadcast_in_dim3A_1996 = vector.shape_cast %reduce_min3A_1995 : vector<256xi32> to vector<256x1xi32>
      %lt3A = vector.broadcast %scan3A_1159 : f32 to vector<256x1xf32>
      %lt3A_1997 = arith.cmpf olt, %broadcast_in_dim3A_1988, %lt3A : vector<256x1xf32>
      %convert_element_type3A = arith.extui %lt3A_1997 : vector<256x1xi1> to vector<256x1xi32>
      %eq3A_1998 = vector.broadcast %scan3A_1983 : i32 to vector<256x32xi32>
      %eq3A_1999 = arith.cmpi eq, %iota3A_697, %eq3A_1998 : vector<256x32xi32>
      %broadcast_in_dim3A_2000 = vector.shape_cast %broadcast_in_dim3A_1996 : vector<256x1xi32> to vector<256x1xi32>
      %broadcast_in_dim3A_2001 = vector.broadcast %broadcast_in_dim3A_2000 : vector<256x1xi32> to vector<256x32xi32>
      %select_n3A_2002 = arith.select %eq3A_1999, %broadcast_in_dim3A_2001, %scan3A_1985 : vector<256x32xi1>, vector<256x32xi32>
      %broadcast_in_dim3A_2003 = vector.shape_cast %convert_element_type3A : vector<256x1xi32> to vector<256x1xi32>
      %broadcast_in_dim3A_2004 = vector.broadcast %broadcast_in_dim3A_2003 : vector<256x1xi32> to vector<256x32xi32>
      %select_n3A_2005 = arith.select %eq3A_1999, %broadcast_in_dim3A_2004, %scan3A_1986 : vector<256x32xi1>, vector<256x32xi32>
      %eq3A_2006 = vector.broadcast %broadcast_in_dim3A_1996 : vector<256x1xi32> to vector<256x512xi32>
      %eq3A_2007 = arith.cmpi eq, %iota3A_696, %eq3A_2006 : vector<256x512xi32>
      %broadcast_in_dim3A_2008 = vector.broadcast %scan3A_1159 : f32 to vector<256x512xf32>
      %select_n3A_2009 = arith.select %eq3A_2007, %broadcast_in_dim3A_2008, %scan3A_1984 : vector<256x512xi1>, vector<256x512xf32>
      scf.yield %select_n3A_2009, %select_n3A_2002, %select_n3A_2005 : vector<256x512xf32>, vector<256x32xi32>, vector<256x32xi32>
    }
    %scan3A_1165 = arith.constant 32 : i32
    %swap3A_1166 = arith.constant 5 : index
    %swap3A_1167 = arith.constant 0 : index
    %swap3A_1168 = arith.constant 0 : index
    %swap3A_1169 = vector.load %arg7[%swap3A_1166, %swap3A_1167, %swap3A_1168] : memref<8x256x32xi32, #tpu.memory_space<vmem>>, vector<1x256x32xi32>
    %swap3A_1170 = vector.shape_cast %swap3A_1169 : vector<1x256x32xi32> to vector<256x32xi32>
    %swap3A_1171 = vector.shape_cast %scan3A_1164#1 : vector<256x32xi32> to vector<1x256x32xi32>
    tpu.vector_store %arg7[%swap3A_1166, %swap3A_1167, %swap3A_1168], %swap3A_1171 {strides = array<i32>} : memref<8x256x32xi32, #tpu.memory_space<vmem>>, vector<1x256x32xi32>,
    %swap3A_1172 = arith.constant 5 : index
    %swap3A_1173 = arith.constant 0 : index
    %swap3A_1174 = arith.constant 0 : index
    %swap3A_1175 = vector.load %arg8[%swap3A_1172, %swap3A_1173, %swap3A_1174] : memref<8x256x32xi32, #tpu.memory_space<vmem>>, vector<1x256x32xi32>
    %swap3A_1176 = vector.shape_cast %swap3A_1175 : vector<1x256x32xi32> to vector<256x32xi32>
    %swap3A_1177 = vector.shape_cast %scan3A_1164#2 : vector<256x32xi32> to vector<1x256x32xi32>
    tpu.vector_store %arg8[%swap3A_1172, %swap3A_1173, %swap3A_1174], %swap3A_1177 {strides = array<i32>} : memref<8x256x32xi32, #tpu.memory_space<vmem>>, vector<1x256x32xi32>,
    %slice3A_1178 = vector.extract_strided_slice %scan3A_39#2 {offsets = [6, 0], sizes = [1, 256], strides = [1, 1]} : vector<8x256xf32> to vector<1x256xf32>
    %jit3A_1179 = arith.constant 0.000000e+00 : f32
    %broadcast_in_dim3A_1180 = vector.shape_cast %slice3A_1178 : vector<1x256xf32> to vector<1x256xf32>
    %broadcast_in_dim3A_1181 = vector.broadcast %broadcast_in_dim3A_1180 : vector<1x256xf32> to vector<256x256xf32>
    %broadcast_in_dim3A_1182 = vector.broadcast %jit3A_1179 : f32 to vector<256x256xf32>
    %select_n3A_1183 = arith.select %eq3A_695, %broadcast_in_dim3A_1181, %broadcast_in_dim3A_1182 : vector<256x256xi1>, vector<256x256xf32>
    %reduce_sum3A_1184 = arith.constant dense<0.000000e+00> : vector<256xf32>
    %reduce_sum3A_1185 = vector.multi_reduction <add>, %select_n3A_1183, %reduce_sum3A_1184 [1] : vector<256x256xf32> to vector<256xf32>
    %broadcast_in_dim3A_1186 = vector.shape_cast %reduce_sum3A_1185 : vector<256xf32> to vector<256x1xf32>
    %slice3A_1187 = vector.extract_strided_slice %scan3A_39#3 {offsets = [6, 0], sizes = [1, 256], strides = [1, 1]} : vector<8x256xf32> to vector<1x256xf32>
    %jit3A_1188 = arith.constant 0.000000e+00 : f32
    %broadcast_in_dim3A_1189 = vector.shape_cast %slice3A_1187 : vector<1x256xf32> to vector<1x256xf32>
    %broadcast_in_dim3A_1190 = vector.broadcast %broadcast_in_dim3A_1189 : vector<1x256xf32> to vector<256x256xf32>
    %broadcast_in_dim3A_1191 = vector.broadcast %jit3A_1188 : f32 to vector<256x256xf32>
    %select_n3A_1192 = arith.select %eq3A_695, %broadcast_in_dim3A_1190, %broadcast_in_dim3A_1191 : vector<256x256xi1>, vector<256x256xf32>
    %reduce_sum3A_1193 = arith.constant dense<0.000000e+00> : vector<256xf32>
    %reduce_sum3A_1194 = vector.multi_reduction <add>, %select_n3A_1192, %reduce_sum3A_1193 [1] : vector<256x256xf32> to vector<256xf32>
    %broadcast_in_dim3A_1195 = vector.shape_cast %reduce_sum3A_1194 : vector<256xf32> to vector<256x1xf32>
    %slice3A_1196 = vector.extract_strided_slice %scan3A_39#4 {offsets = [6, 0], sizes = [1, 256], strides = [1, 1]} : vector<8x256xf32> to vector<1x256xf32>
    %jit3A_1197 = arith.constant 0.000000e+00 : f32
    %broadcast_in_dim3A_1198 = vector.shape_cast %slice3A_1196 : vector<1x256xf32> to vector<1x256xf32>
    %broadcast_in_dim3A_1199 = vector.broadcast %broadcast_in_dim3A_1198 : vector<1x256xf32> to vector<256x256xf32>
    %broadcast_in_dim3A_1200 = vector.broadcast %jit3A_1197 : f32 to vector<256x256xf32>
    %select_n3A_1201 = arith.select %eq3A_695, %broadcast_in_dim3A_1199, %broadcast_in_dim3A_1200 : vector<256x256xi1>, vector<256x256xf32>
    %reduce_sum3A_1202 = arith.constant dense<0.000000e+00> : vector<256xf32>
    %reduce_sum3A_1203 = vector.multi_reduction <add>, %select_n3A_1201, %reduce_sum3A_1202 [1] : vector<256x256xf32> to vector<256xf32>
    %broadcast_in_dim3A_1204 = vector.shape_cast %reduce_sum3A_1203 : vector<256xf32> to vector<256x1xf32>
    %concatenate3A_1205 = tpu.concatenate %broadcast_in_dim3A_1186, %broadcast_in_dim3A_1195, %broadcast_in_dim3A_1204 in 1 : vector<256x1xf32>, vector<256x1xf32>, vector<256x1xf32> -> vector<256x3xf32>
    %swap3A_1206 = arith.constant 6 : index
    %swap3A_1207 = arith.constant 0 : index
    %swap3A_1208 = arith.constant 0 : index
    %swap3A_1209 = vector.load %arg6[%swap3A_1206, %swap3A_1207, %swap3A_1208] : memref<8x256x3xf32, #tpu.memory_space<vmem>>, vector<1x256x3xf32>
    %swap3A_1210 = vector.shape_cast %swap3A_1209 : vector<1x256x3xf32> to vector<256x3xf32>
    %swap3A_1211 = vector.shape_cast %concatenate3A_1205 : vector<256x3xf32> to vector<1x256x3xf32>
    tpu.vector_store %arg6[%swap3A_1206, %swap3A_1207, %swap3A_1208], %swap3A_1211 {strides = array<i32>} : memref<8x256x3xf32, #tpu.memory_space<vmem>>, vector<1x256x3xf32>,
    %slice3A_1212 = vector.extract_strided_slice %scan3A_21#2 {offsets = [6, 0], sizes = [1, 512], strides = [1, 1]} : vector<8x512xf32> to vector<1x512xf32>
    %sub3A_1213 = vector.broadcast %broadcast_in_dim3A_1186 : vector<256x1xf32> to vector<256x512xf32>
    %sub3A_1214 = vector.broadcast %slice3A_1212 : vector<1x512xf32> to vector<256x512xf32>
    %sub3A_1215 = arith.subf %sub3A_1213, %sub3A_1214 : vector<256x512xf32>
    %slice3A_1216 = vector.extract_strided_slice %scan3A_21#3 {offsets = [6, 0], sizes = [1, 512], strides = [1, 1]} : vector<8x512xf32> to vector<1x512xf32>
    %sub3A_1217 = vector.broadcast %broadcast_in_dim3A_1195 : vector<256x1xf32> to vector<256x512xf32>
    %sub3A_1218 = vector.broadcast %slice3A_1216 : vector<1x512xf32> to vector<256x512xf32>
    %sub3A_1219 = arith.subf %sub3A_1217, %sub3A_1218 : vector<256x512xf32>
    %slice3A_1220 = vector.extract_strided_slice %scan3A_21#4 {offsets = [6, 0], sizes = [1, 512], strides = [1, 1]} : vector<8x512xf32> to vector<1x512xf32>
    %sub3A_1221 = vector.broadcast %broadcast_in_dim3A_1204 : vector<256x1xf32> to vector<256x512xf32>
    %sub3A_1222 = vector.broadcast %slice3A_1220 : vector<1x512xf32> to vector<256x512xf32>
    %sub3A_1223 = arith.subf %sub3A_1221, %sub3A_1222 : vector<256x512xf32>
    %mul3A_1224 = arith.mulf %sub3A_1215, %sub3A_1215 : vector<256x512xf32>
    %mul3A_1225 = arith.mulf %sub3A_1219, %sub3A_1219 : vector<256x512xf32>
    %add3A_1226 = arith.addf %mul3A_1224, %mul3A_1225 : vector<256x512xf32>
    %mul3A_1227 = arith.mulf %sub3A_1223, %sub3A_1223 : vector<256x512xf32>
    %add3A_1228 = arith.addf %add3A_1226, %mul3A_1227 : vector<256x512xf32>
    %le3A_1229 = arith.constant 9.000000e-02 : f32
    %le3A_1230 = vector.broadcast %le3A_1229 : f32 to vector<256x512xf32>
    %le3A_1231 = arith.cmpf ole, %add3A_1228, %le3A_1230 : vector<256x512xf32>
    %jit3A_1232 = arith.constant 0x7F800000 : f32
    %broadcast_in_dim3A_1233 = vector.broadcast %jit3A_1232 : f32 to vector<256x512xf32>
    %select_n3A_1234 = arith.select %le3A_1231, %add3A_1228, %broadcast_in_dim3A_1233 : vector<256x512xi1>, vector<256x512xf32>
    %broadcast_in_dim3A_1235 = arith.constant 0 : i32
    %broadcast_in_dim3A_1236 = vector.broadcast %broadcast_in_dim3A_1235 : i32 to vector<256x32xi32>
    %broadcast_in_dim3A_1237 = arith.constant 0 : i32
    %broadcast_in_dim3A_1238 = vector.broadcast %broadcast_in_dim3A_1237 : i32 to vector<256x32xi32>
    %scan3A_1239 = arith.constant 0x7F800000 : f32
    %scan3A_1240 = arith.constant 0 : i32
    %scan3A_1241 = arith.constant 32 : i32
    %scan3A_1242 = arith.addi %scan3A_1240, %scan3A_1241 : i32
    %scan3A_1243 = arith.constant 1 : i32
    %scan3A_1244:3 = scf.for %scan3A_1983 = %scan3A_1240 to %scan3A_1242 step %scan3A_1243 iter_args(%scan3A_1984 = %select_n3A_1234, %scan3A_1985 = %broadcast_in_dim3A_1236, %scan3A_1986 = %broadcast_in_dim3A_1238) -> (vector<256x512xf32>, vector<256x32xi32>, vector<256x32xi32>)  : i32 {
      %reduce_min3A = arith.constant dense<0x7F800000> : vector<256xf32>
      %reduce_min3A_1987 = vector.multi_reduction <minimumf>, %scan3A_1984, %reduce_min3A [1] : vector<256x512xf32> to vector<256xf32>
      %broadcast_in_dim3A_1988 = vector.shape_cast %reduce_min3A_1987 : vector<256xf32> to vector<256x1xf32>
      %eq3A_1989 = vector.broadcast %broadcast_in_dim3A_1988 : vector<256x1xf32> to vector<256x512xf32>
      %eq3A_1990 = arith.cmpf oeq, %scan3A_1984, %eq3A_1989 : vector<256x512xf32>
      %jit3A_1991 = arith.constant 512 : i32
      %broadcast_in_dim3A_1992 = vector.broadcast %jit3A_1991 : i32 to vector<256x512xi32>
      %select_n3A_1993 = arith.select %eq3A_1990, %iota3A_696, %broadcast_in_dim3A_1992 : vector<256x512xi1>, vector<256x512xi32>
      %reduce_min3A_1994 = arith.constant dense<2147483647> : vector<256xi32>
      %reduce_min3A_1995 = vector.multi_reduction <minsi>, %select_n3A_1993, %reduce_min3A_1994 [1] : vector<256x512xi32> to vector<256xi32>
      %broadcast_in_dim3A_1996 = vector.shape_cast %reduce_min3A_1995 : vector<256xi32> to vector<256x1xi32>
      %lt3A = vector.broadcast %scan3A_1239 : f32 to vector<256x1xf32>
      %lt3A_1997 = arith.cmpf olt, %broadcast_in_dim3A_1988, %lt3A : vector<256x1xf32>
      %convert_element_type3A = arith.extui %lt3A_1997 : vector<256x1xi1> to vector<256x1xi32>
      %eq3A_1998 = vector.broadcast %scan3A_1983 : i32 to vector<256x32xi32>
      %eq3A_1999 = arith.cmpi eq, %iota3A_697, %eq3A_1998 : vector<256x32xi32>
      %broadcast_in_dim3A_2000 = vector.shape_cast %broadcast_in_dim3A_1996 : vector<256x1xi32> to vector<256x1xi32>
      %broadcast_in_dim3A_2001 = vector.broadcast %broadcast_in_dim3A_2000 : vector<256x1xi32> to vector<256x32xi32>
      %select_n3A_2002 = arith.select %eq3A_1999, %broadcast_in_dim3A_2001, %scan3A_1985 : vector<256x32xi1>, vector<256x32xi32>
      %broadcast_in_dim3A_2003 = vector.shape_cast %convert_element_type3A : vector<256x1xi32> to vector<256x1xi32>
      %broadcast_in_dim3A_2004 = vector.broadcast %broadcast_in_dim3A_2003 : vector<256x1xi32> to vector<256x32xi32>
      %select_n3A_2005 = arith.select %eq3A_1999, %broadcast_in_dim3A_2004, %scan3A_1986 : vector<256x32xi1>, vector<256x32xi32>
      %eq3A_2006 = vector.broadcast %broadcast_in_dim3A_1996 : vector<256x1xi32> to vector<256x512xi32>
      %eq3A_2007 = arith.cmpi eq, %iota3A_696, %eq3A_2006 : vector<256x512xi32>
      %broadcast_in_dim3A_2008 = vector.broadcast %scan3A_1239 : f32 to vector<256x512xf32>
      %select_n3A_2009 = arith.select %eq3A_2007, %broadcast_in_dim3A_2008, %scan3A_1984 : vector<256x512xi1>, vector<256x512xf32>
      scf.yield %select_n3A_2009, %select_n3A_2002, %select_n3A_2005 : vector<256x512xf32>, vector<256x32xi32>, vector<256x32xi32>
    }
    %scan3A_1245 = arith.constant 32 : i32
    %swap3A_1246 = arith.constant 6 : index
    %swap3A_1247 = arith.constant 0 : index
    %swap3A_1248 = arith.constant 0 : index
    %swap3A_1249 = vector.load %arg7[%swap3A_1246, %swap3A_1247, %swap3A_1248] : memref<8x256x32xi32, #tpu.memory_space<vmem>>, vector<1x256x32xi32>
    %swap3A_1250 = vector.shape_cast %swap3A_1249 : vector<1x256x32xi32> to vector<256x32xi32>
    %swap3A_1251 = vector.shape_cast %scan3A_1244#1 : vector<256x32xi32> to vector<1x256x32xi32>
    tpu.vector_store %arg7[%swap3A_1246, %swap3A_1247, %swap3A_1248], %swap3A_1251 {strides = array<i32>} : memref<8x256x32xi32, #tpu.memory_space<vmem>>, vector<1x256x32xi32>,
    %swap3A_1252 = arith.constant 6 : index
    %swap3A_1253 = arith.constant 0 : index
    %swap3A_1254 = arith.constant 0 : index
    %swap3A_1255 = vector.load %arg8[%swap3A_1252, %swap3A_1253, %swap3A_1254] : memref<8x256x32xi32, #tpu.memory_space<vmem>>, vector<1x256x32xi32>
    %swap3A_1256 = vector.shape_cast %swap3A_1255 : vector<1x256x32xi32> to vector<256x32xi32>
    %swap3A_1257 = vector.shape_cast %scan3A_1244#2 : vector<256x32xi32> to vector<1x256x32xi32>
    tpu.vector_store %arg8[%swap3A_1252, %swap3A_1253, %swap3A_1254], %swap3A_1257 {strides = array<i32>} : memref<8x256x32xi32, #tpu.memory_space<vmem>>, vector<1x256x32xi32>,
    %slice3A_1258 = vector.extract_strided_slice %scan3A_39#2 {offsets = [7, 0], sizes = [1, 256], strides = [1, 1]} : vector<8x256xf32> to vector<1x256xf32>
    %jit3A_1259 = arith.constant 0.000000e+00 : f32
    %broadcast_in_dim3A_1260 = vector.shape_cast %slice3A_1258 : vector<1x256xf32> to vector<1x256xf32>
    %broadcast_in_dim3A_1261 = vector.broadcast %broadcast_in_dim3A_1260 : vector<1x256xf32> to vector<256x256xf32>
    %broadcast_in_dim3A_1262 = vector.broadcast %jit3A_1259 : f32 to vector<256x256xf32>
    %select_n3A_1263 = arith.select %eq3A_695, %broadcast_in_dim3A_1261, %broadcast_in_dim3A_1262 : vector<256x256xi1>, vector<256x256xf32>
    %reduce_sum3A_1264 = arith.constant dense<0.000000e+00> : vector<256xf32>
    %reduce_sum3A_1265 = vector.multi_reduction <add>, %select_n3A_1263, %reduce_sum3A_1264 [1] : vector<256x256xf32> to vector<256xf32>
    %broadcast_in_dim3A_1266 = vector.shape_cast %reduce_sum3A_1265 : vector<256xf32> to vector<256x1xf32>
    %slice3A_1267 = vector.extract_strided_slice %scan3A_39#3 {offsets = [7, 0], sizes = [1, 256], strides = [1, 1]} : vector<8x256xf32> to vector<1x256xf32>
    %jit3A_1268 = arith.constant 0.000000e+00 : f32
    %broadcast_in_dim3A_1269 = vector.shape_cast %slice3A_1267 : vector<1x256xf32> to vector<1x256xf32>
    %broadcast_in_dim3A_1270 = vector.broadcast %broadcast_in_dim3A_1269 : vector<1x256xf32> to vector<256x256xf32>
    %broadcast_in_dim3A_1271 = vector.broadcast %jit3A_1268 : f32 to vector<256x256xf32>
    %select_n3A_1272 = arith.select %eq3A_695, %broadcast_in_dim3A_1270, %broadcast_in_dim3A_1271 : vector<256x256xi1>, vector<256x256xf32>
    %reduce_sum3A_1273 = arith.constant dense<0.000000e+00> : vector<256xf32>
    %reduce_sum3A_1274 = vector.multi_reduction <add>, %select_n3A_1272, %reduce_sum3A_1273 [1] : vector<256x256xf32> to vector<256xf32>
    %broadcast_in_dim3A_1275 = vector.shape_cast %reduce_sum3A_1274 : vector<256xf32> to vector<256x1xf32>
    %slice3A_1276 = vector.extract_strided_slice %scan3A_39#4 {offsets = [7, 0], sizes = [1, 256], strides = [1, 1]} : vector<8x256xf32> to vector<1x256xf32>
    %jit3A_1277 = arith.constant 0.000000e+00 : f32
    %broadcast_in_dim3A_1278 = vector.shape_cast %slice3A_1276 : vector<1x256xf32> to vector<1x256xf32>
    %broadcast_in_dim3A_1279 = vector.broadcast %broadcast_in_dim3A_1278 : vector<1x256xf32> to vector<256x256xf32>
    %broadcast_in_dim3A_1280 = vector.broadcast %jit3A_1277 : f32 to vector<256x256xf32>
    %select_n3A_1281 = arith.select %eq3A_695, %broadcast_in_dim3A_1279, %broadcast_in_dim3A_1280 : vector<256x256xi1>, vector<256x256xf32>
    %reduce_sum3A_1282 = arith.constant dense<0.000000e+00> : vector<256xf32>
    %reduce_sum3A_1283 = vector.multi_reduction <add>, %select_n3A_1281, %reduce_sum3A_1282 [1] : vector<256x256xf32> to vector<256xf32>
    %broadcast_in_dim3A_1284 = vector.shape_cast %reduce_sum3A_1283 : vector<256xf32> to vector<256x1xf32>
    %concatenate3A_1285 = tpu.concatenate %broadcast_in_dim3A_1266, %broadcast_in_dim3A_1275, %broadcast_in_dim3A_1284 in 1 : vector<256x1xf32>, vector<256x1xf32>, vector<256x1xf32> -> vector<256x3xf32>
    %swap3A_1286 = arith.constant 7 : index
    %swap3A_1287 = arith.constant 0 : index
    %swap3A_1288 = arith.constant 0 : index
    %swap3A_1289 = vector.load %arg6[%swap3A_1286, %swap3A_1287, %swap3A_1288] : memref<8x256x3xf32, #tpu.memory_space<vmem>>, vector<1x256x3xf32>
    %swap3A_1290 = vector.shape_cast %swap3A_1289 : vector<1x256x3xf32> to vector<256x3xf32>
    %swap3A_1291 = vector.shape_cast %concatenate3A_1285 : vector<256x3xf32> to vector<1x256x3xf32>
    tpu.vector_store %arg6[%swap3A_1286, %swap3A_1287, %swap3A_1288], %swap3A_1291 {strides = array<i32>} : memref<8x256x3xf32, #tpu.memory_space<vmem>>, vector<1x256x3xf32>,
    %slice3A_1292 = vector.extract_strided_slice %scan3A_21#2 {offsets = [7, 0], sizes = [1, 512], strides = [1, 1]} : vector<8x512xf32> to vector<1x512xf32>
    %sub3A_1293 = vector.broadcast %broadcast_in_dim3A_1266 : vector<256x1xf32> to vector<256x512xf32>
    %sub3A_1294 = vector.broadcast %slice3A_1292 : vector<1x512xf32> to vector<256x512xf32>
    %sub3A_1295 = arith.subf %sub3A_1293, %sub3A_1294 : vector<256x512xf32>
    %slice3A_1296 = vector.extract_strided_slice %scan3A_21#3 {offsets = [7, 0], sizes = [1, 512], strides = [1, 1]} : vector<8x512xf32> to vector<1x512xf32>
    %sub3A_1297 = vector.broadcast %broadcast_in_dim3A_1275 : vector<256x1xf32> to vector<256x512xf32>
    %sub3A_1298 = vector.broadcast %slice3A_1296 : vector<1x512xf32> to vector<256x512xf32>
    %sub3A_1299 = arith.subf %sub3A_1297, %sub3A_1298 : vector<256x512xf32>
    %slice3A_1300 = vector.extract_strided_slice %scan3A_21#4 {offsets = [7, 0], sizes = [1, 512], strides = [1, 1]} : vector<8x512xf32> to vector<1x512xf32>
    %sub3A_1301 = vector.broadcast %broadcast_in_dim3A_1284 : vector<256x1xf32> to vector<256x512xf32>
    %sub3A_1302 = vector.broadcast %slice3A_1300 : vector<1x512xf32> to vector<256x512xf32>
    %sub3A_1303 = arith.subf %sub3A_1301, %sub3A_1302 : vector<256x512xf32>
    %mul3A_1304 = arith.mulf %sub3A_1295, %sub3A_1295 : vector<256x512xf32>
    %mul3A_1305 = arith.mulf %sub3A_1299, %sub3A_1299 : vector<256x512xf32>
    %add3A_1306 = arith.addf %mul3A_1304, %mul3A_1305 : vector<256x512xf32>
    %mul3A_1307 = arith.mulf %sub3A_1303, %sub3A_1303 : vector<256x512xf32>
    %add3A_1308 = arith.addf %add3A_1306, %mul3A_1307 : vector<256x512xf32>
    %le3A_1309 = arith.constant 9.000000e-02 : f32
    %le3A_1310 = vector.broadcast %le3A_1309 : f32 to vector<256x512xf32>
    %le3A_1311 = arith.cmpf ole, %add3A_1308, %le3A_1310 : vector<256x512xf32>
    %jit3A_1312 = arith.constant 0x7F800000 : f32
    %broadcast_in_dim3A_1313 = vector.broadcast %jit3A_1312 : f32 to vector<256x512xf32>
    %select_n3A_1314 = arith.select %le3A_1311, %add3A_1308, %broadcast_in_dim3A_1313 : vector<256x512xi1>, vector<256x512xf32>
    %broadcast_in_dim3A_1315 = arith.constant 0 : i32
    %broadcast_in_dim3A_1316 = vector.broadcast %broadcast_in_dim3A_1315 : i32 to vector<256x32xi32>
    %broadcast_in_dim3A_1317 = arith.constant 0 : i32
    %broadcast_in_dim3A_1318 = vector.broadcast %broadcast_in_dim3A_1317 : i32 to vector<256x32xi32>
    %scan3A_1319 = arith.constant 0x7F800000 : f32
    %scan3A_1320 = arith.constant 0 : i32
    %scan3A_1321 = arith.constant 32 : i32
    %scan3A_1322 = arith.addi %scan3A_1320, %scan3A_1321 : i32
    %scan3A_1323 = arith.constant 1 : i32
    %scan3A_1324:3 = scf.for %scan3A_1983 = %scan3A_1320 to %scan3A_1322 step %scan3A_1323 iter_args(%scan3A_1984 = %select_n3A_1314, %scan3A_1985 = %broadcast_in_dim3A_1316, %scan3A_1986 = %broadcast_in_dim3A_1318) -> (vector<256x512xf32>, vector<256x32xi32>, vector<256x32xi32>)  : i32 {
      %reduce_min3A = arith.constant dense<0x7F800000> : vector<256xf32>
      %reduce_min3A_1987 = vector.multi_reduction <minimumf>, %scan3A_1984, %reduce_min3A [1] : vector<256x512xf32> to vector<256xf32>
      %broadcast_in_dim3A_1988 = vector.shape_cast %reduce_min3A_1987 : vector<256xf32> to vector<256x1xf32>
      %eq3A_1989 = vector.broadcast %broadcast_in_dim3A_1988 : vector<256x1xf32> to vector<256x512xf32>
      %eq3A_1990 = arith.cmpf oeq, %scan3A_1984, %eq3A_1989 : vector<256x512xf32>
      %jit3A_1991 = arith.constant 512 : i32
      %broadcast_in_dim3A_1992 = vector.broadcast %jit3A_1991 : i32 to vector<256x512xi32>
      %select_n3A_1993 = arith.select %eq3A_1990, %iota3A_696, %broadcast_in_dim3A_1992 : vector<256x512xi1>, vector<256x512xi32>
      %reduce_min3A_1994 = arith.constant dense<2147483647> : vector<256xi32>
      %reduce_min3A_1995 = vector.multi_reduction <minsi>, %select_n3A_1993, %reduce_min3A_1994 [1] : vector<256x512xi32> to vector<256xi32>
      %broadcast_in_dim3A_1996 = vector.shape_cast %reduce_min3A_1995 : vector<256xi32> to vector<256x1xi32>
      %lt3A = vector.broadcast %scan3A_1319 : f32 to vector<256x1xf32>
      %lt3A_1997 = arith.cmpf olt, %broadcast_in_dim3A_1988, %lt3A : vector<256x1xf32>
      %convert_element_type3A = arith.extui %lt3A_1997 : vector<256x1xi1> to vector<256x1xi32>
      %eq3A_1998 = vector.broadcast %scan3A_1983 : i32 to vector<256x32xi32>
      %eq3A_1999 = arith.cmpi eq, %iota3A_697, %eq3A_1998 : vector<256x32xi32>
      %broadcast_in_dim3A_2000 = vector.shape_cast %broadcast_in_dim3A_1996 : vector<256x1xi32> to vector<256x1xi32>
      %broadcast_in_dim3A_2001 = vector.broadcast %broadcast_in_dim3A_2000 : vector<256x1xi32> to vector<256x32xi32>
      %select_n3A_2002 = arith.select %eq3A_1999, %broadcast_in_dim3A_2001, %scan3A_1985 : vector<256x32xi1>, vector<256x32xi32>
      %broadcast_in_dim3A_2003 = vector.shape_cast %convert_element_type3A : vector<256x1xi32> to vector<256x1xi32>
      %broadcast_in_dim3A_2004 = vector.broadcast %broadcast_in_dim3A_2003 : vector<256x1xi32> to vector<256x32xi32>
      %select_n3A_2005 = arith.select %eq3A_1999, %broadcast_in_dim3A_2004, %scan3A_1986 : vector<256x32xi1>, vector<256x32xi32>
      %eq3A_2006 = vector.broadcast %broadcast_in_dim3A_1996 : vector<256x1xi32> to vector<256x512xi32>
      %eq3A_2007 = arith.cmpi eq, %iota3A_696, %eq3A_2006 : vector<256x512xi32>
      %broadcast_in_dim3A_2008 = vector.broadcast %scan3A_1319 : f32 to vector<256x512xf32>
      %select_n3A_2009 = arith.select %eq3A_2007, %broadcast_in_dim3A_2008, %scan3A_1984 : vector<256x512xi1>, vector<256x512xf32>
      scf.yield %select_n3A_2009, %select_n3A_2002, %select_n3A_2005 : vector<256x512xf32>, vector<256x32xi32>, vector<256x32xi32>
    }
    %scan3A_1325 = arith.constant 32 : i32
    %swap3A_1326 = arith.constant 7 : index
    %swap3A_1327 = arith.constant 0 : index
    %swap3A_1328 = arith.constant 0 : index
    %swap3A_1329 = vector.load %arg7[%swap3A_1326, %swap3A_1327, %swap3A_1328] : memref<8x256x32xi32, #tpu.memory_space<vmem>>, vector<1x256x32xi32>
    %swap3A_1330 = vector.shape_cast %swap3A_1329 : vector<1x256x32xi32> to vector<256x32xi32>
    %swap3A_1331 = vector.shape_cast %scan3A_1324#1 : vector<256x32xi32> to vector<1x256x32xi32>
    tpu.vector_store %arg7[%swap3A_1326, %swap3A_1327, %swap3A_1328], %swap3A_1331 {strides = array<i32>} : memref<8x256x32xi32, #tpu.memory_space<vmem>>, vector<1x256x32xi32>,
    %swap3A_1332 = arith.constant 7 : index
    %swap3A_1333 = arith.constant 0 : index
    %swap3A_1334 = arith.constant 0 : index
    %swap3A_1335 = vector.load %arg8[%swap3A_1332, %swap3A_1333, %swap3A_1334] : memref<8x256x32xi32, #tpu.memory_space<vmem>>, vector<1x256x32xi32>
    %swap3A_1336 = vector.shape_cast %swap3A_1335 : vector<1x256x32xi32> to vector<256x32xi32>
    %swap3A_1337 = vector.shape_cast %scan3A_1324#2 : vector<256x32xi32> to vector<1x256x32xi32>
    tpu.vector_store %arg8[%swap3A_1332, %swap3A_1333, %swap3A_1334], %swap3A_1337 {strides = array<i32>} : memref<8x256x32xi32, #tpu.memory_space<vmem>>, vector<1x256x32xi32>,
    %iota3A_1338 = tpu.iota {dimensions = array<i32: 0>} : vector<128x128xi32>
    %iota3A_1339 = tpu.iota {dimensions = array<i32: 1>} : vector<128x128xi32>
    %eq3A_1340 = arith.cmpi eq, %iota3A_1338, %iota3A_1339 : vector<128x128xi32>
    %iota3A_1341 = tpu.iota {dimensions = array<i32: 1>} : vector<128x256xi32>
    %iota3A_1342 = tpu.iota {dimensions = array<i32: 1>} : vector<128x32xi32>
    %slice3A_1343 = vector.extract_strided_slice %scan3A_57#2 {offsets = [0, 0], sizes = [1, 128], strides = [1, 1]} : vector<8x128xf32> to vector<1x128xf32>
    %jit3A_1344 = arith.constant 0.000000e+00 : f32
    %broadcast_in_dim3A_1345 = vector.shape_cast %slice3A_1343 : vector<1x128xf32> to vector<1x128xf32>
    %broadcast_in_dim3A_1346 = vector.broadcast %broadcast_in_dim3A_1345 : vector<1x128xf32> to vector<128x128xf32>
    %broadcast_in_dim3A_1347 = vector.broadcast %jit3A_1344 : f32 to vector<128x128xf32>
    %select_n3A_1348 = arith.select %eq3A_1340, %broadcast_in_dim3A_1346, %broadcast_in_dim3A_1347 : vector<128x128xi1>, vector<128x128xf32>
    %reduce_sum3A_1349 = arith.constant dense<0.000000e+00> : vector<128xf32>
    %reduce_sum3A_1350 = vector.multi_reduction <add>, %select_n3A_1348, %reduce_sum3A_1349 [1] : vector<128x128xf32> to vector<128xf32>
    %broadcast_in_dim3A_1351 = vector.shape_cast %reduce_sum3A_1350 : vector<128xf32> to vector<128x1xf32>
    %slice3A_1352 = vector.extract_strided_slice %scan3A_57#3 {offsets = [0, 0], sizes = [1, 128], strides = [1, 1]} : vector<8x128xf32> to vector<1x128xf32>
    %jit3A_1353 = arith.constant 0.000000e+00 : f32
    %broadcast_in_dim3A_1354 = vector.shape_cast %slice3A_1352 : vector<1x128xf32> to vector<1x128xf32>
    %broadcast_in_dim3A_1355 = vector.broadcast %broadcast_in_dim3A_1354 : vector<1x128xf32> to vector<128x128xf32>
    %broadcast_in_dim3A_1356 = vector.broadcast %jit3A_1353 : f32 to vector<128x128xf32>
    %select_n3A_1357 = arith.select %eq3A_1340, %broadcast_in_dim3A_1355, %broadcast_in_dim3A_1356 : vector<128x128xi1>, vector<128x128xf32>
    %reduce_sum3A_1358 = arith.constant dense<0.000000e+00> : vector<128xf32>
    %reduce_sum3A_1359 = vector.multi_reduction <add>, %select_n3A_1357, %reduce_sum3A_1358 [1] : vector<128x128xf32> to vector<128xf32>
    %broadcast_in_dim3A_1360 = vector.shape_cast %reduce_sum3A_1359 : vector<128xf32> to vector<128x1xf32>
    %slice3A_1361 = vector.extract_strided_slice %scan3A_57#4 {offsets = [0, 0], sizes = [1, 128], strides = [1, 1]} : vector<8x128xf32> to vector<1x128xf32>
    %jit3A_1362 = arith.constant 0.000000e+00 : f32
    %broadcast_in_dim3A_1363 = vector.shape_cast %slice3A_1361 : vector<1x128xf32> to vector<1x128xf32>
    %broadcast_in_dim3A_1364 = vector.broadcast %broadcast_in_dim3A_1363 : vector<1x128xf32> to vector<128x128xf32>
    %broadcast_in_dim3A_1365 = vector.broadcast %jit3A_1362 : f32 to vector<128x128xf32>
    %select_n3A_1366 = arith.select %eq3A_1340, %broadcast_in_dim3A_1364, %broadcast_in_dim3A_1365 : vector<128x128xi1>, vector<128x128xf32>
    %reduce_sum3A_1367 = arith.constant dense<0.000000e+00> : vector<128xf32>
    %reduce_sum3A_1368 = vector.multi_reduction <add>, %select_n3A_1366, %reduce_sum3A_1367 [1] : vector<128x128xf32> to vector<128xf32>
    %broadcast_in_dim3A_1369 = vector.shape_cast %reduce_sum3A_1368 : vector<128xf32> to vector<128x1xf32>
    %concatenate3A_1370 = tpu.concatenate %broadcast_in_dim3A_1351, %broadcast_in_dim3A_1360, %broadcast_in_dim3A_1369 in 1 : vector<128x1xf32>, vector<128x1xf32>, vector<128x1xf32> -> vector<128x3xf32>
    %swap3A_1371 = arith.constant 0 : index
    %swap3A_1372 = arith.constant 0 : index
    %swap3A_1373 = arith.constant 0 : index
    %swap3A_1374 = vector.load %arg9[%swap3A_1371, %swap3A_1372, %swap3A_1373] : memref<8x128x3xf32, #tpu.memory_space<vmem>>, vector<1x128x3xf32>
    %swap3A_1375 = vector.shape_cast %swap3A_1374 : vector<1x128x3xf32> to vector<128x3xf32>
    %swap3A_1376 = vector.shape_cast %concatenate3A_1370 : vector<128x3xf32> to vector<1x128x3xf32>
    tpu.vector_store %arg9[%swap3A_1371, %swap3A_1372, %swap3A_1373], %swap3A_1376 {strides = array<i32>} : memref<8x128x3xf32, #tpu.memory_space<vmem>>, vector<1x128x3xf32>,
    %slice3A_1377 = vector.extract_strided_slice %scan3A_39#2 {offsets = [0, 0], sizes = [1, 256], strides = [1, 1]} : vector<8x256xf32> to vector<1x256xf32>
    %sub3A_1378 = vector.broadcast %broadcast_in_dim3A_1351 : vector<128x1xf32> to vector<128x256xf32>
    %sub3A_1379 = vector.broadcast %slice3A_1377 : vector<1x256xf32> to vector<128x256xf32>
    %sub3A_1380 = arith.subf %sub3A_1378, %sub3A_1379 : vector<128x256xf32>
    %slice3A_1381 = vector.extract_strided_slice %scan3A_39#3 {offsets = [0, 0], sizes = [1, 256], strides = [1, 1]} : vector<8x256xf32> to vector<1x256xf32>
    %sub3A_1382 = vector.broadcast %broadcast_in_dim3A_1360 : vector<128x1xf32> to vector<128x256xf32>
    %sub3A_1383 = vector.broadcast %slice3A_1381 : vector<1x256xf32> to vector<128x256xf32>
    %sub3A_1384 = arith.subf %sub3A_1382, %sub3A_1383 : vector<128x256xf32>
    %slice3A_1385 = vector.extract_strided_slice %scan3A_39#4 {offsets = [0, 0], sizes = [1, 256], strides = [1, 1]} : vector<8x256xf32> to vector<1x256xf32>
    %sub3A_1386 = vector.broadcast %broadcast_in_dim3A_1369 : vector<128x1xf32> to vector<128x256xf32>
    %sub3A_1387 = vector.broadcast %slice3A_1385 : vector<1x256xf32> to vector<128x256xf32>
    %sub3A_1388 = arith.subf %sub3A_1386, %sub3A_1387 : vector<128x256xf32>
    %mul3A_1389 = arith.mulf %sub3A_1380, %sub3A_1380 : vector<128x256xf32>
    %mul3A_1390 = arith.mulf %sub3A_1384, %sub3A_1384 : vector<128x256xf32>
    %add3A_1391 = arith.addf %mul3A_1389, %mul3A_1390 : vector<128x256xf32>
    %mul3A_1392 = arith.mulf %sub3A_1388, %sub3A_1388 : vector<128x256xf32>
    %add3A_1393 = arith.addf %add3A_1391, %mul3A_1392 : vector<128x256xf32>
    %le3A_1394 = arith.constant 1.600000e-01 : f32
    %le3A_1395 = vector.broadcast %le3A_1394 : f32 to vector<128x256xf32>
    %le3A_1396 = arith.cmpf ole, %add3A_1393, %le3A_1395 : vector<128x256xf32>
    %jit3A_1397 = arith.constant 0x7F800000 : f32
    %broadcast_in_dim3A_1398 = vector.broadcast %jit3A_1397 : f32 to vector<128x256xf32>
    %select_n3A_1399 = arith.select %le3A_1396, %add3A_1393, %broadcast_in_dim3A_1398 : vector<128x256xi1>, vector<128x256xf32>
    %broadcast_in_dim3A_1400 = arith.constant 0 : i32
    %broadcast_in_dim3A_1401 = vector.broadcast %broadcast_in_dim3A_1400 : i32 to vector<128x32xi32>
    %broadcast_in_dim3A_1402 = arith.constant 0 : i32
    %broadcast_in_dim3A_1403 = vector.broadcast %broadcast_in_dim3A_1402 : i32 to vector<128x32xi32>
    %scan3A_1404 = arith.constant 0x7F800000 : f32
    %scan3A_1405 = arith.constant 0 : i32
    %scan3A_1406 = arith.constant 32 : i32
    %scan3A_1407 = arith.addi %scan3A_1405, %scan3A_1406 : i32
    %scan3A_1408 = arith.constant 1 : i32
    %scan3A_1409:3 = scf.for %scan3A_1983 = %scan3A_1405 to %scan3A_1407 step %scan3A_1408 iter_args(%scan3A_1984 = %select_n3A_1399, %scan3A_1985 = %broadcast_in_dim3A_1401, %scan3A_1986 = %broadcast_in_dim3A_1403) -> (vector<128x256xf32>, vector<128x32xi32>, vector<128x32xi32>)  : i32 {
      %reduce_min3A = arith.constant dense<0x7F800000> : vector<128xf32>
      %reduce_min3A_1987 = vector.multi_reduction <minimumf>, %scan3A_1984, %reduce_min3A [1] : vector<128x256xf32> to vector<128xf32>
      %broadcast_in_dim3A_1988 = vector.shape_cast %reduce_min3A_1987 : vector<128xf32> to vector<128x1xf32>
      %eq3A_1989 = vector.broadcast %broadcast_in_dim3A_1988 : vector<128x1xf32> to vector<128x256xf32>
      %eq3A_1990 = arith.cmpf oeq, %scan3A_1984, %eq3A_1989 : vector<128x256xf32>
      %jit3A_1991 = arith.constant 256 : i32
      %broadcast_in_dim3A_1992 = vector.broadcast %jit3A_1991 : i32 to vector<128x256xi32>
      %select_n3A_1993 = arith.select %eq3A_1990, %iota3A_1341, %broadcast_in_dim3A_1992 : vector<128x256xi1>, vector<128x256xi32>
      %reduce_min3A_1994 = arith.constant dense<2147483647> : vector<128xi32>
      %reduce_min3A_1995 = vector.multi_reduction <minsi>, %select_n3A_1993, %reduce_min3A_1994 [1] : vector<128x256xi32> to vector<128xi32>
      %broadcast_in_dim3A_1996 = vector.shape_cast %reduce_min3A_1995 : vector<128xi32> to vector<128x1xi32>
      %lt3A = vector.broadcast %scan3A_1404 : f32 to vector<128x1xf32>
      %lt3A_1997 = arith.cmpf olt, %broadcast_in_dim3A_1988, %lt3A : vector<128x1xf32>
      %convert_element_type3A = arith.extui %lt3A_1997 : vector<128x1xi1> to vector<128x1xi32>
      %eq3A_1998 = vector.broadcast %scan3A_1983 : i32 to vector<128x32xi32>
      %eq3A_1999 = arith.cmpi eq, %iota3A_1342, %eq3A_1998 : vector<128x32xi32>
      %broadcast_in_dim3A_2000 = vector.shape_cast %broadcast_in_dim3A_1996 : vector<128x1xi32> to vector<128x1xi32>
      %broadcast_in_dim3A_2001 = vector.broadcast %broadcast_in_dim3A_2000 : vector<128x1xi32> to vector<128x32xi32>
      %select_n3A_2002 = arith.select %eq3A_1999, %broadcast_in_dim3A_2001, %scan3A_1985 : vector<128x32xi1>, vector<128x32xi32>
      %broadcast_in_dim3A_2003 = vector.shape_cast %convert_element_type3A : vector<128x1xi32> to vector<128x1xi32>
      %broadcast_in_dim3A_2004 = vector.broadcast %broadcast_in_dim3A_2003 : vector<128x1xi32> to vector<128x32xi32>
      %select_n3A_2005 = arith.select %eq3A_1999, %broadcast_in_dim3A_2004, %scan3A_1986 : vector<128x32xi1>, vector<128x32xi32>
      %eq3A_2006 = vector.broadcast %broadcast_in_dim3A_1996 : vector<128x1xi32> to vector<128x256xi32>
      %eq3A_2007 = arith.cmpi eq, %iota3A_1341, %eq3A_2006 : vector<128x256xi32>
      %broadcast_in_dim3A_2008 = vector.broadcast %scan3A_1404 : f32 to vector<128x256xf32>
      %select_n3A_2009 = arith.select %eq3A_2007, %broadcast_in_dim3A_2008, %scan3A_1984 : vector<128x256xi1>, vector<128x256xf32>
      scf.yield %select_n3A_2009, %select_n3A_2002, %select_n3A_2005 : vector<128x256xf32>, vector<128x32xi32>, vector<128x32xi32>
    }
    %scan3A_1410 = arith.constant 32 : i32
    %swap3A_1411 = arith.constant 0 : index
    %swap3A_1412 = arith.constant 0 : index
    %swap3A_1413 = arith.constant 0 : index
    %swap3A_1414 = vector.load %arg10[%swap3A_1411, %swap3A_1412, %swap3A_1413] : memref<8x128x32xi32, #tpu.memory_space<vmem>>, vector<1x128x32xi32>
    %swap3A_1415 = vector.shape_cast %swap3A_1414 : vector<1x128x32xi32> to vector<128x32xi32>
    %swap3A_1416 = vector.shape_cast %scan3A_1409#1 : vector<128x32xi32> to vector<1x128x32xi32>
    tpu.vector_store %arg10[%swap3A_1411, %swap3A_1412, %swap3A_1413], %swap3A_1416 {strides = array<i32>} : memref<8x128x32xi32, #tpu.memory_space<vmem>>, vector<1x128x32xi32>,
    %swap3A_1417 = arith.constant 0 : index
    %swap3A_1418 = arith.constant 0 : index
    %swap3A_1419 = arith.constant 0 : index
    %swap3A_1420 = vector.load %arg11[%swap3A_1417, %swap3A_1418, %swap3A_1419] : memref<8x128x32xi32, #tpu.memory_space<vmem>>, vector<1x128x32xi32>
    %swap3A_1421 = vector.shape_cast %swap3A_1420 : vector<1x128x32xi32> to vector<128x32xi32>
    %swap3A_1422 = vector.shape_cast %scan3A_1409#2 : vector<128x32xi32> to vector<1x128x32xi32>
    tpu.vector_store %arg11[%swap3A_1417, %swap3A_1418, %swap3A_1419], %swap3A_1422 {strides = array<i32>} : memref<8x128x32xi32, #tpu.memory_space<vmem>>, vector<1x128x32xi32>,
    %slice3A_1423 = vector.extract_strided_slice %scan3A_57#2 {offsets = [1, 0], sizes = [1, 128], strides = [1, 1]} : vector<8x128xf32> to vector<1x128xf32>
    %jit3A_1424 = arith.constant 0.000000e+00 : f32
    %broadcast_in_dim3A_1425 = vector.shape_cast %slice3A_1423 : vector<1x128xf32> to vector<1x128xf32>
    %broadcast_in_dim3A_1426 = vector.broadcast %broadcast_in_dim3A_1425 : vector<1x128xf32> to vector<128x128xf32>
    %broadcast_in_dim3A_1427 = vector.broadcast %jit3A_1424 : f32 to vector<128x128xf32>
    %select_n3A_1428 = arith.select %eq3A_1340, %broadcast_in_dim3A_1426, %broadcast_in_dim3A_1427 : vector<128x128xi1>, vector<128x128xf32>
    %reduce_sum3A_1429 = arith.constant dense<0.000000e+00> : vector<128xf32>
    %reduce_sum3A_1430 = vector.multi_reduction <add>, %select_n3A_1428, %reduce_sum3A_1429 [1] : vector<128x128xf32> to vector<128xf32>
    %broadcast_in_dim3A_1431 = vector.shape_cast %reduce_sum3A_1430 : vector<128xf32> to vector<128x1xf32>
    %slice3A_1432 = vector.extract_strided_slice %scan3A_57#3 {offsets = [1, 0], sizes = [1, 128], strides = [1, 1]} : vector<8x128xf32> to vector<1x128xf32>
    %jit3A_1433 = arith.constant 0.000000e+00 : f32
    %broadcast_in_dim3A_1434 = vector.shape_cast %slice3A_1432 : vector<1x128xf32> to vector<1x128xf32>
    %broadcast_in_dim3A_1435 = vector.broadcast %broadcast_in_dim3A_1434 : vector<1x128xf32> to vector<128x128xf32>
    %broadcast_in_dim3A_1436 = vector.broadcast %jit3A_1433 : f32 to vector<128x128xf32>
    %select_n3A_1437 = arith.select %eq3A_1340, %broadcast_in_dim3A_1435, %broadcast_in_dim3A_1436 : vector<128x128xi1>, vector<128x128xf32>
    %reduce_sum3A_1438 = arith.constant dense<0.000000e+00> : vector<128xf32>
    %reduce_sum3A_1439 = vector.multi_reduction <add>, %select_n3A_1437, %reduce_sum3A_1438 [1] : vector<128x128xf32> to vector<128xf32>
    %broadcast_in_dim3A_1440 = vector.shape_cast %reduce_sum3A_1439 : vector<128xf32> to vector<128x1xf32>
    %slice3A_1441 = vector.extract_strided_slice %scan3A_57#4 {offsets = [1, 0], sizes = [1, 128], strides = [1, 1]} : vector<8x128xf32> to vector<1x128xf32>
    %jit3A_1442 = arith.constant 0.000000e+00 : f32
    %broadcast_in_dim3A_1443 = vector.shape_cast %slice3A_1441 : vector<1x128xf32> to vector<1x128xf32>
    %broadcast_in_dim3A_1444 = vector.broadcast %broadcast_in_dim3A_1443 : vector<1x128xf32> to vector<128x128xf32>
    %broadcast_in_dim3A_1445 = vector.broadcast %jit3A_1442 : f32 to vector<128x128xf32>
    %select_n3A_1446 = arith.select %eq3A_1340, %broadcast_in_dim3A_1444, %broadcast_in_dim3A_1445 : vector<128x128xi1>, vector<128x128xf32>
    %reduce_sum3A_1447 = arith.constant dense<0.000000e+00> : vector<128xf32>
    %reduce_sum3A_1448 = vector.multi_reduction <add>, %select_n3A_1446, %reduce_sum3A_1447 [1] : vector<128x128xf32> to vector<128xf32>
    %broadcast_in_dim3A_1449 = vector.shape_cast %reduce_sum3A_1448 : vector<128xf32> to vector<128x1xf32>
    %concatenate3A_1450 = tpu.concatenate %broadcast_in_dim3A_1431, %broadcast_in_dim3A_1440, %broadcast_in_dim3A_1449 in 1 : vector<128x1xf32>, vector<128x1xf32>, vector<128x1xf32> -> vector<128x3xf32>
    %swap3A_1451 = arith.constant 1 : index
    %swap3A_1452 = arith.constant 0 : index
    %swap3A_1453 = arith.constant 0 : index
    %swap3A_1454 = vector.load %arg9[%swap3A_1451, %swap3A_1452, %swap3A_1453] : memref<8x128x3xf32, #tpu.memory_space<vmem>>, vector<1x128x3xf32>
    %swap3A_1455 = vector.shape_cast %swap3A_1454 : vector<1x128x3xf32> to vector<128x3xf32>
    %swap3A_1456 = vector.shape_cast %concatenate3A_1450 : vector<128x3xf32> to vector<1x128x3xf32>
    tpu.vector_store %arg9[%swap3A_1451, %swap3A_1452, %swap3A_1453], %swap3A_1456 {strides = array<i32>} : memref<8x128x3xf32, #tpu.memory_space<vmem>>, vector<1x128x3xf32>,
    %slice3A_1457 = vector.extract_strided_slice %scan3A_39#2 {offsets = [1, 0], sizes = [1, 256], strides = [1, 1]} : vector<8x256xf32> to vector<1x256xf32>
    %sub3A_1458 = vector.broadcast %broadcast_in_dim3A_1431 : vector<128x1xf32> to vector<128x256xf32>
    %sub3A_1459 = vector.broadcast %slice3A_1457 : vector<1x256xf32> to vector<128x256xf32>
    %sub3A_1460 = arith.subf %sub3A_1458, %sub3A_1459 : vector<128x256xf32>
    %slice3A_1461 = vector.extract_strided_slice %scan3A_39#3 {offsets = [1, 0], sizes = [1, 256], strides = [1, 1]} : vector<8x256xf32> to vector<1x256xf32>
    %sub3A_1462 = vector.broadcast %broadcast_in_dim3A_1440 : vector<128x1xf32> to vector<128x256xf32>
    %sub3A_1463 = vector.broadcast %slice3A_1461 : vector<1x256xf32> to vector<128x256xf32>
    %sub3A_1464 = arith.subf %sub3A_1462, %sub3A_1463 : vector<128x256xf32>
    %slice3A_1465 = vector.extract_strided_slice %scan3A_39#4 {offsets = [1, 0], sizes = [1, 256], strides = [1, 1]} : vector<8x256xf32> to vector<1x256xf32>
    %sub3A_1466 = vector.broadcast %broadcast_in_dim3A_1449 : vector<128x1xf32> to vector<128x256xf32>
    %sub3A_1467 = vector.broadcast %slice3A_1465 : vector<1x256xf32> to vector<128x256xf32>
    %sub3A_1468 = arith.subf %sub3A_1466, %sub3A_1467 : vector<128x256xf32>
    %mul3A_1469 = arith.mulf %sub3A_1460, %sub3A_1460 : vector<128x256xf32>
    %mul3A_1470 = arith.mulf %sub3A_1464, %sub3A_1464 : vector<128x256xf32>
    %add3A_1471 = arith.addf %mul3A_1469, %mul3A_1470 : vector<128x256xf32>
    %mul3A_1472 = arith.mulf %sub3A_1468, %sub3A_1468 : vector<128x256xf32>
    %add3A_1473 = arith.addf %add3A_1471, %mul3A_1472 : vector<128x256xf32>
    %le3A_1474 = arith.constant 1.600000e-01 : f32
    %le3A_1475 = vector.broadcast %le3A_1474 : f32 to vector<128x256xf32>
    %le3A_1476 = arith.cmpf ole, %add3A_1473, %le3A_1475 : vector<128x256xf32>
    %jit3A_1477 = arith.constant 0x7F800000 : f32
    %broadcast_in_dim3A_1478 = vector.broadcast %jit3A_1477 : f32 to vector<128x256xf32>
    %select_n3A_1479 = arith.select %le3A_1476, %add3A_1473, %broadcast_in_dim3A_1478 : vector<128x256xi1>, vector<128x256xf32>
    %broadcast_in_dim3A_1480 = arith.constant 0 : i32
    %broadcast_in_dim3A_1481 = vector.broadcast %broadcast_in_dim3A_1480 : i32 to vector<128x32xi32>
    %broadcast_in_dim3A_1482 = arith.constant 0 : i32
    %broadcast_in_dim3A_1483 = vector.broadcast %broadcast_in_dim3A_1482 : i32 to vector<128x32xi32>
    %scan3A_1484 = arith.constant 0x7F800000 : f32
    %scan3A_1485 = arith.constant 0 : i32
    %scan3A_1486 = arith.constant 32 : i32
    %scan3A_1487 = arith.addi %scan3A_1485, %scan3A_1486 : i32
    %scan3A_1488 = arith.constant 1 : i32
    %scan3A_1489:3 = scf.for %scan3A_1983 = %scan3A_1485 to %scan3A_1487 step %scan3A_1488 iter_args(%scan3A_1984 = %select_n3A_1479, %scan3A_1985 = %broadcast_in_dim3A_1481, %scan3A_1986 = %broadcast_in_dim3A_1483) -> (vector<128x256xf32>, vector<128x32xi32>, vector<128x32xi32>)  : i32 {
      %reduce_min3A = arith.constant dense<0x7F800000> : vector<128xf32>
      %reduce_min3A_1987 = vector.multi_reduction <minimumf>, %scan3A_1984, %reduce_min3A [1] : vector<128x256xf32> to vector<128xf32>
      %broadcast_in_dim3A_1988 = vector.shape_cast %reduce_min3A_1987 : vector<128xf32> to vector<128x1xf32>
      %eq3A_1989 = vector.broadcast %broadcast_in_dim3A_1988 : vector<128x1xf32> to vector<128x256xf32>
      %eq3A_1990 = arith.cmpf oeq, %scan3A_1984, %eq3A_1989 : vector<128x256xf32>
      %jit3A_1991 = arith.constant 256 : i32
      %broadcast_in_dim3A_1992 = vector.broadcast %jit3A_1991 : i32 to vector<128x256xi32>
      %select_n3A_1993 = arith.select %eq3A_1990, %iota3A_1341, %broadcast_in_dim3A_1992 : vector<128x256xi1>, vector<128x256xi32>
      %reduce_min3A_1994 = arith.constant dense<2147483647> : vector<128xi32>
      %reduce_min3A_1995 = vector.multi_reduction <minsi>, %select_n3A_1993, %reduce_min3A_1994 [1] : vector<128x256xi32> to vector<128xi32>
      %broadcast_in_dim3A_1996 = vector.shape_cast %reduce_min3A_1995 : vector<128xi32> to vector<128x1xi32>
      %lt3A = vector.broadcast %scan3A_1484 : f32 to vector<128x1xf32>
      %lt3A_1997 = arith.cmpf olt, %broadcast_in_dim3A_1988, %lt3A : vector<128x1xf32>
      %convert_element_type3A = arith.extui %lt3A_1997 : vector<128x1xi1> to vector<128x1xi32>
      %eq3A_1998 = vector.broadcast %scan3A_1983 : i32 to vector<128x32xi32>
      %eq3A_1999 = arith.cmpi eq, %iota3A_1342, %eq3A_1998 : vector<128x32xi32>
      %broadcast_in_dim3A_2000 = vector.shape_cast %broadcast_in_dim3A_1996 : vector<128x1xi32> to vector<128x1xi32>
      %broadcast_in_dim3A_2001 = vector.broadcast %broadcast_in_dim3A_2000 : vector<128x1xi32> to vector<128x32xi32>
      %select_n3A_2002 = arith.select %eq3A_1999, %broadcast_in_dim3A_2001, %scan3A_1985 : vector<128x32xi1>, vector<128x32xi32>
      %broadcast_in_dim3A_2003 = vector.shape_cast %convert_element_type3A : vector<128x1xi32> to vector<128x1xi32>
      %broadcast_in_dim3A_2004 = vector.broadcast %broadcast_in_dim3A_2003 : vector<128x1xi32> to vector<128x32xi32>
      %select_n3A_2005 = arith.select %eq3A_1999, %broadcast_in_dim3A_2004, %scan3A_1986 : vector<128x32xi1>, vector<128x32xi32>
      %eq3A_2006 = vector.broadcast %broadcast_in_dim3A_1996 : vector<128x1xi32> to vector<128x256xi32>
      %eq3A_2007 = arith.cmpi eq, %iota3A_1341, %eq3A_2006 : vector<128x256xi32>
      %broadcast_in_dim3A_2008 = vector.broadcast %scan3A_1484 : f32 to vector<128x256xf32>
      %select_n3A_2009 = arith.select %eq3A_2007, %broadcast_in_dim3A_2008, %scan3A_1984 : vector<128x256xi1>, vector<128x256xf32>
      scf.yield %select_n3A_2009, %select_n3A_2002, %select_n3A_2005 : vector<128x256xf32>, vector<128x32xi32>, vector<128x32xi32>
    }
    %scan3A_1490 = arith.constant 32 : i32
    %swap3A_1491 = arith.constant 1 : index
    %swap3A_1492 = arith.constant 0 : index
    %swap3A_1493 = arith.constant 0 : index
    %swap3A_1494 = vector.load %arg10[%swap3A_1491, %swap3A_1492, %swap3A_1493] : memref<8x128x32xi32, #tpu.memory_space<vmem>>, vector<1x128x32xi32>
    %swap3A_1495 = vector.shape_cast %swap3A_1494 : vector<1x128x32xi32> to vector<128x32xi32>
    %swap3A_1496 = vector.shape_cast %scan3A_1489#1 : vector<128x32xi32> to vector<1x128x32xi32>
    tpu.vector_store %arg10[%swap3A_1491, %swap3A_1492, %swap3A_1493], %swap3A_1496 {strides = array<i32>} : memref<8x128x32xi32, #tpu.memory_space<vmem>>, vector<1x128x32xi32>,
    %swap3A_1497 = arith.constant 1 : index
    %swap3A_1498 = arith.constant 0 : index
    %swap3A_1499 = arith.constant 0 : index
    %swap3A_1500 = vector.load %arg11[%swap3A_1497, %swap3A_1498, %swap3A_1499] : memref<8x128x32xi32, #tpu.memory_space<vmem>>, vector<1x128x32xi32>
    %swap3A_1501 = vector.shape_cast %swap3A_1500 : vector<1x128x32xi32> to vector<128x32xi32>
    %swap3A_1502 = vector.shape_cast %scan3A_1489#2 : vector<128x32xi32> to vector<1x128x32xi32>
    tpu.vector_store %arg11[%swap3A_1497, %swap3A_1498, %swap3A_1499], %swap3A_1502 {strides = array<i32>} : memref<8x128x32xi32, #tpu.memory_space<vmem>>, vector<1x128x32xi32>,
    %slice3A_1503 = vector.extract_strided_slice %scan3A_57#2 {offsets = [2, 0], sizes = [1, 128], strides = [1, 1]} : vector<8x128xf32> to vector<1x128xf32>
    %jit3A_1504 = arith.constant 0.000000e+00 : f32
    %broadcast_in_dim3A_1505 = vector.shape_cast %slice3A_1503 : vector<1x128xf32> to vector<1x128xf32>
    %broadcast_in_dim3A_1506 = vector.broadcast %broadcast_in_dim3A_1505 : vector<1x128xf32> to vector<128x128xf32>
    %broadcast_in_dim3A_1507 = vector.broadcast %jit3A_1504 : f32 to vector<128x128xf32>
    %select_n3A_1508 = arith.select %eq3A_1340, %broadcast_in_dim3A_1506, %broadcast_in_dim3A_1507 : vector<128x128xi1>, vector<128x128xf32>
    %reduce_sum3A_1509 = arith.constant dense<0.000000e+00> : vector<128xf32>
    %reduce_sum3A_1510 = vector.multi_reduction <add>, %select_n3A_1508, %reduce_sum3A_1509 [1] : vector<128x128xf32> to vector<128xf32>
    %broadcast_in_dim3A_1511 = vector.shape_cast %reduce_sum3A_1510 : vector<128xf32> to vector<128x1xf32>
    %slice3A_1512 = vector.extract_strided_slice %scan3A_57#3 {offsets = [2, 0], sizes = [1, 128], strides = [1, 1]} : vector<8x128xf32> to vector<1x128xf32>
    %jit3A_1513 = arith.constant 0.000000e+00 : f32
    %broadcast_in_dim3A_1514 = vector.shape_cast %slice3A_1512 : vector<1x128xf32> to vector<1x128xf32>
    %broadcast_in_dim3A_1515 = vector.broadcast %broadcast_in_dim3A_1514 : vector<1x128xf32> to vector<128x128xf32>
    %broadcast_in_dim3A_1516 = vector.broadcast %jit3A_1513 : f32 to vector<128x128xf32>
    %select_n3A_1517 = arith.select %eq3A_1340, %broadcast_in_dim3A_1515, %broadcast_in_dim3A_1516 : vector<128x128xi1>, vector<128x128xf32>
    %reduce_sum3A_1518 = arith.constant dense<0.000000e+00> : vector<128xf32>
    %reduce_sum3A_1519 = vector.multi_reduction <add>, %select_n3A_1517, %reduce_sum3A_1518 [1] : vector<128x128xf32> to vector<128xf32>
    %broadcast_in_dim3A_1520 = vector.shape_cast %reduce_sum3A_1519 : vector<128xf32> to vector<128x1xf32>
    %slice3A_1521 = vector.extract_strided_slice %scan3A_57#4 {offsets = [2, 0], sizes = [1, 128], strides = [1, 1]} : vector<8x128xf32> to vector<1x128xf32>
    %jit3A_1522 = arith.constant 0.000000e+00 : f32
    %broadcast_in_dim3A_1523 = vector.shape_cast %slice3A_1521 : vector<1x128xf32> to vector<1x128xf32>
    %broadcast_in_dim3A_1524 = vector.broadcast %broadcast_in_dim3A_1523 : vector<1x128xf32> to vector<128x128xf32>
    %broadcast_in_dim3A_1525 = vector.broadcast %jit3A_1522 : f32 to vector<128x128xf32>
    %select_n3A_1526 = arith.select %eq3A_1340, %broadcast_in_dim3A_1524, %broadcast_in_dim3A_1525 : vector<128x128xi1>, vector<128x128xf32>
    %reduce_sum3A_1527 = arith.constant dense<0.000000e+00> : vector<128xf32>
    %reduce_sum3A_1528 = vector.multi_reduction <add>, %select_n3A_1526, %reduce_sum3A_1527 [1] : vector<128x128xf32> to vector<128xf32>
    %broadcast_in_dim3A_1529 = vector.shape_cast %reduce_sum3A_1528 : vector<128xf32> to vector<128x1xf32>
    %concatenate3A_1530 = tpu.concatenate %broadcast_in_dim3A_1511, %broadcast_in_dim3A_1520, %broadcast_in_dim3A_1529 in 1 : vector<128x1xf32>, vector<128x1xf32>, vector<128x1xf32> -> vector<128x3xf32>
    %swap3A_1531 = arith.constant 2 : index
    %swap3A_1532 = arith.constant 0 : index
    %swap3A_1533 = arith.constant 0 : index
    %swap3A_1534 = vector.load %arg9[%swap3A_1531, %swap3A_1532, %swap3A_1533] : memref<8x128x3xf32, #tpu.memory_space<vmem>>, vector<1x128x3xf32>
    %swap3A_1535 = vector.shape_cast %swap3A_1534 : vector<1x128x3xf32> to vector<128x3xf32>
    %swap3A_1536 = vector.shape_cast %concatenate3A_1530 : vector<128x3xf32> to vector<1x128x3xf32>
    tpu.vector_store %arg9[%swap3A_1531, %swap3A_1532, %swap3A_1533], %swap3A_1536 {strides = array<i32>} : memref<8x128x3xf32, #tpu.memory_space<vmem>>, vector<1x128x3xf32>,
    %slice3A_1537 = vector.extract_strided_slice %scan3A_39#2 {offsets = [2, 0], sizes = [1, 256], strides = [1, 1]} : vector<8x256xf32> to vector<1x256xf32>
    %sub3A_1538 = vector.broadcast %broadcast_in_dim3A_1511 : vector<128x1xf32> to vector<128x256xf32>
    %sub3A_1539 = vector.broadcast %slice3A_1537 : vector<1x256xf32> to vector<128x256xf32>
    %sub3A_1540 = arith.subf %sub3A_1538, %sub3A_1539 : vector<128x256xf32>
    %slice3A_1541 = vector.extract_strided_slice %scan3A_39#3 {offsets = [2, 0], sizes = [1, 256], strides = [1, 1]} : vector<8x256xf32> to vector<1x256xf32>
    %sub3A_1542 = vector.broadcast %broadcast_in_dim3A_1520 : vector<128x1xf32> to vector<128x256xf32>
    %sub3A_1543 = vector.broadcast %slice3A_1541 : vector<1x256xf32> to vector<128x256xf32>
    %sub3A_1544 = arith.subf %sub3A_1542, %sub3A_1543 : vector<128x256xf32>
    %slice3A_1545 = vector.extract_strided_slice %scan3A_39#4 {offsets = [2, 0], sizes = [1, 256], strides = [1, 1]} : vector<8x256xf32> to vector<1x256xf32>
    %sub3A_1546 = vector.broadcast %broadcast_in_dim3A_1529 : vector<128x1xf32> to vector<128x256xf32>
    %sub3A_1547 = vector.broadcast %slice3A_1545 : vector<1x256xf32> to vector<128x256xf32>
    %sub3A_1548 = arith.subf %sub3A_1546, %sub3A_1547 : vector<128x256xf32>
    %mul3A_1549 = arith.mulf %sub3A_1540, %sub3A_1540 : vector<128x256xf32>
    %mul3A_1550 = arith.mulf %sub3A_1544, %sub3A_1544 : vector<128x256xf32>
    %add3A_1551 = arith.addf %mul3A_1549, %mul3A_1550 : vector<128x256xf32>
    %mul3A_1552 = arith.mulf %sub3A_1548, %sub3A_1548 : vector<128x256xf32>
    %add3A_1553 = arith.addf %add3A_1551, %mul3A_1552 : vector<128x256xf32>
    %le3A_1554 = arith.constant 1.600000e-01 : f32
    %le3A_1555 = vector.broadcast %le3A_1554 : f32 to vector<128x256xf32>
    %le3A_1556 = arith.cmpf ole, %add3A_1553, %le3A_1555 : vector<128x256xf32>
    %jit3A_1557 = arith.constant 0x7F800000 : f32
    %broadcast_in_dim3A_1558 = vector.broadcast %jit3A_1557 : f32 to vector<128x256xf32>
    %select_n3A_1559 = arith.select %le3A_1556, %add3A_1553, %broadcast_in_dim3A_1558 : vector<128x256xi1>, vector<128x256xf32>
    %broadcast_in_dim3A_1560 = arith.constant 0 : i32
    %broadcast_in_dim3A_1561 = vector.broadcast %broadcast_in_dim3A_1560 : i32 to vector<128x32xi32>
    %broadcast_in_dim3A_1562 = arith.constant 0 : i32
    %broadcast_in_dim3A_1563 = vector.broadcast %broadcast_in_dim3A_1562 : i32 to vector<128x32xi32>
    %scan3A_1564 = arith.constant 0x7F800000 : f32
    %scan3A_1565 = arith.constant 0 : i32
    %scan3A_1566 = arith.constant 32 : i32
    %scan3A_1567 = arith.addi %scan3A_1565, %scan3A_1566 : i32
    %scan3A_1568 = arith.constant 1 : i32
    %scan3A_1569:3 = scf.for %scan3A_1983 = %scan3A_1565 to %scan3A_1567 step %scan3A_1568 iter_args(%scan3A_1984 = %select_n3A_1559, %scan3A_1985 = %broadcast_in_dim3A_1561, %scan3A_1986 = %broadcast_in_dim3A_1563) -> (vector<128x256xf32>, vector<128x32xi32>, vector<128x32xi32>)  : i32 {
      %reduce_min3A = arith.constant dense<0x7F800000> : vector<128xf32>
      %reduce_min3A_1987 = vector.multi_reduction <minimumf>, %scan3A_1984, %reduce_min3A [1] : vector<128x256xf32> to vector<128xf32>
      %broadcast_in_dim3A_1988 = vector.shape_cast %reduce_min3A_1987 : vector<128xf32> to vector<128x1xf32>
      %eq3A_1989 = vector.broadcast %broadcast_in_dim3A_1988 : vector<128x1xf32> to vector<128x256xf32>
      %eq3A_1990 = arith.cmpf oeq, %scan3A_1984, %eq3A_1989 : vector<128x256xf32>
      %jit3A_1991 = arith.constant 256 : i32
      %broadcast_in_dim3A_1992 = vector.broadcast %jit3A_1991 : i32 to vector<128x256xi32>
      %select_n3A_1993 = arith.select %eq3A_1990, %iota3A_1341, %broadcast_in_dim3A_1992 : vector<128x256xi1>, vector<128x256xi32>
      %reduce_min3A_1994 = arith.constant dense<2147483647> : vector<128xi32>
      %reduce_min3A_1995 = vector.multi_reduction <minsi>, %select_n3A_1993, %reduce_min3A_1994 [1] : vector<128x256xi32> to vector<128xi32>
      %broadcast_in_dim3A_1996 = vector.shape_cast %reduce_min3A_1995 : vector<128xi32> to vector<128x1xi32>
      %lt3A = vector.broadcast %scan3A_1564 : f32 to vector<128x1xf32>
      %lt3A_1997 = arith.cmpf olt, %broadcast_in_dim3A_1988, %lt3A : vector<128x1xf32>
      %convert_element_type3A = arith.extui %lt3A_1997 : vector<128x1xi1> to vector<128x1xi32>
      %eq3A_1998 = vector.broadcast %scan3A_1983 : i32 to vector<128x32xi32>
      %eq3A_1999 = arith.cmpi eq, %iota3A_1342, %eq3A_1998 : vector<128x32xi32>
      %broadcast_in_dim3A_2000 = vector.shape_cast %broadcast_in_dim3A_1996 : vector<128x1xi32> to vector<128x1xi32>
      %broadcast_in_dim3A_2001 = vector.broadcast %broadcast_in_dim3A_2000 : vector<128x1xi32> to vector<128x32xi32>
      %select_n3A_2002 = arith.select %eq3A_1999, %broadcast_in_dim3A_2001, %scan3A_1985 : vector<128x32xi1>, vector<128x32xi32>
      %broadcast_in_dim3A_2003 = vector.shape_cast %convert_element_type3A : vector<128x1xi32> to vector<128x1xi32>
      %broadcast_in_dim3A_2004 = vector.broadcast %broadcast_in_dim3A_2003 : vector<128x1xi32> to vector<128x32xi32>
      %select_n3A_2005 = arith.select %eq3A_1999, %broadcast_in_dim3A_2004, %scan3A_1986 : vector<128x32xi1>, vector<128x32xi32>
      %eq3A_2006 = vector.broadcast %broadcast_in_dim3A_1996 : vector<128x1xi32> to vector<128x256xi32>
      %eq3A_2007 = arith.cmpi eq, %iota3A_1341, %eq3A_2006 : vector<128x256xi32>
      %broadcast_in_dim3A_2008 = vector.broadcast %scan3A_1564 : f32 to vector<128x256xf32>
      %select_n3A_2009 = arith.select %eq3A_2007, %broadcast_in_dim3A_2008, %scan3A_1984 : vector<128x256xi1>, vector<128x256xf32>
      scf.yield %select_n3A_2009, %select_n3A_2002, %select_n3A_2005 : vector<128x256xf32>, vector<128x32xi32>, vector<128x32xi32>
    }
    %scan3A_1570 = arith.constant 32 : i32
    %swap3A_1571 = arith.constant 2 : index
    %swap3A_1572 = arith.constant 0 : index
    %swap3A_1573 = arith.constant 0 : index
    %swap3A_1574 = vector.load %arg10[%swap3A_1571, %swap3A_1572, %swap3A_1573] : memref<8x128x32xi32, #tpu.memory_space<vmem>>, vector<1x128x32xi32>
    %swap3A_1575 = vector.shape_cast %swap3A_1574 : vector<1x128x32xi32> to vector<128x32xi32>
    %swap3A_1576 = vector.shape_cast %scan3A_1569#1 : vector<128x32xi32> to vector<1x128x32xi32>
    tpu.vector_store %arg10[%swap3A_1571, %swap3A_1572, %swap3A_1573], %swap3A_1576 {strides = array<i32>} : memref<8x128x32xi32, #tpu.memory_space<vmem>>, vector<1x128x32xi32>,
    %swap3A_1577 = arith.constant 2 : index
    %swap3A_1578 = arith.constant 0 : index
    %swap3A_1579 = arith.constant 0 : index
    %swap3A_1580 = vector.load %arg11[%swap3A_1577, %swap3A_1578, %swap3A_1579] : memref<8x128x32xi32, #tpu.memory_space<vmem>>, vector<1x128x32xi32>
    %swap3A_1581 = vector.shape_cast %swap3A_1580 : vector<1x128x32xi32> to vector<128x32xi32>
    %swap3A_1582 = vector.shape_cast %scan3A_1569#2 : vector<128x32xi32> to vector<1x128x32xi32>
    tpu.vector_store %arg11[%swap3A_1577, %swap3A_1578, %swap3A_1579], %swap3A_1582 {strides = array<i32>} : memref<8x128x32xi32, #tpu.memory_space<vmem>>, vector<1x128x32xi32>,
    %slice3A_1583 = vector.extract_strided_slice %scan3A_57#2 {offsets = [3, 0], sizes = [1, 128], strides = [1, 1]} : vector<8x128xf32> to vector<1x128xf32>
    %jit3A_1584 = arith.constant 0.000000e+00 : f32
    %broadcast_in_dim3A_1585 = vector.shape_cast %slice3A_1583 : vector<1x128xf32> to vector<1x128xf32>
    %broadcast_in_dim3A_1586 = vector.broadcast %broadcast_in_dim3A_1585 : vector<1x128xf32> to vector<128x128xf32>
    %broadcast_in_dim3A_1587 = vector.broadcast %jit3A_1584 : f32 to vector<128x128xf32>
    %select_n3A_1588 = arith.select %eq3A_1340, %broadcast_in_dim3A_1586, %broadcast_in_dim3A_1587 : vector<128x128xi1>, vector<128x128xf32>
    %reduce_sum3A_1589 = arith.constant dense<0.000000e+00> : vector<128xf32>
    %reduce_sum3A_1590 = vector.multi_reduction <add>, %select_n3A_1588, %reduce_sum3A_1589 [1] : vector<128x128xf32> to vector<128xf32>
    %broadcast_in_dim3A_1591 = vector.shape_cast %reduce_sum3A_1590 : vector<128xf32> to vector<128x1xf32>
    %slice3A_1592 = vector.extract_strided_slice %scan3A_57#3 {offsets = [3, 0], sizes = [1, 128], strides = [1, 1]} : vector<8x128xf32> to vector<1x128xf32>
    %jit3A_1593 = arith.constant 0.000000e+00 : f32
    %broadcast_in_dim3A_1594 = vector.shape_cast %slice3A_1592 : vector<1x128xf32> to vector<1x128xf32>
    %broadcast_in_dim3A_1595 = vector.broadcast %broadcast_in_dim3A_1594 : vector<1x128xf32> to vector<128x128xf32>
    %broadcast_in_dim3A_1596 = vector.broadcast %jit3A_1593 : f32 to vector<128x128xf32>
    %select_n3A_1597 = arith.select %eq3A_1340, %broadcast_in_dim3A_1595, %broadcast_in_dim3A_1596 : vector<128x128xi1>, vector<128x128xf32>
    %reduce_sum3A_1598 = arith.constant dense<0.000000e+00> : vector<128xf32>
    %reduce_sum3A_1599 = vector.multi_reduction <add>, %select_n3A_1597, %reduce_sum3A_1598 [1] : vector<128x128xf32> to vector<128xf32>
    %broadcast_in_dim3A_1600 = vector.shape_cast %reduce_sum3A_1599 : vector<128xf32> to vector<128x1xf32>
    %slice3A_1601 = vector.extract_strided_slice %scan3A_57#4 {offsets = [3, 0], sizes = [1, 128], strides = [1, 1]} : vector<8x128xf32> to vector<1x128xf32>
    %jit3A_1602 = arith.constant 0.000000e+00 : f32
    %broadcast_in_dim3A_1603 = vector.shape_cast %slice3A_1601 : vector<1x128xf32> to vector<1x128xf32>
    %broadcast_in_dim3A_1604 = vector.broadcast %broadcast_in_dim3A_1603 : vector<1x128xf32> to vector<128x128xf32>
    %broadcast_in_dim3A_1605 = vector.broadcast %jit3A_1602 : f32 to vector<128x128xf32>
    %select_n3A_1606 = arith.select %eq3A_1340, %broadcast_in_dim3A_1604, %broadcast_in_dim3A_1605 : vector<128x128xi1>, vector<128x128xf32>
    %reduce_sum3A_1607 = arith.constant dense<0.000000e+00> : vector<128xf32>
    %reduce_sum3A_1608 = vector.multi_reduction <add>, %select_n3A_1606, %reduce_sum3A_1607 [1] : vector<128x128xf32> to vector<128xf32>
    %broadcast_in_dim3A_1609 = vector.shape_cast %reduce_sum3A_1608 : vector<128xf32> to vector<128x1xf32>
    %concatenate3A_1610 = tpu.concatenate %broadcast_in_dim3A_1591, %broadcast_in_dim3A_1600, %broadcast_in_dim3A_1609 in 1 : vector<128x1xf32>, vector<128x1xf32>, vector<128x1xf32> -> vector<128x3xf32>
    %swap3A_1611 = arith.constant 3 : index
    %swap3A_1612 = arith.constant 0 : index
    %swap3A_1613 = arith.constant 0 : index
    %swap3A_1614 = vector.load %arg9[%swap3A_1611, %swap3A_1612, %swap3A_1613] : memref<8x128x3xf32, #tpu.memory_space<vmem>>, vector<1x128x3xf32>
    %swap3A_1615 = vector.shape_cast %swap3A_1614 : vector<1x128x3xf32> to vector<128x3xf32>
    %swap3A_1616 = vector.shape_cast %concatenate3A_1610 : vector<128x3xf32> to vector<1x128x3xf32>
    tpu.vector_store %arg9[%swap3A_1611, %swap3A_1612, %swap3A_1613], %swap3A_1616 {strides = array<i32>} : memref<8x128x3xf32, #tpu.memory_space<vmem>>, vector<1x128x3xf32>,
    %slice3A_1617 = vector.extract_strided_slice %scan3A_39#2 {offsets = [3, 0], sizes = [1, 256], strides = [1, 1]} : vector<8x256xf32> to vector<1x256xf32>
    %sub3A_1618 = vector.broadcast %broadcast_in_dim3A_1591 : vector<128x1xf32> to vector<128x256xf32>
    %sub3A_1619 = vector.broadcast %slice3A_1617 : vector<1x256xf32> to vector<128x256xf32>
    %sub3A_1620 = arith.subf %sub3A_1618, %sub3A_1619 : vector<128x256xf32>
    %slice3A_1621 = vector.extract_strided_slice %scan3A_39#3 {offsets = [3, 0], sizes = [1, 256], strides = [1, 1]} : vector<8x256xf32> to vector<1x256xf32>
    %sub3A_1622 = vector.broadcast %broadcast_in_dim3A_1600 : vector<128x1xf32> to vector<128x256xf32>
    %sub3A_1623 = vector.broadcast %slice3A_1621 : vector<1x256xf32> to vector<128x256xf32>
    %sub3A_1624 = arith.subf %sub3A_1622, %sub3A_1623 : vector<128x256xf32>
    %slice3A_1625 = vector.extract_strided_slice %scan3A_39#4 {offsets = [3, 0], sizes = [1, 256], strides = [1, 1]} : vector<8x256xf32> to vector<1x256xf32>
    %sub3A_1626 = vector.broadcast %broadcast_in_dim3A_1609 : vector<128x1xf32> to vector<128x256xf32>
    %sub3A_1627 = vector.broadcast %slice3A_1625 : vector<1x256xf32> to vector<128x256xf32>
    %sub3A_1628 = arith.subf %sub3A_1626, %sub3A_1627 : vector<128x256xf32>
    %mul3A_1629 = arith.mulf %sub3A_1620, %sub3A_1620 : vector<128x256xf32>
    %mul3A_1630 = arith.mulf %sub3A_1624, %sub3A_1624 : vector<128x256xf32>
    %add3A_1631 = arith.addf %mul3A_1629, %mul3A_1630 : vector<128x256xf32>
    %mul3A_1632 = arith.mulf %sub3A_1628, %sub3A_1628 : vector<128x256xf32>
    %add3A_1633 = arith.addf %add3A_1631, %mul3A_1632 : vector<128x256xf32>
    %le3A_1634 = arith.constant 1.600000e-01 : f32
    %le3A_1635 = vector.broadcast %le3A_1634 : f32 to vector<128x256xf32>
    %le3A_1636 = arith.cmpf ole, %add3A_1633, %le3A_1635 : vector<128x256xf32>
    %jit3A_1637 = arith.constant 0x7F800000 : f32
    %broadcast_in_dim3A_1638 = vector.broadcast %jit3A_1637 : f32 to vector<128x256xf32>
    %select_n3A_1639 = arith.select %le3A_1636, %add3A_1633, %broadcast_in_dim3A_1638 : vector<128x256xi1>, vector<128x256xf32>
    %broadcast_in_dim3A_1640 = arith.constant 0 : i32
    %broadcast_in_dim3A_1641 = vector.broadcast %broadcast_in_dim3A_1640 : i32 to vector<128x32xi32>
    %broadcast_in_dim3A_1642 = arith.constant 0 : i32
    %broadcast_in_dim3A_1643 = vector.broadcast %broadcast_in_dim3A_1642 : i32 to vector<128x32xi32>
    %scan3A_1644 = arith.constant 0x7F800000 : f32
    %scan3A_1645 = arith.constant 0 : i32
    %scan3A_1646 = arith.constant 32 : i32
    %scan3A_1647 = arith.addi %scan3A_1645, %scan3A_1646 : i32
    %scan3A_1648 = arith.constant 1 : i32
    %scan3A_1649:3 = scf.for %scan3A_1983 = %scan3A_1645 to %scan3A_1647 step %scan3A_1648 iter_args(%scan3A_1984 = %select_n3A_1639, %scan3A_1985 = %broadcast_in_dim3A_1641, %scan3A_1986 = %broadcast_in_dim3A_1643) -> (vector<128x256xf32>, vector<128x32xi32>, vector<128x32xi32>)  : i32 {
      %reduce_min3A = arith.constant dense<0x7F800000> : vector<128xf32>
      %reduce_min3A_1987 = vector.multi_reduction <minimumf>, %scan3A_1984, %reduce_min3A [1] : vector<128x256xf32> to vector<128xf32>
      %broadcast_in_dim3A_1988 = vector.shape_cast %reduce_min3A_1987 : vector<128xf32> to vector<128x1xf32>
      %eq3A_1989 = vector.broadcast %broadcast_in_dim3A_1988 : vector<128x1xf32> to vector<128x256xf32>
      %eq3A_1990 = arith.cmpf oeq, %scan3A_1984, %eq3A_1989 : vector<128x256xf32>
      %jit3A_1991 = arith.constant 256 : i32
      %broadcast_in_dim3A_1992 = vector.broadcast %jit3A_1991 : i32 to vector<128x256xi32>
      %select_n3A_1993 = arith.select %eq3A_1990, %iota3A_1341, %broadcast_in_dim3A_1992 : vector<128x256xi1>, vector<128x256xi32>
      %reduce_min3A_1994 = arith.constant dense<2147483647> : vector<128xi32>
      %reduce_min3A_1995 = vector.multi_reduction <minsi>, %select_n3A_1993, %reduce_min3A_1994 [1] : vector<128x256xi32> to vector<128xi32>
      %broadcast_in_dim3A_1996 = vector.shape_cast %reduce_min3A_1995 : vector<128xi32> to vector<128x1xi32>
      %lt3A = vector.broadcast %scan3A_1644 : f32 to vector<128x1xf32>
      %lt3A_1997 = arith.cmpf olt, %broadcast_in_dim3A_1988, %lt3A : vector<128x1xf32>
      %convert_element_type3A = arith.extui %lt3A_1997 : vector<128x1xi1> to vector<128x1xi32>
      %eq3A_1998 = vector.broadcast %scan3A_1983 : i32 to vector<128x32xi32>
      %eq3A_1999 = arith.cmpi eq, %iota3A_1342, %eq3A_1998 : vector<128x32xi32>
      %broadcast_in_dim3A_2000 = vector.shape_cast %broadcast_in_dim3A_1996 : vector<128x1xi32> to vector<128x1xi32>
      %broadcast_in_dim3A_2001 = vector.broadcast %broadcast_in_dim3A_2000 : vector<128x1xi32> to vector<128x32xi32>
      %select_n3A_2002 = arith.select %eq3A_1999, %broadcast_in_dim3A_2001, %scan3A_1985 : vector<128x32xi1>, vector<128x32xi32>
      %broadcast_in_dim3A_2003 = vector.shape_cast %convert_element_type3A : vector<128x1xi32> to vector<128x1xi32>
      %broadcast_in_dim3A_2004 = vector.broadcast %broadcast_in_dim3A_2003 : vector<128x1xi32> to vector<128x32xi32>
      %select_n3A_2005 = arith.select %eq3A_1999, %broadcast_in_dim3A_2004, %scan3A_1986 : vector<128x32xi1>, vector<128x32xi32>
      %eq3A_2006 = vector.broadcast %broadcast_in_dim3A_1996 : vector<128x1xi32> to vector<128x256xi32>
      %eq3A_2007 = arith.cmpi eq, %iota3A_1341, %eq3A_2006 : vector<128x256xi32>
      %broadcast_in_dim3A_2008 = vector.broadcast %scan3A_1644 : f32 to vector<128x256xf32>
      %select_n3A_2009 = arith.select %eq3A_2007, %broadcast_in_dim3A_2008, %scan3A_1984 : vector<128x256xi1>, vector<128x256xf32>
      scf.yield %select_n3A_2009, %select_n3A_2002, %select_n3A_2005 : vector<128x256xf32>, vector<128x32xi32>, vector<128x32xi32>
    }
    %scan3A_1650 = arith.constant 32 : i32
    %swap3A_1651 = arith.constant 3 : index
    %swap3A_1652 = arith.constant 0 : index
    %swap3A_1653 = arith.constant 0 : index
    %swap3A_1654 = vector.load %arg10[%swap3A_1651, %swap3A_1652, %swap3A_1653] : memref<8x128x32xi32, #tpu.memory_space<vmem>>, vector<1x128x32xi32>
    %swap3A_1655 = vector.shape_cast %swap3A_1654 : vector<1x128x32xi32> to vector<128x32xi32>
    %swap3A_1656 = vector.shape_cast %scan3A_1649#1 : vector<128x32xi32> to vector<1x128x32xi32>
    tpu.vector_store %arg10[%swap3A_1651, %swap3A_1652, %swap3A_1653], %swap3A_1656 {strides = array<i32>} : memref<8x128x32xi32, #tpu.memory_space<vmem>>, vector<1x128x32xi32>,
    %swap3A_1657 = arith.constant 3 : index
    %swap3A_1658 = arith.constant 0 : index
    %swap3A_1659 = arith.constant 0 : index
    %swap3A_1660 = vector.load %arg11[%swap3A_1657, %swap3A_1658, %swap3A_1659] : memref<8x128x32xi32, #tpu.memory_space<vmem>>, vector<1x128x32xi32>
    %swap3A_1661 = vector.shape_cast %swap3A_1660 : vector<1x128x32xi32> to vector<128x32xi32>
    %swap3A_1662 = vector.shape_cast %scan3A_1649#2 : vector<128x32xi32> to vector<1x128x32xi32>
    tpu.vector_store %arg11[%swap3A_1657, %swap3A_1658, %swap3A_1659], %swap3A_1662 {strides = array<i32>} : memref<8x128x32xi32, #tpu.memory_space<vmem>>, vector<1x128x32xi32>,
    %slice3A_1663 = vector.extract_strided_slice %scan3A_57#2 {offsets = [4, 0], sizes = [1, 128], strides = [1, 1]} : vector<8x128xf32> to vector<1x128xf32>
    %jit3A_1664 = arith.constant 0.000000e+00 : f32
    %broadcast_in_dim3A_1665 = vector.shape_cast %slice3A_1663 : vector<1x128xf32> to vector<1x128xf32>
    %broadcast_in_dim3A_1666 = vector.broadcast %broadcast_in_dim3A_1665 : vector<1x128xf32> to vector<128x128xf32>
    %broadcast_in_dim3A_1667 = vector.broadcast %jit3A_1664 : f32 to vector<128x128xf32>
    %select_n3A_1668 = arith.select %eq3A_1340, %broadcast_in_dim3A_1666, %broadcast_in_dim3A_1667 : vector<128x128xi1>, vector<128x128xf32>
    %reduce_sum3A_1669 = arith.constant dense<0.000000e+00> : vector<128xf32>
    %reduce_sum3A_1670 = vector.multi_reduction <add>, %select_n3A_1668, %reduce_sum3A_1669 [1] : vector<128x128xf32> to vector<128xf32>
    %broadcast_in_dim3A_1671 = vector.shape_cast %reduce_sum3A_1670 : vector<128xf32> to vector<128x1xf32>
    %slice3A_1672 = vector.extract_strided_slice %scan3A_57#3 {offsets = [4, 0], sizes = [1, 128], strides = [1, 1]} : vector<8x128xf32> to vector<1x128xf32>
    %jit3A_1673 = arith.constant 0.000000e+00 : f32
    %broadcast_in_dim3A_1674 = vector.shape_cast %slice3A_1672 : vector<1x128xf32> to vector<1x128xf32>
    %broadcast_in_dim3A_1675 = vector.broadcast %broadcast_in_dim3A_1674 : vector<1x128xf32> to vector<128x128xf32>
    %broadcast_in_dim3A_1676 = vector.broadcast %jit3A_1673 : f32 to vector<128x128xf32>
    %select_n3A_1677 = arith.select %eq3A_1340, %broadcast_in_dim3A_1675, %broadcast_in_dim3A_1676 : vector<128x128xi1>, vector<128x128xf32>
    %reduce_sum3A_1678 = arith.constant dense<0.000000e+00> : vector<128xf32>
    %reduce_sum3A_1679 = vector.multi_reduction <add>, %select_n3A_1677, %reduce_sum3A_1678 [1] : vector<128x128xf32> to vector<128xf32>
    %broadcast_in_dim3A_1680 = vector.shape_cast %reduce_sum3A_1679 : vector<128xf32> to vector<128x1xf32>
    %slice3A_1681 = vector.extract_strided_slice %scan3A_57#4 {offsets = [4, 0], sizes = [1, 128], strides = [1, 1]} : vector<8x128xf32> to vector<1x128xf32>
    %jit3A_1682 = arith.constant 0.000000e+00 : f32
    %broadcast_in_dim3A_1683 = vector.shape_cast %slice3A_1681 : vector<1x128xf32> to vector<1x128xf32>
    %broadcast_in_dim3A_1684 = vector.broadcast %broadcast_in_dim3A_1683 : vector<1x128xf32> to vector<128x128xf32>
    %broadcast_in_dim3A_1685 = vector.broadcast %jit3A_1682 : f32 to vector<128x128xf32>
    %select_n3A_1686 = arith.select %eq3A_1340, %broadcast_in_dim3A_1684, %broadcast_in_dim3A_1685 : vector<128x128xi1>, vector<128x128xf32>
    %reduce_sum3A_1687 = arith.constant dense<0.000000e+00> : vector<128xf32>
    %reduce_sum3A_1688 = vector.multi_reduction <add>, %select_n3A_1686, %reduce_sum3A_1687 [1] : vector<128x128xf32> to vector<128xf32>
    %broadcast_in_dim3A_1689 = vector.shape_cast %reduce_sum3A_1688 : vector<128xf32> to vector<128x1xf32>
    %concatenate3A_1690 = tpu.concatenate %broadcast_in_dim3A_1671, %broadcast_in_dim3A_1680, %broadcast_in_dim3A_1689 in 1 : vector<128x1xf32>, vector<128x1xf32>, vector<128x1xf32> -> vector<128x3xf32>
    %swap3A_1691 = arith.constant 4 : index
    %swap3A_1692 = arith.constant 0 : index
    %swap3A_1693 = arith.constant 0 : index
    %swap3A_1694 = vector.load %arg9[%swap3A_1691, %swap3A_1692, %swap3A_1693] : memref<8x128x3xf32, #tpu.memory_space<vmem>>, vector<1x128x3xf32>
    %swap3A_1695 = vector.shape_cast %swap3A_1694 : vector<1x128x3xf32> to vector<128x3xf32>
    %swap3A_1696 = vector.shape_cast %concatenate3A_1690 : vector<128x3xf32> to vector<1x128x3xf32>
    tpu.vector_store %arg9[%swap3A_1691, %swap3A_1692, %swap3A_1693], %swap3A_1696 {strides = array<i32>} : memref<8x128x3xf32, #tpu.memory_space<vmem>>, vector<1x128x3xf32>,
    %slice3A_1697 = vector.extract_strided_slice %scan3A_39#2 {offsets = [4, 0], sizes = [1, 256], strides = [1, 1]} : vector<8x256xf32> to vector<1x256xf32>
    %sub3A_1698 = vector.broadcast %broadcast_in_dim3A_1671 : vector<128x1xf32> to vector<128x256xf32>
    %sub3A_1699 = vector.broadcast %slice3A_1697 : vector<1x256xf32> to vector<128x256xf32>
    %sub3A_1700 = arith.subf %sub3A_1698, %sub3A_1699 : vector<128x256xf32>
    %slice3A_1701 = vector.extract_strided_slice %scan3A_39#3 {offsets = [4, 0], sizes = [1, 256], strides = [1, 1]} : vector<8x256xf32> to vector<1x256xf32>
    %sub3A_1702 = vector.broadcast %broadcast_in_dim3A_1680 : vector<128x1xf32> to vector<128x256xf32>
    %sub3A_1703 = vector.broadcast %slice3A_1701 : vector<1x256xf32> to vector<128x256xf32>
    %sub3A_1704 = arith.subf %sub3A_1702, %sub3A_1703 : vector<128x256xf32>
    %slice3A_1705 = vector.extract_strided_slice %scan3A_39#4 {offsets = [4, 0], sizes = [1, 256], strides = [1, 1]} : vector<8x256xf32> to vector<1x256xf32>
    %sub3A_1706 = vector.broadcast %broadcast_in_dim3A_1689 : vector<128x1xf32> to vector<128x256xf32>
    %sub3A_1707 = vector.broadcast %slice3A_1705 : vector<1x256xf32> to vector<128x256xf32>
    %sub3A_1708 = arith.subf %sub3A_1706, %sub3A_1707 : vector<128x256xf32>
    %mul3A_1709 = arith.mulf %sub3A_1700, %sub3A_1700 : vector<128x256xf32>
    %mul3A_1710 = arith.mulf %sub3A_1704, %sub3A_1704 : vector<128x256xf32>
    %add3A_1711 = arith.addf %mul3A_1709, %mul3A_1710 : vector<128x256xf32>
    %mul3A_1712 = arith.mulf %sub3A_1708, %sub3A_1708 : vector<128x256xf32>
    %add3A_1713 = arith.addf %add3A_1711, %mul3A_1712 : vector<128x256xf32>
    %le3A_1714 = arith.constant 1.600000e-01 : f32
    %le3A_1715 = vector.broadcast %le3A_1714 : f32 to vector<128x256xf32>
    %le3A_1716 = arith.cmpf ole, %add3A_1713, %le3A_1715 : vector<128x256xf32>
    %jit3A_1717 = arith.constant 0x7F800000 : f32
    %broadcast_in_dim3A_1718 = vector.broadcast %jit3A_1717 : f32 to vector<128x256xf32>
    %select_n3A_1719 = arith.select %le3A_1716, %add3A_1713, %broadcast_in_dim3A_1718 : vector<128x256xi1>, vector<128x256xf32>
    %broadcast_in_dim3A_1720 = arith.constant 0 : i32
    %broadcast_in_dim3A_1721 = vector.broadcast %broadcast_in_dim3A_1720 : i32 to vector<128x32xi32>
    %broadcast_in_dim3A_1722 = arith.constant 0 : i32
    %broadcast_in_dim3A_1723 = vector.broadcast %broadcast_in_dim3A_1722 : i32 to vector<128x32xi32>
    %scan3A_1724 = arith.constant 0x7F800000 : f32
    %scan3A_1725 = arith.constant 0 : i32
    %scan3A_1726 = arith.constant 32 : i32
    %scan3A_1727 = arith.addi %scan3A_1725, %scan3A_1726 : i32
    %scan3A_1728 = arith.constant 1 : i32
    %scan3A_1729:3 = scf.for %scan3A_1983 = %scan3A_1725 to %scan3A_1727 step %scan3A_1728 iter_args(%scan3A_1984 = %select_n3A_1719, %scan3A_1985 = %broadcast_in_dim3A_1721, %scan3A_1986 = %broadcast_in_dim3A_1723) -> (vector<128x256xf32>, vector<128x32xi32>, vector<128x32xi32>)  : i32 {
      %reduce_min3A = arith.constant dense<0x7F800000> : vector<128xf32>
      %reduce_min3A_1987 = vector.multi_reduction <minimumf>, %scan3A_1984, %reduce_min3A [1] : vector<128x256xf32> to vector<128xf32>
      %broadcast_in_dim3A_1988 = vector.shape_cast %reduce_min3A_1987 : vector<128xf32> to vector<128x1xf32>
      %eq3A_1989 = vector.broadcast %broadcast_in_dim3A_1988 : vector<128x1xf32> to vector<128x256xf32>
      %eq3A_1990 = arith.cmpf oeq, %scan3A_1984, %eq3A_1989 : vector<128x256xf32>
      %jit3A_1991 = arith.constant 256 : i32
      %broadcast_in_dim3A_1992 = vector.broadcast %jit3A_1991 : i32 to vector<128x256xi32>
      %select_n3A_1993 = arith.select %eq3A_1990, %iota3A_1341, %broadcast_in_dim3A_1992 : vector<128x256xi1>, vector<128x256xi32>
      %reduce_min3A_1994 = arith.constant dense<2147483647> : vector<128xi32>
      %reduce_min3A_1995 = vector.multi_reduction <minsi>, %select_n3A_1993, %reduce_min3A_1994 [1] : vector<128x256xi32> to vector<128xi32>
      %broadcast_in_dim3A_1996 = vector.shape_cast %reduce_min3A_1995 : vector<128xi32> to vector<128x1xi32>
      %lt3A = vector.broadcast %scan3A_1724 : f32 to vector<128x1xf32>
      %lt3A_1997 = arith.cmpf olt, %broadcast_in_dim3A_1988, %lt3A : vector<128x1xf32>
      %convert_element_type3A = arith.extui %lt3A_1997 : vector<128x1xi1> to vector<128x1xi32>
      %eq3A_1998 = vector.broadcast %scan3A_1983 : i32 to vector<128x32xi32>
      %eq3A_1999 = arith.cmpi eq, %iota3A_1342, %eq3A_1998 : vector<128x32xi32>
      %broadcast_in_dim3A_2000 = vector.shape_cast %broadcast_in_dim3A_1996 : vector<128x1xi32> to vector<128x1xi32>
      %broadcast_in_dim3A_2001 = vector.broadcast %broadcast_in_dim3A_2000 : vector<128x1xi32> to vector<128x32xi32>
      %select_n3A_2002 = arith.select %eq3A_1999, %broadcast_in_dim3A_2001, %scan3A_1985 : vector<128x32xi1>, vector<128x32xi32>
      %broadcast_in_dim3A_2003 = vector.shape_cast %convert_element_type3A : vector<128x1xi32> to vector<128x1xi32>
      %broadcast_in_dim3A_2004 = vector.broadcast %broadcast_in_dim3A_2003 : vector<128x1xi32> to vector<128x32xi32>
      %select_n3A_2005 = arith.select %eq3A_1999, %broadcast_in_dim3A_2004, %scan3A_1986 : vector<128x32xi1>, vector<128x32xi32>
      %eq3A_2006 = vector.broadcast %broadcast_in_dim3A_1996 : vector<128x1xi32> to vector<128x256xi32>
      %eq3A_2007 = arith.cmpi eq, %iota3A_1341, %eq3A_2006 : vector<128x256xi32>
      %broadcast_in_dim3A_2008 = vector.broadcast %scan3A_1724 : f32 to vector<128x256xf32>
      %select_n3A_2009 = arith.select %eq3A_2007, %broadcast_in_dim3A_2008, %scan3A_1984 : vector<128x256xi1>, vector<128x256xf32>
      scf.yield %select_n3A_2009, %select_n3A_2002, %select_n3A_2005 : vector<128x256xf32>, vector<128x32xi32>, vector<128x32xi32>
    }
    %scan3A_1730 = arith.constant 32 : i32
    %swap3A_1731 = arith.constant 4 : index
    %swap3A_1732 = arith.constant 0 : index
    %swap3A_1733 = arith.constant 0 : index
    %swap3A_1734 = vector.load %arg10[%swap3A_1731, %swap3A_1732, %swap3A_1733] : memref<8x128x32xi32, #tpu.memory_space<vmem>>, vector<1x128x32xi32>
    %swap3A_1735 = vector.shape_cast %swap3A_1734 : vector<1x128x32xi32> to vector<128x32xi32>
    %swap3A_1736 = vector.shape_cast %scan3A_1729#1 : vector<128x32xi32> to vector<1x128x32xi32>
    tpu.vector_store %arg10[%swap3A_1731, %swap3A_1732, %swap3A_1733], %swap3A_1736 {strides = array<i32>} : memref<8x128x32xi32, #tpu.memory_space<vmem>>, vector<1x128x32xi32>,
    %swap3A_1737 = arith.constant 4 : index
    %swap3A_1738 = arith.constant 0 : index
    %swap3A_1739 = arith.constant 0 : index
    %swap3A_1740 = vector.load %arg11[%swap3A_1737, %swap3A_1738, %swap3A_1739] : memref<8x128x32xi32, #tpu.memory_space<vmem>>, vector<1x128x32xi32>
    %swap3A_1741 = vector.shape_cast %swap3A_1740 : vector<1x128x32xi32> to vector<128x32xi32>
    %swap3A_1742 = vector.shape_cast %scan3A_1729#2 : vector<128x32xi32> to vector<1x128x32xi32>
    tpu.vector_store %arg11[%swap3A_1737, %swap3A_1738, %swap3A_1739], %swap3A_1742 {strides = array<i32>} : memref<8x128x32xi32, #tpu.memory_space<vmem>>, vector<1x128x32xi32>,
    %slice3A_1743 = vector.extract_strided_slice %scan3A_57#2 {offsets = [5, 0], sizes = [1, 128], strides = [1, 1]} : vector<8x128xf32> to vector<1x128xf32>
    %jit3A_1744 = arith.constant 0.000000e+00 : f32
    %broadcast_in_dim3A_1745 = vector.shape_cast %slice3A_1743 : vector<1x128xf32> to vector<1x128xf32>
    %broadcast_in_dim3A_1746 = vector.broadcast %broadcast_in_dim3A_1745 : vector<1x128xf32> to vector<128x128xf32>
    %broadcast_in_dim3A_1747 = vector.broadcast %jit3A_1744 : f32 to vector<128x128xf32>
    %select_n3A_1748 = arith.select %eq3A_1340, %broadcast_in_dim3A_1746, %broadcast_in_dim3A_1747 : vector<128x128xi1>, vector<128x128xf32>
    %reduce_sum3A_1749 = arith.constant dense<0.000000e+00> : vector<128xf32>
    %reduce_sum3A_1750 = vector.multi_reduction <add>, %select_n3A_1748, %reduce_sum3A_1749 [1] : vector<128x128xf32> to vector<128xf32>
    %broadcast_in_dim3A_1751 = vector.shape_cast %reduce_sum3A_1750 : vector<128xf32> to vector<128x1xf32>
    %slice3A_1752 = vector.extract_strided_slice %scan3A_57#3 {offsets = [5, 0], sizes = [1, 128], strides = [1, 1]} : vector<8x128xf32> to vector<1x128xf32>
    %jit3A_1753 = arith.constant 0.000000e+00 : f32
    %broadcast_in_dim3A_1754 = vector.shape_cast %slice3A_1752 : vector<1x128xf32> to vector<1x128xf32>
    %broadcast_in_dim3A_1755 = vector.broadcast %broadcast_in_dim3A_1754 : vector<1x128xf32> to vector<128x128xf32>
    %broadcast_in_dim3A_1756 = vector.broadcast %jit3A_1753 : f32 to vector<128x128xf32>
    %select_n3A_1757 = arith.select %eq3A_1340, %broadcast_in_dim3A_1755, %broadcast_in_dim3A_1756 : vector<128x128xi1>, vector<128x128xf32>
    %reduce_sum3A_1758 = arith.constant dense<0.000000e+00> : vector<128xf32>
    %reduce_sum3A_1759 = vector.multi_reduction <add>, %select_n3A_1757, %reduce_sum3A_1758 [1] : vector<128x128xf32> to vector<128xf32>
    %broadcast_in_dim3A_1760 = vector.shape_cast %reduce_sum3A_1759 : vector<128xf32> to vector<128x1xf32>
    %slice3A_1761 = vector.extract_strided_slice %scan3A_57#4 {offsets = [5, 0], sizes = [1, 128], strides = [1, 1]} : vector<8x128xf32> to vector<1x128xf32>
    %jit3A_1762 = arith.constant 0.000000e+00 : f32
    %broadcast_in_dim3A_1763 = vector.shape_cast %slice3A_1761 : vector<1x128xf32> to vector<1x128xf32>
    %broadcast_in_dim3A_1764 = vector.broadcast %broadcast_in_dim3A_1763 : vector<1x128xf32> to vector<128x128xf32>
    %broadcast_in_dim3A_1765 = vector.broadcast %jit3A_1762 : f32 to vector<128x128xf32>
    %select_n3A_1766 = arith.select %eq3A_1340, %broadcast_in_dim3A_1764, %broadcast_in_dim3A_1765 : vector<128x128xi1>, vector<128x128xf32>
    %reduce_sum3A_1767 = arith.constant dense<0.000000e+00> : vector<128xf32>
    %reduce_sum3A_1768 = vector.multi_reduction <add>, %select_n3A_1766, %reduce_sum3A_1767 [1] : vector<128x128xf32> to vector<128xf32>
    %broadcast_in_dim3A_1769 = vector.shape_cast %reduce_sum3A_1768 : vector<128xf32> to vector<128x1xf32>
    %concatenate3A_1770 = tpu.concatenate %broadcast_in_dim3A_1751, %broadcast_in_dim3A_1760, %broadcast_in_dim3A_1769 in 1 : vector<128x1xf32>, vector<128x1xf32>, vector<128x1xf32> -> vector<128x3xf32>
    %swap3A_1771 = arith.constant 5 : index
    %swap3A_1772 = arith.constant 0 : index
    %swap3A_1773 = arith.constant 0 : index
    %swap3A_1774 = vector.load %arg9[%swap3A_1771, %swap3A_1772, %swap3A_1773] : memref<8x128x3xf32, #tpu.memory_space<vmem>>, vector<1x128x3xf32>
    %swap3A_1775 = vector.shape_cast %swap3A_1774 : vector<1x128x3xf32> to vector<128x3xf32>
    %swap3A_1776 = vector.shape_cast %concatenate3A_1770 : vector<128x3xf32> to vector<1x128x3xf32>
    tpu.vector_store %arg9[%swap3A_1771, %swap3A_1772, %swap3A_1773], %swap3A_1776 {strides = array<i32>} : memref<8x128x3xf32, #tpu.memory_space<vmem>>, vector<1x128x3xf32>,
    %slice3A_1777 = vector.extract_strided_slice %scan3A_39#2 {offsets = [5, 0], sizes = [1, 256], strides = [1, 1]} : vector<8x256xf32> to vector<1x256xf32>
    %sub3A_1778 = vector.broadcast %broadcast_in_dim3A_1751 : vector<128x1xf32> to vector<128x256xf32>
    %sub3A_1779 = vector.broadcast %slice3A_1777 : vector<1x256xf32> to vector<128x256xf32>
    %sub3A_1780 = arith.subf %sub3A_1778, %sub3A_1779 : vector<128x256xf32>
    %slice3A_1781 = vector.extract_strided_slice %scan3A_39#3 {offsets = [5, 0], sizes = [1, 256], strides = [1, 1]} : vector<8x256xf32> to vector<1x256xf32>
    %sub3A_1782 = vector.broadcast %broadcast_in_dim3A_1760 : vector<128x1xf32> to vector<128x256xf32>
    %sub3A_1783 = vector.broadcast %slice3A_1781 : vector<1x256xf32> to vector<128x256xf32>
    %sub3A_1784 = arith.subf %sub3A_1782, %sub3A_1783 : vector<128x256xf32>
    %slice3A_1785 = vector.extract_strided_slice %scan3A_39#4 {offsets = [5, 0], sizes = [1, 256], strides = [1, 1]} : vector<8x256xf32> to vector<1x256xf32>
    %sub3A_1786 = vector.broadcast %broadcast_in_dim3A_1769 : vector<128x1xf32> to vector<128x256xf32>
    %sub3A_1787 = vector.broadcast %slice3A_1785 : vector<1x256xf32> to vector<128x256xf32>
    %sub3A_1788 = arith.subf %sub3A_1786, %sub3A_1787 : vector<128x256xf32>
    %mul3A_1789 = arith.mulf %sub3A_1780, %sub3A_1780 : vector<128x256xf32>
    %mul3A_1790 = arith.mulf %sub3A_1784, %sub3A_1784 : vector<128x256xf32>
    %add3A_1791 = arith.addf %mul3A_1789, %mul3A_1790 : vector<128x256xf32>
    %mul3A_1792 = arith.mulf %sub3A_1788, %sub3A_1788 : vector<128x256xf32>
    %add3A_1793 = arith.addf %add3A_1791, %mul3A_1792 : vector<128x256xf32>
    %le3A_1794 = arith.constant 1.600000e-01 : f32
    %le3A_1795 = vector.broadcast %le3A_1794 : f32 to vector<128x256xf32>
    %le3A_1796 = arith.cmpf ole, %add3A_1793, %le3A_1795 : vector<128x256xf32>
    %jit3A_1797 = arith.constant 0x7F800000 : f32
    %broadcast_in_dim3A_1798 = vector.broadcast %jit3A_1797 : f32 to vector<128x256xf32>
    %select_n3A_1799 = arith.select %le3A_1796, %add3A_1793, %broadcast_in_dim3A_1798 : vector<128x256xi1>, vector<128x256xf32>
    %broadcast_in_dim3A_1800 = arith.constant 0 : i32
    %broadcast_in_dim3A_1801 = vector.broadcast %broadcast_in_dim3A_1800 : i32 to vector<128x32xi32>
    %broadcast_in_dim3A_1802 = arith.constant 0 : i32
    %broadcast_in_dim3A_1803 = vector.broadcast %broadcast_in_dim3A_1802 : i32 to vector<128x32xi32>
    %scan3A_1804 = arith.constant 0x7F800000 : f32
    %scan3A_1805 = arith.constant 0 : i32
    %scan3A_1806 = arith.constant 32 : i32
    %scan3A_1807 = arith.addi %scan3A_1805, %scan3A_1806 : i32
    %scan3A_1808 = arith.constant 1 : i32
    %scan3A_1809:3 = scf.for %scan3A_1983 = %scan3A_1805 to %scan3A_1807 step %scan3A_1808 iter_args(%scan3A_1984 = %select_n3A_1799, %scan3A_1985 = %broadcast_in_dim3A_1801, %scan3A_1986 = %broadcast_in_dim3A_1803) -> (vector<128x256xf32>, vector<128x32xi32>, vector<128x32xi32>)  : i32 {
      %reduce_min3A = arith.constant dense<0x7F800000> : vector<128xf32>
      %reduce_min3A_1987 = vector.multi_reduction <minimumf>, %scan3A_1984, %reduce_min3A [1] : vector<128x256xf32> to vector<128xf32>
      %broadcast_in_dim3A_1988 = vector.shape_cast %reduce_min3A_1987 : vector<128xf32> to vector<128x1xf32>
      %eq3A_1989 = vector.broadcast %broadcast_in_dim3A_1988 : vector<128x1xf32> to vector<128x256xf32>
      %eq3A_1990 = arith.cmpf oeq, %scan3A_1984, %eq3A_1989 : vector<128x256xf32>
      %jit3A_1991 = arith.constant 256 : i32
      %broadcast_in_dim3A_1992 = vector.broadcast %jit3A_1991 : i32 to vector<128x256xi32>
      %select_n3A_1993 = arith.select %eq3A_1990, %iota3A_1341, %broadcast_in_dim3A_1992 : vector<128x256xi1>, vector<128x256xi32>
      %reduce_min3A_1994 = arith.constant dense<2147483647> : vector<128xi32>
      %reduce_min3A_1995 = vector.multi_reduction <minsi>, %select_n3A_1993, %reduce_min3A_1994 [1] : vector<128x256xi32> to vector<128xi32>
      %broadcast_in_dim3A_1996 = vector.shape_cast %reduce_min3A_1995 : vector<128xi32> to vector<128x1xi32>
      %lt3A = vector.broadcast %scan3A_1804 : f32 to vector<128x1xf32>
      %lt3A_1997 = arith.cmpf olt, %broadcast_in_dim3A_1988, %lt3A : vector<128x1xf32>
      %convert_element_type3A = arith.extui %lt3A_1997 : vector<128x1xi1> to vector<128x1xi32>
      %eq3A_1998 = vector.broadcast %scan3A_1983 : i32 to vector<128x32xi32>
      %eq3A_1999 = arith.cmpi eq, %iota3A_1342, %eq3A_1998 : vector<128x32xi32>
      %broadcast_in_dim3A_2000 = vector.shape_cast %broadcast_in_dim3A_1996 : vector<128x1xi32> to vector<128x1xi32>
      %broadcast_in_dim3A_2001 = vector.broadcast %broadcast_in_dim3A_2000 : vector<128x1xi32> to vector<128x32xi32>
      %select_n3A_2002 = arith.select %eq3A_1999, %broadcast_in_dim3A_2001, %scan3A_1985 : vector<128x32xi1>, vector<128x32xi32>
      %broadcast_in_dim3A_2003 = vector.shape_cast %convert_element_type3A : vector<128x1xi32> to vector<128x1xi32>
      %broadcast_in_dim3A_2004 = vector.broadcast %broadcast_in_dim3A_2003 : vector<128x1xi32> to vector<128x32xi32>
      %select_n3A_2005 = arith.select %eq3A_1999, %broadcast_in_dim3A_2004, %scan3A_1986 : vector<128x32xi1>, vector<128x32xi32>
      %eq3A_2006 = vector.broadcast %broadcast_in_dim3A_1996 : vector<128x1xi32> to vector<128x256xi32>
      %eq3A_2007 = arith.cmpi eq, %iota3A_1341, %eq3A_2006 : vector<128x256xi32>
      %broadcast_in_dim3A_2008 = vector.broadcast %scan3A_1804 : f32 to vector<128x256xf32>
      %select_n3A_2009 = arith.select %eq3A_2007, %broadcast_in_dim3A_2008, %scan3A_1984 : vector<128x256xi1>, vector<128x256xf32>
      scf.yield %select_n3A_2009, %select_n3A_2002, %select_n3A_2005 : vector<128x256xf32>, vector<128x32xi32>, vector<128x32xi32>
    }
    %scan3A_1810 = arith.constant 32 : i32
    %swap3A_1811 = arith.constant 5 : index
    %swap3A_1812 = arith.constant 0 : index
    %swap3A_1813 = arith.constant 0 : index
    %swap3A_1814 = vector.load %arg10[%swap3A_1811, %swap3A_1812, %swap3A_1813] : memref<8x128x32xi32, #tpu.memory_space<vmem>>, vector<1x128x32xi32>
    %swap3A_1815 = vector.shape_cast %swap3A_1814 : vector<1x128x32xi32> to vector<128x32xi32>
    %swap3A_1816 = vector.shape_cast %scan3A_1809#1 : vector<128x32xi32> to vector<1x128x32xi32>
    tpu.vector_store %arg10[%swap3A_1811, %swap3A_1812, %swap3A_1813], %swap3A_1816 {strides = array<i32>} : memref<8x128x32xi32, #tpu.memory_space<vmem>>, vector<1x128x32xi32>,
    %swap3A_1817 = arith.constant 5 : index
    %swap3A_1818 = arith.constant 0 : index
    %swap3A_1819 = arith.constant 0 : index
    %swap3A_1820 = vector.load %arg11[%swap3A_1817, %swap3A_1818, %swap3A_1819] : memref<8x128x32xi32, #tpu.memory_space<vmem>>, vector<1x128x32xi32>
    %swap3A_1821 = vector.shape_cast %swap3A_1820 : vector<1x128x32xi32> to vector<128x32xi32>
    %swap3A_1822 = vector.shape_cast %scan3A_1809#2 : vector<128x32xi32> to vector<1x128x32xi32>
    tpu.vector_store %arg11[%swap3A_1817, %swap3A_1818, %swap3A_1819], %swap3A_1822 {strides = array<i32>} : memref<8x128x32xi32, #tpu.memory_space<vmem>>, vector<1x128x32xi32>,
    %slice3A_1823 = vector.extract_strided_slice %scan3A_57#2 {offsets = [6, 0], sizes = [1, 128], strides = [1, 1]} : vector<8x128xf32> to vector<1x128xf32>
    %jit3A_1824 = arith.constant 0.000000e+00 : f32
    %broadcast_in_dim3A_1825 = vector.shape_cast %slice3A_1823 : vector<1x128xf32> to vector<1x128xf32>
    %broadcast_in_dim3A_1826 = vector.broadcast %broadcast_in_dim3A_1825 : vector<1x128xf32> to vector<128x128xf32>
    %broadcast_in_dim3A_1827 = vector.broadcast %jit3A_1824 : f32 to vector<128x128xf32>
    %select_n3A_1828 = arith.select %eq3A_1340, %broadcast_in_dim3A_1826, %broadcast_in_dim3A_1827 : vector<128x128xi1>, vector<128x128xf32>
    %reduce_sum3A_1829 = arith.constant dense<0.000000e+00> : vector<128xf32>
    %reduce_sum3A_1830 = vector.multi_reduction <add>, %select_n3A_1828, %reduce_sum3A_1829 [1] : vector<128x128xf32> to vector<128xf32>
    %broadcast_in_dim3A_1831 = vector.shape_cast %reduce_sum3A_1830 : vector<128xf32> to vector<128x1xf32>
    %slice3A_1832 = vector.extract_strided_slice %scan3A_57#3 {offsets = [6, 0], sizes = [1, 128], strides = [1, 1]} : vector<8x128xf32> to vector<1x128xf32>
    %jit3A_1833 = arith.constant 0.000000e+00 : f32
    %broadcast_in_dim3A_1834 = vector.shape_cast %slice3A_1832 : vector<1x128xf32> to vector<1x128xf32>
    %broadcast_in_dim3A_1835 = vector.broadcast %broadcast_in_dim3A_1834 : vector<1x128xf32> to vector<128x128xf32>
    %broadcast_in_dim3A_1836 = vector.broadcast %jit3A_1833 : f32 to vector<128x128xf32>
    %select_n3A_1837 = arith.select %eq3A_1340, %broadcast_in_dim3A_1835, %broadcast_in_dim3A_1836 : vector<128x128xi1>, vector<128x128xf32>
    %reduce_sum3A_1838 = arith.constant dense<0.000000e+00> : vector<128xf32>
    %reduce_sum3A_1839 = vector.multi_reduction <add>, %select_n3A_1837, %reduce_sum3A_1838 [1] : vector<128x128xf32> to vector<128xf32>
    %broadcast_in_dim3A_1840 = vector.shape_cast %reduce_sum3A_1839 : vector<128xf32> to vector<128x1xf32>
    %slice3A_1841 = vector.extract_strided_slice %scan3A_57#4 {offsets = [6, 0], sizes = [1, 128], strides = [1, 1]} : vector<8x128xf32> to vector<1x128xf32>
    %jit3A_1842 = arith.constant 0.000000e+00 : f32
    %broadcast_in_dim3A_1843 = vector.shape_cast %slice3A_1841 : vector<1x128xf32> to vector<1x128xf32>
    %broadcast_in_dim3A_1844 = vector.broadcast %broadcast_in_dim3A_1843 : vector<1x128xf32> to vector<128x128xf32>
    %broadcast_in_dim3A_1845 = vector.broadcast %jit3A_1842 : f32 to vector<128x128xf32>
    %select_n3A_1846 = arith.select %eq3A_1340, %broadcast_in_dim3A_1844, %broadcast_in_dim3A_1845 : vector<128x128xi1>, vector<128x128xf32>
    %reduce_sum3A_1847 = arith.constant dense<0.000000e+00> : vector<128xf32>
    %reduce_sum3A_1848 = vector.multi_reduction <add>, %select_n3A_1846, %reduce_sum3A_1847 [1] : vector<128x128xf32> to vector<128xf32>
    %broadcast_in_dim3A_1849 = vector.shape_cast %reduce_sum3A_1848 : vector<128xf32> to vector<128x1xf32>
    %concatenate3A_1850 = tpu.concatenate %broadcast_in_dim3A_1831, %broadcast_in_dim3A_1840, %broadcast_in_dim3A_1849 in 1 : vector<128x1xf32>, vector<128x1xf32>, vector<128x1xf32> -> vector<128x3xf32>
    %swap3A_1851 = arith.constant 6 : index
    %swap3A_1852 = arith.constant 0 : index
    %swap3A_1853 = arith.constant 0 : index
    %swap3A_1854 = vector.load %arg9[%swap3A_1851, %swap3A_1852, %swap3A_1853] : memref<8x128x3xf32, #tpu.memory_space<vmem>>, vector<1x128x3xf32>
    %swap3A_1855 = vector.shape_cast %swap3A_1854 : vector<1x128x3xf32> to vector<128x3xf32>
    %swap3A_1856 = vector.shape_cast %concatenate3A_1850 : vector<128x3xf32> to vector<1x128x3xf32>
    tpu.vector_store %arg9[%swap3A_1851, %swap3A_1852, %swap3A_1853], %swap3A_1856 {strides = array<i32>} : memref<8x128x3xf32, #tpu.memory_space<vmem>>, vector<1x128x3xf32>,
    %slice3A_1857 = vector.extract_strided_slice %scan3A_39#2 {offsets = [6, 0], sizes = [1, 256], strides = [1, 1]} : vector<8x256xf32> to vector<1x256xf32>
    %sub3A_1858 = vector.broadcast %broadcast_in_dim3A_1831 : vector<128x1xf32> to vector<128x256xf32>
    %sub3A_1859 = vector.broadcast %slice3A_1857 : vector<1x256xf32> to vector<128x256xf32>
    %sub3A_1860 = arith.subf %sub3A_1858, %sub3A_1859 : vector<128x256xf32>
    %slice3A_1861 = vector.extract_strided_slice %scan3A_39#3 {offsets = [6, 0], sizes = [1, 256], strides = [1, 1]} : vector<8x256xf32> to vector<1x256xf32>
    %sub3A_1862 = vector.broadcast %broadcast_in_dim3A_1840 : vector<128x1xf32> to vector<128x256xf32>
    %sub3A_1863 = vector.broadcast %slice3A_1861 : vector<1x256xf32> to vector<128x256xf32>
    %sub3A_1864 = arith.subf %sub3A_1862, %sub3A_1863 : vector<128x256xf32>
    %slice3A_1865 = vector.extract_strided_slice %scan3A_39#4 {offsets = [6, 0], sizes = [1, 256], strides = [1, 1]} : vector<8x256xf32> to vector<1x256xf32>
    %sub3A_1866 = vector.broadcast %broadcast_in_dim3A_1849 : vector<128x1xf32> to vector<128x256xf32>
    %sub3A_1867 = vector.broadcast %slice3A_1865 : vector<1x256xf32> to vector<128x256xf32>
    %sub3A_1868 = arith.subf %sub3A_1866, %sub3A_1867 : vector<128x256xf32>
    %mul3A_1869 = arith.mulf %sub3A_1860, %sub3A_1860 : vector<128x256xf32>
    %mul3A_1870 = arith.mulf %sub3A_1864, %sub3A_1864 : vector<128x256xf32>
    %add3A_1871 = arith.addf %mul3A_1869, %mul3A_1870 : vector<128x256xf32>
    %mul3A_1872 = arith.mulf %sub3A_1868, %sub3A_1868 : vector<128x256xf32>
    %add3A_1873 = arith.addf %add3A_1871, %mul3A_1872 : vector<128x256xf32>
    %le3A_1874 = arith.constant 1.600000e-01 : f32
    %le3A_1875 = vector.broadcast %le3A_1874 : f32 to vector<128x256xf32>
    %le3A_1876 = arith.cmpf ole, %add3A_1873, %le3A_1875 : vector<128x256xf32>
    %jit3A_1877 = arith.constant 0x7F800000 : f32
    %broadcast_in_dim3A_1878 = vector.broadcast %jit3A_1877 : f32 to vector<128x256xf32>
    %select_n3A_1879 = arith.select %le3A_1876, %add3A_1873, %broadcast_in_dim3A_1878 : vector<128x256xi1>, vector<128x256xf32>
    %broadcast_in_dim3A_1880 = arith.constant 0 : i32
    %broadcast_in_dim3A_1881 = vector.broadcast %broadcast_in_dim3A_1880 : i32 to vector<128x32xi32>
    %broadcast_in_dim3A_1882 = arith.constant 0 : i32
    %broadcast_in_dim3A_1883 = vector.broadcast %broadcast_in_dim3A_1882 : i32 to vector<128x32xi32>
    %scan3A_1884 = arith.constant 0x7F800000 : f32
    %scan3A_1885 = arith.constant 0 : i32
    %scan3A_1886 = arith.constant 32 : i32
    %scan3A_1887 = arith.addi %scan3A_1885, %scan3A_1886 : i32
    %scan3A_1888 = arith.constant 1 : i32
    %scan3A_1889:3 = scf.for %scan3A_1983 = %scan3A_1885 to %scan3A_1887 step %scan3A_1888 iter_args(%scan3A_1984 = %select_n3A_1879, %scan3A_1985 = %broadcast_in_dim3A_1881, %scan3A_1986 = %broadcast_in_dim3A_1883) -> (vector<128x256xf32>, vector<128x32xi32>, vector<128x32xi32>)  : i32 {
      %reduce_min3A = arith.constant dense<0x7F800000> : vector<128xf32>
      %reduce_min3A_1987 = vector.multi_reduction <minimumf>, %scan3A_1984, %reduce_min3A [1] : vector<128x256xf32> to vector<128xf32>
      %broadcast_in_dim3A_1988 = vector.shape_cast %reduce_min3A_1987 : vector<128xf32> to vector<128x1xf32>
      %eq3A_1989 = vector.broadcast %broadcast_in_dim3A_1988 : vector<128x1xf32> to vector<128x256xf32>
      %eq3A_1990 = arith.cmpf oeq, %scan3A_1984, %eq3A_1989 : vector<128x256xf32>
      %jit3A_1991 = arith.constant 256 : i32
      %broadcast_in_dim3A_1992 = vector.broadcast %jit3A_1991 : i32 to vector<128x256xi32>
      %select_n3A_1993 = arith.select %eq3A_1990, %iota3A_1341, %broadcast_in_dim3A_1992 : vector<128x256xi1>, vector<128x256xi32>
      %reduce_min3A_1994 = arith.constant dense<2147483647> : vector<128xi32>
      %reduce_min3A_1995 = vector.multi_reduction <minsi>, %select_n3A_1993, %reduce_min3A_1994 [1] : vector<128x256xi32> to vector<128xi32>
      %broadcast_in_dim3A_1996 = vector.shape_cast %reduce_min3A_1995 : vector<128xi32> to vector<128x1xi32>
      %lt3A = vector.broadcast %scan3A_1884 : f32 to vector<128x1xf32>
      %lt3A_1997 = arith.cmpf olt, %broadcast_in_dim3A_1988, %lt3A : vector<128x1xf32>
      %convert_element_type3A = arith.extui %lt3A_1997 : vector<128x1xi1> to vector<128x1xi32>
      %eq3A_1998 = vector.broadcast %scan3A_1983 : i32 to vector<128x32xi32>
      %eq3A_1999 = arith.cmpi eq, %iota3A_1342, %eq3A_1998 : vector<128x32xi32>
      %broadcast_in_dim3A_2000 = vector.shape_cast %broadcast_in_dim3A_1996 : vector<128x1xi32> to vector<128x1xi32>
      %broadcast_in_dim3A_2001 = vector.broadcast %broadcast_in_dim3A_2000 : vector<128x1xi32> to vector<128x32xi32>
      %select_n3A_2002 = arith.select %eq3A_1999, %broadcast_in_dim3A_2001, %scan3A_1985 : vector<128x32xi1>, vector<128x32xi32>
      %broadcast_in_dim3A_2003 = vector.shape_cast %convert_element_type3A : vector<128x1xi32> to vector<128x1xi32>
      %broadcast_in_dim3A_2004 = vector.broadcast %broadcast_in_dim3A_2003 : vector<128x1xi32> to vector<128x32xi32>
      %select_n3A_2005 = arith.select %eq3A_1999, %broadcast_in_dim3A_2004, %scan3A_1986 : vector<128x32xi1>, vector<128x32xi32>
      %eq3A_2006 = vector.broadcast %broadcast_in_dim3A_1996 : vector<128x1xi32> to vector<128x256xi32>
      %eq3A_2007 = arith.cmpi eq, %iota3A_1341, %eq3A_2006 : vector<128x256xi32>
      %broadcast_in_dim3A_2008 = vector.broadcast %scan3A_1884 : f32 to vector<128x256xf32>
      %select_n3A_2009 = arith.select %eq3A_2007, %broadcast_in_dim3A_2008, %scan3A_1984 : vector<128x256xi1>, vector<128x256xf32>
      scf.yield %select_n3A_2009, %select_n3A_2002, %select_n3A_2005 : vector<128x256xf32>, vector<128x32xi32>, vector<128x32xi32>
    }
    %scan3A_1890 = arith.constant 32 : i32
    %swap3A_1891 = arith.constant 6 : index
    %swap3A_1892 = arith.constant 0 : index
    %swap3A_1893 = arith.constant 0 : index
    %swap3A_1894 = vector.load %arg10[%swap3A_1891, %swap3A_1892, %swap3A_1893] : memref<8x128x32xi32, #tpu.memory_space<vmem>>, vector<1x128x32xi32>
    %swap3A_1895 = vector.shape_cast %swap3A_1894 : vector<1x128x32xi32> to vector<128x32xi32>
    %swap3A_1896 = vector.shape_cast %scan3A_1889#1 : vector<128x32xi32> to vector<1x128x32xi32>
    tpu.vector_store %arg10[%swap3A_1891, %swap3A_1892, %swap3A_1893], %swap3A_1896 {strides = array<i32>} : memref<8x128x32xi32, #tpu.memory_space<vmem>>, vector<1x128x32xi32>,
    %swap3A_1897 = arith.constant 6 : index
    %swap3A_1898 = arith.constant 0 : index
    %swap3A_1899 = arith.constant 0 : index
    %swap3A_1900 = vector.load %arg11[%swap3A_1897, %swap3A_1898, %swap3A_1899] : memref<8x128x32xi32, #tpu.memory_space<vmem>>, vector<1x128x32xi32>
    %swap3A_1901 = vector.shape_cast %swap3A_1900 : vector<1x128x32xi32> to vector<128x32xi32>
    %swap3A_1902 = vector.shape_cast %scan3A_1889#2 : vector<128x32xi32> to vector<1x128x32xi32>
    tpu.vector_store %arg11[%swap3A_1897, %swap3A_1898, %swap3A_1899], %swap3A_1902 {strides = array<i32>} : memref<8x128x32xi32, #tpu.memory_space<vmem>>, vector<1x128x32xi32>,
    %slice3A_1903 = vector.extract_strided_slice %scan3A_57#2 {offsets = [7, 0], sizes = [1, 128], strides = [1, 1]} : vector<8x128xf32> to vector<1x128xf32>
    %jit3A_1904 = arith.constant 0.000000e+00 : f32
    %broadcast_in_dim3A_1905 = vector.shape_cast %slice3A_1903 : vector<1x128xf32> to vector<1x128xf32>
    %broadcast_in_dim3A_1906 = vector.broadcast %broadcast_in_dim3A_1905 : vector<1x128xf32> to vector<128x128xf32>
    %broadcast_in_dim3A_1907 = vector.broadcast %jit3A_1904 : f32 to vector<128x128xf32>
    %select_n3A_1908 = arith.select %eq3A_1340, %broadcast_in_dim3A_1906, %broadcast_in_dim3A_1907 : vector<128x128xi1>, vector<128x128xf32>
    %reduce_sum3A_1909 = arith.constant dense<0.000000e+00> : vector<128xf32>
    %reduce_sum3A_1910 = vector.multi_reduction <add>, %select_n3A_1908, %reduce_sum3A_1909 [1] : vector<128x128xf32> to vector<128xf32>
    %broadcast_in_dim3A_1911 = vector.shape_cast %reduce_sum3A_1910 : vector<128xf32> to vector<128x1xf32>
    %slice3A_1912 = vector.extract_strided_slice %scan3A_57#3 {offsets = [7, 0], sizes = [1, 128], strides = [1, 1]} : vector<8x128xf32> to vector<1x128xf32>
    %jit3A_1913 = arith.constant 0.000000e+00 : f32
    %broadcast_in_dim3A_1914 = vector.shape_cast %slice3A_1912 : vector<1x128xf32> to vector<1x128xf32>
    %broadcast_in_dim3A_1915 = vector.broadcast %broadcast_in_dim3A_1914 : vector<1x128xf32> to vector<128x128xf32>
    %broadcast_in_dim3A_1916 = vector.broadcast %jit3A_1913 : f32 to vector<128x128xf32>
    %select_n3A_1917 = arith.select %eq3A_1340, %broadcast_in_dim3A_1915, %broadcast_in_dim3A_1916 : vector<128x128xi1>, vector<128x128xf32>
    %reduce_sum3A_1918 = arith.constant dense<0.000000e+00> : vector<128xf32>
    %reduce_sum3A_1919 = vector.multi_reduction <add>, %select_n3A_1917, %reduce_sum3A_1918 [1] : vector<128x128xf32> to vector<128xf32>
    %broadcast_in_dim3A_1920 = vector.shape_cast %reduce_sum3A_1919 : vector<128xf32> to vector<128x1xf32>
    %slice3A_1921 = vector.extract_strided_slice %scan3A_57#4 {offsets = [7, 0], sizes = [1, 128], strides = [1, 1]} : vector<8x128xf32> to vector<1x128xf32>
    %jit3A_1922 = arith.constant 0.000000e+00 : f32
    %broadcast_in_dim3A_1923 = vector.shape_cast %slice3A_1921 : vector<1x128xf32> to vector<1x128xf32>
    %broadcast_in_dim3A_1924 = vector.broadcast %broadcast_in_dim3A_1923 : vector<1x128xf32> to vector<128x128xf32>
    %broadcast_in_dim3A_1925 = vector.broadcast %jit3A_1922 : f32 to vector<128x128xf32>
    %select_n3A_1926 = arith.select %eq3A_1340, %broadcast_in_dim3A_1924, %broadcast_in_dim3A_1925 : vector<128x128xi1>, vector<128x128xf32>
    %reduce_sum3A_1927 = arith.constant dense<0.000000e+00> : vector<128xf32>
    %reduce_sum3A_1928 = vector.multi_reduction <add>, %select_n3A_1926, %reduce_sum3A_1927 [1] : vector<128x128xf32> to vector<128xf32>
    %broadcast_in_dim3A_1929 = vector.shape_cast %reduce_sum3A_1928 : vector<128xf32> to vector<128x1xf32>
    %concatenate3A_1930 = tpu.concatenate %broadcast_in_dim3A_1911, %broadcast_in_dim3A_1920, %broadcast_in_dim3A_1929 in 1 : vector<128x1xf32>, vector<128x1xf32>, vector<128x1xf32> -> vector<128x3xf32>
    %swap3A_1931 = arith.constant 7 : index
    %swap3A_1932 = arith.constant 0 : index
    %swap3A_1933 = arith.constant 0 : index
    %swap3A_1934 = vector.load %arg9[%swap3A_1931, %swap3A_1932, %swap3A_1933] : memref<8x128x3xf32, #tpu.memory_space<vmem>>, vector<1x128x3xf32>
    %swap3A_1935 = vector.shape_cast %swap3A_1934 : vector<1x128x3xf32> to vector<128x3xf32>
    %swap3A_1936 = vector.shape_cast %concatenate3A_1930 : vector<128x3xf32> to vector<1x128x3xf32>
    tpu.vector_store %arg9[%swap3A_1931, %swap3A_1932, %swap3A_1933], %swap3A_1936 {strides = array<i32>} : memref<8x128x3xf32, #tpu.memory_space<vmem>>, vector<1x128x3xf32>,
    %slice3A_1937 = vector.extract_strided_slice %scan3A_39#2 {offsets = [7, 0], sizes = [1, 256], strides = [1, 1]} : vector<8x256xf32> to vector<1x256xf32>
    %sub3A_1938 = vector.broadcast %broadcast_in_dim3A_1911 : vector<128x1xf32> to vector<128x256xf32>
    %sub3A_1939 = vector.broadcast %slice3A_1937 : vector<1x256xf32> to vector<128x256xf32>
    %sub3A_1940 = arith.subf %sub3A_1938, %sub3A_1939 : vector<128x256xf32>
    %slice3A_1941 = vector.extract_strided_slice %scan3A_39#3 {offsets = [7, 0], sizes = [1, 256], strides = [1, 1]} : vector<8x256xf32> to vector<1x256xf32>
    %sub3A_1942 = vector.broadcast %broadcast_in_dim3A_1920 : vector<128x1xf32> to vector<128x256xf32>
    %sub3A_1943 = vector.broadcast %slice3A_1941 : vector<1x256xf32> to vector<128x256xf32>
    %sub3A_1944 = arith.subf %sub3A_1942, %sub3A_1943 : vector<128x256xf32>
    %slice3A_1945 = vector.extract_strided_slice %scan3A_39#4 {offsets = [7, 0], sizes = [1, 256], strides = [1, 1]} : vector<8x256xf32> to vector<1x256xf32>
    %sub3A_1946 = vector.broadcast %broadcast_in_dim3A_1929 : vector<128x1xf32> to vector<128x256xf32>
    %sub3A_1947 = vector.broadcast %slice3A_1945 : vector<1x256xf32> to vector<128x256xf32>
    %sub3A_1948 = arith.subf %sub3A_1946, %sub3A_1947 : vector<128x256xf32>
    %mul3A_1949 = arith.mulf %sub3A_1940, %sub3A_1940 : vector<128x256xf32>
    %mul3A_1950 = arith.mulf %sub3A_1944, %sub3A_1944 : vector<128x256xf32>
    %add3A_1951 = arith.addf %mul3A_1949, %mul3A_1950 : vector<128x256xf32>
    %mul3A_1952 = arith.mulf %sub3A_1948, %sub3A_1948 : vector<128x256xf32>
    %add3A_1953 = arith.addf %add3A_1951, %mul3A_1952 : vector<128x256xf32>
    %le3A_1954 = arith.constant 1.600000e-01 : f32
    %le3A_1955 = vector.broadcast %le3A_1954 : f32 to vector<128x256xf32>
    %le3A_1956 = arith.cmpf ole, %add3A_1953, %le3A_1955 : vector<128x256xf32>
    %jit3A_1957 = arith.constant 0x7F800000 : f32
    %broadcast_in_dim3A_1958 = vector.broadcast %jit3A_1957 : f32 to vector<128x256xf32>
    %select_n3A_1959 = arith.select %le3A_1956, %add3A_1953, %broadcast_in_dim3A_1958 : vector<128x256xi1>, vector<128x256xf32>
    %broadcast_in_dim3A_1960 = arith.constant 0 : i32
    %broadcast_in_dim3A_1961 = vector.broadcast %broadcast_in_dim3A_1960 : i32 to vector<128x32xi32>
    %broadcast_in_dim3A_1962 = arith.constant 0 : i32
    %broadcast_in_dim3A_1963 = vector.broadcast %broadcast_in_dim3A_1962 : i32 to vector<128x32xi32>
    %scan3A_1964 = arith.constant 0x7F800000 : f32
    %scan3A_1965 = arith.constant 0 : i32
    %scan3A_1966 = arith.constant 32 : i32
    %scan3A_1967 = arith.addi %scan3A_1965, %scan3A_1966 : i32
    %scan3A_1968 = arith.constant 1 : i32
    %scan3A_1969:3 = scf.for %scan3A_1983 = %scan3A_1965 to %scan3A_1967 step %scan3A_1968 iter_args(%scan3A_1984 = %select_n3A_1959, %scan3A_1985 = %broadcast_in_dim3A_1961, %scan3A_1986 = %broadcast_in_dim3A_1963) -> (vector<128x256xf32>, vector<128x32xi32>, vector<128x32xi32>)  : i32 {
      %reduce_min3A = arith.constant dense<0x7F800000> : vector<128xf32>
      %reduce_min3A_1987 = vector.multi_reduction <minimumf>, %scan3A_1984, %reduce_min3A [1] : vector<128x256xf32> to vector<128xf32>
      %broadcast_in_dim3A_1988 = vector.shape_cast %reduce_min3A_1987 : vector<128xf32> to vector<128x1xf32>
      %eq3A_1989 = vector.broadcast %broadcast_in_dim3A_1988 : vector<128x1xf32> to vector<128x256xf32>
      %eq3A_1990 = arith.cmpf oeq, %scan3A_1984, %eq3A_1989 : vector<128x256xf32>
      %jit3A_1991 = arith.constant 256 : i32
      %broadcast_in_dim3A_1992 = vector.broadcast %jit3A_1991 : i32 to vector<128x256xi32>
      %select_n3A_1993 = arith.select %eq3A_1990, %iota3A_1341, %broadcast_in_dim3A_1992 : vector<128x256xi1>, vector<128x256xi32>
      %reduce_min3A_1994 = arith.constant dense<2147483647> : vector<128xi32>
      %reduce_min3A_1995 = vector.multi_reduction <minsi>, %select_n3A_1993, %reduce_min3A_1994 [1] : vector<128x256xi32> to vector<128xi32>
      %broadcast_in_dim3A_1996 = vector.shape_cast %reduce_min3A_1995 : vector<128xi32> to vector<128x1xi32>
      %lt3A = vector.broadcast %scan3A_1964 : f32 to vector<128x1xf32>
      %lt3A_1997 = arith.cmpf olt, %broadcast_in_dim3A_1988, %lt3A : vector<128x1xf32>
      %convert_element_type3A = arith.extui %lt3A_1997 : vector<128x1xi1> to vector<128x1xi32>
      %eq3A_1998 = vector.broadcast %scan3A_1983 : i32 to vector<128x32xi32>
      %eq3A_1999 = arith.cmpi eq, %iota3A_1342, %eq3A_1998 : vector<128x32xi32>
      %broadcast_in_dim3A_2000 = vector.shape_cast %broadcast_in_dim3A_1996 : vector<128x1xi32> to vector<128x1xi32>
      %broadcast_in_dim3A_2001 = vector.broadcast %broadcast_in_dim3A_2000 : vector<128x1xi32> to vector<128x32xi32>
      %select_n3A_2002 = arith.select %eq3A_1999, %broadcast_in_dim3A_2001, %scan3A_1985 : vector<128x32xi1>, vector<128x32xi32>
      %broadcast_in_dim3A_2003 = vector.shape_cast %convert_element_type3A : vector<128x1xi32> to vector<128x1xi32>
      %broadcast_in_dim3A_2004 = vector.broadcast %broadcast_in_dim3A_2003 : vector<128x1xi32> to vector<128x32xi32>
      %select_n3A_2005 = arith.select %eq3A_1999, %broadcast_in_dim3A_2004, %scan3A_1986 : vector<128x32xi1>, vector<128x32xi32>
      %eq3A_2006 = vector.broadcast %broadcast_in_dim3A_1996 : vector<128x1xi32> to vector<128x256xi32>
      %eq3A_2007 = arith.cmpi eq, %iota3A_1341, %eq3A_2006 : vector<128x256xi32>
      %broadcast_in_dim3A_2008 = vector.broadcast %scan3A_1964 : f32 to vector<128x256xf32>
      %select_n3A_2009 = arith.select %eq3A_2007, %broadcast_in_dim3A_2008, %scan3A_1984 : vector<128x256xi1>, vector<128x256xf32>
      scf.yield %select_n3A_2009, %select_n3A_2002, %select_n3A_2005 : vector<128x256xf32>, vector<128x32xi32>, vector<128x32xi32>
    }
    %scan3A_1970 = arith.constant 32 : i32
    %swap3A_1971 = arith.constant 7 : index
    %swap3A_1972 = arith.constant 0 : index
    %swap3A_1973 = arith.constant 0 : index
    %swap3A_1974 = vector.load %arg10[%swap3A_1971, %swap3A_1972, %swap3A_1973] : memref<8x128x32xi32, #tpu.memory_space<vmem>>, vector<1x128x32xi32>
    %swap3A_1975 = vector.shape_cast %swap3A_1974 : vector<1x128x32xi32> to vector<128x32xi32>
    %swap3A_1976 = vector.shape_cast %scan3A_1969#1 : vector<128x32xi32> to vector<1x128x32xi32>
    tpu.vector_store %arg10[%swap3A_1971, %swap3A_1972, %swap3A_1973], %swap3A_1976 {strides = array<i32>} : memref<8x128x32xi32, #tpu.memory_space<vmem>>, vector<1x128x32xi32>,
    %swap3A_1977 = arith.constant 7 : index
    %swap3A_1978 = arith.constant 0 : index
    %swap3A_1979 = arith.constant 0 : index
    %swap3A_1980 = vector.load %arg11[%swap3A_1977, %swap3A_1978, %swap3A_1979] : memref<8x128x32xi32, #tpu.memory_space<vmem>>, vector<1x128x32xi32>
    %swap3A_1981 = vector.shape_cast %swap3A_1980 : vector<1x128x32xi32> to vector<128x32xi32>
    %swap3A_1982 = vector.shape_cast %scan3A_1969#2 : vector<128x32xi32> to vector<1x128x32xi32>
    tpu.vector_store %arg11[%swap3A_1977, %swap3A_1978, %swap3A_1979], %swap3A_1982 {strides = array<i32>} : memref<8x128x32xi32, #tpu.memory_space<vmem>>, vector<1x128x32xi32>,
    return
  }
}

module attributes {stable_mosaic.version = 14 : i64} {
  func.func @_tq1_body(%arg0: memref<8192x6xf32, #tpu.memory_space<vmem>>, %arg1: memref<6x128xf32, #tpu.memory_space<vmem>>, %arg2: memref<4096x3xf32, #tpu.memory_space<vmem>>, %arg3: memref<3x128xf32, #tpu.memory_space<vmem>>, %arg4: memref<8192x128xf32, #tpu.memory_space<vmem>>, %arg5: memref<4096x128xf32, #tpu.memory_space<vmem>>) attributes {dimension_semantics = [], scalar_prefetch = 0 : i64, scratch_operands = 0 : i64, tpu.core_type = #tpu.core_type<tc>} {
    %get3A = arith.constant 0 : index
    %get3A_0 = arith.constant 0 : index
    %get3A_1 = vector.load %arg0[%get3A, %get3A_0] : memref<8192x6xf32, #tpu.memory_space<vmem>>, vector<8192x6xf32>
    %get3A_2 = arith.constant 0 : index
    %get3A_3 = arith.constant 0 : index
    %get3A_4 = vector.load %arg1[%get3A_2, %get3A_3] : memref<6x128xf32, #tpu.memory_space<vmem>>, vector<6x128xf32>
    %dot_general3A = arith.constant dense<0.000000e+00> : vector<8192x128xf32>
    %dot_general3A_5 = tpu.matmul %get3A_1, %get3A_4, %dot_general3A {dimension_numbers = #tpu.dot_dimension_numbers<[1], [0], [0], [1], [0, 0, 1, 1], [], []>, transpose_lhs_hint = false} : vector<8192x6xf32>, vector<6x128xf32>, vector<8192x128xf32> -> vector<8192x128xf32>
    %swap3A = arith.constant 0 : index
    %swap3A_6 = arith.constant 0 : index
    %swap3A_7 = vector.load %arg4[%swap3A, %swap3A_6] : memref<8192x128xf32, #tpu.memory_space<vmem>>, vector<8192x128xf32>
    tpu.vector_store %arg4[%swap3A, %swap3A_6], %dot_general3A_5 {strides = array<i32>} : memref<8192x128xf32, #tpu.memory_space<vmem>>, vector<8192x128xf32>,
    %get3A_8 = arith.constant 0 : index
    %get3A_9 = arith.constant 0 : index
    %get3A_10 = vector.load %arg2[%get3A_8, %get3A_9] : memref<4096x3xf32, #tpu.memory_space<vmem>>, vector<4096x3xf32>
    %get3A_11 = arith.constant 0 : index
    %get3A_12 = arith.constant 0 : index
    %get3A_13 = vector.load %arg3[%get3A_11, %get3A_12] : memref<3x128xf32, #tpu.memory_space<vmem>>, vector<3x128xf32>
    %dot_general3A_14 = arith.constant dense<0.000000e+00> : vector<4096x128xf32>
    %dot_general3A_15 = tpu.matmul %get3A_10, %get3A_13, %dot_general3A_14 {dimension_numbers = #tpu.dot_dimension_numbers<[1], [0], [0], [1], [0, 0, 1, 1], [], []>, transpose_lhs_hint = false} : vector<4096x3xf32>, vector<3x128xf32>, vector<4096x128xf32> -> vector<4096x128xf32>
    %swap3A_16 = arith.constant 0 : index
    %swap3A_17 = arith.constant 0 : index
    %swap3A_18 = vector.load %arg5[%swap3A_16, %swap3A_17] : memref<4096x128xf32, #tpu.memory_space<vmem>>, vector<4096x128xf32>
    tpu.vector_store %arg5[%swap3A_16, %swap3A_17], %dot_general3A_15 {strides = array<i32>} : memref<4096x128xf32, #tpu.memory_space<vmem>>, vector<4096x128xf32>,
    return
  }
}

module attributes {stable_mosaic.version = 14 : i64} {
  func.func @body(%arg0: i32, %arg1: memref<1x16384x128xf32, #tpu.memory_space<vmem>>, %arg2: memref<1x512x128xf32, #tpu.memory_space<vmem>>, %arg3: memref<1x128xf32, #tpu.memory_space<vmem>>, %arg4: memref<128x64xf32, #tpu.memory_space<vmem>>, %arg5: memref<1x64xf32, #tpu.memory_space<vmem>>, %arg6: memref<1x512x3xf32, #tpu.memory_space<vmem>>, %arg7: memref<67x128xf32, #tpu.memory_space<vmem>>, %arg8: memref<1x256x3xf32, #tpu.memory_space<vmem>>, %arg9: memref<3x128xf32, #tpu.memory_space<vmem>>, %arg10: memref<1x512x128xf32, #tpu.memory_space<vmem>>, %arg11: memref<1x256x128xf32, #tpu.memory_space<vmem>>) attributes {dimension_semantics = [#tpu.dimension_semantics<arbitrary>], iteration_bounds = array<i64: 8>, scalar_prefetch = 0 : i64, scratch_operands = 0 : i64, tpu.core_type = #tpu.core_type<tc>, window_params = [{transform_indices = @transform_0, window_bounds = array<i64: 1, 16384, 128>}, {transform_indices = @transform_1, window_bounds = array<i64: 1, 512, 128>}, {pipeline_mode = #tpu.pipeline_mode<synchronous>, transform_indices = @transform_2, window_bounds = array<i64: 1, 128>}, {pipeline_mode = #tpu.pipeline_mode<synchronous>, transform_indices = @transform_3, window_bounds = array<i64: 128, 64>}, {pipeline_mode = #tpu.pipeline_mode<synchronous>, transform_indices = @transform_4, window_bounds = array<i64: 1, 64>}, {transform_indices = @transform_5, window_bounds = array<i64: 1, 512, 3>}, {pipeline_mode = #tpu.pipeline_mode<synchronous>, transform_indices = @transform_6, window_bounds = array<i64: 67, 128>}, {transform_indices = @transform_7, window_bounds = array<i64: 1, 256, 3>}, {pipeline_mode = #tpu.pipeline_mode<synchronous>, transform_indices = @transform_8, window_bounds = array<i64: 3, 128>}, {transform_indices = @transform_9, window_bounds = array<i64: 1, 512, 128>}, {transform_indices = @transform_10, window_bounds = array<i64: 1, 256, 128>}]} {
    %get3A = arith.constant 0 : index
    %get3A_0 = arith.constant 0 : index
    %get3A_1 = arith.constant 0 : index
    %get3A_2 = vector.load %arg1[%get3A, %get3A_0, %get3A_1] : memref<1x16384x128xf32, #tpu.memory_space<vmem>>, vector<1x16384x128xf32>
    %get3A_3 = vector.shape_cast %get3A_2 : vector<1x16384x128xf32> to vector<16384x128xf32>
    %reshape3A = vector.shape_cast %get3A_3 : vector<16384x128xf32> to vector<32x512x128xf32>
    %get3A_4 = arith.constant 0 : index
    %get3A_5 = arith.constant 0 : index
    %get3A_6 = arith.constant 0 : index
    %get3A_7 = vector.load %arg2[%get3A_4, %get3A_5, %get3A_6] : memref<1x512x128xf32, #tpu.memory_space<vmem>>, vector<1x512x128xf32>
    %get3A_8 = vector.shape_cast %get3A_7 : vector<1x512x128xf32> to vector<512x128xf32>
    %broadcast_in_dim3A = vector.shape_cast %get3A_8 : vector<512x128xf32> to vector<1x512x128xf32>
    %sub3A = vector.broadcast %broadcast_in_dim3A : vector<1x512x128xf32> to vector<32x512x128xf32>
    %sub3A_9 = arith.subf %reshape3A, %sub3A : vector<32x512x128xf32>
    %get3A_10 = arith.constant 0 : index
    %get3A_11 = arith.constant 0 : index
    %get3A_12 = vector.load %arg3[%get3A_10, %get3A_11] : memref<1x128xf32, #tpu.memory_space<vmem>>, vector<1x128xf32>
    %broadcast_in_dim3A_13 = vector.shape_cast %get3A_12 : vector<1x128xf32> to vector<1x1x128xf32>
    %add3A = vector.broadcast %broadcast_in_dim3A_13 : vector<1x1x128xf32> to vector<32x512x128xf32>
    %add3A_14 = arith.addf %sub3A_9, %add3A : vector<32x512x128xf32>
    %max3A = arith.constant 0.000000e+00 : f32
    %max3A_15 = vector.broadcast %max3A : f32 to vector<32x512x128xf32>
    %max3A_16 = arith.maximumf %add3A_14, %max3A_15 : vector<32x512x128xf32>
    %reshape3A_17 = vector.shape_cast %max3A_16 : vector<32x512x128xf32> to vector<16384x128xf32>
    %get3A_18 = arith.constant 0 : index
    %get3A_19 = arith.constant 0 : index
    %get3A_20 = vector.load %arg4[%get3A_18, %get3A_19] : memref<128x64xf32, #tpu.memory_space<vmem>>, vector<128x64xf32>
    %dot_general3A = arith.constant dense<0.000000e+00> : vector<16384x64xf32>
    %dot_general3A_21 = tpu.matmul %reshape3A_17, %get3A_20, %dot_general3A {dimension_numbers = #tpu.dot_dimension_numbers<[1], [0], [0], [1], [0, 0, 1, 1], [], []>, transpose_lhs_hint = false} : vector<16384x128xf32>, vector<128x64xf32>, vector<16384x64xf32> -> vector<16384x64xf32>
    %get3A_22 = arith.constant 0 : index
    %get3A_23 = arith.constant 0 : index
    %get3A_24 = vector.load %arg5[%get3A_22, %get3A_23] : memref<1x64xf32, #tpu.memory_space<vmem>>, vector<1x64xf32>
    %add3A_25 = vector.broadcast %get3A_24 : vector<1x64xf32> to vector<16384x64xf32>
    %add3A_26 = arith.addf %dot_general3A_21, %add3A_25 : vector<16384x64xf32>
    %max3A_27 = arith.constant 0.000000e+00 : f32
    %max3A_28 = vector.broadcast %max3A_27 : f32 to vector<16384x64xf32>
    %max3A_29 = arith.maximumf %add3A_26, %max3A_28 : vector<16384x64xf32>
    %reshape3A_30 = vector.shape_cast %max3A_29 : vector<16384x64xf32> to vector<32x512x64xf32>
    %reduce_max3A = arith.constant dense<0xFF800000> : vector<512x64xf32>
    %reduce_max3A_31 = vector.multi_reduction <maximumf>, %reshape3A_30, %reduce_max3A [0] : vector<32x512x64xf32> to vector<512x64xf32>
    %get3A_32 = arith.constant 0 : index
    %get3A_33 = arith.constant 0 : index
    %get3A_34 = arith.constant 0 : index
    %get3A_35 = vector.load %arg6[%get3A_32, %get3A_33, %get3A_34] : memref<1x512x3xf32, #tpu.memory_space<vmem>>, vector<1x512x3xf32>
    %get3A_36 = vector.shape_cast %get3A_35 : vector<1x512x3xf32> to vector<512x3xf32>
    %concatenate3A = tpu.concatenate %reduce_max3A_31, %get3A_36 in 1 : vector<512x64xf32>, vector<512x3xf32> -> vector<512x67xf32>
    %get3A_37 = arith.constant 0 : index
    %get3A_38 = arith.constant 0 : index
    %get3A_39 = vector.load %arg7[%get3A_37, %get3A_38] : memref<67x128xf32, #tpu.memory_space<vmem>>, vector<67x128xf32>
    %dot_general3A_40 = arith.constant dense<0.000000e+00> : vector<512x128xf32>
    %dot_general3A_41 = tpu.matmul %concatenate3A, %get3A_39, %dot_general3A_40 {dimension_numbers = #tpu.dot_dimension_numbers<[1], [0], [0], [1], [0, 0, 1, 1], [], []>, transpose_lhs_hint = false} : vector<512x67xf32>, vector<67x128xf32>, vector<512x128xf32> -> vector<512x128xf32>
    %swap3A = arith.constant 0 : index
    %swap3A_42 = arith.constant 0 : index
    %swap3A_43 = arith.constant 0 : index
    %swap3A_44 = vector.load %arg10[%swap3A, %swap3A_42, %swap3A_43] : memref<1x512x128xf32, #tpu.memory_space<vmem>>, vector<1x512x128xf32>
    %swap3A_45 = vector.shape_cast %swap3A_44 : vector<1x512x128xf32> to vector<512x128xf32>
    %swap3A_46 = vector.shape_cast %dot_general3A_41 : vector<512x128xf32> to vector<1x512x128xf32>
    tpu.vector_store %arg10[%swap3A, %swap3A_42, %swap3A_43], %swap3A_46 {strides = array<i32>} : memref<1x512x128xf32, #tpu.memory_space<vmem>>, vector<1x512x128xf32>,
    %get3A_47 = arith.constant 0 : index
    %get3A_48 = arith.constant 0 : index
    %get3A_49 = arith.constant 0 : index
    %get3A_50 = vector.load %arg8[%get3A_47, %get3A_48, %get3A_49] : memref<1x256x3xf32, #tpu.memory_space<vmem>>, vector<1x256x3xf32>
    %get3A_51 = vector.shape_cast %get3A_50 : vector<1x256x3xf32> to vector<256x3xf32>
    %get3A_52 = arith.constant 0 : index
    %get3A_53 = arith.constant 0 : index
    %get3A_54 = vector.load %arg9[%get3A_52, %get3A_53] : memref<3x128xf32, #tpu.memory_space<vmem>>, vector<3x128xf32>
    %dot_general3A_55 = arith.constant dense<0.000000e+00> : vector<256x128xf32>
    %dot_general3A_56 = tpu.matmul %get3A_51, %get3A_54, %dot_general3A_55 {dimension_numbers = #tpu.dot_dimension_numbers<[1], [0], [0], [1], [0, 0, 1, 1], [], []>, transpose_lhs_hint = false} : vector<256x3xf32>, vector<3x128xf32>, vector<256x128xf32> -> vector<256x128xf32>
    %swap3A_57 = arith.constant 0 : index
    %swap3A_58 = arith.constant 0 : index
    %swap3A_59 = arith.constant 0 : index
    %swap3A_60 = vector.load %arg11[%swap3A_57, %swap3A_58, %swap3A_59] : memref<1x256x128xf32, #tpu.memory_space<vmem>>, vector<1x256x128xf32>
    %swap3A_61 = vector.shape_cast %swap3A_60 : vector<1x256x128xf32> to vector<256x128xf32>
    %swap3A_62 = vector.shape_cast %dot_general3A_56 : vector<256x128xf32> to vector<1x256x128xf32>
    tpu.vector_store %arg11[%swap3A_57, %swap3A_58, %swap3A_59], %swap3A_62 {strides = array<i32>} : memref<1x256x128xf32, #tpu.memory_space<vmem>>, vector<1x256x128xf32>,
    return
  }
  func.func @transform_0(%arg0: i32) -> (i32, i32, i32) {
    %c0_i32 = arith.constant 0 : i32
    %c0_i32_0 = arith.constant 0 : i32
    %c0_i32_1 = arith.constant 0 : i32
    return %arg0, %c0_i32, %c0_i32_0 : i32, i32, i32
  }
  func.func @transform_1(%arg0: i32) -> (i32, i32, i32) {
    %c0_i32 = arith.constant 0 : i32
    %c0_i32_0 = arith.constant 0 : i32
    %c0_i32_1 = arith.constant 0 : i32
    return %arg0, %c0_i32, %c0_i32_0 : i32, i32, i32
  }
  func.func @transform_2(%arg0: i32) -> (i32, i32) {
    %c0_i32 = arith.constant 0 : i32
    %c0_i32_0 = arith.constant 0 : i32
    %c0_i32_1 = arith.constant 0 : i32
    return %c0_i32, %c0_i32_0 : i32, i32
  }
  func.func @transform_3(%arg0: i32) -> (i32, i32) {
    %c0_i32 = arith.constant 0 : i32
    %c0_i32_0 = arith.constant 0 : i32
    %c0_i32_1 = arith.constant 0 : i32
    return %c0_i32, %c0_i32_0 : i32, i32
  }
  func.func @transform_4(%arg0: i32) -> (i32, i32) {
    %c0_i32 = arith.constant 0 : i32
    %c0_i32_0 = arith.constant 0 : i32
    %c0_i32_1 = arith.constant 0 : i32
    return %c0_i32, %c0_i32_0 : i32, i32
  }
  func.func @transform_5(%arg0: i32) -> (i32, i32, i32) {
    %c0_i32 = arith.constant 0 : i32
    %c0_i32_0 = arith.constant 0 : i32
    %c0_i32_1 = arith.constant 0 : i32
    return %arg0, %c0_i32, %c0_i32_0 : i32, i32, i32
  }
  func.func @transform_6(%arg0: i32) -> (i32, i32) {
    %c0_i32 = arith.constant 0 : i32
    %c0_i32_0 = arith.constant 0 : i32
    %c0_i32_1 = arith.constant 0 : i32
    return %c0_i32, %c0_i32_0 : i32, i32
  }
  func.func @transform_7(%arg0: i32) -> (i32, i32, i32) {
    %c0_i32 = arith.constant 0 : i32
    %c0_i32_0 = arith.constant 0 : i32
    %c0_i32_1 = arith.constant 0 : i32
    return %arg0, %c0_i32, %c0_i32_0 : i32, i32, i32
  }
  func.func @transform_8(%arg0: i32) -> (i32, i32) {
    %c0_i32 = arith.constant 0 : i32
    %c0_i32_0 = arith.constant 0 : i32
    %c0_i32_1 = arith.constant 0 : i32
    return %c0_i32, %c0_i32_0 : i32, i32
  }
  func.func @transform_9(%arg0: i32) -> (i32, i32, i32) {
    %c0_i32 = arith.constant 0 : i32
    %c0_i32_0 = arith.constant 0 : i32
    %c0_i32_1 = arith.constant 0 : i32
    return %arg0, %c0_i32, %c0_i32_0 : i32, i32, i32
  }
  func.func @transform_10(%arg0: i32) -> (i32, i32, i32) {
    %c0_i32 = arith.constant 0 : i32
    %c0_i32_0 = arith.constant 0 : i32
    %c0_i32_1 = arith.constant 0 : i32
    return %arg0, %c0_i32, %c0_i32_0 : i32, i32, i32
  }
}

module attributes {stable_mosaic.version = 14 : i64} {
  func.func @body(%arg0: i32, %arg1: memref<1x8192x128xf32, #tpu.memory_space<vmem>>, %arg2: memref<1x256x128xf32, #tpu.memory_space<vmem>>, %arg3: memref<1x128xf32, #tpu.memory_space<vmem>>, %arg4: memref<128x128xf32, #tpu.memory_space<vmem>>, %arg5: memref<1x128xf32, #tpu.memory_space<vmem>>, %arg6: memref<1x256x3xf32, #tpu.memory_space<vmem>>, %arg7: memref<131x256xf32, #tpu.memory_space<vmem>>, %arg8: memref<1x128x3xf32, #tpu.memory_space<vmem>>, %arg9: memref<3x256xf32, #tpu.memory_space<vmem>>, %arg10: memref<1x256x256xf32, #tpu.memory_space<vmem>>, %arg11: memref<1x128x256xf32, #tpu.memory_space<vmem>>) attributes {dimension_semantics = [#tpu.dimension_semantics<arbitrary>], iteration_bounds = array<i64: 8>, scalar_prefetch = 0 : i64, scratch_operands = 0 : i64, tpu.core_type = #tpu.core_type<tc>, window_params = [{transform_indices = @transform_0, window_bounds = array<i64: 1, 8192, 128>}, {transform_indices = @transform_1, window_bounds = array<i64: 1, 256, 128>}, {pipeline_mode = #tpu.pipeline_mode<synchronous>, transform_indices = @transform_2, window_bounds = array<i64: 1, 128>}, {pipeline_mode = #tpu.pipeline_mode<synchronous>, transform_indices = @transform_3, window_bounds = array<i64: 128, 128>}, {pipeline_mode = #tpu.pipeline_mode<synchronous>, transform_indices = @transform_4, window_bounds = array<i64: 1, 128>}, {transform_indices = @transform_5, window_bounds = array<i64: 1, 256, 3>}, {pipeline_mode = #tpu.pipeline_mode<synchronous>, transform_indices = @transform_6, window_bounds = array<i64: 131, 256>}, {transform_indices = @transform_7, window_bounds = array<i64: 1, 128, 3>}, {pipeline_mode = #tpu.pipeline_mode<synchronous>, transform_indices = @transform_8, window_bounds = array<i64: 3, 256>}, {transform_indices = @transform_9, window_bounds = array<i64: 1, 256, 256>}, {transform_indices = @transform_10, window_bounds = array<i64: 1, 128, 256>}]} {
    %get3A = arith.constant 0 : index
    %get3A_0 = arith.constant 0 : index
    %get3A_1 = arith.constant 0 : index
    %get3A_2 = vector.load %arg1[%get3A, %get3A_0, %get3A_1] : memref<1x8192x128xf32, #tpu.memory_space<vmem>>, vector<1x8192x128xf32>
    %get3A_3 = vector.shape_cast %get3A_2 : vector<1x8192x128xf32> to vector<8192x128xf32>
    %reshape3A = vector.shape_cast %get3A_3 : vector<8192x128xf32> to vector<32x256x128xf32>
    %get3A_4 = arith.constant 0 : index
    %get3A_5 = arith.constant 0 : index
    %get3A_6 = arith.constant 0 : index
    %get3A_7 = vector.load %arg2[%get3A_4, %get3A_5, %get3A_6] : memref<1x256x128xf32, #tpu.memory_space<vmem>>, vector<1x256x128xf32>
    %get3A_8 = vector.shape_cast %get3A_7 : vector<1x256x128xf32> to vector<256x128xf32>
    %broadcast_in_dim3A = vector.shape_cast %get3A_8 : vector<256x128xf32> to vector<1x256x128xf32>
    %sub3A = vector.broadcast %broadcast_in_dim3A : vector<1x256x128xf32> to vector<32x256x128xf32>
    %sub3A_9 = arith.subf %reshape3A, %sub3A : vector<32x256x128xf32>
    %get3A_10 = arith.constant 0 : index
    %get3A_11 = arith.constant 0 : index
    %get3A_12 = vector.load %arg3[%get3A_10, %get3A_11] : memref<1x128xf32, #tpu.memory_space<vmem>>, vector<1x128xf32>
    %broadcast_in_dim3A_13 = vector.shape_cast %get3A_12 : vector<1x128xf32> to vector<1x1x128xf32>
    %add3A = vector.broadcast %broadcast_in_dim3A_13 : vector<1x1x128xf32> to vector<32x256x128xf32>
    %add3A_14 = arith.addf %sub3A_9, %add3A : vector<32x256x128xf32>
    %max3A = arith.constant 0.000000e+00 : f32
    %max3A_15 = vector.broadcast %max3A : f32 to vector<32x256x128xf32>
    %max3A_16 = arith.maximumf %add3A_14, %max3A_15 : vector<32x256x128xf32>
    %reshape3A_17 = vector.shape_cast %max3A_16 : vector<32x256x128xf32> to vector<8192x128xf32>
    %get3A_18 = arith.constant 0 : index
    %get3A_19 = arith.constant 0 : index
    %get3A_20 = vector.load %arg4[%get3A_18, %get3A_19] : memref<128x128xf32, #tpu.memory_space<vmem>>, vector<128x128xf32>
    %dot_general3A = arith.constant dense<0.000000e+00> : vector<8192x128xf32>
    %dot_general3A_21 = tpu.matmul %reshape3A_17, %get3A_20, %dot_general3A {dimension_numbers = #tpu.dot_dimension_numbers<[1], [0], [0], [1], [0, 0, 1, 1], [], []>, transpose_lhs_hint = false} : vector<8192x128xf32>, vector<128x128xf32>, vector<8192x128xf32> -> vector<8192x128xf32>
    %get3A_22 = arith.constant 0 : index
    %get3A_23 = arith.constant 0 : index
    %get3A_24 = vector.load %arg5[%get3A_22, %get3A_23] : memref<1x128xf32, #tpu.memory_space<vmem>>, vector<1x128xf32>
    %add3A_25 = vector.broadcast %get3A_24 : vector<1x128xf32> to vector<8192x128xf32>
    %add3A_26 = arith.addf %dot_general3A_21, %add3A_25 : vector<8192x128xf32>
    %max3A_27 = arith.constant 0.000000e+00 : f32
    %max3A_28 = vector.broadcast %max3A_27 : f32 to vector<8192x128xf32>
    %max3A_29 = arith.maximumf %add3A_26, %max3A_28 : vector<8192x128xf32>
    %reshape3A_30 = vector.shape_cast %max3A_29 : vector<8192x128xf32> to vector<32x256x128xf32>
    %reduce_max3A = arith.constant dense<0xFF800000> : vector<256x128xf32>
    %reduce_max3A_31 = vector.multi_reduction <maximumf>, %reshape3A_30, %reduce_max3A [0] : vector<32x256x128xf32> to vector<256x128xf32>
    %get3A_32 = arith.constant 0 : index
    %get3A_33 = arith.constant 0 : index
    %get3A_34 = arith.constant 0 : index
    %get3A_35 = vector.load %arg6[%get3A_32, %get3A_33, %get3A_34] : memref<1x256x3xf32, #tpu.memory_space<vmem>>, vector<1x256x3xf32>
    %get3A_36 = vector.shape_cast %get3A_35 : vector<1x256x3xf32> to vector<256x3xf32>
    %concatenate3A = tpu.concatenate %reduce_max3A_31, %get3A_36 in 1 : vector<256x128xf32>, vector<256x3xf32> -> vector<256x131xf32>
    %get3A_37 = arith.constant 0 : index
    %get3A_38 = arith.constant 0 : index
    %get3A_39 = vector.load %arg7[%get3A_37, %get3A_38] : memref<131x256xf32, #tpu.memory_space<vmem>>, vector<131x256xf32>
    %dot_general3A_40 = arith.constant dense<0.000000e+00> : vector<256x256xf32>
    %dot_general3A_41 = tpu.matmul %concatenate3A, %get3A_39, %dot_general3A_40 {dimension_numbers = #tpu.dot_dimension_numbers<[1], [0], [0], [1], [0, 0, 1, 1], [], []>, transpose_lhs_hint = false} : vector<256x131xf32>, vector<131x256xf32>, vector<256x256xf32> -> vector<256x256xf32>
    %swap3A = arith.constant 0 : index
    %swap3A_42 = arith.constant 0 : index
    %swap3A_43 = arith.constant 0 : index
    %swap3A_44 = vector.load %arg10[%swap3A, %swap3A_42, %swap3A_43] : memref<1x256x256xf32, #tpu.memory_space<vmem>>, vector<1x256x256xf32>
    %swap3A_45 = vector.shape_cast %swap3A_44 : vector<1x256x256xf32> to vector<256x256xf32>
    %swap3A_46 = vector.shape_cast %dot_general3A_41 : vector<256x256xf32> to vector<1x256x256xf32>
    tpu.vector_store %arg10[%swap3A, %swap3A_42, %swap3A_43], %swap3A_46 {strides = array<i32>} : memref<1x256x256xf32, #tpu.memory_space<vmem>>, vector<1x256x256xf32>,
    %get3A_47 = arith.constant 0 : index
    %get3A_48 = arith.constant 0 : index
    %get3A_49 = arith.constant 0 : index
    %get3A_50 = vector.load %arg8[%get3A_47, %get3A_48, %get3A_49] : memref<1x128x3xf32, #tpu.memory_space<vmem>>, vector<1x128x3xf32>
    %get3A_51 = vector.shape_cast %get3A_50 : vector<1x128x3xf32> to vector<128x3xf32>
    %get3A_52 = arith.constant 0 : index
    %get3A_53 = arith.constant 0 : index
    %get3A_54 = vector.load %arg9[%get3A_52, %get3A_53] : memref<3x256xf32, #tpu.memory_space<vmem>>, vector<3x256xf32>
    %dot_general3A_55 = arith.constant dense<0.000000e+00> : vector<128x256xf32>
    %dot_general3A_56 = tpu.matmul %get3A_51, %get3A_54, %dot_general3A_55 {dimension_numbers = #tpu.dot_dimension_numbers<[1], [0], [0], [1], [0, 0, 1, 1], [], []>, transpose_lhs_hint = false} : vector<128x3xf32>, vector<3x256xf32>, vector<128x256xf32> -> vector<128x256xf32>
    %swap3A_57 = arith.constant 0 : index
    %swap3A_58 = arith.constant 0 : index
    %swap3A_59 = arith.constant 0 : index
    %swap3A_60 = vector.load %arg11[%swap3A_57, %swap3A_58, %swap3A_59] : memref<1x128x256xf32, #tpu.memory_space<vmem>>, vector<1x128x256xf32>
    %swap3A_61 = vector.shape_cast %swap3A_60 : vector<1x128x256xf32> to vector<128x256xf32>
    %swap3A_62 = vector.shape_cast %dot_general3A_56 : vector<128x256xf32> to vector<1x128x256xf32>
    tpu.vector_store %arg11[%swap3A_57, %swap3A_58, %swap3A_59], %swap3A_62 {strides = array<i32>} : memref<1x128x256xf32, #tpu.memory_space<vmem>>, vector<1x128x256xf32>,
    return
  }
  func.func @transform_0(%arg0: i32) -> (i32, i32, i32) {
    %c0_i32 = arith.constant 0 : i32
    %c0_i32_0 = arith.constant 0 : i32
    %c0_i32_1 = arith.constant 0 : i32
    return %arg0, %c0_i32, %c0_i32_0 : i32, i32, i32
  }
  func.func @transform_1(%arg0: i32) -> (i32, i32, i32) {
    %c0_i32 = arith.constant 0 : i32
    %c0_i32_0 = arith.constant 0 : i32
    %c0_i32_1 = arith.constant 0 : i32
    return %arg0, %c0_i32, %c0_i32_0 : i32, i32, i32
  }
  func.func @transform_2(%arg0: i32) -> (i32, i32) {
    %c0_i32 = arith.constant 0 : i32
    %c0_i32_0 = arith.constant 0 : i32
    %c0_i32_1 = arith.constant 0 : i32
    return %c0_i32, %c0_i32_0 : i32, i32
  }
  func.func @transform_3(%arg0: i32) -> (i32, i32) {
    %c0_i32 = arith.constant 0 : i32
    %c0_i32_0 = arith.constant 0 : i32
    %c0_i32_1 = arith.constant 0 : i32
    return %c0_i32, %c0_i32_0 : i32, i32
  }
  func.func @transform_4(%arg0: i32) -> (i32, i32) {
    %c0_i32 = arith.constant 0 : i32
    %c0_i32_0 = arith.constant 0 : i32
    %c0_i32_1 = arith.constant 0 : i32
    return %c0_i32, %c0_i32_0 : i32, i32
  }
  func.func @transform_5(%arg0: i32) -> (i32, i32, i32) {
    %c0_i32 = arith.constant 0 : i32
    %c0_i32_0 = arith.constant 0 : i32
    %c0_i32_1 = arith.constant 0 : i32
    return %arg0, %c0_i32, %c0_i32_0 : i32, i32, i32
  }
  func.func @transform_6(%arg0: i32) -> (i32, i32) {
    %c0_i32 = arith.constant 0 : i32
    %c0_i32_0 = arith.constant 0 : i32
    %c0_i32_1 = arith.constant 0 : i32
    return %c0_i32, %c0_i32_0 : i32, i32
  }
  func.func @transform_7(%arg0: i32) -> (i32, i32, i32) {
    %c0_i32 = arith.constant 0 : i32
    %c0_i32_0 = arith.constant 0 : i32
    %c0_i32_1 = arith.constant 0 : i32
    return %arg0, %c0_i32, %c0_i32_0 : i32, i32, i32
  }
  func.func @transform_8(%arg0: i32) -> (i32, i32) {
    %c0_i32 = arith.constant 0 : i32
    %c0_i32_0 = arith.constant 0 : i32
    %c0_i32_1 = arith.constant 0 : i32
    return %c0_i32, %c0_i32_0 : i32, i32
  }
  func.func @transform_9(%arg0: i32) -> (i32, i32, i32) {
    %c0_i32 = arith.constant 0 : i32
    %c0_i32_0 = arith.constant 0 : i32
    %c0_i32_1 = arith.constant 0 : i32
    return %arg0, %c0_i32, %c0_i32_0 : i32, i32, i32
  }
  func.func @transform_10(%arg0: i32) -> (i32, i32, i32) {
    %c0_i32 = arith.constant 0 : i32
    %c0_i32_0 = arith.constant 0 : i32
    %c0_i32_1 = arith.constant 0 : i32
    return %arg0, %c0_i32, %c0_i32_0 : i32, i32, i32
  }
}

module attributes {stable_mosaic.version = 14 : i64} {
  func.func @body(%arg0: i32, %arg1: memref<1x4096x256xf32, #tpu.memory_space<vmem>>, %arg2: memref<1x128x256xf32, #tpu.memory_space<vmem>>, %arg3: memref<1x256xf32, #tpu.memory_space<vmem>>, %arg4: memref<256x256xf32, #tpu.memory_space<vmem>>, %arg5: memref<1x256xf32, #tpu.memory_space<vmem>>, %arg6: memref<1x128x3xf32, #tpu.memory_space<vmem>>, %arg7: memref<259x512xf32, #tpu.memory_space<vmem>>, %arg8: memref<1x512xf32, #tpu.memory_space<vmem>>, %arg9: memref<512x1024xf32, #tpu.memory_space<vmem>>, %arg10: memref<1x1024xf32, #tpu.memory_space<vmem>>, %arg11: memref<1x1x1024xf32, #tpu.memory_space<vmem>>) attributes {dimension_semantics = [#tpu.dimension_semantics<arbitrary>], iteration_bounds = array<i64: 8>, scalar_prefetch = 0 : i64, scratch_operands = 0 : i64, tpu.core_type = #tpu.core_type<tc>, window_params = [{transform_indices = @transform_0, window_bounds = array<i64: 1, 4096, 256>}, {transform_indices = @transform_1, window_bounds = array<i64: 1, 128, 256>}, {pipeline_mode = #tpu.pipeline_mode<synchronous>, transform_indices = @transform_2, window_bounds = array<i64: 1, 256>}, {pipeline_mode = #tpu.pipeline_mode<synchronous>, transform_indices = @transform_3, window_bounds = array<i64: 256, 256>}, {pipeline_mode = #tpu.pipeline_mode<synchronous>, transform_indices = @transform_4, window_bounds = array<i64: 1, 256>}, {transform_indices = @transform_5, window_bounds = array<i64: 1, 128, 3>}, {pipeline_mode = #tpu.pipeline_mode<synchronous>, transform_indices = @transform_6, window_bounds = array<i64: 259, 512>}, {pipeline_mode = #tpu.pipeline_mode<synchronous>, transform_indices = @transform_7, window_bounds = array<i64: 1, 512>}, {pipeline_mode = #tpu.pipeline_mode<synchronous>, transform_indices = @transform_8, window_bounds = array<i64: 512, 1024>}, {pipeline_mode = #tpu.pipeline_mode<synchronous>, transform_indices = @transform_9, window_bounds = array<i64: 1, 1024>}, {transform_indices = @transform_10, window_bounds = array<i64: 1, 1, 1024>}]} {
    %get3A = arith.constant 0 : index
    %get3A_0 = arith.constant 0 : index
    %get3A_1 = arith.constant 0 : index
    %get3A_2 = vector.load %arg1[%get3A, %get3A_0, %get3A_1] : memref<1x4096x256xf32, #tpu.memory_space<vmem>>, vector<1x4096x256xf32>
    %get3A_3 = vector.shape_cast %get3A_2 : vector<1x4096x256xf32> to vector<4096x256xf32>
    %reshape3A = vector.shape_cast %get3A_3 : vector<4096x256xf32> to vector<32x128x256xf32>
    %get3A_4 = arith.constant 0 : index
    %get3A_5 = arith.constant 0 : index
    %get3A_6 = arith.constant 0 : index
    %get3A_7 = vector.load %arg2[%get3A_4, %get3A_5, %get3A_6] : memref<1x128x256xf32, #tpu.memory_space<vmem>>, vector<1x128x256xf32>
    %get3A_8 = vector.shape_cast %get3A_7 : vector<1x128x256xf32> to vector<128x256xf32>
    %broadcast_in_dim3A = vector.shape_cast %get3A_8 : vector<128x256xf32> to vector<1x128x256xf32>
    %sub3A = vector.broadcast %broadcast_in_dim3A : vector<1x128x256xf32> to vector<32x128x256xf32>
    %sub3A_9 = arith.subf %reshape3A, %sub3A : vector<32x128x256xf32>
    %get3A_10 = arith.constant 0 : index
    %get3A_11 = arith.constant 0 : index
    %get3A_12 = vector.load %arg3[%get3A_10, %get3A_11] : memref<1x256xf32, #tpu.memory_space<vmem>>, vector<1x256xf32>
    %broadcast_in_dim3A_13 = vector.shape_cast %get3A_12 : vector<1x256xf32> to vector<1x1x256xf32>
    %add3A = vector.broadcast %broadcast_in_dim3A_13 : vector<1x1x256xf32> to vector<32x128x256xf32>
    %add3A_14 = arith.addf %sub3A_9, %add3A : vector<32x128x256xf32>
    %max3A = arith.constant 0.000000e+00 : f32
    %max3A_15 = vector.broadcast %max3A : f32 to vector<32x128x256xf32>
    %max3A_16 = arith.maximumf %add3A_14, %max3A_15 : vector<32x128x256xf32>
    %reshape3A_17 = vector.shape_cast %max3A_16 : vector<32x128x256xf32> to vector<4096x256xf32>
    %get3A_18 = arith.constant 0 : index
    %get3A_19 = arith.constant 0 : index
    %get3A_20 = vector.load %arg4[%get3A_18, %get3A_19] : memref<256x256xf32, #tpu.memory_space<vmem>>, vector<256x256xf32>
    %dot_general3A = arith.constant dense<0.000000e+00> : vector<4096x256xf32>
    %dot_general3A_21 = tpu.matmul %reshape3A_17, %get3A_20, %dot_general3A {dimension_numbers = #tpu.dot_dimension_numbers<[1], [0], [0], [1], [0, 0, 1, 1], [], []>, transpose_lhs_hint = false} : vector<4096x256xf32>, vector<256x256xf32>, vector<4096x256xf32> -> vector<4096x256xf32>
    %get3A_22 = arith.constant 0 : index
    %get3A_23 = arith.constant 0 : index
    %get3A_24 = vector.load %arg5[%get3A_22, %get3A_23] : memref<1x256xf32, #tpu.memory_space<vmem>>, vector<1x256xf32>
    %add3A_25 = vector.broadcast %get3A_24 : vector<1x256xf32> to vector<4096x256xf32>
    %add3A_26 = arith.addf %dot_general3A_21, %add3A_25 : vector<4096x256xf32>
    %max3A_27 = arith.constant 0.000000e+00 : f32
    %max3A_28 = vector.broadcast %max3A_27 : f32 to vector<4096x256xf32>
    %max3A_29 = arith.maximumf %add3A_26, %max3A_28 : vector<4096x256xf32>
    %reshape3A_30 = vector.shape_cast %max3A_29 : vector<4096x256xf32> to vector<32x128x256xf32>
    %reduce_max3A = arith.constant dense<0xFF800000> : vector<128x256xf32>
    %reduce_max3A_31 = vector.multi_reduction <maximumf>, %reshape3A_30, %reduce_max3A [0] : vector<32x128x256xf32> to vector<128x256xf32>
    %get3A_32 = arith.constant 0 : index
    %get3A_33 = arith.constant 0 : index
    %get3A_34 = arith.constant 0 : index
    %get3A_35 = vector.load %arg6[%get3A_32, %get3A_33, %get3A_34] : memref<1x128x3xf32, #tpu.memory_space<vmem>>, vector<1x128x3xf32>
    %get3A_36 = vector.shape_cast %get3A_35 : vector<1x128x3xf32> to vector<128x3xf32>
    %concatenate3A = tpu.concatenate %reduce_max3A_31, %get3A_36 in 1 : vector<128x256xf32>, vector<128x3xf32> -> vector<128x259xf32>
    %get3A_37 = arith.constant 0 : index
    %get3A_38 = arith.constant 0 : index
    %get3A_39 = vector.load %arg7[%get3A_37, %get3A_38] : memref<259x512xf32, #tpu.memory_space<vmem>>, vector<259x512xf32>
    %dot_general3A_40 = arith.constant dense<0.000000e+00> : vector<128x512xf32>
    %dot_general3A_41 = tpu.matmul %concatenate3A, %get3A_39, %dot_general3A_40 {dimension_numbers = #tpu.dot_dimension_numbers<[1], [0], [0], [1], [0, 0, 1, 1], [], []>, transpose_lhs_hint = false} : vector<128x259xf32>, vector<259x512xf32>, vector<128x512xf32> -> vector<128x512xf32>
    %get3A_42 = arith.constant 0 : index
    %get3A_43 = arith.constant 0 : index
    %get3A_44 = vector.load %arg8[%get3A_42, %get3A_43] : memref<1x512xf32, #tpu.memory_space<vmem>>, vector<1x512xf32>
    %add3A_45 = vector.broadcast %get3A_44 : vector<1x512xf32> to vector<128x512xf32>
    %add3A_46 = arith.addf %dot_general3A_41, %add3A_45 : vector<128x512xf32>
    %max3A_47 = arith.constant 0.000000e+00 : f32
    %max3A_48 = vector.broadcast %max3A_47 : f32 to vector<128x512xf32>
    %max3A_49 = arith.maximumf %add3A_46, %max3A_48 : vector<128x512xf32>
    %get3A_50 = arith.constant 0 : index
    %get3A_51 = arith.constant 0 : index
    %get3A_52 = vector.load %arg9[%get3A_50, %get3A_51] : memref<512x1024xf32, #tpu.memory_space<vmem>>, vector<512x1024xf32>
    %dot_general3A_53 = arith.constant dense<0.000000e+00> : vector<128x1024xf32>
    %dot_general3A_54 = tpu.matmul %max3A_49, %get3A_52, %dot_general3A_53 {dimension_numbers = #tpu.dot_dimension_numbers<[1], [0], [0], [1], [0, 0, 1, 1], [], []>, transpose_lhs_hint = false} : vector<128x512xf32>, vector<512x1024xf32>, vector<128x1024xf32> -> vector<128x1024xf32>
    %get3A_55 = arith.constant 0 : index
    %get3A_56 = arith.constant 0 : index
    %get3A_57 = vector.load %arg10[%get3A_55, %get3A_56] : memref<1x1024xf32, #tpu.memory_space<vmem>>, vector<1x1024xf32>
    %add3A_58 = vector.broadcast %get3A_57 : vector<1x1024xf32> to vector<128x1024xf32>
    %add3A_59 = arith.addf %dot_general3A_54, %add3A_58 : vector<128x1024xf32>
    %max3A_60 = arith.constant 0.000000e+00 : f32
    %max3A_61 = vector.broadcast %max3A_60 : f32 to vector<128x1024xf32>
    %max3A_62 = arith.maximumf %add3A_59, %max3A_61 : vector<128x1024xf32>
    %reduce_max3A_63 = arith.constant dense<0xFF800000> : vector<1024xf32>
    %reduce_max3A_64 = vector.multi_reduction <maximumf>, %max3A_62, %reduce_max3A_63 [0] : vector<128x1024xf32> to vector<1024xf32>
    %broadcast_in_dim3A_65 = vector.shape_cast %reduce_max3A_64 : vector<1024xf32> to vector<1x1024xf32>
    %swap3A = arith.constant 0 : index
    %swap3A_66 = arith.constant 0 : index
    %swap3A_67 = arith.constant 0 : index
    %swap3A_68 = vector.load %arg11[%swap3A, %swap3A_66, %swap3A_67] : memref<1x1x1024xf32, #tpu.memory_space<vmem>>, vector<1x1x1024xf32>
    %swap3A_69 = vector.shape_cast %swap3A_68 : vector<1x1x1024xf32> to vector<1x1024xf32>
    %swap3A_70 = vector.shape_cast %broadcast_in_dim3A_65 : vector<1x1024xf32> to vector<1x1x1024xf32>
    tpu.vector_store %arg11[%swap3A, %swap3A_66, %swap3A_67], %swap3A_70 {strides = array<i32>} : memref<1x1x1024xf32, #tpu.memory_space<vmem>>, vector<1x1x1024xf32>,
    return
  }
  func.func @transform_0(%arg0: i32) -> (i32, i32, i32) {
    %c0_i32 = arith.constant 0 : i32
    %c0_i32_0 = arith.constant 0 : i32
    %c0_i32_1 = arith.constant 0 : i32
    return %arg0, %c0_i32, %c0_i32_0 : i32, i32, i32
  }
  func.func @transform_1(%arg0: i32) -> (i32, i32, i32) {
    %c0_i32 = arith.constant 0 : i32
    %c0_i32_0 = arith.constant 0 : i32
    %c0_i32_1 = arith.constant 0 : i32
    return %arg0, %c0_i32, %c0_i32_0 : i32, i32, i32
  }
  func.func @transform_2(%arg0: i32) -> (i32, i32) {
    %c0_i32 = arith.constant 0 : i32
    %c0_i32_0 = arith.constant 0 : i32
    %c0_i32_1 = arith.constant 0 : i32
    return %c0_i32, %c0_i32_0 : i32, i32
  }
  func.func @transform_3(%arg0: i32) -> (i32, i32) {
    %c0_i32 = arith.constant 0 : i32
    %c0_i32_0 = arith.constant 0 : i32
    %c0_i32_1 = arith.constant 0 : i32
    return %c0_i32, %c0_i32_0 : i32, i32
  }
  func.func @transform_4(%arg0: i32) -> (i32, i32) {
    %c0_i32 = arith.constant 0 : i32
    %c0_i32_0 = arith.constant 0 : i32
    %c0_i32_1 = arith.constant 0 : i32
    return %c0_i32, %c0_i32_0 : i32, i32
  }
  func.func @transform_5(%arg0: i32) -> (i32, i32, i32) {
    %c0_i32 = arith.constant 0 : i32
    %c0_i32_0 = arith.constant 0 : i32
    %c0_i32_1 = arith.constant 0 : i32
    return %arg0, %c0_i32, %c0_i32_0 : i32, i32, i32
  }
  func.func @transform_6(%arg0: i32) -> (i32, i32) {
    %c0_i32 = arith.constant 0 : i32
    %c0_i32_0 = arith.constant 0 : i32
    %c0_i32_1 = arith.constant 0 : i32
    return %c0_i32, %c0_i32_0 : i32, i32
  }
  func.func @transform_7(%arg0: i32) -> (i32, i32) {
    %c0_i32 = arith.constant 0 : i32
    %c0_i32_0 = arith.constant 0 : i32
    %c0_i32_1 = arith.constant 0 : i32
    return %c0_i32, %c0_i32_0 : i32, i32
  }
  func.func @transform_8(%arg0: i32) -> (i32, i32) {
    %c0_i32 = arith.constant 0 : i32
    %c0_i32_0 = arith.constant 0 : i32
    %c0_i32_1 = arith.constant 0 : i32
    return %c0_i32, %c0_i32_0 : i32, i32
  }
  func.func @transform_9(%arg0: i32) -> (i32, i32) {
    %c0_i32 = arith.constant 0 : i32
    %c0_i32_0 = arith.constant 0 : i32
    %c0_i32_1 = arith.constant 0 : i32
    return %c0_i32, %c0_i32_0 : i32, i32
  }
  func.func @transform_10(%arg0: i32) -> (i32, i32, i32) {
    %c0_i32 = arith.constant 0 : i32
    %c0_i32_0 = arith.constant 0 : i32
    %c0_i32_1 = arith.constant 0 : i32
    return %arg0, %c0_i32, %c0_i32_0 : i32, i32, i32
  }
}

module attributes {stable_mosaic.version = 14 : i64} {
  func.func @_lin_body(%arg0: memref<8x1024xf32, #tpu.memory_space<vmem>>, %arg1: memref<1024x512xf32, #tpu.memory_space<vmem>>, %arg2: memref<1x512xf32, #tpu.memory_space<vmem>>, %arg3: memref<512x256xf32, #tpu.memory_space<vmem>>, %arg4: memref<1x256xf32, #tpu.memory_space<vmem>>, %arg5: memref<256x40xf32, #tpu.memory_space<vmem>>, %arg6: memref<1x40xf32, #tpu.memory_space<vmem>>, %arg7: memref<8x40xf32, #tpu.memory_space<vmem>>) attributes {dimension_semantics = [], scalar_prefetch = 0 : i64, scratch_operands = 0 : i64, tpu.core_type = #tpu.core_type<tc>} {
    %get3A = arith.constant 0 : index
    %get3A_0 = arith.constant 0 : index
    %get3A_1 = vector.load %arg0[%get3A, %get3A_0] : memref<8x1024xf32, #tpu.memory_space<vmem>>, vector<8x1024xf32>
    %get3A_2 = arith.constant 0 : index
    %get3A_3 = arith.constant 0 : index
    %get3A_4 = vector.load %arg1[%get3A_2, %get3A_3] : memref<1024x512xf32, #tpu.memory_space<vmem>>, vector<1024x512xf32>
    %dot_general3A = arith.constant dense<0.000000e+00> : vector<8x512xf32>
    %dot_general3A_5 = tpu.matmul %get3A_1, %get3A_4, %dot_general3A {dimension_numbers = #tpu.dot_dimension_numbers<[1], [0], [0], [1], [0, 0, 1, 1], [], []>, transpose_lhs_hint = false} : vector<8x1024xf32>, vector<1024x512xf32>, vector<8x512xf32> -> vector<8x512xf32>
    %get3A_6 = arith.constant 0 : index
    %get3A_7 = arith.constant 0 : index
    %get3A_8 = vector.load %arg2[%get3A_6, %get3A_7] : memref<1x512xf32, #tpu.memory_space<vmem>>, vector<1x512xf32>
    %add3A = vector.broadcast %get3A_8 : vector<1x512xf32> to vector<8x512xf32>
    %add3A_9 = arith.addf %dot_general3A_5, %add3A : vector<8x512xf32>
    %max3A = arith.constant 0.000000e+00 : f32
    %max3A_10 = vector.broadcast %max3A : f32 to vector<8x512xf32>
    %max3A_11 = arith.maximumf %add3A_9, %max3A_10 : vector<8x512xf32>
    %get3A_12 = arith.constant 0 : index
    %get3A_13 = arith.constant 0 : index
    %get3A_14 = vector.load %arg3[%get3A_12, %get3A_13] : memref<512x256xf32, #tpu.memory_space<vmem>>, vector<512x256xf32>
    %dot_general3A_15 = arith.constant dense<0.000000e+00> : vector<8x256xf32>
    %dot_general3A_16 = tpu.matmul %max3A_11, %get3A_14, %dot_general3A_15 {dimension_numbers = #tpu.dot_dimension_numbers<[1], [0], [0], [1], [0, 0, 1, 1], [], []>, transpose_lhs_hint = false} : vector<8x512xf32>, vector<512x256xf32>, vector<8x256xf32> -> vector<8x256xf32>
    %get3A_17 = arith.constant 0 : index
    %get3A_18 = arith.constant 0 : index
    %get3A_19 = vector.load %arg4[%get3A_17, %get3A_18] : memref<1x256xf32, #tpu.memory_space<vmem>>, vector<1x256xf32>
    %add3A_20 = vector.broadcast %get3A_19 : vector<1x256xf32> to vector<8x256xf32>
    %add3A_21 = arith.addf %dot_general3A_16, %add3A_20 : vector<8x256xf32>
    %max3A_22 = arith.constant 0.000000e+00 : f32
    %max3A_23 = vector.broadcast %max3A_22 : f32 to vector<8x256xf32>
    %max3A_24 = arith.maximumf %add3A_21, %max3A_23 : vector<8x256xf32>
    %get3A_25 = arith.constant 0 : index
    %get3A_26 = arith.constant 0 : index
    %get3A_27 = vector.load %arg5[%get3A_25, %get3A_26] : memref<256x40xf32, #tpu.memory_space<vmem>>, vector<256x40xf32>
    %dot_general3A_28 = arith.constant dense<0.000000e+00> : vector<8x40xf32>
    %dot_general3A_29 = tpu.matmul %max3A_24, %get3A_27, %dot_general3A_28 {dimension_numbers = #tpu.dot_dimension_numbers<[1], [0], [0], [1], [0, 0, 1, 1], [], []>, transpose_lhs_hint = false} : vector<8x256xf32>, vector<256x40xf32>, vector<8x40xf32> -> vector<8x40xf32>
    %get3A_30 = arith.constant 0 : index
    %get3A_31 = arith.constant 0 : index
    %get3A_32 = vector.load %arg6[%get3A_30, %get3A_31] : memref<1x40xf32, #tpu.memory_space<vmem>>, vector<1x40xf32>
    %add3A_33 = vector.broadcast %get3A_32 : vector<1x40xf32> to vector<8x40xf32>
    %add3A_34 = arith.addf %dot_general3A_29, %add3A_33 : vector<8x40xf32>
    %swap3A = arith.constant 0 : index
    %swap3A_35 = arith.constant 0 : index
    %swap3A_36 = vector.load %arg7[%swap3A, %swap3A_35] : memref<8x40xf32, #tpu.memory_space<vmem>>, vector<8x40xf32>
    tpu.vector_store %arg7[%swap3A, %swap3A_35], %add3A_34 {strides = array<i32>} : memref<8x40xf32, #tpu.memory_space<vmem>>, vector<8x40xf32>,
    return
  }
}

</mosaic_0001>

<sc_bundles>
// kernel: kernel.11.cloned.1.call-start
scs
__scs_entry_jumppad:
0x0: {  	(pc) =	sbr.rel $0x88, $3  }
0x1: {  	(tag) =	ssettag $0x0;
	lr =	simm.s32 $0x1  }
0x2: {  	[smem:$0x3F89] =	sst lr;
	_ =	strace $0xD0000000  }
0x3: {  	_ = 	snop  }
0x4: {  	_ = 	snop  }
0x5: {  	_ = 	snop  }
0x6: {  	_ = 	snop  }
0x7: {  	_ = 	snop  }
__scs_overlays_trampoline_lowered:
0x8: {  	[smem:$0x3F98] =	sst s0  }
0x9: {  	[smem:$0x3F99] =	sst s1  }
0xa: {  	[smem:$0x3F9A] =	sst s2  }
0xb: {  	[smem:$0x3F9B] =	sst s3  }
0xc: {  	[smem:$0x3F9C] =	sst s4  }
0xd: {  	[smem:$0x3F9D] =	sst s5  }
0xe: {  	[smem:$0x3F9E] =	sst s6  }
0xf: {  	[smem:$0x3F9F] =	sst s7  }
0x10: {  	[smem:$0x3FA0] =	sst s8  }
0x11: {  	[smem:$0x3FA1] =	sst s9;
	s0 =	simm.s32 @!p0 $0x0  }
0x12: {  	s1 =	sld [smem:$0x3F87];
	s0 =	simm.s32 @p0 $0x1  }
0x13: {  	[smem:$0x3FA2] =	sst s0;
	s0 =	simm.s32 @!p1 $0x0  }
0x14: {  	s2 =	sld [smem:$0x3F86];
	s0 =	simm.s32 @p1 $0x1  }
0x15: {  	[smem:$0x3FA3] =	sst s0;
	s0 =	simm.s32 @!p2 $0x0  }
0x16: {  	s3 =	sld [smem:$0x3FDB];
	s0 =	simm.s32 @p2 $0x1  }
0x17: {  	s4 =	simm.s32 $0x1BF5;
	[smem:$0x3FA5] =	sst s0  }
0x18: {  	s0 =	sld [smem:$0x3F88];
	_ =	swait.ge [sflag:s4], $0x0  }
0x19: {  	s7 =	sld [smem:$0x3F89]  }
0x1a: {  	s8 =	sadd.s32 $0xFFFFE003, lr  }
0x1b: {  	s9 =	sadd.s32 $0xFFFFFEF7, lr;
	s5 =	simm.s32 $0xFFFFFFFF;
	p2 =	slt.u32 s8, $0xFFFFF086  }
0x1c: {  	p1 =	slt.u32 s9, $0xF7A;
	s5 =	simm.s32 @!p2 $0x0  }
0x1d: {  	s5 =	simm.s32 @p1 $0x1;
	p0 =	seq.s32 s7, s2  }
0x1e: {  	s7 =	smul.u32 @!p0 $0xF7A, s2;
	p2 =	seq.s32 @!p0 s5, $0x0  }
0x1f: {  	s9 =	smul.u32 $0xF7A, s1;
	s8 =	simm.s32 @!p0 $0x1BF5;
	p2 =	por !p2, p0  }
0x20: {  	[sflag:s8] =	ssyncset.s32 @!p0 $0xFFFFF086;
	s6 =	sadd.s32 @!p0 s3, s7;
	s7 =	simm.s32 @!p0 $0x108  }
0x21: {  	s3 =	sadd.s32 s3, s9;
	s6 =	sadd.s32 @!p0 $0x88, s6;
	s7 =	simm.s32 @p2 $0x1082  }
0x22: {  	[simem:s7], [sflag:s8] =	dma.local @!p0 [hbm:s6], $0xF7A  }
0x23: {  	s9 =	sor.u32 $0xD0000000, s2;
	s6 =	simm.s32 $0x108;
	_ =	swait.ge @!p0 [sflag:s8], $0x0  }
0x24: {  	s3 =	sadd.s32 $0x88, s3;
	s6 =	simm.s32 @!p1 $0x1082;
	[sflag:s4] =	ssyncset.s32 $0xFFFFF086  }
0x25: {  	[simem:s6], [sflag:s4] =	dma.local [hbm:s3], $0xF7A  }
0x26: {  	[smem:$0x3F89] =	sst s1;
	(tag) =	ssettag s2;
	_ =	strace s9  }
0x27: {  	s1 =	sld [smem:$0x3F99]  }
0x28: {  	s2 =	sld [smem:$0x3F9A]  }
0x29: {  	s4 =	sld [smem:$0x3F9C]  }
0x2a: {  	p0 =	seq.s32 s5, $0x0;
	s5 =	sld [smem:$0x3F9D]  }
0x2b: {  	s6 =	sld [smem:$0x3F9E]  }
0x2c: {  	s7 =	sld [smem:$0x3F9F]  }
0x2d: {  	s3 =	simm.s32 $0x108;
	s8 =	sld [smem:$0x3FA0]  }
0x2e: {  	s3 =	simm.s32 @!p0 $0x1082;
	s9 =	sld [smem:$0x3FA1]  }
0x2f: {  	lr =	sadd.s32 s0, s3;
	s0 =	sld [smem:$0x3F98]  }
0x30: {  	s3 =	sld [smem:$0x3F9B]  }
0x31: {  	[smem:$0x3FA4] =	sst s10  }
0x32: {  	s10 =	sld [smem:$0x3FA2];
	_ =	sdelay $0x3  }
0x33: {  	p0 =	seq.s32 s10, $0x1;
	s10 =	sld [smem:$0x3FA4];
	_ =	sdelay $0x3  }
0x34: {  	[smem:$0x3FA4] =	sst s10  }
0x35: {  	s10 =	sld [smem:$0x3FA3];
	_ =	sdelay $0x3  }
0x36: {  	p1 =	seq.s32 s10, $0x1;
	s10 =	sld [smem:$0x3FA4];
	_ =	sdelay $0x3  }
0x37: {  	[smem:$0x3FA4] =	sst s10  }
0x38: {  	s10 =	sld [smem:$0x3FA5]  }
0x39: {  	_ = 	snop;
	(pc) =	sbr.ind lr, $3  }
0x3a: {  	_ = 	snop  }
0x3b: {  	_ = 	snop  }
0x3c: {  	p2 =	seq.s32 s10, $0x1;
	s10 =	sld [smem:$0x3FA4]  }
0x3d: {  	_ =	shalt  }
0x3e: {  	_ =	shalt  }
0x3f: {  	_ =	shalt  }
0x40: {  	_ =	shalt  }
0x41: {  	_ =	shalt  }
0x42: {  	_ =	shalt  }
0x43: {  	_ =	shalt  }
0x44: {  	_ =	shalt  }
0x45: {  	_ =	shalt  }
0x46: {  	_ =	shalt  }
0x47: {  	_ =	shalt  }
0x48: {  	_ =	shalt  }
0x49: {  	_ =	shalt  }
0x4a: {  	_ =	shalt  }
0x4b: {  	_ =	shalt  }
0x4c: {  	_ =	shalt  }
0x4d: {  	_ =	shalt  }
0x4e: {  	_ =	shalt  }
0x4f: {  	_ =	shalt  }
0x50: {  	_ =	shalt  }
0x51: {  	_ =	shalt  }
0x52: {  	_ =	shalt  }
0x53: {  	_ =	shalt  }
0x54: {  	_ =	shalt  }
0x55: {  	_ =	shalt  }
0x56: {  	_ =	shalt  }
0x57: {  	_ =	shalt  }
0x58: {  	_ =	shalt  }
0x59: {  	_ =	shalt  }
0x5a: {  	_ =	shalt  }
0x5b: {  	_ =	shalt  }
0x5c: {  	_ =	shalt  }
0x5d: {  	_ =	shalt  }
0x5e: {  	_ =	shalt  }
0x5f: {  	_ =	shalt  }
0x60: {  	_ =	shalt  }
0x61: {  	_ =	shalt  }
0x62: {  	_ =	shalt  }
0x63: {  	_ =	shalt  }
0x64: {  	_ =	shalt  }
0x65: {  	_ =	shalt  }
0x66: {  	_ =	shalt  }
0x67: {  	_ =	shalt  }
0x68: {  	_ =	shalt  }
0x69: {  	_ =	shalt  }
0x6a: {  	_ =	shalt  }
0x6b: {  	_ =	shalt  }
0x6c: {  	_ =	shalt  }
0x6d: {  	_ =	shalt  }
0x6e: {  	_ =	shalt  }
0x6f: {  	_ =	shalt  }
0x70: {  	_ =	shalt  }
0x71: {  	_ =	shalt  }
0x72: {  	_ =	shalt  }
0x73: {  	_ =	shalt  }
0x74: {  	_ =	shalt  }
0x75: {  	_ =	shalt  }
0x76: {  	_ =	shalt  }
0x77: {  	_ =	shalt  }
0x78: {  	_ =	shalt  }
0x79: {  	_ =	shalt  }
0x7a: {  	_ =	shalt  }
0x7b: {  	_ =	shalt  }
0x7c: {  	_ =	shalt  }
0x7d: {  	_ =	shalt  }
0x7e: {  	_ =	shalt  }
0x7f: {  	_ =	shalt  }
0x80: {  	_ =	shalt  }
0x81: {  	_ =	shalt  }
0x82: {  	_ =	shalt  }
0x83: {  	_ =	shalt  }
0x84: {  	_ =	shalt  }
0x85: {  	_ =	shalt  }
0x86: {  	_ =	shalt  }
0x87: {  	_ =	shalt  }
.Lfunc_end0:
.L_simem_size_0:
called_computation_lowered:
.L_overlay_start_0:
0x88: {  	s2 =	sld [smem:$0x3FD9]  }
0x89: {  	s3 =	sld [smem:$0x3FFE];
	_ =	sdelay $0x1  }
0x8a: {  	s1 =	srdreg.scid  }
0x8b: {  	s0 =	sand.u32 $0x1, s1  }
0x8c: {  	s16 =	sshll.u32 s0, $0xA;
	s2 =	sadd.s32 s3, s2  }
0x8d: {  	s2 =	sadd.s32 s2, s16  }
0x8e: {  	[smem:$0x3FB0] =	sst s2  }
0x8f: {  	_ = 	snop  }
0x90: {  	(tm) =	ssettm $0x1  }
0x91: {  	s17 =	sld [smem:$0x3FFB];
	_ =	sdelay $0x3  }
0x92: {  	_ =	strace s17  }
0x93: {  	s2 =	sld [smem:$0x3FFC];
	_ =	sdelay $0x3  }
0x94: {  	_ =	strace s2  }
0x95: {  	s2 =	sld [smem:$0x3FFD];
	_ =	sdelay $0x3  }
0x96: {  	_ =	strace s2  }
0x97: {  	_ =	strace $0x8FFFFFFF  }
0x98: {  	s18 =	sld [smem:$0x3FDB];
	_ =	sdelay $0x1  }
0x99: {  	s19 =	simm.s32 $_scs_section_size  }
0x9a: {  	s4 =	simm.s32 $_size__tile_overlayer_lowered;
	s5 =	simm.s32 $_tile_overlayer_lowered  }
0x9b: {  	s22 =	simm.s32 $0x1BFF;
	s21 =	sshll.u32 s5, $0x1;
	s2 =	sadd.s32 s19, s18  }
0x9c: {  	s6 =	simm.s32 $0x0;
	s20 =	sshll.u32 s4, $0x1;
	s4 =	sadd.s32 s21, s2  }
0x9d: {  	[timem:s6], [sflag:s22] =	dma.local [hbm:s4], s20  }
0x9e: {  	_ =	swait.ge [sflag:s22], s20  }
0x9f: {  	s3 =	ssub.s32 $0x0, s20;
	[sflag:s22] =	ssyncset.done $0x0  }
0xa0: {  	[sflag:s22] =	ssyncadd.s32 s3;
	_ =	sdelay $0x1  }
0xa1: {  	s23 =	simm.s32 $0x1B8B  }
0xa2: {  	_ =	swait.ge [sflag:s23], $0x1  }
0xa3: {  	[sflag:s23] =	ssyncset.done $0x0  }
0xa4: {  	s25 =	simm.s32 $0x1B8E;
	s24 =	sld [smem:$0x3FFE];
	[sflag:s23] =	ssyncadd.s32 $0xFFFFFFFF  }
0xa5: {  	s26 =	simm.s32 $execute0_lowered;
	[smem:$0x3FD2] =	sst s25  }
0xa6: {  	s4 =	sshll.u32 s26, $0x1;
	_ =	strace $0x80000046;
	[dreg:$0x1] =	wrdreg $0xFFFFFFFF  }
0xa7: {  	s28 =	simm.s32 $_size_execute0_lowered;
	s2 =	sadd.s32 s2, s4;
	[dreg:$0x0] =	wrdreg $0x0  }
0xa8: {  	s4 =	sshll.u32 s28, $0x1;
	[dreg:$0x2] =	wrdreg s2  }
0xa9: {  	[dreg:$0x3] =	wrdreg s4  }
0xaa: {  	[dreg:$0x4] =	wrdreg $0xC0  }
0xab: {  	_ =	task [dreg:s6], $0x5FFFF  }
0xac: {  	[dreg:$0x1] =	wrdreg $0xFFFFFFFF  }
0xad: {  	[dreg:$0x0] =	wrdreg $0x60  }
0xae: {  	[dreg:$0x2] =	wrdreg s24  }
0xaf: {  	[dreg:$0x3] =	wrdreg $0x9  }
0xb0: {  	_ =	task.clear_ibuf [dreg:s6], $0x4FFFF;
	_ =	strace $0x90000046  }
0xb1: {  	s29 =	simm.s32 $0x9;
	_ =	strace $0x80000048  }
0xb2: {  	_ =	swait.ge [sflag:s29], $0x1  }
0xb3: {  	[sflag:s29] =	ssyncadd.s32 $0xFFFFFFFF  }
0xb4: {  	_ =	strace $0x90000048  }
0xb5: {  	_ =	sfence  }
0xb6: {  	s30 =	sld [smem:$0x0];
	_ =	sdelay $0x2  }
0xb7: {  	s31 =	sshll.u32 s1, $0xD;
	s1 =	sshrl.u32 s1, $0x2  }
0xb8: {  	s3 =	sand.u32 $0x4000, s31;
	s1 =	sadd.s32 s1, s30  }
0xb9: {  	s0 =	sor.u32 s3, s0;
	s1 =	sshll.u32 s1, $0x11  }
0xba: {  	s0 =	sor.u32 s1, s0  }
0xbb: {  	s0 =	sadd.s32 $0x8F2B, s0  }
0xbc: {  	[sflag:s0] =	ssyncadd.remote.s32 $0x1  }
0xbd: {  	_ =	sfence.sel $0xFFFF  }
0xbe: {  	[dreg:$0x0] =	wrdreg $0xFFFFFFFF;
	(pc) =	sbr.abs _section_cstart, $3  }
0xbf: {  	[dreg:$0x1] =	wrdreg $0xFFFFFFFF  }
0xc0: {  	_ =	task.clear_ibuf [dreg:s6], $0x2FFFF;
	_ =	strace $0x9FFFFFFF  }
0xc1: {  	(tm) =	ssettm $0x7FFFFFFF  }
tec
execute0_lowered:
.L_overlay_start_1:
0x0: {  	(tag) =	ssettag $0x1  }
0x1: {  	s1 =	srdreg.scid  }
0x2: {  	s0 =	stileid.u32;
	s1 =	sand.u32 $0x1, s1  }
0x3: {  	s2 =	sshll.u32 s0, $0xD;
	s3 =	sshll.u32 s1, $0xC  }
0x4: {  	s3 =	sor.u32 s3, s2  }
0x5: {  	s4 =	rddreg [dreg:$0x0];
	s5 =	sshrl.u32 s3, $0x3  }
0x6: {  	s2 =	simm.s32 $0x0;
	s3 =	sshll.u32 s3, $0x4;
	s5 =	sadd.s32 s5, s4  }
0x7: {  	[smem:$0x7FF] =	sst s2;
	s30 =	sadd.s32 s3, s4;
	s16 =	sadd.s32 $0x4000, s5  }
0x8: {  	_ =	strace $0x80000047;
	s17 =	sadd.s32 $0x28200, s30;
	[dreg:$0x2] =	wrdreg s16  }
0x9: {  	s18 =	sadd.s32 $0x29200, s30;
	[dreg:$0x3] =	wrdreg s17  }
0xa: {  	s19 =	sadd.s32 $0x36200, s30;
	[dreg:$0x4] =	wrdreg s18  }
0xb: {  	s20 =	sadd.s32 $0x37200, s30;
	[dreg:$0x5] =	wrdreg s19  }
0xc: {  	s21 =	sadd.s32 $0x2A200, s30;
	[dreg:$0x6] =	wrdreg s20  }
0xd: {  	s22 =	sadd.s32 $0x2B200, s30;
	[dreg:$0x7] =	wrdreg s21  }
0xe: {  	s23 =	sadd.s32 $0x2C200, s30;
	[dreg:$0x8] =	wrdreg s22  }
0xf: {  	s24 =	sadd.s32 $0x2D200, s30;
	[dreg:$0x9] =	wrdreg s23  }
0x10: {  	s26 =	sadd.s32 $0x2E200, s30;
	[dreg:$0xa] =	wrdreg s24  }
0x11: {  	[dreg:$0xb] =	wrdreg s26  }
0x12: {  	s3 =	simm.s32 $0x3;
	s25 =	rddreg [dreg:$0x2]  }
0x13: {  	[tilespmem:s2], [sflag:$0x3] =	stream.linear.gather [hbm4b:s25+s2], $0x1000, $0x38;
	[tilespmem:$0x11000] =	vst v63  }
0x14: {  	_ =	swait.ge [sflag:s3], $0x1000  }
0x15: {  	s6 =	simm.s32 $0x1000;
	[sflag:s3] =	ssyncset.done $0x0  }
0x16: {  	s4 =	sadd.s32 $0x8000, s4;
	s5 =	simm.s32 $0x100;
	[sflag:s3] =	ssyncadd.s32 $0xFFFFF000  }
0x17: {  	[tilespmem:s6], [sflag:$0x1] =	stream.indirect.gather [hbm4b:s4+s5], $0x80, s2, s5, $0xb8;
	[tilespmem:$0x11000] =	vst v63  }
0x18: {  	s7 =	simm.s32 $0x9000;
	s8 =	simm.s32 $0x1  }
0x19: {  	[tilespmem:s7], [sflag:$0x2] =	stream.indirect.gather [hbm4b:s4+s5], $0x80, s5, s5, $0xb8;
	[tilespmem:$0x11000] =	vst v63  }
0x1a: {  	_ =	swait.ge [sflag:s8], $0x8000  }
0x1b: {  	[sflag:s8] =	ssyncset.done $0x0  }
0x1c: {  	s9 =	rddreg [dreg:$0x3];
	[sflag:s8] =	ssyncadd.s32 $0xFFFF8000  }
0x1d: {  	[hbm4b:s9+s2] =	stream.linear.scatter [tilespmem:s6], [sflag:$0x3], $0x8000, $0x38;
	[tilespmem:$0x11000] =	vst v63  }
0x1e: {  	_ =	swait.ge [sflag:s3], $0x8000  }
0x1f: {  	[sflag:s3] =	ssyncset.done $0x0  }
0x20: {  	s10 =	simm.s32 $0x2;
	s9 =	simm.s32 $0x200;
	[sflag:s3] =	ssyncadd.s32 $0xFFFF8000  }
0x21: {  	[tilespmem:s6], [sflag:$0x1] =	stream.indirect.gather [hbm4b:s4+s5], $0x80, s9, s5, $0xb8;
	[tilespmem:$0x11000] =	vst v63  }
0x22: {  	_ =	swait.ge [sflag:s10], $0x8000  }
0x23: {  	[sflag:s10] =	ssyncset.done $0x0  }
0x24: {  	s11 =	rddreg [dreg:$0x4];
	[sflag:s10] =	ssyncadd.s32 $0xFFFF8000  }
0x25: {  	[hbm4b:s11+s2] =	stream.linear.scatter [tilespmem:s7], [sflag:$0x3], $0x8000, $0x38;
	[tilespmem:$0x11000] =	vst v63  }
0x26: {  	_ =	swait.ge [sflag:s3], $0x8000  }
0x27: {  	[sflag:s3] =	ssyncset.done $0x0  }
0x28: {  	s11 =	simm.s32 $0x300;
	[sflag:s3] =	ssyncadd.s32 $0xFFFF8000  }
0x29: {  	[tilespmem:s7], [sflag:$0x2] =	stream.indirect.gather [hbm4b:s4+s5], $0x80, s11, s5, $0xb8;
	[tilespmem:$0x11000] =	vst v63  }
0x2a: {  	_ =	swait.ge [sflag:s8], $0x8000  }
0x2b: {  	[sflag:s8] =	ssyncset.done $0x0  }
0x2c: {  	s12 =	rddreg [dreg:$0x7];
	[sflag:s8] =	ssyncadd.s32 $0xFFFF8000  }
0x2d: {  	[hbm4b:s12+s2] =	stream.linear.scatter [tilespmem:s6], [sflag:$0x3], $0x8000, $0x38;
	[tilespmem:$0x11000] =	vst v63  }
0x2e: {  	_ =	swait.ge [sflag:s3], $0x8000  }
0x2f: {  	[sflag:s3] =	ssyncset.done $0x0  }
0x30: {  	s12 =	simm.s32 $0x400;
	[sflag:s3] =	ssyncadd.s32 $0xFFFF8000  }
0x31: {  	[tilespmem:s6], [sflag:$0x1] =	stream.indirect.gather [hbm4b:s4+s5], $0x80, s12, s5, $0xb8;
	[tilespmem:$0x11000] =	vst v63  }
0x32: {  	_ =	swait.ge [sflag:s10], $0x8000  }
0x33: {  	[sflag:s10] =	ssyncset.done $0x0  }
0x34: {  	s13 =	rddreg [dreg:$0x8];
	[sflag:s10] =	ssyncadd.s32 $0xFFFF8000  }
0x35: {  	[hbm4b:s13+s2] =	stream.linear.scatter [tilespmem:s7], [sflag:$0x3], $0x8000, $0x38;
	[tilespmem:$0x11000] =	vst v63  }
0x36: {  	_ =	swait.ge [sflag:s3], $0x8000  }
0x37: {  	[sflag:s3] =	ssyncset.done $0x0  }
0x38: {  	s13 =	simm.s32 $0x500;
	[sflag:s3] =	ssyncadd.s32 $0xFFFF8000  }
0x39: {  	[tilespmem:s7], [sflag:$0x2] =	stream.indirect.gather [hbm4b:s4+s5], $0x80, s13, s5, $0xb8;
	[tilespmem:$0x11000] =	vst v63  }
0x3a: {  	_ =	swait.ge [sflag:s8], $0x8000  }
0x3b: {  	[sflag:s8] =	ssyncset.done $0x0  }
0x3c: {  	s14 =	rddreg [dreg:$0x9];
	[sflag:s8] =	ssyncadd.s32 $0xFFFF8000  }
0x3d: {  	[hbm4b:s14+s2] =	stream.linear.scatter [tilespmem:s6], [sflag:$0x3], $0x8000, $0x38;
	[tilespmem:$0x11000] =	vst v63  }
0x3e: {  	_ =	swait.ge [sflag:s3], $0x8000  }
0x3f: {  	[sflag:s3] =	ssyncset.done $0x0  }
0x40: {  	s14 =	simm.s32 $0x600;
	[sflag:s3] =	ssyncadd.s32 $0xFFFF8000  }
0x41: {  	[tilespmem:s6], [sflag:$0x1] =	stream.indirect.gather [hbm4b:s4+s5], $0x80, s14, s5, $0xb8;
	[tilespmem:$0x11000] =	vst v63  }
0x42: {  	_ =	swait.ge [sflag:s10], $0x8000  }
0x43: {  	[sflag:s10] =	ssyncset.done $0x0  }
0x44: {  	s15 =	rddreg [dreg:$0xa];
	[sflag:s10] =	ssyncadd.s32 $0xFFFF8000  }
0x45: {  	[hbm4b:s15+s2] =	stream.linear.scatter [tilespmem:s7], [sflag:$0x3], $0x8000, $0x38;
	[tilespmem:$0x11000] =	vst v63  }
0x46: {  	_ =	swait.ge [sflag:s3], $0x8000  }
0x47: {  	[sflag:s3] =	ssyncset.done $0x0  }
0x48: {  	s15 =	simm.s32 $0x700;
	[sflag:s3] =	ssyncadd.s32 $0xFFFF8000  }
0x49: {  	[tilespmem:s7], [sflag:$0x2] =	stream.indirect.gather [hbm4b:s4+s5], $0x80, s15, s5, $0xb8;
	[tilespmem:$0x11000] =	vst v63  }
0x4a: {  	_ =	swait.ge [sflag:s8], $0x8000  }
0x4b: {  	[sflag:s8] =	ssyncset.done $0x0  }
0x4c: {  	s16 =	rddreg [dreg:$0xb];
	[sflag:s8] =	ssyncadd.s32 $0xFFFF8000  }
0x4d: {  	[hbm4b:s16+s2] =	stream.linear.scatter [tilespmem:s6], [sflag:$0x3], $0x8000, $0x38;
	[tilespmem:$0x11000] =	vst v63  }
0x4e: {  	_ =	swait.ge [sflag:s3], $0x8000  }
0x4f: {  	[sflag:s3] =	ssyncset.done $0x0  }
0x50: {  	s16 =	simm.s32 $0x800;
	[sflag:s3] =	ssyncadd.s32 $0xFFFF8000  }
0x51: {  	[tilespmem:s6], [sflag:$0x1] =	stream.indirect.gather [hbm4b:s4+s5], $0x80, s16, s5, $0xb8;
	[tilespmem:$0x11000] =	vst v63  }
0x52: {  	_ =	swait.ge [sflag:s10], $0x8000  }
0x53: {  	[sflag:s10] =	ssyncset.done $0x0  }
0x54: {  	s17 =	sadd.s32 $0x2F200, s30;
	[sflag:s10] =	ssyncadd.s32 $0xFFFF8000  }
0x55: {  	[hbm4b:s17+s2] =	stream.linear.scatter [tilespmem:s7], [sflag:$0x3], $0x8000, $0x38;
	[tilespmem:$0x11000] =	vst v63  }
0x56: {  	_ =	swait.ge [sflag:s3], $0x8000  }
0x57: {  	[sflag:s3] =	ssyncset.done $0x0  }
0x58: {  	s18 =	simm.s32 $0x900;
	[sflag:s3] =	ssyncadd.s32 $0xFFFF8000  }
0x59: {  	[tilespmem:s7], [sflag:$0x2] =	stream.indirect.gather [hbm4b:s4+s5], $0x80, s18, s5, $0xb8;
	[tilespmem:$0x11000] =	vst v63  }
0x5a: {  	_ =	swait.ge [sflag:s8], $0x8000  }
0x5b: {  	[sflag:s8] =	ssyncset.done $0x0  }
0x5c: {  	s19 =	sadd.s32 $0x30200, s30;
	[sflag:s8] =	ssyncadd.s32 $0xFFFF8000  }
0x5d: {  	[hbm4b:s19+s2] =	stream.linear.scatter [tilespmem:s6], [sflag:$0x3], $0x8000, $0x38;
	[tilespmem:$0x11000] =	vst v63  }
0x5e: {  	_ =	swait.ge [sflag:s3], $0x8000  }
0x5f: {  	[sflag:s3] =	ssyncset.done $0x0  }
0x60: {  	s20 =	simm.s32 $0xA00;
	[sflag:s3] =	ssyncadd.s32 $0xFFFF8000  }
0x61: {  	[tilespmem:s6], [sflag:$0x1] =	stream.indirect.gather [hbm4b:s4+s5], $0x80, s20, s5, $0xb8;
	[tilespmem:$0x11000] =	vst v63  }
0x62: {  	_ =	swait.ge [sflag:s10], $0x8000  }
0x63: {  	[sflag:s10] =	ssyncset.done $0x0  }
0x64: {  	s21 =	sadd.s32 $0x31200, s30;
	[sflag:s10] =	ssyncadd.s32 $0xFFFF8000  }
0x65: {  	[hbm4b:s21+s2] =	stream.linear.scatter [tilespmem:s7], [sflag:$0x3], $0x8000, $0x38;
	[tilespmem:$0x11000] =	vst v63  }
0x66: {  	_ =	swait.ge [sflag:s3], $0x8000  }
0x67: {  	[sflag:s3] =	ssyncset.done $0x0  }
0x68: {  	s22 =	simm.s32 $0xB00;
	[sflag:s3] =	ssyncadd.s32 $0xFFFF8000  }
0x69: {  	[tilespmem:s7], [sflag:$0x2] =	stream.indirect.gather [hbm4b:s4+s5], $0x80, s22, s5, $0xb8;
	[tilespmem:$0x11000] =	vst v63  }
0x6a: {  	_ =	swait.ge [sflag:s8], $0x8000  }
0x6b: {  	[sflag:s8] =	ssyncset.done $0x0  }
0x6c: {  	s23 =	sadd.s32 $0x32200, s30;
	[sflag:s8] =	ssyncadd.s32 $0xFFFF8000  }
0x6d: {  	[hbm4b:s23+s2] =	stream.linear.scatter [tilespmem:s6], [sflag:$0x3], $0x8000, $0x38;
	[tilespmem:$0x11000] =	vst v63  }
0x6e: {  	_ =	swait.ge [sflag:s3], $0x8000  }
0x6f: {  	[sflag:s3] =	ssyncset.done $0x0  }
0x70: {  	s24 =	simm.s32 $0xC00;
	[sflag:s3] =	ssyncadd.s32 $0xFFFF8000  }
0x71: {  	[tilespmem:s6], [sflag:$0x1] =	stream.indirect.gather [hbm4b:s4+s5], $0x80, s24, s5, $0xb8;
	[tilespmem:$0x11000] =	vst v63  }
0x72: {  	_ =	swait.ge [sflag:s10], $0x8000  }
0x73: {  	[sflag:s10] =	ssyncset.done $0x0  }
0x74: {  	s25 =	sadd.s32 $0x33200, s30;
	[sflag:s10] =	ssyncadd.s32 $0xFFFF8000  }
0x75: {  	[hbm4b:s25+s2] =	stream.linear.scatter [tilespmem:s7], [sflag:$0x3], $0x8000, $0x38;
	[tilespmem:$0x11000] =	vst v63  }
0x76: {  	_ =	swait.ge [sflag:s3], $0x8000  }
0x77: {  	[sflag:s3] =	ssyncset.done $0x0  }
0x78: {  	s26 =	simm.s32 $0xD00;
	[sflag:s3] =	ssyncadd.s32 $0xFFFF8000  }
0x79: {  	[tilespmem:s7], [sflag:$0x2] =	stream.indirect.gather [hbm4b:s4+s5], $0x80, s26, s5, $0xb8;
	[tilespmem:$0x11000] =	vst v63  }
0x7a: {  	_ =	swait.ge [sflag:s8], $0x8000  }
0x7b: {  	[sflag:s8] =	ssyncset.done $0x0  }
0x7c: {  	s28 =	sadd.s32 $0x34200, s30;
	[sflag:s8] =	ssyncadd.s32 $0xFFFF8000  }
0x7d: {  	[hbm4b:s28+s2] =	stream.linear.scatter [tilespmem:s6], [sflag:$0x3], $0x8000, $0x38;
	[tilespmem:$0x11000] =	vst v63  }
0x7e: {  	_ =	swait.ge [sflag:s3], $0x8000  }
0x7f: {  	[sflag:s3] =	ssyncset.done $0x0  }
0x80: {  	s29 =	simm.s32 $0xE00;
	[sflag:s3] =	ssyncadd.s32 $0xFFFF8000  }
0x81: {  	[tilespmem:s6], [sflag:$0x1] =	stream.indirect.gather [hbm4b:s4+s5], $0x80, s29, s5, $0xb8;
	[tilespmem:$0x11000] =	vst v63  }
0x82: {  	_ =	swait.ge [sflag:s10], $0x8000  }
0x83: {  	[sflag:s10] =	ssyncset.done $0x0  }
0x84: {  	s30 =	sadd.s32 $0x35200, s30;
	[sflag:s10] =	ssyncadd.s32 $0xFFFF8000  }
0x85: {  	[hbm4b:s30+s2] =	stream.linear.scatter [tilespmem:s7], [sflag:$0x3], $0x8000, $0x38;
	[tilespmem:$0x11000] =	vst v63  }
0x86: {  	_ =	swait.ge [sflag:s3], $0x8000  }
0x87: {  	[sflag:s3] =	ssyncset.done $0x0  }
0x88: {  	s31 =	simm.s32 $0xF00;
	[sflag:s3] =	ssyncadd.s32 $0xFFFF8000  }
0x89: {  	[tilespmem:s7], [sflag:$0x2] =	stream.indirect.gather [hbm4b:s4+s5], $0x80, s31, s5, $0xb8;
	[tilespmem:$0x11000] =	vst v63  }
0x8a: {  	_ =	swait.ge [sflag:s8], $0x8000  }
0x8b: {  	[sflag:s8] =	ssyncset.done $0x0  }
0x8c: {  	s0 =	rddreg [dreg:$0x5];
	[sflag:s8] =	ssyncadd.s32 $0xFFFF8000  }
0x8d: {  	[hbm4b:s0+s2] =	stream.linear.scatter [tilespmem:s6], [sflag:$0x3], $0x8000, $0x38;
	[tilespmem:$0x11000] =	vst v63  }
0x8e: {  	_ =	swait.ge [sflag:s3], $0x8000  }
0x8f: {  	[sflag:s3] =	ssyncset.done $0x0  }
0x90: {  	[sflag:s3] =	ssyncadd.s32 $0xFFFF8000  }
0x91: {  	_ =	swait.ge [sflag:s10], $0x8000  }
0x92: {  	s0 =	ssub.s32 $0x2, s1;
	s1 =	rddreg [dreg:$0x6]  }
0x93: {  	[dreg:$0xc] =	wrdreg s1;
	s1 =	sshrl.u32 s0, $0x1  }
0x94: {  	s0 =	ssub.s32 s0, s1  }
0x95: {  	s0 =	smax.u32 s0, $0x1  }
0x96: {  	p0 =	sne.s32 s0, $0x1  }
.Ltmp0:
0x97: {  	_ = 	snop;
	(pc) =	sbr.rel @!p0 .LBB2_2-.Ltmp0, $4  }
0x98: {  	[sflag:s10] =	ssyncset.done $0x0  }
0x99: {  	[sflag:s10] =	ssyncadd.s32 $0xFFFF8000;
	s1 =	rddreg [dreg:$0xc]  }
0x9a: {  	[hbm4b:s1+s2] =	stream.linear.scatter [tilespmem:s7], [sflag:$0x3], $0x8000, $0x38;
	[tilespmem:$0x11000] =	vst v63  }
0x9b: {  	s1 =	sadd.s32 $0xFFFFFFFF, s0;
	_ =	swait.ge [sflag:s3], $0x8000  }
.LBB2_1:
0x9c: {  	[sflag:s3] =	ssyncset.done $0x0  }
0x9d: {  	s0 =	rddreg [dreg:$0x2];
	[sflag:s3] =	ssyncadd.s32 $0xFFFF8000  }
0x9e: {  	[tilespmem:s2], [sflag:$0x3] =	stream.linear.gather [hbm4b:s0+s2], $0x1000, $0x38;
	[tilespmem:$0x11000] =	vst v63  }
0x9f: {  	_ =	swait.ge [sflag:s3], $0x1000  }
0xa0: {  	[sflag:s3] =	ssyncset.done $0x0  }
0xa1: {  	[sflag:s3] =	ssyncadd.s32 $0xFFFFF000  }
0xa2: {  	[tilespmem:s6], [sflag:$0x1] =	stream.indirect.gather [hbm4b:s4+s5], $0x80, s2, s5, $0xb8;
	[tilespmem:$0x11000] =	vst v63  }
0xa3: {  	_ = 	snop  }
0xa4: {  	[tilespmem:s7], [sflag:$0x2] =	stream.indirect.gather [hbm4b:s4+s5], $0x80, s5, s5, $0xb8;
	[tilespmem:$0x11000] =	vst v63  }
0xa5: {  	_ =	swait.ge [sflag:s8], $0x8000  }
0xa6: {  	[sflag:s8] =	ssyncset.done $0x0  }
0xa7: {  	s0 =	rddreg [dreg:$0x3];
	[sflag:s8] =	ssyncadd.s32 $0xFFFF8000  }
0xa8: {  	[hbm4b:s0+s2] =	stream.linear.scatter [tilespmem:s6], [sflag:$0x3], $0x8000, $0x38;
	[tilespmem:$0x11000] =	vst v63  }
0xa9: {  	_ =	swait.ge [sflag:s3], $0x8000  }
0xaa: {  	[sflag:s3] =	ssyncset.done $0x0  }
0xab: {  	[sflag:s3] =	ssyncadd.s32 $0xFFFF8000  }
0xac: {  	[tilespmem:s6], [sflag:$0x1] =	stream.indirect.gather [hbm4b:s4+s5], $0x80, s9, s5, $0xb8;
	[tilespmem:$0x11000] =	vst v63  }
0xad: {  	_ =	swait.ge [sflag:s10], $0x8000  }
0xae: {  	[sflag:s10] =	ssyncset.done $0x0  }
0xaf: {  	s0 =	rddreg [dreg:$0x4];
	[sflag:s10] =	ssyncadd.s32 $0xFFFF8000  }
0xb0: {  	[hbm4b:s0+s2] =	stream.linear.scatter [tilespmem:s7], [sflag:$0x3], $0x8000, $0x38;
	[tilespmem:$0x11000] =	vst v63  }
0xb1: {  	_ =	swait.ge [sflag:s3], $0x8000  }
0xb2: {  	[sflag:s3] =	ssyncset.done $0x0  }
0xb3: {  	[sflag:s3] =	ssyncadd.s32 $0xFFFF8000  }
0xb4: {  	[tilespmem:s7], [sflag:$0x2] =	stream.indirect.gather [hbm4b:s4+s5], $0x80, s11, s5, $0xb8;
	[tilespmem:$0x11000] =	vst v63  }
0xb5: {  	_ =	swait.ge [sflag:s8], $0x8000  }
0xb6: {  	[sflag:s8] =	ssyncset.done $0x0  }
0xb7: {  	s0 =	rddreg [dreg:$0x7];
	[sflag:s8] =	ssyncadd.s32 $0xFFFF8000  }
0xb8: {  	[hbm4b:s0+s2] =	stream.linear.scatter [tilespmem:s6], [sflag:$0x3], $0x8000, $0x38;
	[tilespmem:$0x11000] =	vst v63  }
0xb9: {  	_ =	swait.ge [sflag:s3], $0x8000  }
0xba: {  	[sflag:s3] =	ssyncset.done $0x0  }
0xbb: {  	[sflag:s3] =	ssyncadd.s32 $0xFFFF8000  }
0xbc: {  	[tilespmem:s6], [sflag:$0x1] =	stream.indirect.gather [hbm4b:s4+s5], $0x80, s12, s5, $0xb8;
	[tilespmem:$0x11000] =	vst v63  }
0xbd: {  	_ =	swait.ge [sflag:s10], $0x8000  }
0xbe: {  	[sflag:s10] =	ssyncset.done $0x0  }
0xbf: {  	s0 =	rddreg [dreg:$0x8];
	[sflag:s10] =	ssyncadd.s32 $0xFFFF8000  }
0xc0: {  	[hbm4b:s0+s2] =	stream.linear.scatter [tilespmem:s7], [sflag:$0x3], $0x8000, $0x38;
	[tilespmem:$0x11000] =	vst v63  }
0xc1: {  	_ =	swait.ge [sflag:s3], $0x8000  }
0xc2: {  	[sflag:s3] =	ssyncset.done $0x0  }
0xc3: {  	[sflag:s3] =	ssyncadd.s32 $0xFFFF8000  }
0xc4: {  	[tilespmem:s7], [sflag:$0x2] =	stream.indirect.gather [hbm4b:s4+s5], $0x80, s13, s5, $0xb8;
	[tilespmem:$0x11000] =	vst v63  }
0xc5: {  	_ =	swait.ge [sflag:s8], $0x8000  }
0xc6: {  	[sflag:s8] =	ssyncset.done $0x0  }
0xc7: {  	s0 =	rddreg [dreg:$0x9];
	[sflag:s8] =	ssyncadd.s32 $0xFFFF8000  }
0xc8: {  	[hbm4b:s0+s2] =	stream.linear.scatter [tilespmem:s6], [sflag:$0x3], $0x8000, $0x38;
	[tilespmem:$0x11000] =	vst v63  }
0xc9: {  	_ =	swait.ge [sflag:s3], $0x8000  }
0xca: {  	[sflag:s3] =	ssyncset.done $0x0  }
0xcb: {  	[sflag:s3] =	ssyncadd.s32 $0xFFFF8000  }
0xcc: {  	[tilespmem:s6], [sflag:$0x1] =	stream.indirect.gather [hbm4b:s4+s5], $0x80, s14, s5, $0xb8;
	[tilespmem:$0x11000] =	vst v63  }
0xcd: {  	_ =	swait.ge [sflag:s10], $0x8000  }
0xce: {  	[sflag:s10] =	ssyncset.done $0x0  }
0xcf: {  	s0 =	rddreg [dreg:$0xa];
	[sflag:s10] =	ssyncadd.s32 $0xFFFF8000  }
0xd0: {  	[hbm4b:s0+s2] =	stream.linear.scatter [tilespmem:s7], [sflag:$0x3], $0x8000, $0x38;
	[tilespmem:$0x11000] =	vst v63  }
0xd1: {  	_ =	swait.ge [sflag:s3], $0x8000  }
0xd2: {  	[sflag:s3] =	ssyncset.done $0x0  }
0xd3: {  	[sflag:s3] =	ssyncadd.s32 $0xFFFF8000  }
0xd4: {  	[tilespmem:s7], [sflag:$0x2] =	stream.indirect.gather [hbm4b:s4+s5], $0x80, s15, s5, $0xb8;
	[tilespmem:$0x11000] =	vst v63  }
0xd5: {  	_ =	swait.ge [sflag:s8], $0x8000  }
0xd6: {  	[sflag:s8] =	ssyncset.done $0x0  }
0xd7: {  	s0 =	rddreg [dreg:$0xb];
	[sflag:s8] =	ssyncadd.s32 $0xFFFF8000  }
0xd8: {  	[hbm4b:s0+s2] =	stream.linear.scatter [tilespmem:s6], [sflag:$0x3], $0x8000, $0x38;
	[tilespmem:$0x11000] =	vst v63  }
0xd9: {  	_ =	swait.ge [sflag:s3], $0x8000  }
0xda: {  	[sflag:s3] =	ssyncset.done $0x0  }
0xdb: {  	[sflag:s3] =	ssyncadd.s32 $0xFFFF8000  }
0xdc: {  	[tilespmem:s6], [sflag:$0x1] =	stream.indirect.gather [hbm4b:s4+s5], $0x80, s16, s5, $0xb8;
	[tilespmem:$0x11000] =	vst v63  }
0xdd: {  	_ =	swait.ge [sflag:s10], $0x8000  }
0xde: {  	[sflag:s10] =	ssyncset.done $0x0  }
0xdf: {  	[sflag:s10] =	ssyncadd.s32 $0xFFFF8000  }
0xe0: {  	[hbm4b:s17+s2] =	stream.linear.scatter [tilespmem:s7], [sflag:$0x3], $0x8000, $0x38;
	[tilespmem:$0x11000] =	vst v63  }
0xe1: {  	_ =	swait.ge [sflag:s3], $0x8000  }
0xe2: {  	[sflag:s3] =	ssyncset.done $0x0  }
0xe3: {  	[sflag:s3] =	ssyncadd.s32 $0xFFFF8000  }
0xe4: {  	[tilespmem:s7], [sflag:$0x2] =	stream.indirect.gather [hbm4b:s4+s5], $0x80, s18, s5, $0xb8;
	[tilespmem:$0x11000] =	vst v63  }
0xe5: {  	_ =	swait.ge [sflag:s8], $0x8000  }
0xe6: {  	[sflag:s8] =	ssyncset.done $0x0  }
0xe7: {  	[sflag:s8] =	ssyncadd.s32 $0xFFFF8000  }
0xe8: {  	[hbm4b:s19+s2] =	stream.linear.scatter [tilespmem:s6], [sflag:$0x3], $0x8000, $0x38;
	[tilespmem:$0x11000] =	vst v63  }
0xe9: {  	_ =	swait.ge [sflag:s3], $0x8000  }
0xea: {  	[sflag:s3] =	ssyncset.done $0x0  }
0xeb: {  	[sflag:s3] =	ssyncadd.s32 $0xFFFF8000  }
0xec: {  	[tilespmem:s6], [sflag:$0x1] =	stream.indirect.gather [hbm4b:s4+s5], $0x80, s20, s5, $0xb8;
	[tilespmem:$0x11000] =	vst v63  }
0xed: {  	_ =	swait.ge [sflag:s10], $0x8000  }
0xee: {  	[sflag:s10] =	ssyncset.done $0x0  }
0xef: {  	[sflag:s10] =	ssyncadd.s32 $0xFFFF8000  }
0xf0: {  	[hbm4b:s21+s2] =	stream.linear.scatter [tilespmem:s7], [sflag:$0x3], $0x8000, $0x38;
	[tilespmem:$0x11000] =	vst v63  }
0xf1: {  	_ =	swait.ge [sflag:s3], $0x8000  }
0xf2: {  	[sflag:s3] =	ssyncset.done $0x0  }
0xf3: {  	[sflag:s3] =	ssyncadd.s32 $0xFFFF8000  }
0xf4: {  	[tilespmem:s7], [sflag:$0x2] =	stream.indirect.gather [hbm4b:s4+s5], $0x80, s22, s5, $0xb8;
	[tilespmem:$0x11000] =	vst v63  }
0xf5: {  	_ =	swait.ge [sflag:s8], $0x8000  }
0xf6: {  	[sflag:s8] =	ssyncset.done $0x0  }
0xf7: {  	[sflag:s8] =	ssyncadd.s32 $0xFFFF8000  }
0xf8: {  	[hbm4b:s23+s2] =	stream.linear.scatter [tilespmem:s6], [sflag:$0x3], $0x8000, $0x38;
	[tilespmem:$0x11000] =	vst v63  }
0xf9: {  	_ =	swait.ge [sflag:s3], $0x8000  }
0xfa: {  	[sflag:s3] =	ssyncset.done $0x0  }
0xfb: {  	[sflag:s3] =	ssyncadd.s32 $0xFFFF8000  }
0xfc: {  	[tilespmem:s6], [sflag:$0x1] =	stream.indirect.gather [hbm4b:s4+s5], $0x80, s24, s5, $0xb8;
	[tilespmem:$0x11000] =	vst v63  }
0xfd: {  	_ =	swait.ge [sflag:s10], $0x8000  }
0xfe: {  	[sflag:s10] =	ssyncset.done $0x0  }
0xff: {  	[sflag:s10] =	ssyncadd.s32 $0xFFFF8000  }
0x100: {  	[hbm4b:s25+s2] =	stream.linear.scatter [tilespmem:s7], [sflag:$0x3], $0x8000, $0x38;
	[tilespmem:$0x11000] =	vst v63  }
0x101: {  	_ =	swait.ge [sflag:s3], $0x8000  }
0x102: {  	[sflag:s3] =	ssyncset.done $0x0  }
0x103: {  	[sflag:s3] =	ssyncadd.s32 $0xFFFF8000  }
0x104: {  	[tilespmem:s7], [sflag:$0x2] =	stream.indirect.gather [hbm4b:s4+s5], $0x80, s26, s5, $0xb8;
	[tilespmem:$0x11000] =	vst v63  }
0x105: {  	_ =	swait.ge [sflag:s8], $0x8000  }
0x106: {  	[sflag:s8] =	ssyncset.done $0x0  }
0x107: {  	[sflag:s8] =	ssyncadd.s32 $0xFFFF8000  }
0x108: {  	[hbm4b:s28+s2] =	stream.linear.scatter [tilespmem:s6], [sflag:$0x3], $0x8000, $0x38;
	[tilespmem:$0x11000] =	vst v63  }
0x109: {  	_ =	swait.ge [sflag:s3], $0x8000  }
0x10a: {  	[sflag:s3] =	ssyncset.done $0x0  }
0x10b: {  	[sflag:s3] =	ssyncadd.s32 $0xFFFF8000  }
0x10c: {  	[tilespmem:s6], [sflag:$0x1] =	stream.indirect.gather [hbm4b:s4+s5], $0x80, s29, s5, $0xb8;
	[tilespmem:$0x11000] =	vst v63  }
0x10d: {  	_ =	swait.ge [sflag:s10], $0x8000  }
0x10e: {  	[sflag:s10] =	ssyncset.done $0x0  }
0x10f: {  	[sflag:s10] =	ssyncadd.s32 $0xFFFF8000  }
0x110: {  	[hbm4b:s30+s2] =	stream.linear.scatter [tilespmem:s7], [sflag:$0x3], $0x8000, $0x38;
	[tilespmem:$0x11000] =	vst v63  }
0x111: {  	_ =	swait.ge [sflag:s3], $0x8000  }
0x112: {  	[sflag:s3] =	ssyncset.done $0x0  }
0x113: {  	[sflag:s3] =	ssyncadd.s32 $0xFFFF8000  }
0x114: {  	[tilespmem:s7], [sflag:$0x2] =	stream.indirect.gather [hbm4b:s4+s5], $0x80, s31, s5, $0xb8;
	[tilespmem:$0x11000] =	vst v63  }
0x115: {  	_ =	swait.ge [sflag:s8], $0x8000  }
0x116: {  	[sflag:s8] =	ssyncset.done $0x0  }
0x117: {  	s0 =	rddreg [dreg:$0x5];
	[sflag:s8] =	ssyncadd.s32 $0xFFFF8000  }
0x118: {  	[hbm4b:s0+s2] =	stream.linear.scatter [tilespmem:s6], [sflag:$0x3], $0x8000, $0x38;
	[tilespmem:$0x11000] =	vst v63  }
0x119: {  	_ =	swait.ge [sflag:s3], $0x8000  }
0x11a: {  	[sflag:s3] =	ssyncset.done $0x0  }
0x11b: {  	p0 =	sne.s32 s1, $0x1;
	[sflag:s3] =	ssyncadd.s32 $0xFFFF8000  }
.Ltmp1:
0x11c: {  	_ =	swait.ge [sflag:s10], $0x8000;
	(pc) =	sbr.rel @p0 .LBB2_1-.Ltmp1, $4  }
0x11d: {  	[sflag:s10] =	ssyncset.done $0x0  }
0x11e: {  	s0 =	rddreg [dreg:$0x6];
	[sflag:s10] =	ssyncadd.s32 $0xFFFF8000  }
0x11f: {  	[hbm4b:s0+s2] =	stream.linear.scatter [tilespmem:s7], [sflag:$0x3], $0x8000, $0x38;
	[tilespmem:$0x11000] =	vst v63  }
0x120: {  	s1 =	sadd.s32 $0xFFFFFFFF, s1;
	_ =	swait.ge [sflag:s3], $0x8000  }
.LBB2_2:
0x121: {  	[sflag:s3] =	ssyncset.done $0x0  }
0x122: {  	[sflag:s3] =	ssyncadd.s32 $0xFFFF8000  }
0x123: {  	_ =	sfence.sel $0x180000  }
0x124: {  	[bflag:$0x0] =	sbarrier.arrive $0xFFFF  }
0x125: {  	_ =	strace $0x90000047  }
0x126: {  	s0 =	stileid.u32;
	[bflag:$0x2] =	sbarrier.arrive $0xFFFF  }
0x127: {  	p0 =	sne.s32 s0, $0x0;
	s0 =	rddreg [dreg:$0x1]  }
0x128: {  	s0 =	sadd.s32 @!p0 $0x100000, s0  }
0x129: {  	[sflag:s0] =	ssyncadd.tile.s32 @!p0 $0x1;
	_ =	shalt  }
.Lfunc_end2:
_tile_overlayer_lowered:
.L_overlay_start_2:
0x12a: {  	(tag) =	ssettag $0x2  }
0x12b: {  	s0 =	rddreg [dreg:$0x0];
	s2 =	stileid.u32  }
0x12c: {  	s1 =	rddreg [dreg:$0x1];
	p0 =	sne.s32 s2, $0x0  }
0x12d: {  	s3 =	rddreg [dreg:$0x2];
	[bflag:$0x3] =	sbarrier.arrive $0xFFFF;
	s2 =	simm.s32 @!p0 $0x1C03  }
0x12e: {  	[timem:s3], [sflag:s2] =	dma.local @!p0 [hbm:s0], s1  }
0x12f: {  	s0 =	simm.s32 @!p0 $0x3  }
0x130: {  	_ =	swait.ge @!p0 [sflag:s0], s1  }
0x131: {  	s1 =	ssub.s32 @!p0 $0x0, s1;
	[sflag:s0] =	ssyncset.done @!p0 $0x0  }
0x132: {  	[sflag:s0] =	ssyncadd.s32 @!p0 s1  }
0x133: {  	[bflag:$0x3] =	sbarrier.arrive $0xFFFF  }
0x134: {  	_ =	shalt  }

// kernel: kernel.14.cloned.1.call-start
scs
__scs_entry_jumppad:
0x0: {  	(pc) =	sbr.rel $0x88, $3  }
0x1: {  	(tag) =	ssettag $0x0;
	lr =	simm.s32 $0x1  }
0x2: {  	[smem:$0x3F89] =	sst lr;
	_ =	strace $0xD0000000  }
0x3: {  	_ = 	snop  }
0x4: {  	_ = 	snop  }
0x5: {  	_ = 	snop  }
0x6: {  	_ = 	snop  }
0x7: {  	_ = 	snop  }
__scs_overlays_trampoline_lowered:
0x8: {  	[smem:$0x3F98] =	sst s0  }
0x9: {  	[smem:$0x3F99] =	sst s1  }
0xa: {  	[smem:$0x3F9A] =	sst s2  }
0xb: {  	[smem:$0x3F9B] =	sst s3  }
0xc: {  	[smem:$0x3F9C] =	sst s4  }
0xd: {  	[smem:$0x3F9D] =	sst s5  }
0xe: {  	[smem:$0x3F9E] =	sst s6  }
0xf: {  	[smem:$0x3F9F] =	sst s7  }
0x10: {  	[smem:$0x3FA0] =	sst s8  }
0x11: {  	[smem:$0x3FA1] =	sst s9;
	s0 =	simm.s32 @!p0 $0x0  }
0x12: {  	s1 =	sld [smem:$0x3F87];
	s0 =	simm.s32 @p0 $0x1  }
0x13: {  	[smem:$0x3FA2] =	sst s0;
	s0 =	simm.s32 @!p1 $0x0  }
0x14: {  	s2 =	sld [smem:$0x3F86];
	s0 =	simm.s32 @p1 $0x1  }
0x15: {  	[smem:$0x3FA3] =	sst s0;
	s0 =	simm.s32 @!p2 $0x0  }
0x16: {  	s3 =	sld [smem:$0x3FDB];
	s0 =	simm.s32 @p2 $0x1  }
0x17: {  	s4 =	simm.s32 $0x1BF5;
	[smem:$0x3FA5] =	sst s0  }
0x18: {  	s0 =	sld [smem:$0x3F88];
	_ =	swait.ge [sflag:s4], $0x0  }
0x19: {  	s7 =	sld [smem:$0x3F89]  }
0x1a: {  	s8 =	sadd.s32 $0xFFFFE003, lr  }
0x1b: {  	s9 =	sadd.s32 $0xFFFFFEF7, lr;
	s5 =	simm.s32 $0xFFFFFFFF;
	p2 =	slt.u32 s8, $0xFFFFF086  }
0x1c: {  	p1 =	slt.u32 s9, $0xF7A;
	s5 =	simm.s32 @!p2 $0x0  }
0x1d: {  	s5 =	simm.s32 @p1 $0x1;
	p0 =	seq.s32 s7, s2  }
0x1e: {  	s7 =	smul.u32 @!p0 $0xF7A, s2;
	p2 =	seq.s32 @!p0 s5, $0x0  }
0x1f: {  	s9 =	smul.u32 $0xF7A, s1;
	s8 =	simm.s32 @!p0 $0x1BF5;
	p2 =	por !p2, p0  }
0x20: {  	[sflag:s8] =	ssyncset.s32 @!p0 $0xFFFFF086;
	s6 =	sadd.s32 @!p0 s3, s7;
	s7 =	simm.s32 @!p0 $0x108  }
0x21: {  	s3 =	sadd.s32 s3, s9;
	s6 =	sadd.s32 @!p0 $0x88, s6;
	s7 =	simm.s32 @p2 $0x1082  }
0x22: {  	[simem:s7], [sflag:s8] =	dma.local @!p0 [hbm:s6], $0xF7A  }
0x23: {  	s9 =	sor.u32 $0xD0000000, s2;
	s6 =	simm.s32 $0x108;
	_ =	swait.ge @!p0 [sflag:s8], $0x0  }
0x24: {  	s3 =	sadd.s32 $0x88, s3;
	s6 =	simm.s32 @!p1 $0x1082;
	[sflag:s4] =	ssyncset.s32 $0xFFFFF086  }
0x25: {  	[simem:s6], [sflag:s4] =	dma.local [hbm:s3], $0xF7A  }
0x26: {  	[smem:$0x3F89] =	sst s1;
	(tag) =	ssettag s2;
	_ =	strace s9  }
0x27: {  	s1 =	sld [smem:$0x3F99]  }
0x28: {  	s2 =	sld [smem:$0x3F9A]  }
0x29: {  	s4 =	sld [smem:$0x3F9C]  }
0x2a: {  	p0 =	seq.s32 s5, $0x0;
	s5 =	sld [smem:$0x3F9D]  }
0x2b: {  	s6 =	sld [smem:$0x3F9E]  }
0x2c: {  	s7 =	sld [smem:$0x3F9F]  }
0x2d: {  	s3 =	simm.s32 $0x108;
	s8 =	sld [smem:$0x3FA0]  }
0x2e: {  	s3 =	simm.s32 @!p0 $0x1082;
	s9 =	sld [smem:$0x3FA1]  }
0x2f: {  	lr =	sadd.s32 s0, s3;
	s0 =	sld [smem:$0x3F98]  }
0x30: {  	s3 =	sld [smem:$0x3F9B]  }
0x31: {  	[smem:$0x3FA4] =	sst s10  }
0x32: {  	s10 =	sld [smem:$0x3FA2];
	_ =	sdelay $0x3  }
0x33: {  	p0 =	seq.s32 s10, $0x1;
	s10 =	sld [smem:$0x3FA4];
	_ =	sdelay $0x3  }
0x34: {  	[smem:$0x3FA4] =	sst s10  }
0x35: {  	s10 =	sld [smem:$0x3FA3];
	_ =	sdelay $0x3  }
0x36: {  	p1 =	seq.s32 s10, $0x1;
	s10 =	sld [smem:$0x3FA4];
	_ =	sdelay $0x3  }
0x37: {  	[smem:$0x3FA4] =	sst s10  }
0x38: {  	s10 =	sld [smem:$0x3FA5]  }
0x39: {  	_ = 	snop;
	(pc) =	sbr.ind lr, $3  }
0x3a: {  	_ = 	snop  }
0x3b: {  	_ = 	snop  }
0x3c: {  	p2 =	seq.s32 s10, $0x1;
	s10 =	sld [smem:$0x3FA4]  }
0x3d: {  	_ =	shalt  }
0x3e: {  	_ =	shalt  }
0x3f: {  	_ =	shalt  }
0x40: {  	_ =	shalt  }
0x41: {  	_ =	shalt  }
0x42: {  	_ =	shalt  }
0x43: {  	_ =	shalt  }
0x44: {  	_ =	shalt  }
0x45: {  	_ =	shalt  }
0x46: {  	_ =	shalt  }
0x47: {  	_ =	shalt  }
0x48: {  	_ =	shalt  }
0x49: {  	_ =	shalt  }
0x4a: {  	_ =	shalt  }
0x4b: {  	_ =	shalt  }
0x4c: {  	_ =	shalt  }
0x4d: {  	_ =	shalt  }
0x4e: {  	_ =	shalt  }
0x4f: {  	_ =	shalt  }
0x50: {  	_ =	shalt  }
0x51: {  	_ =	shalt  }
0x52: {  	_ =	shalt  }
0x53: {  	_ =	shalt  }
0x54: {  	_ =	shalt  }
0x55: {  	_ =	shalt  }
0x56: {  	_ =	shalt  }
0x57: {  	_ =	shalt  }
0x58: {  	_ =	shalt  }
0x59: {  	_ =	shalt  }
0x5a: {  	_ =	shalt  }
0x5b: {  	_ =	shalt  }
0x5c: {  	_ =	shalt  }
0x5d: {  	_ =	shalt  }
0x5e: {  	_ =	shalt  }
0x5f: {  	_ =	shalt  }
0x60: {  	_ =	shalt  }
0x61: {  	_ =	shalt  }
0x62: {  	_ =	shalt  }
0x63: {  	_ =	shalt  }
0x64: {  	_ =	shalt  }
0x65: {  	_ =	shalt  }
0x66: {  	_ =	shalt  }
0x67: {  	_ =	shalt  }
0x68: {  	_ =	shalt  }
0x69: {  	_ =	shalt  }
0x6a: {  	_ =	shalt  }
0x6b: {  	_ =	shalt  }
0x6c: {  	_ =	shalt  }
0x6d: {  	_ =	shalt  }
0x6e: {  	_ =	shalt  }
0x6f: {  	_ =	shalt  }
0x70: {  	_ =	shalt  }
0x71: {  	_ =	shalt  }
0x72: {  	_ =	shalt  }
0x73: {  	_ =	shalt  }
0x74: {  	_ =	shalt  }
0x75: {  	_ =	shalt  }
0x76: {  	_ =	shalt  }
0x77: {  	_ =	shalt  }
0x78: {  	_ =	shalt  }
0x79: {  	_ =	shalt  }
0x7a: {  	_ =	shalt  }
0x7b: {  	_ =	shalt  }
0x7c: {  	_ =	shalt  }
0x7d: {  	_ =	shalt  }
0x7e: {  	_ =	shalt  }
0x7f: {  	_ =	shalt  }
0x80: {  	_ =	shalt  }
0x81: {  	_ =	shalt  }
0x82: {  	_ =	shalt  }
0x83: {  	_ =	shalt  }
0x84: {  	_ =	shalt  }
0x85: {  	_ =	shalt  }
0x86: {  	_ =	shalt  }
0x87: {  	_ =	shalt  }
.Lfunc_end0:
.L_simem_size_0:
called_computation.1_lowered:
.L_overlay_start_0:
0x88: {  	s2 =	sld [smem:$0x3FD9]  }
0x89: {  	s3 =	sld [smem:$0x3FFE];
	_ =	sdelay $0x1  }
0x8a: {  	s1 =	srdreg.scid  }
0x8b: {  	s0 =	sand.u32 $0x1, s1  }
0x8c: {  	s16 =	sshll.u32 s0, $0xA;
	s2 =	sadd.s32 s3, s2  }
0x8d: {  	s2 =	sadd.s32 s2, s16  }
0x8e: {  	[smem:$0x3FB0] =	sst s2  }
0x8f: {  	_ = 	snop  }
0x90: {  	(tm) =	ssettm $0x1  }
0x91: {  	s17 =	sld [smem:$0x3FFB];
	_ =	sdelay $0x3  }
0x92: {  	_ =	strace s17  }
0x93: {  	s2 =	sld [smem:$0x3FFC];
	_ =	sdelay $0x3  }
0x94: {  	_ =	strace s2  }
0x95: {  	s2 =	sld [smem:$0x3FFD];
	_ =	sdelay $0x3  }
0x96: {  	_ =	strace s2  }
0x97: {  	_ =	strace $0x8FFFFFFF  }
0x98: {  	s18 =	sld [smem:$0x3FDB];
	_ =	sdelay $0x1  }
0x99: {  	s19 =	simm.s32 $_scs_section_size  }
0x9a: {  	s4 =	simm.s32 $_size__tile_overlayer_lowered;
	s5 =	simm.s32 $_tile_overlayer_lowered  }
0x9b: {  	s22 =	simm.s32 $0x1BFF;
	s21 =	sshll.u32 s5, $0x1;
	s2 =	sadd.s32 s19, s18  }
0x9c: {  	s6 =	simm.s32 $0x0;
	s20 =	sshll.u32 s4, $0x1;
	s4 =	sadd.s32 s21, s2  }
0x9d: {  	[timem:s6], [sflag:s22] =	dma.local [hbm:s4], s20  }
0x9e: {  	_ =	swait.ge [sflag:s22], s20  }
0x9f: {  	s3 =	ssub.s32 $0x0, s20;
	[sflag:s22] =	ssyncset.done $0x0  }
0xa0: {  	[sflag:s22] =	ssyncadd.s32 s3;
	_ =	sdelay $0x1  }
0xa1: {  	s23 =	simm.s32 $0x1B8B  }
0xa2: {  	_ =	swait.ge [sflag:s23], $0x1  }
0xa3: {  	[sflag:s23] =	ssyncset.done $0x0  }
0xa4: {  	s25 =	simm.s32 $0x1B8E;
	s24 =	sld [smem:$0x3FFE];
	[sflag:s23] =	ssyncadd.s32 $0xFFFFFFFF  }
0xa5: {  	s26 =	simm.s32 $execute0_lowered;
	[smem:$0x3FD2] =	sst s25  }
0xa6: {  	s4 =	sshll.u32 s26, $0x1;
	_ =	strace $0x80000049;
	[dreg:$0x1] =	wrdreg $0xFFFFFFFF  }
0xa7: {  	s28 =	simm.s32 $_size_execute0_lowered;
	s2 =	sadd.s32 s2, s4;
	[dreg:$0x0] =	wrdreg $0x0  }
0xa8: {  	s4 =	sshll.u32 s28, $0x1;
	[dreg:$0x2] =	wrdreg s2  }
0xa9: {  	[dreg:$0x3] =	wrdreg s4  }
0xaa: {  	[dreg:$0x4] =	wrdreg $0xC0  }
0xab: {  	_ =	task [dreg:s6], $0x5FFFF  }
0xac: {  	[dreg:$0x1] =	wrdreg $0xFFFFFFFF  }
0xad: {  	[dreg:$0x0] =	wrdreg $0x60  }
0xae: {  	[dreg:$0x2] =	wrdreg s24  }
0xaf: {  	[dreg:$0x3] =	wrdreg $0x9  }
0xb0: {  	_ =	task.clear_ibuf [dreg:s6], $0x4FFFF;
	_ =	strace $0x90000049  }
0xb1: {  	s29 =	simm.s32 $0x9;
	_ =	strace $0x8000004B  }
0xb2: {  	_ =	swait.ge [sflag:s29], $0x1  }
0xb3: {  	[sflag:s29] =	ssyncadd.s32 $0xFFFFFFFF  }
0xb4: {  	_ =	strace $0x9000004B  }
0xb5: {  	_ =	sfence  }
0xb6: {  	s30 =	sld [smem:$0x0];
	_ =	sdelay $0x2  }
0xb7: {  	s31 =	sshll.u32 s1, $0xD;
	s1 =	sshrl.u32 s1, $0x2  }
0xb8: {  	s3 =	sand.u32 $0x4000, s31;
	s1 =	sadd.s32 s1, s30  }
0xb9: {  	s0 =	sor.u32 s3, s0;
	s1 =	sshll.u32 s1, $0x11  }
0xba: {  	s0 =	sor.u32 s1, s0  }
0xbb: {  	s0 =	sadd.s32 $0x8F2B, s0  }
0xbc: {  	[sflag:s0] =	ssyncadd.remote.s32 $0x1  }
0xbd: {  	_ =	sfence.sel $0xFFFF  }
0xbe: {  	[dreg:$0x0] =	wrdreg $0xFFFFFFFF;
	(pc) =	sbr.abs _section_cstart, $3  }
0xbf: {  	[dreg:$0x1] =	wrdreg $0xFFFFFFFF  }
0xc0: {  	_ =	task.clear_ibuf [dreg:s6], $0x2FFFF;
	_ =	strace $0x9FFFFFFF  }
0xc1: {  	(tm) =	ssettm $0x7FFFFFFF  }
tec
execute0_lowered:
.L_overlay_start_1:
0x0: {  	(tag) =	ssettag $0x1  }
0x1: {  	s1 =	srdreg.scid  }
0x2: {  	s0 =	stileid.u32;
	s24 =	sand.u32 $0x1, s1  }
0x3: {  	s31 =	sshll.u32 s0, $0xC;
	s2 =	sshll.u32 s24, $0xB  }
0x4: {  	s10 =	rddreg [dreg:$0x0];
	s11 =	sor.u32 s2, s31  }
0x5: {  	s1 =	rddreg [dreg:$0x1];
	s2 =	simm.s32 $0x0;
	s3 =	sshrl.u32 s11, $0x3  }
0x6: {  	[smem:$0x7FF] =	sst s2;
	s3 =	sadd.s32 s3, s10  }
0x7: {  	_ =	strace $0x8000004A;
	s4 =	sadd.s32 $0x228200, s3;
	s3 =	simm.s32 $0x3  }
0x8: {  	[tilespmem:s2], [sflag:$0x3] =	stream.linear.gather [hbm4b:s4+s2], $0x800, $0x38;
	[tilespmem:$0x10800] =	vst v63  }
0x9: {  	_ =	swait.ge [sflag:s3], $0x800  }
0xa: {  	s6 =	simm.s32 $0x100;
	[sflag:s3] =	ssyncset.done $0x0  }
0xb: {  	s7 =	simm.s32 $0x800;
	s5 =	sadd.s32 $0x4000, s10;
	[sflag:s3] =	ssyncadd.s32 $0xFFFFF800  }
0xc: {  	[tilespmem:s7], [sflag:$0x1] =	stream.indirect.gather [hbm4b:s5+s6], $0x80, s2, s6, $0xb8;
	[tilespmem:$0x10800] =	vst v63  }
0xd: {  	s8 =	simm.s32 $0x8800;
	s9 =	simm.s32 $0x1  }
0xe: {  	[tilespmem:s8], [sflag:$0x2] =	stream.indirect.gather [hbm4b:s5+s6], $0x80, s6, s6, $0xb8;
	[tilespmem:$0x10800] =	vst v63  }
0xf: {  	s11 =	sshll.u32 s11, $0x4;
	_ =	swait.ge [sflag:s9], $0x8000  }
0x10: {  	s25 =	sadd.s32 s11, s10;
	[sflag:s9] =	ssyncset.done $0x0  }
0x11: {  	s10 =	sadd.s32 $0x14200, s25;
	[sflag:s9] =	ssyncadd.s32 $0xFFFF8000  }
0x12: {  	[hbm4b:s10+s2] =	stream.linear.scatter [tilespmem:s7], [sflag:$0x3], $0x8000, $0x38;
	[tilespmem:$0x10800] =	vst v63  }
0x13: {  	_ =	swait.ge [sflag:s3], $0x8000  }
0x14: {  	[sflag:s3] =	ssyncset.done $0x0  }
0x15: {  	s12 =	simm.s32 $0x2;
	s11 =	simm.s32 $0x200;
	[sflag:s3] =	ssyncadd.s32 $0xFFFF8000  }
0x16: {  	[tilespmem:s7], [sflag:$0x1] =	stream.indirect.gather [hbm4b:s5+s6], $0x80, s11, s6, $0xb8;
	[tilespmem:$0x10800] =	vst v63  }
0x17: {  	_ =	swait.ge [sflag:s12], $0x8000  }
0x18: {  	[sflag:s12] =	ssyncset.done $0x0  }
0x19: {  	s13 =	sadd.s32 $0x15200, s25;
	[sflag:s12] =	ssyncadd.s32 $0xFFFF8000  }
0x1a: {  	[hbm4b:s13+s2] =	stream.linear.scatter [tilespmem:s8], [sflag:$0x3], $0x8000, $0x38;
	[tilespmem:$0x10800] =	vst v63  }
0x1b: {  	_ =	swait.ge [sflag:s3], $0x8000  }
0x1c: {  	[sflag:s3] =	ssyncset.done $0x0  }
0x1d: {  	s14 =	simm.s32 $0x300;
	[sflag:s3] =	ssyncadd.s32 $0xFFFF8000  }
0x1e: {  	[tilespmem:s8], [sflag:$0x2] =	stream.indirect.gather [hbm4b:s5+s6], $0x80, s14, s6, $0xb8;
	[tilespmem:$0x10800] =	vst v63  }
0x1f: {  	_ =	swait.ge [sflag:s9], $0x8000  }
0x20: {  	[sflag:s9] =	ssyncset.done $0x0  }
0x21: {  	s15 =	sadd.s32 $0x16200, s25;
	[sflag:s9] =	ssyncadd.s32 $0xFFFF8000  }
0x22: {  	[hbm4b:s15+s2] =	stream.linear.scatter [tilespmem:s7], [sflag:$0x3], $0x8000, $0x38;
	[tilespmem:$0x10800] =	vst v63  }
0x23: {  	_ =	swait.ge [sflag:s3], $0x8000  }
0x24: {  	[sflag:s3] =	ssyncset.done $0x0  }
0x25: {  	s16 =	simm.s32 $0x400;
	[sflag:s3] =	ssyncadd.s32 $0xFFFF8000  }
0x26: {  	[tilespmem:s7], [sflag:$0x1] =	stream.indirect.gather [hbm4b:s5+s6], $0x80, s16, s6, $0xb8;
	[tilespmem:$0x10800] =	vst v63  }
0x27: {  	_ =	swait.ge [sflag:s12], $0x8000  }
0x28: {  	[sflag:s12] =	ssyncset.done $0x0  }
0x29: {  	s17 =	sadd.s32 $0x17200, s25;
	[sflag:s12] =	ssyncadd.s32 $0xFFFF8000  }
0x2a: {  	[hbm4b:s17+s2] =	stream.linear.scatter [tilespmem:s8], [sflag:$0x3], $0x8000, $0x38;
	[tilespmem:$0x10800] =	vst v63  }
0x2b: {  	_ =	swait.ge [sflag:s3], $0x8000  }
0x2c: {  	[sflag:s3] =	ssyncset.done $0x0  }
0x2d: {  	s18 =	simm.s32 $0x500;
	[sflag:s3] =	ssyncadd.s32 $0xFFFF8000  }
0x2e: {  	[tilespmem:s8], [sflag:$0x2] =	stream.indirect.gather [hbm4b:s5+s6], $0x80, s18, s6, $0xb8;
	[tilespmem:$0x10800] =	vst v63  }
0x2f: {  	_ =	swait.ge [sflag:s9], $0x8000  }
0x30: {  	[sflag:s9] =	ssyncset.done $0x0  }
0x31: {  	s19 =	sadd.s32 $0x18200, s25;
	[sflag:s9] =	ssyncadd.s32 $0xFFFF8000  }
0x32: {  	[hbm4b:s19+s2] =	stream.linear.scatter [tilespmem:s7], [sflag:$0x3], $0x8000, $0x38;
	[tilespmem:$0x10800] =	vst v63  }
0x33: {  	_ =	swait.ge [sflag:s3], $0x8000  }
0x34: {  	[sflag:s3] =	ssyncset.done $0x0  }
0x35: {  	s20 =	simm.s32 $0x600;
	[sflag:s3] =	ssyncadd.s32 $0xFFFF8000  }
0x36: {  	[tilespmem:s7], [sflag:$0x1] =	stream.indirect.gather [hbm4b:s5+s6], $0x80, s20, s6, $0xb8;
	[tilespmem:$0x10800] =	vst v63  }
0x37: {  	_ =	swait.ge [sflag:s12], $0x8000  }
0x38: {  	[sflag:s12] =	ssyncset.done $0x0  }
0x39: {  	s21 =	sadd.s32 $0x19200, s25;
	[sflag:s12] =	ssyncadd.s32 $0xFFFF8000  }
0x3a: {  	[hbm4b:s21+s2] =	stream.linear.scatter [tilespmem:s8], [sflag:$0x3], $0x8000, $0x38;
	[tilespmem:$0x10800] =	vst v63  }
0x3b: {  	_ =	swait.ge [sflag:s3], $0x8000  }
0x3c: {  	[sflag:s3] =	ssyncset.done $0x0  }
0x3d: {  	s22 =	simm.s32 $0x700;
	[sflag:s3] =	ssyncadd.s32 $0xFFFF8000  }
0x3e: {  	[tilespmem:s8], [sflag:$0x2] =	stream.indirect.gather [hbm4b:s5+s6], $0x80, s22, s6, $0xb8;
	[tilespmem:$0x10800] =	vst v63  }
0x3f: {  	_ =	swait.ge [sflag:s9], $0x8000  }
0x40: {  	[sflag:s9] =	ssyncset.done $0x0  }
0x41: {  	s24 =	ssub.s32 $0x2, s24;
	s23 =	sadd.s32 $0x1A200, s25;
	[sflag:s9] =	ssyncadd.s32 $0xFFFF8000  }
0x42: {  	[hbm4b:s23+s2] =	stream.linear.scatter [tilespmem:s7], [sflag:$0x3], $0x8000, $0x38;
	[tilespmem:$0x10800] =	vst v63  }
0x43: {  	s26 =	sshrl.u32 s24, $0x1;
	_ =	swait.ge [sflag:s3], $0x8000  }
0x44: {  	s24 =	ssub.s32 s24, s26;
	[sflag:s3] =	ssyncset.done $0x0  }
0x45: {  	s26 =	smax.u32 s24, $0x1;
	[sflag:s3] =	ssyncadd.s32 $0xFFFF8000  }
0x46: {  	p0 =	sne.s32 s26, $0x1;
	_ =	swait.ge [sflag:s12], $0x8000  }
.Ltmp0:
0x47: {  	[sflag:s12] =	ssyncset.done $0x0;
	(pc) =	sbr.rel @!p0 .LBB2_2-.Ltmp0, $4  }
0x48: {  	s24 =	sadd.s32 $0x1B200, s25;
	[sflag:s12] =	ssyncadd.s32 $0xFFFF8000  }
0x49: {  	[hbm4b:s24+s2] =	stream.linear.scatter [tilespmem:s8], [sflag:$0x3], $0x8000, $0x38;
	[tilespmem:$0x10800] =	vst v63  }
0x4a: {  	_ =	swait.ge [sflag:s3], $0x8000  }
0x4b: {  	s25 =	sadd.s32 $0xFFFFFFFF, s26;
	[sflag:s3] =	ssyncset.done $0x0  }
.LBB2_1:
0x4c: {  	p0 =	sne.s32 s25, $0x1;
	s25 =	sadd.s32 $0xFFFFFFFF, s25;
	[sflag:s3] =	ssyncadd.s32 $0xFFFF8000  }
0x4d: {  	[tilespmem:s2], [sflag:$0x3] =	stream.linear.gather [hbm4b:s4+s2], $0x800, $0x38;
	[tilespmem:$0x10800] =	vst v63  }
0x4e: {  	_ =	swait.ge [sflag:s3], $0x800  }
0x4f: {  	[sflag:s3] =	ssyncset.done $0x0  }
0x50: {  	[sflag:s3] =	ssyncadd.s32 $0xFFFFF800  }
0x51: {  	[tilespmem:s7], [sflag:$0x1] =	stream.indirect.gather [hbm4b:s5+s6], $0x80, s2, s6, $0xb8;
	[tilespmem:$0x10800] =	vst v63  }
0x52: {  	_ = 	snop  }
0x53: {  	[tilespmem:s8], [sflag:$0x2] =	stream.indirect.gather [hbm4b:s5+s6], $0x80, s6, s6, $0xb8;
	[tilespmem:$0x10800] =	vst v63  }
0x54: {  	_ =	swait.ge [sflag:s9], $0x8000  }
0x55: {  	[sflag:s9] =	ssyncset.done $0x0  }
0x56: {  	[sflag:s9] =	ssyncadd.s32 $0xFFFF8000  }
0x57: {  	[hbm4b:s10+s2] =	stream.linear.scatter [tilespmem:s7], [sflag:$0x3], $0x8000, $0x38;
	[tilespmem:$0x10800] =	vst v63  }
0x58: {  	_ =	swait.ge [sflag:s3], $0x8000  }
0x59: {  	[sflag:s3] =	ssyncset.done $0x0  }
0x5a: {  	[sflag:s3] =	ssyncadd.s32 $0xFFFF8000  }
0x5b: {  	[tilespmem:s7], [sflag:$0x1] =	stream.indirect.gather [hbm4b:s5+s6], $0x80, s11, s6, $0xb8;
	[tilespmem:$0x10800] =	vst v63  }
0x5c: {  	_ =	swait.ge [sflag:s12], $0x8000  }
0x5d: {  	[sflag:s12] =	ssyncset.done $0x0  }
0x5e: {  	[sflag:s12] =	ssyncadd.s32 $0xFFFF8000  }
0x5f: {  	[hbm4b:s13+s2] =	stream.linear.scatter [tilespmem:s8], [sflag:$0x3], $0x8000, $0x38;
	[tilespmem:$0x10800] =	vst v63  }
0x60: {  	_ =	swait.ge [sflag:s3], $0x8000  }
0x61: {  	[sflag:s3] =	ssyncset.done $0x0  }
0x62: {  	[sflag:s3] =	ssyncadd.s32 $0xFFFF8000  }
0x63: {  	[tilespmem:s8], [sflag:$0x2] =	stream.indirect.gather [hbm4b:s5+s6], $0x80, s14, s6, $0xb8;
	[tilespmem:$0x10800] =	vst v63  }
0x64: {  	_ =	swait.ge [sflag:s9], $0x8000  }
0x65: {  	[sflag:s9] =	ssyncset.done $0x0  }
0x66: {  	[sflag:s9] =	ssyncadd.s32 $0xFFFF8000  }
0x67: {  	[hbm4b:s15+s2] =	stream.linear.scatter [tilespmem:s7], [sflag:$0x3], $0x8000, $0x38;
	[tilespmem:$0x10800] =	vst v63  }
0x68: {  	_ =	swait.ge [sflag:s3], $0x8000  }
0x69: {  	[sflag:s3] =	ssyncset.done $0x0  }
0x6a: {  	[sflag:s3] =	ssyncadd.s32 $0xFFFF8000  }
0x6b: {  	[tilespmem:s7], [sflag:$0x1] =	stream.indirect.gather [hbm4b:s5+s6], $0x80, s16, s6, $0xb8;
	[tilespmem:$0x10800] =	vst v63  }
0x6c: {  	_ =	swait.ge [sflag:s12], $0x8000  }
0x6d: {  	[sflag:s12] =	ssyncset.done $0x0  }
0x6e: {  	[sflag:s12] =	ssyncadd.s32 $0xFFFF8000  }
0x6f: {  	[hbm4b:s17+s2] =	stream.linear.scatter [tilespmem:s8], [sflag:$0x3], $0x8000, $0x38;
	[tilespmem:$0x10800] =	vst v63  }
0x70: {  	_ =	swait.ge [sflag:s3], $0x8000  }
0x71: {  	[sflag:s3] =	ssyncset.done $0x0  }
0x72: {  	[sflag:s3] =	ssyncadd.s32 $0xFFFF8000  }
0x73: {  	[tilespmem:s8], [sflag:$0x2] =	stream.indirect.gather [hbm4b:s5+s6], $0x80, s18, s6, $0xb8;
	[tilespmem:$0x10800] =	vst v63  }
0x74: {  	_ =	swait.ge [sflag:s9], $0x8000  }
0x75: {  	[sflag:s9] =	ssyncset.done $0x0  }
0x76: {  	[sflag:s9] =	ssyncadd.s32 $0xFFFF8000  }
0x77: {  	[hbm4b:s19+s2] =	stream.linear.scatter [tilespmem:s7], [sflag:$0x3], $0x8000, $0x38;
	[tilespmem:$0x10800] =	vst v63  }
0x78: {  	_ =	swait.ge [sflag:s3], $0x8000  }
0x79: {  	[sflag:s3] =	ssyncset.done $0x0  }
0x7a: {  	[sflag:s3] =	ssyncadd.s32 $0xFFFF8000  }
0x7b: {  	[tilespmem:s7], [sflag:$0x1] =	stream.indirect.gather [hbm4b:s5+s6], $0x80, s20, s6, $0xb8;
	[tilespmem:$0x10800] =	vst v63  }
0x7c: {  	_ =	swait.ge [sflag:s12], $0x8000  }
0x7d: {  	[sflag:s12] =	ssyncset.done $0x0  }
0x7e: {  	[sflag:s12] =	ssyncadd.s32 $0xFFFF8000  }
0x7f: {  	[hbm4b:s21+s2] =	stream.linear.scatter [tilespmem:s8], [sflag:$0x3], $0x8000, $0x38;
	[tilespmem:$0x10800] =	vst v63  }
0x80: {  	_ =	swait.ge [sflag:s3], $0x8000  }
0x81: {  	[sflag:s3] =	ssyncset.done $0x0  }
0x82: {  	[sflag:s3] =	ssyncadd.s32 $0xFFFF8000  }
0x83: {  	[tilespmem:s8], [sflag:$0x2] =	stream.indirect.gather [hbm4b:s5+s6], $0x80, s22, s6, $0xb8;
	[tilespmem:$0x10800] =	vst v63  }
0x84: {  	_ =	swait.ge [sflag:s9], $0x8000  }
0x85: {  	[sflag:s9] =	ssyncset.done $0x0  }
0x86: {  	[sflag:s9] =	ssyncadd.s32 $0xFFFF8000  }
0x87: {  	[hbm4b:s23+s2] =	stream.linear.scatter [tilespmem:s7], [sflag:$0x3], $0x8000, $0x38;
	[tilespmem:$0x10800] =	vst v63  }
0x88: {  	_ =	swait.ge [sflag:s3], $0x8000  }
0x89: {  	[sflag:s3] =	ssyncset.done $0x0  }
0x8a: {  	[sflag:s3] =	ssyncadd.s32 $0xFFFF8000  }
0x8b: {  	_ =	swait.ge [sflag:s12], $0x8000  }
.Ltmp1:
0x8c: {  	[sflag:s12] =	ssyncset.done $0x0;
	(pc) =	sbr.rel @p0 .LBB2_1-.Ltmp1, $4  }
0x8d: {  	[sflag:s12] =	ssyncadd.s32 $0xFFFF8000  }
0x8e: {  	[hbm4b:s24+s2] =	stream.linear.scatter [tilespmem:s8], [sflag:$0x3], $0x8000, $0x38;
	[tilespmem:$0x10800] =	vst v63  }
0x8f: {  	_ =	swait.ge [sflag:s3], $0x8000  }
0x90: {  	[sflag:s3] =	ssyncset.done $0x0  }
.LBB2_2:
0x91: {  	[sflag:s3] =	ssyncadd.s32 $0xFFFF8000  }
0x92: {  	_ =	sfence.sel $0x180000  }
0x93: {  	[bflag:$0x0] =	sbarrier.arrive $0xFFFF  }
0x94: {  	p0 =	sne.s32 s0, $0x0;
	_ =	strace $0x9000004A  }
0x95: {  	s0 =	sadd.s32 @!p0 $0x100000, s1;
	[bflag:$0x2] =	sbarrier.arrive $0xFFFF  }
0x96: {  	[sflag:s0] =	ssyncadd.tile.s32 @!p0 $0x1;
	_ =	shalt  }
.Lfunc_end2:
_tile_overlayer_lowered:
.L_overlay_start_2:
0x97: {  	(tag) =	ssettag $0x2  }
0x98: {  	s0 =	rddreg [dreg:$0x0];
	s2 =	stileid.u32  }
0x99: {  	s1 =	rddreg [dreg:$0x1];
	p0 =	sne.s32 s2, $0x0  }
0x9a: {  	s3 =	rddreg [dreg:$0x2];
	[bflag:$0x3] =	sbarrier.arrive $0xFFFF;
	s2 =	simm.s32 @!p0 $0x1C03  }
0x9b: {  	[timem:s3], [sflag:s2] =	dma.local @!p0 [hbm:s0], s1  }
0x9c: {  	s0 =	simm.s32 @!p0 $0x3  }
0x9d: {  	_ =	swait.ge @!p0 [sflag:s0], s1  }
0x9e: {  	s1 =	ssub.s32 @!p0 $0x0, s1;
	[sflag:s0] =	ssyncset.done @!p0 $0x0  }
0x9f: {  	[sflag:s0] =	ssyncadd.s32 @!p0 s1  }
0xa0: {  	[bflag:$0x3] =	sbarrier.arrive $0xFFFF  }
0xa1: {  	_ =	shalt  }

// kernel: kernel.17.cloned.1.call-start
scs
__scs_entry_jumppad:
0x0: {  	(pc) =	sbr.rel $0x88, $3  }
0x1: {  	(tag) =	ssettag $0x0;
	lr =	simm.s32 $0x1  }
0x2: {  	[smem:$0x3F89] =	sst lr;
	_ =	strace $0xD0000000  }
0x3: {  	_ = 	snop  }
0x4: {  	_ = 	snop  }
0x5: {  	_ = 	snop  }
0x6: {  	_ = 	snop  }
0x7: {  	_ = 	snop  }
__scs_overlays_trampoline_lowered:
0x8: {  	[smem:$0x3F98] =	sst s0  }
0x9: {  	[smem:$0x3F99] =	sst s1  }
0xa: {  	[smem:$0x3F9A] =	sst s2  }
0xb: {  	[smem:$0x3F9B] =	sst s3  }
0xc: {  	[smem:$0x3F9C] =	sst s4  }
0xd: {  	[smem:$0x3F9D] =	sst s5  }
0xe: {  	[smem:$0x3F9E] =	sst s6  }
0xf: {  	[smem:$0x3F9F] =	sst s7  }
0x10: {  	[smem:$0x3FA0] =	sst s8  }
0x11: {  	[smem:$0x3FA1] =	sst s9;
	s0 =	simm.s32 @!p0 $0x0  }
0x12: {  	s1 =	sld [smem:$0x3F87];
	s0 =	simm.s32 @p0 $0x1  }
0x13: {  	[smem:$0x3FA2] =	sst s0;
	s0 =	simm.s32 @!p1 $0x0  }
0x14: {  	s2 =	sld [smem:$0x3F86];
	s0 =	simm.s32 @p1 $0x1  }
0x15: {  	[smem:$0x3FA3] =	sst s0;
	s0 =	simm.s32 @!p2 $0x0  }
0x16: {  	s3 =	sld [smem:$0x3FDB];
	s0 =	simm.s32 @p2 $0x1  }
0x17: {  	s4 =	simm.s32 $0x1BF5;
	[smem:$0x3FA5] =	sst s0  }
0x18: {  	s0 =	sld [smem:$0x3F88];
	_ =	swait.ge [sflag:s4], $0x0  }
0x19: {  	s7 =	sld [smem:$0x3F89]  }
0x1a: {  	s8 =	sadd.s32 $0xFFFFE003, lr  }
0x1b: {  	s9 =	sadd.s32 $0xFFFFFEF7, lr;
	s5 =	simm.s32 $0xFFFFFFFF;
	p2 =	slt.u32 s8, $0xFFFFF086  }
0x1c: {  	p1 =	slt.u32 s9, $0xF7A;
	s5 =	simm.s32 @!p2 $0x0  }
0x1d: {  	s5 =	simm.s32 @p1 $0x1;
	p0 =	seq.s32 s7, s2  }
0x1e: {  	s7 =	smul.u32 @!p0 $0xF7A, s2;
	p2 =	seq.s32 @!p0 s5, $0x0  }
0x1f: {  	s9 =	smul.u32 $0xF7A, s1;
	s8 =	simm.s32 @!p0 $0x1BF5;
	p2 =	por !p2, p0  }
0x20: {  	[sflag:s8] =	ssyncset.s32 @!p0 $0xFFFFF086;
	s6 =	sadd.s32 @!p0 s3, s7;
	s7 =	simm.s32 @!p0 $0x108  }
0x21: {  	s3 =	sadd.s32 s3, s9;
	s6 =	sadd.s32 @!p0 $0x88, s6;
	s7 =	simm.s32 @p2 $0x1082  }
0x22: {  	[simem:s7], [sflag:s8] =	dma.local @!p0 [hbm:s6], $0xF7A  }
0x23: {  	s9 =	sor.u32 $0xD0000000, s2;
	s6 =	simm.s32 $0x108;
	_ =	swait.ge @!p0 [sflag:s8], $0x0  }
0x24: {  	s3 =	sadd.s32 $0x88, s3;
	s6 =	simm.s32 @!p1 $0x1082;
	[sflag:s4] =	ssyncset.s32 $0xFFFFF086  }
0x25: {  	[simem:s6], [sflag:s4] =	dma.local [hbm:s3], $0xF7A  }
0x26: {  	[smem:$0x3F89] =	sst s1;
	(tag) =	ssettag s2;
	_ =	strace s9  }
0x27: {  	s1 =	sld [smem:$0x3F99]  }
0x28: {  	s2 =	sld [smem:$0x3F9A]  }
0x29: {  	s4 =	sld [smem:$0x3F9C]  }
0x2a: {  	p0 =	seq.s32 s5, $0x0;
	s5 =	sld [smem:$0x3F9D]  }
0x2b: {  	s6 =	sld [smem:$0x3F9E]  }
0x2c: {  	s7 =	sld [smem:$0x3F9F]  }
0x2d: {  	s3 =	simm.s32 $0x108;
	s8 =	sld [smem:$0x3FA0]  }
0x2e: {  	s3 =	simm.s32 @!p0 $0x1082;
	s9 =	sld [smem:$0x3FA1]  }
0x2f: {  	lr =	sadd.s32 s0, s3;
	s0 =	sld [smem:$0x3F98]  }
0x30: {  	s3 =	sld [smem:$0x3F9B]  }
0x31: {  	[smem:$0x3FA4] =	sst s10  }
0x32: {  	s10 =	sld [smem:$0x3FA2];
	_ =	sdelay $0x3  }
0x33: {  	p0 =	seq.s32 s10, $0x1;
	s10 =	sld [smem:$0x3FA4];
	_ =	sdelay $0x3  }
0x34: {  	[smem:$0x3FA4] =	sst s10  }
0x35: {  	s10 =	sld [smem:$0x3FA3];
	_ =	sdelay $0x3  }
0x36: {  	p1 =	seq.s32 s10, $0x1;
	s10 =	sld [smem:$0x3FA4];
	_ =	sdelay $0x3  }
0x37: {  	[smem:$0x3FA4] =	sst s10  }
0x38: {  	s10 =	sld [smem:$0x3FA5]  }
0x39: {  	_ = 	snop;
	(pc) =	sbr.ind lr, $3  }
0x3a: {  	_ = 	snop  }
0x3b: {  	_ = 	snop  }
0x3c: {  	p2 =	seq.s32 s10, $0x1;
	s10 =	sld [smem:$0x3FA4]  }
0x3d: {  	_ =	shalt  }
0x3e: {  	_ =	shalt  }
0x3f: {  	_ =	shalt  }
0x40: {  	_ =	shalt  }
0x41: {  	_ =	shalt  }
0x42: {  	_ =	shalt  }
0x43: {  	_ =	shalt  }
0x44: {  	_ =	shalt  }
0x45: {  	_ =	shalt  }
0x46: {  	_ =	shalt  }
0x47: {  	_ =	shalt  }
0x48: {  	_ =	shalt  }
0x49: {  	_ =	shalt  }
0x4a: {  	_ =	shalt  }
0x4b: {  	_ =	shalt  }
0x4c: {  	_ =	shalt  }
0x4d: {  	_ =	shalt  }
0x4e: {  	_ =	shalt  }
0x4f: {  	_ =	shalt  }
0x50: {  	_ =	shalt  }
0x51: {  	_ =	shalt  }
0x52: {  	_ =	shalt  }
0x53: {  	_ =	shalt  }
0x54: {  	_ =	shalt  }
0x55: {  	_ =	shalt  }
0x56: {  	_ =	shalt  }
0x57: {  	_ =	shalt  }
0x58: {  	_ =	shalt  }
0x59: {  	_ =	shalt  }
0x5a: {  	_ =	shalt  }
0x5b: {  	_ =	shalt  }
0x5c: {  	_ =	shalt  }
0x5d: {  	_ =	shalt  }
0x5e: {  	_ =	shalt  }
0x5f: {  	_ =	shalt  }
0x60: {  	_ =	shalt  }
0x61: {  	_ =	shalt  }
0x62: {  	_ =	shalt  }
0x63: {  	_ =	shalt  }
0x64: {  	_ =	shalt  }
0x65: {  	_ =	shalt  }
0x66: {  	_ =	shalt  }
0x67: {  	_ =	shalt  }
0x68: {  	_ =	shalt  }
0x69: {  	_ =	shalt  }
0x6a: {  	_ =	shalt  }
0x6b: {  	_ =	shalt  }
0x6c: {  	_ =	shalt  }
0x6d: {  	_ =	shalt  }
0x6e: {  	_ =	shalt  }
0x6f: {  	_ =	shalt  }
0x70: {  	_ =	shalt  }
0x71: {  	_ =	shalt  }
0x72: {  	_ =	shalt  }
0x73: {  	_ =	shalt  }
0x74: {  	_ =	shalt  }
0x75: {  	_ =	shalt  }
0x76: {  	_ =	shalt  }
0x77: {  	_ =	shalt  }
0x78: {  	_ =	shalt  }
0x79: {  	_ =	shalt  }
0x7a: {  	_ =	shalt  }
0x7b: {  	_ =	shalt  }
0x7c: {  	_ =	shalt  }
0x7d: {  	_ =	shalt  }
0x7e: {  	_ =	shalt  }
0x7f: {  	_ =	shalt  }
0x80: {  	_ =	shalt  }
0x81: {  	_ =	shalt  }
0x82: {  	_ =	shalt  }
0x83: {  	_ =	shalt  }
0x84: {  	_ =	shalt  }
0x85: {  	_ =	shalt  }
0x86: {  	_ =	shalt  }
0x87: {  	_ =	shalt  }
.Lfunc_end0:
.L_simem_size_0:
called_computation.2_lowered:
.L_overlay_start_0:
0x88: {  	s2 =	sld [smem:$0x3FD9]  }
0x89: {  	s3 =	sld [smem:$0x3FFE];
	_ =	sdelay $0x1  }
0x8a: {  	s1 =	srdreg.scid  }
0x8b: {  	s0 =	sand.u32 $0x1, s1  }
0x8c: {  	s16 =	sshll.u32 s0, $0xA;
	s2 =	sadd.s32 s3, s2  }
0x8d: {  	s2 =	sadd.s32 s2, s16  }
0x8e: {  	[smem:$0x3FB0] =	sst s2  }
0x8f: {  	_ = 	snop  }
0x90: {  	(tm) =	ssettm $0x1  }
0x91: {  	s17 =	sld [smem:$0x3FFB];
	_ =	sdelay $0x3  }
0x92: {  	_ =	strace s17  }
0x93: {  	s2 =	sld [smem:$0x3FFC];
	_ =	sdelay $0x3  }
0x94: {  	_ =	strace s2  }
0x95: {  	s2 =	sld [smem:$0x3FFD];
	_ =	sdelay $0x3  }
0x96: {  	_ =	strace s2  }
0x97: {  	_ =	strace $0x8FFFFFFF  }
0x98: {  	s18 =	sld [smem:$0x3FDB];
	_ =	sdelay $0x1  }
0x99: {  	s19 =	simm.s32 $_scs_section_size  }
0x9a: {  	s4 =	simm.s32 $_size__tile_overlayer_lowered;
	s5 =	simm.s32 $_tile_overlayer_lowered  }
0x9b: {  	s22 =	simm.s32 $0x1BFF;
	s21 =	sshll.u32 s5, $0x1;
	s2 =	sadd.s32 s19, s18  }
0x9c: {  	s6 =	simm.s32 $0x0;
	s20 =	sshll.u32 s4, $0x1;
	s4 =	sadd.s32 s21, s2  }
0x9d: {  	[timem:s6], [sflag:s22] =	dma.local [hbm:s4], s20  }
0x9e: {  	_ =	swait.ge [sflag:s22], s20  }
0x9f: {  	s3 =	ssub.s32 $0x0, s20;
	[sflag:s22] =	ssyncset.done $0x0  }
0xa0: {  	[sflag:s22] =	ssyncadd.s32 s3;
	_ =	sdelay $0x1  }
0xa1: {  	s23 =	simm.s32 $0x1B8B  }
0xa2: {  	_ =	swait.ge [sflag:s23], $0x1  }
0xa3: {  	[sflag:s23] =	ssyncset.done $0x0  }
0xa4: {  	s25 =	simm.s32 $0x1B8E;
	s24 =	sld [smem:$0x3FFE];
	[sflag:s23] =	ssyncadd.s32 $0xFFFFFFFF  }
0xa5: {  	s26 =	simm.s32 $execute0_lowered;
	[smem:$0x3FD2] =	sst s25  }
0xa6: {  	s4 =	sshll.u32 s26, $0x1;
	_ =	strace $0x8000004C;
	[dreg:$0x1] =	wrdreg $0xFFFFFFFF  }
0xa7: {  	s28 =	simm.s32 $_size_execute0_lowered;
	s2 =	sadd.s32 s2, s4;
	[dreg:$0x0] =	wrdreg $0x0  }
0xa8: {  	s4 =	sshll.u32 s28, $0x1;
	[dreg:$0x2] =	wrdreg s2  }
0xa9: {  	[dreg:$0x3] =	wrdreg s4  }
0xaa: {  	[dreg:$0x4] =	wrdreg $0xC0  }
0xab: {  	_ =	task [dreg:s6], $0x5FFFF  }
0xac: {  	[dreg:$0x1] =	wrdreg $0xFFFFFFFF  }
0xad: {  	[dreg:$0x0] =	wrdreg $0x60  }
0xae: {  	[dreg:$0x2] =	wrdreg s24  }
0xaf: {  	[dreg:$0x3] =	wrdreg $0x9  }
0xb0: {  	_ =	task.clear_ibuf [dreg:s6], $0x4FFFF;
	_ =	strace $0x9000004C  }
0xb1: {  	s29 =	simm.s32 $0x9;
	_ =	strace $0x8000004E  }
0xb2: {  	_ =	swait.ge [sflag:s29], $0x1  }
0xb3: {  	[sflag:s29] =	ssyncadd.s32 $0xFFFFFFFF  }
0xb4: {  	_ =	strace $0x9000004E  }
0xb5: {  	_ =	sfence  }
0xb6: {  	s30 =	sld [smem:$0x0];
	_ =	sdelay $0x2  }
0xb7: {  	s31 =	sshll.u32 s1, $0xD;
	s1 =	sshrl.u32 s1, $0x2  }
0xb8: {  	s3 =	sand.u32 $0x4000, s31;
	s1 =	sadd.s32 s1, s30  }
0xb9: {  	s0 =	sor.u32 s3, s0;
	s1 =	sshll.u32 s1, $0x11  }
0xba: {  	s0 =	sor.u32 s1, s0  }
0xbb: {  	s0 =	sadd.s32 $0x8F2B, s0  }
0xbc: {  	[sflag:s0] =	ssyncadd.remote.s32 $0x1  }
0xbd: {  	_ =	sfence.sel $0xFFFF  }
0xbe: {  	[dreg:$0x0] =	wrdreg $0xFFFFFFFF;
	(pc) =	sbr.abs _section_cstart, $3  }
0xbf: {  	[dreg:$0x1] =	wrdreg $0xFFFFFFFF  }
0xc0: {  	_ =	task.clear_ibuf [dreg:s6], $0x2FFFF;
	_ =	strace $0x9FFFFFFF  }
0xc1: {  	(tm) =	ssettm $0x7FFFFFFF  }
tec
execute0_lowered:
.L_overlay_start_1:
0x0: {  	(tag) =	ssettag $0x1  }
0x1: {  	s0 =	rddreg [dreg:$0x0];
	s1 =	srdreg.scid;
	s2 =	simm.s32 $0x0  }
0x2: {  	s6 =	stileid.u32;
	s8 =	simm.s32 $0x400;
	s20 =	simm.s32 $0x6400  }
0x3: {  	s21 =	simm.s32 $0x6C00;
	s22 =	simm.s32 $0x7400;
	s28 =	simm.s32 $0x9C00  }
0x4: {  	s29 =	simm.s32 $0xA400;
	s30 =	simm.s32 $0xAC00;
	s31 =	simm.s32 $0xB400  }
0x5: {  	s9 =	simm.s32 $0xDC00;
	s10 =	simm.s32 $0xE400;
	s11 =	simm.s32 $0xEC00  }
0x6: {  	s12 =	simm.s32 $0xF400;
	s13 =	simm.s32 $0xFC00;
	s14 =	simm.s32 $0x1  }
0x7: {  	s15 =	simm.s32 $0x2;
	s17 =	simm.s32 $0x0;
	s1 =	sand.u32 $0x1, s1  }
0x8: {  	[smem:$0x7FF] =	sst s2;
	s4 =	sshll.u32 s6, $0xB;
	s3 =	sadd.s32 $0x4000, s0  }
0x9: {  	s23 =	sshll.u32 s6, $0x10;
	s5 =	sshll.u32 s1, $0xA;
	_ =	strace $0x8000004D  }
0xa: {  	s24 =	ssub.s32 $0x2, s1;
	s1 =	sshll.u32 s1, $0xF;
	s4 =	sor.u32 s5, s4  }
0xb: {  	s5 =	sadd.s32 s23, s0;
	s7 =	sshrl.u32 s24, $0x1;
	s23 =	simm.s32 $0x7C00  }
0xc: {  	s4 =	sshrl.u32 s4, $0x3;
	s25 =	ssub.s32 s24, s7;
	s1 =	sadd.s32 s1, s5  }
.Ltmp0:
0xd: {  	s7 =	simm.s32 $0x3;
	s24 =	simm.s32 $0x8400;
	(pc) =	sbr.rel .LBB2_1-.Ltmp0, $4  }
0xe: {  	s5 =	simm.s32 $0xD400;
	s0 =	sadd.s32 s4, s0;
	s26 =	smax.u32 s25, $0x1  }
0xf: {  	v2 =	vlaneseq.u32;
	s6 =	sadd.s32 $0x14200, s1;
	s25 =	simm.s32 $0x8C00;
	s1 =	simm.s32 $0xC400  }
0x10: {  	vm0 =	vmmov $0xffff;
	v1 =	vshrl.u32 v2, $0x3;
	s4 =	simm.s32 $0xCC00;
	s0 =	sadd.s32 $0x114200, s0;
	[dreg:$0x3] =	wrdreg s26  }
0x11: {  	v0 =	vand.u32 $0x7, v2;
	v2 =	vor.u32 $0x8, v2;
	v1 =	vmul.u32 $0x8, v1;
	s26 =	simm.s32 $0x9400;
	[dreg:$0x2] =	wrdreg s0;
	s0 =	simm.s32 $0xBC00  }
.LBB2_6:
0x12: {  	s17 =	rddreg [dreg:$0x4]  }
0x13: {  	s16 =	rddreg [dreg:$0x3];
	s17 =	sadd.s32 $0x1, s17  }
0x14: {  	p0 =	sne.s32 s17, s16  }
.Ltmp1:
0x15: {  	_ = 	snop;
	(pc) =	sbr.rel @!p0 .LBB2_7-.Ltmp1, $1  }
0x16: {  	_ =	sdelay $0x3  }
.LBB2_1:
0x17: {  	[dreg:$0x4] =	wrdreg s17  }
0x18: {  	s16 =	rddreg [dreg:$0x2]  }
0x19: {  	[tilespmem:s2], [sflag:$0x3] =	stream.linear.gather [hbm4b:s16+s2], $0x400, $0x38;
	[tilespmem:$0x10400] =	vst v63  }
0x1a: {  	_ =	swait.ge [sflag:s7], $0x400  }
0x1b: {  	[sflag:s7] =	ssyncset.done $0x0  }
0x1c: {  	[sflag:s7] =	ssyncadd.s32 $0xFFFFFC00  }
0x1d: {  	v3 =	vld [tilespmem:$0x0];
	_ =	sdelay $0x4  }
0x1e: {  	v4 =	vshll.u32 v3, $0x1  }
0x1f: {  	v3 =	vand.u32 $0x7, v3;
	v4 =	vand.u32 $0xFFFFFFF0, v4  }
0x20: {  	v3 =	vor.u32 v3, v4  }
0x21: {  	v4 =	vperm.xlane v3, v0;
	_ =	sdelay $0x1  }
0x22: {  	v3 =	vperm.xlane v3, v2;
	v4 =	vadd.s32 v1, v4;
	_ =	sdelay $0x1  }
0x23: {  	v3 =	vadd.s32 v1, v3;
	_ =	sdelay $0x2  }
0x24: {  	[tilespmem:s8], [sflag:$0x1] =	stream.indirect_vreg.gather [hbm4b:s3+s2], $0x80, v4, vm0, $0xb8;
	[tilespmem:$0x10400] =	vst v63  }
0x25: {  	s18 =	simm.s32 $0xC00  }
0x26: {  	[tilespmem:s18], [sflag:$0x1] =	stream.indirect_vreg.gather [hbm4b:s3+s2], $0x80, v3, vm0, $0xb8;
	[tilespmem:$0x10400] =	vst v63  }
0x27: {  	v3 =	vld [tilespmem:$0x10];
	_ =	sdelay $0x4  }
0x28: {  	v49 =	vshll.u32 v3, $0x1  }
0x29: {  	v3 =	vand.u32 $0x7, v3;
	v4 =	vand.u32 $0xFFFFFFF0, v49  }
0x2a: {  	v3 =	vor.u32 v3, v4  }
0x2b: {  	v4 =	vperm.xlane v3, v0;
	_ =	sdelay $0x1  }
0x2c: {  	v3 =	vperm.xlane v3, v2;
	v4 =	vadd.s32 v1, v4;
	_ =	sdelay $0x1  }
0x2d: {  	v3 =	vadd.s32 v1, v3;
	_ =	sdelay $0x1  }
0x2e: {  	s19 =	simm.s32 $0x1400  }
0x2f: {  	[tilespmem:s19], [sflag:$0x1] =	stream.indirect_vreg.gather [hbm4b:s3+s2], $0x80, v4, vm0, $0xb8;
	[tilespmem:$0x10400] =	vst v63  }
0x30: {  	s17 =	simm.s32 $0x1C00  }
0x31: {  	[tilespmem:s17], [sflag:$0x1] =	stream.indirect_vreg.gather [hbm4b:s3+s2], $0x80, v3, vm0, $0xb8;
	[tilespmem:$0x10400] =	vst v63  }
0x32: {  	v3 =	vld [tilespmem:$0x20];
	_ =	sdelay $0x4  }
0x33: {  	v50 =	vshll.u32 v3, $0x1  }
0x34: {  	v3 =	vand.u32 $0x7, v3;
	v4 =	vand.u32 $0xFFFFFFF0, v50  }
0x35: {  	v3 =	vor.u32 v3, v4  }
0x36: {  	v4 =	vperm.xlane v3, v0;
	_ =	sdelay $0x1  }
0x37: {  	v3 =	vperm.xlane v3, v2;
	v4 =	vadd.s32 v1, v4;
	_ =	sdelay $0x1  }
0x38: {  	v3 =	vadd.s32 v1, v3;
	_ =	sdelay $0x1  }
0x39: {  	s18 =	simm.s32 $0x2400  }
0x3a: {  	[tilespmem:s18], [sflag:$0x1] =	stream.indirect_vreg.gather [hbm4b:s3+s2], $0x80, v4, vm0, $0xb8;
	[tilespmem:$0x10400] =	vst v63  }
0x3b: {  	s19 =	simm.s32 $0x2C00  }
0x3c: {  	[tilespmem:s19], [sflag:$0x1] =	stream.indirect_vreg.gather [hbm4b:s3+s2], $0x80, v3, vm0, $0xb8;
	[tilespmem:$0x10400] =	vst v63  }
0x3d: {  	v3 =	vld [tilespmem:$0x30];
	_ =	sdelay $0x4  }
0x3e: {  	v51 =	vshll.u32 v3, $0x1  }
0x3f: {  	v3 =	vand.u32 $0x7, v3;
	v4 =	vand.u32 $0xFFFFFFF0, v51  }
0x40: {  	v3 =	vor.u32 v3, v4  }
0x41: {  	v4 =	vperm.xlane v3, v0;
	_ =	sdelay $0x1  }
0x42: {  	v3 =	vperm.xlane v3, v2;
	v4 =	vadd.s32 v1, v4;
	_ =	sdelay $0x1  }
0x43: {  	v3 =	vadd.s32 v1, v3;
	_ =	sdelay $0x1  }
0x44: {  	s17 =	simm.s32 $0x3400  }
0x45: {  	[tilespmem:s17], [sflag:$0x1] =	stream.indirect_vreg.gather [hbm4b:s3+s2], $0x80, v4, vm0, $0xb8;
	[tilespmem:$0x10400] =	vst v63  }
0x46: {  	s18 =	simm.s32 $0x3C00  }
0x47: {  	[tilespmem:s18], [sflag:$0x1] =	stream.indirect_vreg.gather [hbm4b:s3+s2], $0x80, v3, vm0, $0xb8;
	[tilespmem:$0x10400] =	vst v63  }
0x48: {  	v3 =	vld [tilespmem:$0x40];
	_ =	sdelay $0x4  }
0x49: {  	v52 =	vshll.u32 v3, $0x1  }
0x4a: {  	v3 =	vand.u32 $0x7, v3;
	v4 =	vand.u32 $0xFFFFFFF0, v52  }
0x4b: {  	v3 =	vor.u32 v3, v4  }
0x4c: {  	v4 =	vperm.xlane v3, v0;
	_ =	sdelay $0x1  }
0x4d: {  	v3 =	vperm.xlane v3, v2;
	v4 =	vadd.s32 v1, v4;
	_ =	sdelay $0x1  }
0x4e: {  	v3 =	vadd.s32 v1, v3;
	_ =	sdelay $0x1  }
0x4f: {  	s19 =	simm.s32 $0x4400  }
0x50: {  	[tilespmem:s19], [sflag:$0x1] =	stream.indirect_vreg.gather [hbm4b:s3+s2], $0x80, v4, vm0, $0xb8;
	[tilespmem:$0x10400] =	vst v63  }
0x51: {  	s17 =	simm.s32 $0x4C00  }
0x52: {  	[tilespmem:s17], [sflag:$0x1] =	stream.indirect_vreg.gather [hbm4b:s3+s2], $0x80, v3, vm0, $0xb8;
	[tilespmem:$0x10400] =	vst v63  }
0x53: {  	v3 =	vld [tilespmem:$0x50];
	_ =	sdelay $0x4  }
0x54: {  	v53 =	vshll.u32 v3, $0x1  }
0x55: {  	v3 =	vand.u32 $0x7, v3;
	v4 =	vand.u32 $0xFFFFFFF0, v53  }
0x56: {  	v3 =	vor.u32 v3, v4  }
0x57: {  	v4 =	vperm.xlane v3, v0;
	_ =	sdelay $0x1  }
0x58: {  	v3 =	vperm.xlane v3, v2;
	v4 =	vadd.s32 v1, v4;
	_ =	sdelay $0x1  }
0x59: {  	v3 =	vadd.s32 v1, v3;
	_ =	sdelay $0x1  }
0x5a: {  	s18 =	simm.s32 $0x5400  }
0x5b: {  	[tilespmem:s18], [sflag:$0x1] =	stream.indirect_vreg.gather [hbm4b:s3+s2], $0x80, v4, vm0, $0xb8;
	[tilespmem:$0x10400] =	vst v63  }
0x5c: {  	s19 =	simm.s32 $0x5C00  }
0x5d: {  	[tilespmem:s19], [sflag:$0x1] =	stream.indirect_vreg.gather [hbm4b:s3+s2], $0x80, v3, vm0, $0xb8;
	[tilespmem:$0x10400] =	vst v63  }
0x5e: {  	v3 =	vld [tilespmem:$0x60];
	_ =	sdelay $0x4  }
0x5f: {  	v54 =	vshll.u32 v3, $0x1  }
0x60: {  	v3 =	vand.u32 $0x7, v3;
	v4 =	vand.u32 $0xFFFFFFF0, v54  }
0x61: {  	v3 =	vor.u32 v3, v4  }
0x62: {  	v4 =	vperm.xlane v3, v0;
	_ =	sdelay $0x1  }
0x63: {  	v3 =	vperm.xlane v3, v2;
	v4 =	vadd.s32 v1, v4;
	_ =	sdelay $0x1  }
0x64: {  	v3 =	vadd.s32 v1, v3;
	_ =	sdelay $0x2  }
0x65: {  	[tilespmem:s20], [sflag:$0x1] =	stream.indirect_vreg.gather [hbm4b:s3+s2], $0x80, v4, vm0, $0xb8;
	[tilespmem:$0x10400] =	vst v63  }
0x66: {  	_ = 	snop  }
0x67: {  	[tilespmem:s21], [sflag:$0x1] =	stream.indirect_vreg.gather [hbm4b:s3+s2], $0x80, v3, vm0, $0xb8;
	[tilespmem:$0x10400] =	vst v63  }
0x68: {  	v3 =	vld [tilespmem:$0x70];
	_ =	sdelay $0x4  }
0x69: {  	v55 =	vshll.u32 v3, $0x1  }
0x6a: {  	v3 =	vand.u32 $0x7, v3;
	v4 =	vand.u32 $0xFFFFFFF0, v55  }
0x6b: {  	v3 =	vor.u32 v3, v4  }
0x6c: {  	v4 =	vperm.xlane v3, v0;
	_ =	sdelay $0x1  }
0x6d: {  	v3 =	vperm.xlane v3, v2;
	v4 =	vadd.s32 v1, v4;
	_ =	sdelay $0x1  }
0x6e: {  	v3 =	vadd.s32 v1, v3;
	_ =	sdelay $0x2  }
0x6f: {  	[tilespmem:s22], [sflag:$0x1] =	stream.indirect_vreg.gather [hbm4b:s3+s2], $0x80, v4, vm0, $0xb8;
	[tilespmem:$0x10400] =	vst v63  }
0x70: {  	_ = 	snop  }
0x71: {  	[tilespmem:s23], [sflag:$0x1] =	stream.indirect_vreg.gather [hbm4b:s3+s2], $0x80, v3, vm0, $0xb8;
	[tilespmem:$0x10400] =	vst v63  }
0x72: {  	v3 =	vld [tilespmem:$0x80];
	_ =	sdelay $0x4  }
0x73: {  	v56 =	vshll.u32 v3, $0x1  }
0x74: {  	v3 =	vand.u32 $0x7, v3;
	v4 =	vand.u32 $0xFFFFFFF0, v56  }
0x75: {  	v3 =	vor.u32 v3, v4  }
0x76: {  	v4 =	vperm.xlane v3, v0;
	_ =	sdelay $0x1  }
0x77: {  	v3 =	vperm.xlane v3, v2;
	v4 =	vadd.s32 v1, v4;
	_ =	sdelay $0x1  }
0x78: {  	v3 =	vadd.s32 v1, v3;
	_ =	sdelay $0x2  }
0x79: {  	[tilespmem:s24], [sflag:$0x2] =	stream.indirect_vreg.gather [hbm4b:s3+s2], $0x80, v4, vm0, $0xb8;
	[tilespmem:$0x10400] =	vst v63  }
0x7a: {  	_ = 	snop  }
0x7b: {  	[tilespmem:s25], [sflag:$0x2] =	stream.indirect_vreg.gather [hbm4b:s3+s2], $0x80, v3, vm0, $0xb8;
	[tilespmem:$0x10400] =	vst v63  }
0x7c: {  	v3 =	vld [tilespmem:$0x90];
	_ =	sdelay $0x4  }
0x7d: {  	v57 =	vshll.u32 v3, $0x1  }
0x7e: {  	v3 =	vand.u32 $0x7, v3;
	v4 =	vand.u32 $0xFFFFFFF0, v57  }
0x7f: {  	v3 =	vor.u32 v3, v4  }
0x80: {  	v4 =	vperm.xlane v3, v0;
	_ =	sdelay $0x1  }
0x81: {  	v3 =	vperm.xlane v3, v2;
	v4 =	vadd.s32 v1, v4;
	_ =	sdelay $0x1  }
0x82: {  	v3 =	vadd.s32 v1, v3;
	_ =	sdelay $0x2  }
0x83: {  	[tilespmem:s26], [sflag:$0x2] =	stream.indirect_vreg.gather [hbm4b:s3+s2], $0x80, v4, vm0, $0xb8;
	[tilespmem:$0x10400] =	vst v63  }
0x84: {  	_ = 	snop  }
0x85: {  	[tilespmem:s28], [sflag:$0x2] =	stream.indirect_vreg.gather [hbm4b:s3+s2], $0x80, v3, vm0, $0xb8;
	[tilespmem:$0x10400] =	vst v63  }
0x86: {  	v3 =	vld [tilespmem:$0xA0];
	_ =	sdelay $0x4  }
0x87: {  	v58 =	vshll.u32 v3, $0x1  }
0x88: {  	v3 =	vand.u32 $0x7, v3;
	v4 =	vand.u32 $0xFFFFFFF0, v58  }
0x89: {  	v3 =	vor.u32 v3, v4  }
0x8a: {  	v4 =	vperm.xlane v3, v0;
	_ =	sdelay $0x1  }
0x8b: {  	v3 =	vperm.xlane v3, v2;
	v4 =	vadd.s32 v1, v4;
	_ =	sdelay $0x1  }
0x8c: {  	v3 =	vadd.s32 v1, v3;
	_ =	sdelay $0x2  }
0x8d: {  	[tilespmem:s29], [sflag:$0x2] =	stream.indirect_vreg.gather [hbm4b:s3+s2], $0x80, v4, vm0, $0xb8;
	[tilespmem:$0x10400] =	vst v63  }
0x8e: {  	_ = 	snop  }
0x8f: {  	[tilespmem:s30], [sflag:$0x2] =	stream.indirect_vreg.gather [hbm4b:s3+s2], $0x80, v3, vm0, $0xb8;
	[tilespmem:$0x10400] =	vst v63  }
0x90: {  	v3 =	vld [tilespmem:$0xB0];
	_ =	sdelay $0x4  }
0x91: {  	v59 =	vshll.u32 v3, $0x1  }
0x92: {  	v3 =	vand.u32 $0x7, v3;
	v4 =	vand.u32 $0xFFFFFFF0, v59  }
0x93: {  	v3 =	vor.u32 v3, v4  }
0x94: {  	v4 =	vperm.xlane v3, v0;
	_ =	sdelay $0x1  }
0x95: {  	v3 =	vperm.xlane v3, v2;
	v4 =	vadd.s32 v1, v4;
	_ =	sdelay $0x1  }
0x96: {  	v3 =	vadd.s32 v1, v3;
	_ =	sdelay $0x2  }
0x97: {  	[tilespmem:s31], [sflag:$0x2] =	stream.indirect_vreg.gather [hbm4b:s3+s2], $0x80, v4, vm0, $0xb8;
	[tilespmem:$0x10400] =	vst v63  }
0x98: {  	_ = 	snop  }
0x99: {  	[tilespmem:s0], [sflag:$0x2] =	stream.indirect_vreg.gather [hbm4b:s3+s2], $0x80, v3, vm0, $0xb8;
	[tilespmem:$0x10400] =	vst v63  }
0x9a: {  	v3 =	vld [tilespmem:$0xC0];
	_ =	sdelay $0x4  }
0x9b: {  	v60 =	vshll.u32 v3, $0x1  }
0x9c: {  	v3 =	vand.u32 $0x7, v3;
	v4 =	vand.u32 $0xFFFFFFF0, v60  }
0x9d: {  	v3 =	vor.u32 v3, v4  }
0x9e: {  	v4 =	vperm.xlane v3, v0;
	_ =	sdelay $0x1  }
0x9f: {  	v3 =	vperm.xlane v3, v2;
	v4 =	vadd.s32 v1, v4;
	_ =	sdelay $0x1  }
0xa0: {  	v3 =	vadd.s32 v1, v3;
	_ =	sdelay $0x2  }
0xa1: {  	[tilespmem:s1], [sflag:$0x2] =	stream.indirect_vreg.gather [hbm4b:s3+s2], $0x80, v4, vm0, $0xb8;
	[tilespmem:$0x10400] =	vst v63  }
0xa2: {  	_ = 	snop  }
0xa3: {  	[tilespmem:s4], [sflag:$0x2] =	stream.indirect_vreg.gather [hbm4b:s3+s2], $0x80, v3, vm0, $0xb8;
	[tilespmem:$0x10400] =	vst v63  }
0xa4: {  	v3 =	vld [tilespmem:$0xD0];
	_ =	sdelay $0x4  }
0xa5: {  	v61 =	vshll.u32 v3, $0x1  }
0xa6: {  	v3 =	vand.u32 $0x7, v3;
	v4 =	vand.u32 $0xFFFFFFF0, v61  }
0xa7: {  	v3 =	vor.u32 v3, v4  }
0xa8: {  	v4 =	vperm.xlane v3, v0;
	_ =	sdelay $0x1  }
0xa9: {  	v3 =	vperm.xlane v3, v2;
	v4 =	vadd.s32 v1, v4;
	_ =	sdelay $0x1  }
0xaa: {  	v3 =	vadd.s32 v1, v3;
	_ =	sdelay $0x2  }
0xab: {  	[tilespmem:s5], [sflag:$0x2] =	stream.indirect_vreg.gather [hbm4b:s3+s2], $0x80, v4, vm0, $0xb8;
	[tilespmem:$0x10400] =	vst v63  }
0xac: {  	_ = 	snop  }
0xad: {  	[tilespmem:s9], [sflag:$0x2] =	stream.indirect_vreg.gather [hbm4b:s3+s2], $0x80, v3, vm0, $0xb8;
	[tilespmem:$0x10400] =	vst v63  }
0xae: {  	v3 =	vld [tilespmem:$0xE0];
	_ =	sdelay $0x4  }
0xaf: {  	v62 =	vshll.u32 v3, $0x1  }
0xb0: {  	v3 =	vand.u32 $0x7, v3;
	v4 =	vand.u32 $0xFFFFFFF0, v62  }
0xb1: {  	v3 =	vor.u32 v3, v4  }
0xb2: {  	v4 =	vperm.xlane v3, v0;
	_ =	sdelay $0x1  }
0xb3: {  	v3 =	vperm.xlane v3, v2;
	v4 =	vadd.s32 v1, v4;
	_ =	sdelay $0x1  }
0xb4: {  	v3 =	vadd.s32 v1, v3;
	_ =	sdelay $0x2  }
0xb5: {  	[tilespmem:s10], [sflag:$0x2] =	stream.indirect_vreg.gather [hbm4b:s3+s2], $0x80, v4, vm0, $0xb8;
	[tilespmem:$0x10400] =	vst v63  }
0xb6: {  	_ = 	snop  }
0xb7: {  	[tilespmem:s11], [sflag:$0x2] =	stream.indirect_vreg.gather [hbm4b:s3+s2], $0x80, v3, vm0, $0xb8;
	[tilespmem:$0x10400] =	vst v63  }
0xb8: {  	v3 =	vld [tilespmem:$0xF0];
	_ =	sdelay $0x4  }
0xb9: {  	v63 =	vshll.u32 v3, $0x1  }
0xba: {  	v3 =	vand.u32 $0x7, v3;
	v4 =	vand.u32 $0xFFFFFFF0, v63  }
0xbb: {  	v3 =	vor.u32 v3, v4  }
0xbc: {  	v4 =	vperm.xlane v3, v0;
	_ =	sdelay $0x1  }
0xbd: {  	v3 =	vperm.xlane v3, v2;
	v4 =	vadd.s32 v1, v4;
	_ =	sdelay $0x1  }
0xbe: {  	v3 =	vadd.s32 v1, v3;
	_ =	sdelay $0x2  }
0xbf: {  	[tilespmem:s12], [sflag:$0x2] =	stream.indirect_vreg.gather [hbm4b:s3+s2], $0x80, v4, vm0, $0xb8;
	[tilespmem:$0x10400] =	vst v63  }
0xc0: {  	s16 =	simm.s32 $0x1F0;
	s17 =	simm.s32 $0x0  }
0xc1: {  	[tilespmem:s13], [sflag:$0x2] =	stream.indirect_vreg.gather [hbm4b:s3+s2], $0x80, v3, vm0, $0xb8;
	[tilespmem:$0x10400] =	vst v63  }
.LBB2_2:
0xc2: {  	_ =	swait.ge [sflag:s14], $0x8000  }
0xc3: {  	p0 =	seq.s32 s17, $0x6000;
	[sflag:s14] =	ssyncset.done $0x0  }
.Ltmp2:
0xc4: {  	s18 =	sadd.s32 s17, s6;
	[sflag:s14] =	ssyncadd.s32 $0xFFFF8000;
	(pc) =	sbr.rel @p0 .LBB2_4-.Ltmp2, $4  }
0xc5: {  	[hbm4b:s18+s2] =	stream.linear.scatter [tilespmem:s8], [sflag:$0x3], $0x8000, $0x38;
	[tilespmem:$0x10400] =	vst v63  }
0xc6: {  	_ =	swait.ge [sflag:s7], $0x8000  }
0xc7: {  	[sflag:s7] =	ssyncset.done $0x0  }
0xc8: {  	[sflag:s7] =	ssyncadd.s32 $0xFFFF8000  }
0xc9: {  	v3 =	vld [tilespmem:s16+$0xFFFFFF10];
	_ =	sdelay $0x4  }
0xca: {  	v4 =	vshll.u32 v3, $0x1  }
0xcb: {  	v3 =	vand.u32 $0x7, v3;
	v4 =	vand.u32 $0xFFFFFFF0, v4  }
0xcc: {  	v3 =	vor.u32 v3, v4  }
0xcd: {  	v4 =	vperm.xlane v3, v0;
	_ =	sdelay $0x1  }
0xce: {  	v3 =	vperm.xlane v3, v2;
	v4 =	vadd.s32 v1, v4;
	_ =	sdelay $0x1  }
0xcf: {  	v3 =	vadd.s32 v1, v3;
	_ =	sdelay $0x2  }
0xd0: {  	[tilespmem:s8], [sflag:$0x1] =	stream.indirect_vreg.gather [hbm4b:s3+s2], $0x80, v4, vm0, $0xb8;
	[tilespmem:$0x10400] =	vst v63  }
0xd1: {  	s19 =	simm.s32 $0xC00  }
0xd2: {  	[tilespmem:s19], [sflag:$0x1] =	stream.indirect_vreg.gather [hbm4b:s3+s2], $0x80, v3, vm0, $0xb8;
	[tilespmem:$0x10400] =	vst v63  }
0xd3: {  	v3 =	vld [tilespmem:s16+$0xFFFFFF20];
	_ =	sdelay $0x4  }
0xd4: {  	v57 =	vshll.u32 v3, $0x1  }
0xd5: {  	v3 =	vand.u32 $0x7, v3;
	v4 =	vand.u32 $0xFFFFFFF0, v57  }
0xd6: {  	v3 =	vor.u32 v3, v4  }
0xd7: {  	v4 =	vperm.xlane v3, v0;
	_ =	sdelay $0x1  }
0xd8: {  	v3 =	vperm.xlane v3, v2;
	v4 =	vadd.s32 v1, v4;
	_ =	sdelay $0x1  }
0xd9: {  	v3 =	vadd.s32 v1, v3;
	_ =	sdelay $0x1  }
0xda: {  	s19 =	simm.s32 $0x1400  }
0xdb: {  	[tilespmem:s19], [sflag:$0x1] =	stream.indirect_vreg.gather [hbm4b:s3+s2], $0x80, v4, vm0, $0xb8;
	[tilespmem:$0x10400] =	vst v63  }
0xdc: {  	s19 =	simm.s32 $0x1C00  }
0xdd: {  	[tilespmem:s19], [sflag:$0x1] =	stream.indirect_vreg.gather [hbm4b:s3+s2], $0x80, v3, vm0, $0xb8;
	[tilespmem:$0x10400] =	vst v63  }
0xde: {  	v3 =	vld [tilespmem:s16+$0xFFFFFF30];
	_ =	sdelay $0x4  }
0xdf: {  	v58 =	vshll.u32 v3, $0x1  }
0xe0: {  	v3 =	vand.u32 $0x7, v3;
	v4 =	vand.u32 $0xFFFFFFF0, v58  }
0xe1: {  	v3 =	vor.u32 v3, v4  }
0xe2: {  	v4 =	vperm.xlane v3, v0;
	_ =	sdelay $0x1  }
0xe3: {  	v3 =	vperm.xlane v3, v2;
	v4 =	vadd.s32 v1, v4;
	_ =	sdelay $0x1  }
0xe4: {  	v3 =	vadd.s32 v1, v3;
	_ =	sdelay $0x1  }
0xe5: {  	s19 =	simm.s32 $0x2400  }
0xe6: {  	[tilespmem:s19], [sflag:$0x1] =	stream.indirect_vreg.gather [hbm4b:s3+s2], $0x80, v4, vm0, $0xb8;
	[tilespmem:$0x10400] =	vst v63  }
0xe7: {  	s19 =	simm.s32 $0x2C00  }
0xe8: {  	[tilespmem:s19], [sflag:$0x1] =	stream.indirect_vreg.gather [hbm4b:s3+s2], $0x80, v3, vm0, $0xb8;
	[tilespmem:$0x10400] =	vst v63  }
0xe9: {  	v3 =	vld [tilespmem:s16+$0xFFFFFF40];
	_ =	sdelay $0x4  }
0xea: {  	v59 =	vshll.u32 v3, $0x1  }
0xeb: {  	v3 =	vand.u32 $0x7, v3;
	v4 =	vand.u32 $0xFFFFFFF0, v59  }
0xec: {  	v3 =	vor.u32 v3, v4  }
0xed: {  	v4 =	vperm.xlane v3, v0;
	_ =	sdelay $0x1  }
0xee: {  	v3 =	vperm.xlane v3, v2;
	v4 =	vadd.s32 v1, v4;
	_ =	sdelay $0x1  }
0xef: {  	v3 =	vadd.s32 v1, v3;
	_ =	sdelay $0x1  }
0xf0: {  	s19 =	simm.s32 $0x3400  }
0xf1: {  	[tilespmem:s19], [sflag:$0x1] =	stream.indirect_vreg.gather [hbm4b:s3+s2], $0x80, v4, vm0, $0xb8;
	[tilespmem:$0x10400] =	vst v63  }
0xf2: {  	s19 =	simm.s32 $0x3C00  }
0xf3: {  	[tilespmem:s19], [sflag:$0x1] =	stream.indirect_vreg.gather [hbm4b:s3+s2], $0x80, v3, vm0, $0xb8;
	[tilespmem:$0x10400] =	vst v63  }
0xf4: {  	v3 =	vld [tilespmem:s16+$0xFFFFFF50];
	_ =	sdelay $0x4  }
0xf5: {  	v60 =	vshll.u32 v3, $0x1  }
0xf6: {  	v3 =	vand.u32 $0x7, v3;
	v4 =	vand.u32 $0xFFFFFFF0, v60  }
0xf7: {  	v3 =	vor.u32 v3, v4  }
0xf8: {  	v4 =	vperm.xlane v3, v0;
	_ =	sdelay $0x1  }
0xf9: {  	v3 =	vperm.xlane v3, v2;
	v4 =	vadd.s32 v1, v4;
	_ =	sdelay $0x1  }
0xfa: {  	v3 =	vadd.s32 v1, v3;
	_ =	sdelay $0x1  }
0xfb: {  	s19 =	simm.s32 $0x4400  }
0xfc: {  	[tilespmem:s19], [sflag:$0x1] =	stream.indirect_vreg.gather [hbm4b:s3+s2], $0x80, v4, vm0, $0xb8;
	[tilespmem:$0x10400] =	vst v63  }
0xfd: {  	s19 =	simm.s32 $0x4C00  }
0xfe: {  	[tilespmem:s19], [sflag:$0x1] =	stream.indirect_vreg.gather [hbm4b:s3+s2], $0x80, v3, vm0, $0xb8;
	[tilespmem:$0x10400] =	vst v63  }
0xff: {  	v3 =	vld [tilespmem:s16+$0xFFFFFF60];
	_ =	sdelay $0x4  }
0x100: {  	v61 =	vshll.u32 v3, $0x1  }
0x101: {  	v3 =	vand.u32 $0x7, v3;
	v4 =	vand.u32 $0xFFFFFFF0, v61  }
0x102: {  	v3 =	vor.u32 v3, v4  }
0x103: {  	v4 =	vperm.xlane v3, v0;
	_ =	sdelay $0x1  }
0x104: {  	v3 =	vperm.xlane v3, v2;
	v4 =	vadd.s32 v1, v4;
	_ =	sdelay $0x1  }
0x105: {  	v3 =	vadd.s32 v1, v3;
	_ =	sdelay $0x1  }
0x106: {  	s19 =	simm.s32 $0x5400  }
0x107: {  	[tilespmem:s19], [sflag:$0x1] =	stream.indirect_vreg.gather [hbm4b:s3+s2], $0x80, v4, vm0, $0xb8;
	[tilespmem:$0x10400] =	vst v63  }
0x108: {  	s19 =	simm.s32 $0x5C00  }
0x109: {  	[tilespmem:s19], [sflag:$0x1] =	stream.indirect_vreg.gather [hbm4b:s3+s2], $0x80, v3, vm0, $0xb8;
	[tilespmem:$0x10400] =	vst v63  }
0x10a: {  	v3 =	vld [tilespmem:s16+$0xFFFFFF70];
	_ =	sdelay $0x4  }
0x10b: {  	v62 =	vshll.u32 v3, $0x1  }
0x10c: {  	v3 =	vand.u32 $0x7, v3;
	v4 =	vand.u32 $0xFFFFFFF0, v62  }
0x10d: {  	v3 =	vor.u32 v3, v4  }
0x10e: {  	v4 =	vperm.xlane v3, v0;
	_ =	sdelay $0x1  }
0x10f: {  	v3 =	vperm.xlane v3, v2;
	v4 =	vadd.s32 v1, v4;
	_ =	sdelay $0x1  }
0x110: {  	v3 =	vadd.s32 v1, v3;
	_ =	sdelay $0x2  }
0x111: {  	[tilespmem:s20], [sflag:$0x1] =	stream.indirect_vreg.gather [hbm4b:s3+s2], $0x80, v4, vm0, $0xb8;
	[tilespmem:$0x10400] =	vst v63  }
0x112: {  	_ = 	snop  }
0x113: {  	[tilespmem:s21], [sflag:$0x1] =	stream.indirect_vreg.gather [hbm4b:s3+s2], $0x80, v3, vm0, $0xb8;
	[tilespmem:$0x10400] =	vst v63  }
0x114: {  	v3 =	vld [tilespmem:s16+$0xFFFFFF80];
	_ =	sdelay $0x4  }
0x115: {  	v63 =	vshll.u32 v3, $0x1  }
0x116: {  	v3 =	vand.u32 $0x7, v3;
	v4 =	vand.u32 $0xFFFFFFF0, v63  }
0x117: {  	v3 =	vor.u32 v3, v4  }
0x118: {  	v4 =	vperm.xlane v3, v0;
	_ =	sdelay $0x1  }
0x119: {  	v3 =	vperm.xlane v3, v2;
	v4 =	vadd.s32 v1, v4;
	_ =	sdelay $0x1  }
0x11a: {  	v3 =	vadd.s32 v1, v3;
	_ =	sdelay $0x2  }
0x11b: {  	[tilespmem:s22], [sflag:$0x1] =	stream.indirect_vreg.gather [hbm4b:s3+s2], $0x80, v4, vm0, $0xb8;
	[tilespmem:$0x10400] =	vst v63  }
0x11c: {  	_ = 	snop  }
0x11d: {  	[tilespmem:s23], [sflag:$0x1] =	stream.indirect_vreg.gather [hbm4b:s3+s2], $0x80, v3, vm0, $0xb8;
	[tilespmem:$0x10400] =	vst v63  }
.LBB2_4:
0x11e: {  	_ =	swait.ge [sflag:s15], $0x8000  }
0x11f: {  	[sflag:s15] =	ssyncset.done $0x0  }
.Ltmp3:
0x120: {  	s18 =	sadd.s32 $0x1000, s18;
	[sflag:s15] =	ssyncadd.s32 $0xFFFF8000;
	(pc) =	sbr.rel @p0 .LBB2_6-.Ltmp3, $4  }
0x121: {  	[hbm4b:s18+s2] =	stream.linear.scatter [tilespmem:s24], [sflag:$0x3], $0x8000, $0x38;
	[tilespmem:$0x10400] =	vst v63  }
0x122: {  	_ =	swait.ge [sflag:s7], $0x8000  }
0x123: {  	[sflag:s7] =	ssyncset.done $0x0  }
0x124: {  	[sflag:s7] =	ssyncadd.s32 $0xFFFF8000  }
0x125: {  	v3 =	vld [tilespmem:s16+$0xFFFFFF90];
	_ =	sdelay $0x4  }
0x126: {  	v4 =	vshll.u32 v3, $0x1  }
0x127: {  	v3 =	vand.u32 $0x7, v3;
	v4 =	vand.u32 $0xFFFFFFF0, v4  }
0x128: {  	v3 =	vor.u32 v3, v4  }
0x129: {  	v4 =	vperm.xlane v3, v0;
	_ =	sdelay $0x1  }
0x12a: {  	v3 =	vperm.xlane v3, v2;
	v4 =	vadd.s32 v1, v4;
	_ =	sdelay $0x1  }
0x12b: {  	v3 =	vadd.s32 v1, v3;
	_ =	sdelay $0x2  }
0x12c: {  	[tilespmem:s24], [sflag:$0x2] =	stream.indirect_vreg.gather [hbm4b:s3+s2], $0x80, v4, vm0, $0xb8;
	[tilespmem:$0x10400] =	vst v63  }
0x12d: {  	_ = 	snop  }
0x12e: {  	[tilespmem:s25], [sflag:$0x2] =	stream.indirect_vreg.gather [hbm4b:s3+s2], $0x80, v3, vm0, $0xb8;
	[tilespmem:$0x10400] =	vst v63  }
0x12f: {  	v3 =	vld [tilespmem:s16+$0xFFFFFFA0];
	_ =	sdelay $0x4  }
0x130: {  	v57 =	vshll.u32 v3, $0x1  }
0x131: {  	v3 =	vand.u32 $0x7, v3;
	v4 =	vand.u32 $0xFFFFFFF0, v57  }
0x132: {  	v3 =	vor.u32 v3, v4  }
0x133: {  	v4 =	vperm.xlane v3, v0;
	_ =	sdelay $0x1  }
0x134: {  	v3 =	vperm.xlane v3, v2;
	v4 =	vadd.s32 v1, v4;
	_ =	sdelay $0x1  }
0x135: {  	v3 =	vadd.s32 v1, v3;
	_ =	sdelay $0x2  }
0x136: {  	[tilespmem:s26], [sflag:$0x2] =	stream.indirect_vreg.gather [hbm4b:s3+s2], $0x80, v4, vm0, $0xb8;
	[tilespmem:$0x10400] =	vst v63  }
0x137: {  	_ = 	snop  }
0x138: {  	[tilespmem:s28], [sflag:$0x2] =	stream.indirect_vreg.gather [hbm4b:s3+s2], $0x80, v3, vm0, $0xb8;
	[tilespmem:$0x10400] =	vst v63  }
0x139: {  	v3 =	vld [tilespmem:s16+$0xFFFFFFB0];
	_ =	sdelay $0x4  }
0x13a: {  	v58 =	vshll.u32 v3, $0x1  }
0x13b: {  	v3 =	vand.u32 $0x7, v3;
	v4 =	vand.u32 $0xFFFFFFF0, v58  }
0x13c: {  	v3 =	vor.u32 v3, v4  }
0x13d: {  	v4 =	vperm.xlane v3, v0;
	_ =	sdelay $0x1  }
0x13e: {  	v3 =	vperm.xlane v3, v2;
	v4 =	vadd.s32 v1, v4;
	_ =	sdelay $0x1  }
0x13f: {  	v3 =	vadd.s32 v1, v3;
	_ =	sdelay $0x2  }
0x140: {  	[tilespmem:s29], [sflag:$0x2] =	stream.indirect_vreg.gather [hbm4b:s3+s2], $0x80, v4, vm0, $0xb8;
	[tilespmem:$0x10400] =	vst v63  }
0x141: {  	_ = 	snop  }
0x142: {  	[tilespmem:s30], [sflag:$0x2] =	stream.indirect_vreg.gather [hbm4b:s3+s2], $0x80, v3, vm0, $0xb8;
	[tilespmem:$0x10400] =	vst v63  }
0x143: {  	v3 =	vld [tilespmem:s16+$0xFFFFFFC0];
	_ =	sdelay $0x4  }
0x144: {  	v59 =	vshll.u32 v3, $0x1  }
0x145: {  	v3 =	vand.u32 $0x7, v3;
	v4 =	vand.u32 $0xFFFFFFF0, v59  }
0x146: {  	v3 =	vor.u32 v3, v4  }
0x147: {  	v4 =	vperm.xlane v3, v0;
	_ =	sdelay $0x1  }
0x148: {  	v3 =	vperm.xlane v3, v2;
	v4 =	vadd.s32 v1, v4;
	_ =	sdelay $0x1  }
0x149: {  	v3 =	vadd.s32 v1, v3;
	_ =	sdelay $0x2  }
0x14a: {  	[tilespmem:s31], [sflag:$0x2] =	stream.indirect_vreg.gather [hbm4b:s3+s2], $0x80, v4, vm0, $0xb8;
	[tilespmem:$0x10400] =	vst v63  }
0x14b: {  	_ = 	snop  }
0x14c: {  	[tilespmem:s0], [sflag:$0x2] =	stream.indirect_vreg.gather [hbm4b:s3+s2], $0x80, v3, vm0, $0xb8;
	[tilespmem:$0x10400] =	vst v63  }
0x14d: {  	v3 =	vld [tilespmem:s16+$0xFFFFFFD0];
	_ =	sdelay $0x4  }
0x14e: {  	v60 =	vshll.u32 v3, $0x1  }
0x14f: {  	v3 =	vand.u32 $0x7, v3;
	v4 =	vand.u32 $0xFFFFFFF0, v60  }
0x150: {  	v3 =	vor.u32 v3, v4  }
0x151: {  	v4 =	vperm.xlane v3, v0;
	_ =	sdelay $0x1  }
0x152: {  	v3 =	vperm.xlane v3, v2;
	v4 =	vadd.s32 v1, v4;
	_ =	sdelay $0x1  }
0x153: {  	v3 =	vadd.s32 v1, v3;
	_ =	sdelay $0x2  }
0x154: {  	[tilespmem:s1], [sflag:$0x2] =	stream.indirect_vreg.gather [hbm4b:s3+s2], $0x80, v4, vm0, $0xb8;
	[tilespmem:$0x10400] =	vst v63  }
0x155: {  	_ = 	snop  }
0x156: {  	[tilespmem:s4], [sflag:$0x2] =	stream.indirect_vreg.gather [hbm4b:s3+s2], $0x80, v3, vm0, $0xb8;
	[tilespmem:$0x10400] =	vst v63  }
0x157: {  	v3 =	vld [tilespmem:s16+$0xFFFFFFE0];
	_ =	sdelay $0x4  }
0x158: {  	v61 =	vshll.u32 v3, $0x1  }
0x159: {  	v3 =	vand.u32 $0x7, v3;
	v4 =	vand.u32 $0xFFFFFFF0, v61  }
0x15a: {  	v3 =	vor.u32 v3, v4  }
0x15b: {  	v4 =	vperm.xlane v3, v0;
	_ =	sdelay $0x1  }
0x15c: {  	v3 =	vperm.xlane v3, v2;
	v4 =	vadd.s32 v1, v4;
	_ =	sdelay $0x1  }
0x15d: {  	v3 =	vadd.s32 v1, v3;
	_ =	sdelay $0x2  }
0x15e: {  	[tilespmem:s5], [sflag:$0x2] =	stream.indirect_vreg.gather [hbm4b:s3+s2], $0x80, v4, vm0, $0xb8;
	[tilespmem:$0x10400] =	vst v63  }
0x15f: {  	_ = 	snop  }
0x160: {  	[tilespmem:s9], [sflag:$0x2] =	stream.indirect_vreg.gather [hbm4b:s3+s2], $0x80, v3, vm0, $0xb8;
	[tilespmem:$0x10400] =	vst v63  }
0x161: {  	v3 =	vld [tilespmem:s16+$0xFFFFFFF0];
	_ =	sdelay $0x4  }
0x162: {  	v62 =	vshll.u32 v3, $0x1  }
0x163: {  	v3 =	vand.u32 $0x7, v3;
	v4 =	vand.u32 $0xFFFFFFF0, v62  }
0x164: {  	v3 =	vor.u32 v3, v4  }
0x165: {  	v4 =	vperm.xlane v3, v0;
	_ =	sdelay $0x1  }
0x166: {  	v3 =	vperm.xlane v3, v2;
	v4 =	vadd.s32 v1, v4;
	_ =	sdelay $0x1  }
0x167: {  	v3 =	vadd.s32 v1, v3;
	_ =	sdelay $0x2  }
0x168: {  	[tilespmem:s10], [sflag:$0x2] =	stream.indirect_vreg.gather [hbm4b:s3+s2], $0x80, v4, vm0, $0xb8;
	[tilespmem:$0x10400] =	vst v63  }
0x169: {  	_ = 	snop  }
0x16a: {  	[tilespmem:s11], [sflag:$0x2] =	stream.indirect_vreg.gather [hbm4b:s3+s2], $0x80, v3, vm0, $0xb8;
	[tilespmem:$0x10400] =	vst v63  }
0x16b: {  	v3 =	vld [tilespmem:s16+$0x0];
	_ =	sdelay $0x4  }
0x16c: {  	v63 =	vshll.u32 v3, $0x1  }
0x16d: {  	v3 =	vand.u32 $0x7, v3;
	v4 =	vand.u32 $0xFFFFFFF0, v63  }
0x16e: {  	v3 =	vor.u32 v3, v4  }
0x16f: {  	v4 =	vperm.xlane v3, v0;
	_ =	sdelay $0x1  }
0x170: {  	v3 =	vperm.xlane v3, v2;
	v4 =	vadd.s32 v1, v4;
	_ =	sdelay $0x1  }
0x171: {  	v3 =	vadd.s32 v1, v3  }
.Ltmp4:
0x172: {  	_ = 	snop;
	(pc) =	sbr.rel .LBB2_2-.Ltmp4, $4  }
0x173: {  	_ = 	snop  }
0x174: {  	[tilespmem:s12], [sflag:$0x2] =	stream.indirect_vreg.gather [hbm4b:s3+s2], $0x80, v4, vm0, $0xb8;
	[tilespmem:$0x10400] =	vst v63  }
0x175: {  	s17 =	sadd.s32 $0x2000, s17;
	s16 =	sadd.s32 $0x100, s16  }
0x176: {  	[tilespmem:s13], [sflag:$0x2] =	stream.indirect_vreg.gather [hbm4b:s3+s2], $0x80, v3, vm0, $0xb8;
	[tilespmem:$0x10400] =	vst v63  }
.LBB2_7:
0x177: {  	_ =	sfence.sel $0x180000  }
0x178: {  	[bflag:$0x0] =	sbarrier.arrive $0xFFFF  }
0x179: {  	_ =	strace $0x9000004D  }
0x17a: {  	s0 =	stileid.u32;
	[bflag:$0x2] =	sbarrier.arrive $0xFFFF  }
0x17b: {  	p0 =	sne.s32 s0, $0x0;
	s0 =	rddreg [dreg:$0x1]  }
0x17c: {  	s0 =	sadd.s32 @!p0 $0x100000, s0  }
0x17d: {  	[sflag:s0] =	ssyncadd.tile.s32 @!p0 $0x1;
	_ =	shalt  }
.Lfunc_end2:
_tile_overlayer_lowered:
.L_overlay_start_2:
0x17e: {  	(tag) =	ssettag $0x2  }
0x17f: {  	s0 =	rddreg [dreg:$0x0];
	s2 =	stileid.u32  }
0x180: {  	s1 =	rddreg [dreg:$0x1];
	p0 =	sne.s32 s2, $0x0  }
0x181: {  	s3 =	rddreg [dreg:$0x2];
	[bflag:$0x3] =	sbarrier.arrive $0xFFFF;
	s2 =	simm.s32 @!p0 $0x1C03  }
0x182: {  	[timem:s3], [sflag:s2] =	dma.local @!p0 [hbm:s0], s1  }
0x183: {  	s0 =	simm.s32 @!p0 $0x3  }
0x184: {  	_ =	swait.ge @!p0 [sflag:s0], s1  }
0x185: {  	s1 =	ssub.s32 @!p0 $0x0, s1;
	[sflag:s0] =	ssyncset.done @!p0 $0x0  }
0x186: {  	[sflag:s0] =	ssyncadd.s32 @!p0 s1  }
0x187: {  	[bflag:$0x3] =	sbarrier.arrive $0xFFFF  }
0x188: {  	_ =	shalt  }

</sc_bundles>
